<compile_context>
chip_gen: v7x
topology: tpu7x:2x2x1
jax: 0.10.2.dev20260603
libtpu: 0.0.44.dev20260713+nightly
codegen_flags: <defaults>
</compile_context>

<pallas_src>
import jax
import jax.numpy as jnp
from jax import lax
from jax.experimental import pallas as pl
from jax.experimental.pallas import tpu as pltpu
from jax.experimental.pallas import tpu_sc as plsc

NC, NS = 2, 16
NW = NC * NS
N = 10000
D = 128
E = 320000
CH = 128
GRP = 8
CK_F = 80
CK_S = 80
FAST = 1
REAL_CHUNKS = NS * (CK_F + CK_S)
TOT_CHUNKS = REAL_CHUNKS + (CK_F - CK_S)
RPT_E = 640
N_PAD_E = NS * RPT_E
ROWS_PER_TILE = 640
N_PAD = NS * ROWS_PER_TILE

_mesh = plsc.VectorSubcoreMesh(core_axis_name="c", subcore_axis_name="s",
                               num_cores=NC, num_subcores=NS)


def _tile_chunks(c, s):
    is_fast = c == FAST
    off = jnp.where(is_fast, s * CK_F, NS * CK_F + s * CK_S)
    cnt = jnp.where(is_fast, CK_F, CK_S)
    return off, cnt


def _sc_degree(dstp, ones_h, zeros_h):
    def body(dst_hbm, ones_hbm, z_hbm, out_hbm, acc, idx_v, ones_v, z_v):
        c = lax.axis_index("c")
        s = lax.axis_index("s")
        off, cnt = _tile_chunks(c, s)
        pltpu.sync_copy(z_hbm, z_v)
        pltpu.sync_copy(z_v, acc.at[pl.ds(s * ROWS_PER_TILE, ROWS_PER_TILE)])
        pltpu.sync_copy(ones_hbm, ones_v)
        pltpu.sync_copy(dst_hbm.at[pl.ds(off, CK_F)], idx_v)
        plsc.subcore_barrier()

        def step(j, carry):
            pltpu.sync_copy(ones_v, acc.at[idx_v.at[j]], add=True)
            return carry

        lax.fori_loop(0, cnt, step, 0)
        plsc.subcore_barrier()
        base = c * N_PAD + s * ROWS_PER_TILE
        pltpu.sync_copy(acc.at[pl.ds(s * ROWS_PER_TILE, ROWS_PER_TILE)],
                        out_hbm.at[pl.ds(base, ROWS_PER_TILE)])

    return pl.kernel(
        body,
        out_type=jax.ShapeDtypeStruct((NC * N_PAD,), jnp.float32),
        mesh=_mesh,
        scratch_types=[
            pltpu.VMEM_SHARED((N_PAD,), jnp.float32),
            pltpu.VMEM((CK_F, CH), jnp.int32),
            pltpu.VMEM((CH,), jnp.float32),
            pltpu.VMEM((ROWS_PER_TILE,), jnp.float32),
        ],
    )(dstp, ones_h, zeros_h)


def _sc_edges(g, srcp, dstp, zrows_h):
    def body(g_hbm, src_hbm, dst_hbm, z_hbm, out_hbm,
             acc, src_v, dst_v, rows0, rows1, sem):
        c = lax.axis_index("c")
        s = lax.axis_index("s")
        off, cnt = _tile_chunks(c, s)
        pltpu.sync_copy(z_hbm, rows0)

        def zstep(k, carry):
            pltpu.sync_copy(rows0, acc.at[pl.ds(s * RPT_E + k * CH, CH)])
            return carry

        lax.fori_loop(0, RPT_E // CH, zstep, 0)
        plsc.subcore_barrier()

        def group(gi, carry):
            gb = off + gi * GRP
            pltpu.sync_copy(src_hbm.at[pl.ds(gb, GRP)], src_v)
            pltpu.sync_copy(dst_hbm.at[pl.ds(gb, GRP)], dst_v)
            for u in range(GRP // 2):
                d0 = pltpu.async_copy(g_hbm.at[src_v.at[2 * u]], rows0, sem)
                d1 = pltpu.async_copy(g_hbm.at[src_v.at[2 * u + 1]], rows1, sem)
                d0.wait()
                d1.wait()
                pltpu.sync_copy(rows0, acc.at[dst_v.at[2 * u]], add=True)
                pltpu.sync_copy(rows1, acc.at[dst_v.at[2 * u + 1]], add=True)
            return carry

        lax.fori_loop(0, cnt // GRP, group, 0)
        plsc.subcore_barrier()
        base = c * N_PAD_E + s * RPT_E
        pltpu.sync_copy(acc.at[pl.ds(s * RPT_E, RPT_E)],
                        out_hbm.at[pl.ds(base, RPT_E)])

    return pl.kernel(
        body,
        out_type=jax.ShapeDtypeStruct((NC * N_PAD_E, D), jnp.float32),
        mesh=_mesh,
        scratch_types=[
            pltpu.VMEM_SHARED((N_PAD_E, D), jnp.float32),
            pltpu.VMEM((GRP, CH), jnp.int32),
            pltpu.VMEM((GRP, CH), jnp.int32),
            pltpu.VMEM((CH, D), jnp.float32),
            pltpu.VMEM((CH, D), jnp.float32),
            pltpu.SemaphoreType.DMA,
        ],
    )(g, srcp, dstp, zrows_h)


def _tc_dinv(degp):
    def body(deg_ref, o_ref):
        o_ref[:] = lax.rsqrt(deg_ref[0, :] + deg_ref[1, :] + 1.0)

    return pl.pallas_call(
        body, out_shape=jax.ShapeDtypeStruct((N_PAD,), jnp.float32))(degp)


BR = 2000


def _tc_mm_scale(x, W, dinv2):
    def body(x_ref, w_ref, di_ref, o_ref):
        o_ref[:] = jnp.dot(x_ref[:], w_ref[:],
                           preferred_element_type=jnp.float32) * di_ref[:]

    return pl.pallas_call(
        body,
        grid=(N // BR,),
        in_specs=[pl.BlockSpec((BR, D), lambda i: (i, 0)),
                  pl.BlockSpec((D, D), lambda i: (0, 0)),
                  pl.BlockSpec((BR, 1), lambda i: (i, 0))],
        out_specs=pl.BlockSpec((BR, D), lambda i: (i, 0)),
        out_shape=jax.ShapeDtypeStruct((N, D), jnp.float32),
    )(x, W, dinv2)


def _tc_combine_mm(s0, s1, g, dinv2, b, W):
    def body(s0_ref, s1_ref, g_ref, di_ref, b_ref, w_ref, o_ref):
        h = di_ref[:] * (s0_ref[:] + s1_ref[:] + g_ref[:]) + b_ref[:]
        h = jnp.maximum(h, 0.0)
        o_ref[:] = jnp.dot(h, w_ref[:],
                           preferred_element_type=jnp.float32) * di_ref[:]

    return pl.pallas_call(
        body,
        grid=(N // BR,),
        in_specs=[pl.BlockSpec((BR, D), lambda i: (i, 0)),
                  pl.BlockSpec((BR, D), lambda i: (i, 0)),
                  pl.BlockSpec((BR, D), lambda i: (i, 0)),
                  pl.BlockSpec((BR, 1), lambda i: (i, 0)),
                  pl.BlockSpec((1, D), lambda i: (0, 0)),
                  pl.BlockSpec((D, D), lambda i: (0, 0))],
        out_specs=pl.BlockSpec((BR, D), lambda i: (i, 0)),
        out_shape=jax.ShapeDtypeStruct((N, D), jnp.float32),
    )(s0, s1, g, dinv2, b, W)


def _tc_final(s0, s1, g, dinv2, b):
    def body(s0_ref, s1_ref, g_ref, di_ref, b_ref, o_ref):
        h = di_ref[:] * (s0_ref[:] + s1_ref[:] + g_ref[:]) + b_ref[:]
        o_ref[:] = jnp.maximum(h, 0.0)

    return pl.pallas_call(
        body,
        grid=(N // BR,),
        in_specs=[pl.BlockSpec((BR, D), lambda i: (i, 0)),
                  pl.BlockSpec((BR, D), lambda i: (i, 0)),
                  pl.BlockSpec((BR, D), lambda i: (i, 0)),
                  pl.BlockSpec((BR, 1), lambda i: (i, 0)),
                  pl.BlockSpec((1, D), lambda i: (0, 0))],
        out_specs=pl.BlockSpec((BR, D), lambda i: (i, 0)),
        out_shape=jax.ShapeDtypeStruct((N, D), jnp.float32),
    )(s0, s1, g, dinv2, b)


def kernel(x, edge_index, W1, b1, W2, b2, W3, b3):
    src = edge_index[0].astype(jnp.int32)
    dst = edge_index[1].astype(jnp.int32)
    pad = TOT_CHUNKS * CH - E
    dump = N + jnp.arange(pad, dtype=jnp.int32) % (N_PAD_E - N)
    srcp = jnp.concatenate([src, jnp.zeros((pad,), jnp.int32)]).reshape(TOT_CHUNKS, CH)
    dstp = jnp.concatenate([dst, dump]).reshape(TOT_CHUNKS, CH)
    ones_h = jnp.ones((CH,), jnp.float32)
    z1 = jnp.zeros((ROWS_PER_TILE,), jnp.float32)
    z2 = jnp.zeros((CH, D), jnp.float32)

    degp = _sc_degree(dstp, ones_h, z1).reshape(NC, N_PAD)
    dinv2 = _tc_dinv(degp)[:N].reshape(N, 1)
    b1r, b2r, b3r = b1.reshape(1, D), b2.reshape(1, D), b3.reshape(1, D)

    g = _tc_mm_scale(x, W1, dinv2)
    s = _sc_edges(g, srcp, dstp, z2).reshape(NC, N_PAD_E, D)
    g = _tc_combine_mm(s[0, :N], s[1, :N], g, dinv2, b1r, W2)
    s = _sc_edges(g, srcp, dstp, z2).reshape(NC, N_PAD_E, D)
    g = _tc_combine_mm(s[0, :N], s[1, :N], g, dinv2, b2r, W3)
    s = _sc_edges(g, srcp, dstp, z2).reshape(NC, N_PAD_E, D)
    return _tc_final(s[0, :N], s[1, :N], g, dinv2, b3r)

# --- scband reference (transcript-rebuilt; emitter-appended) ---
"""Pipeline reference for scband-graph-net-mp-19774029431034 (READ-ONLY COPY).

The authoritative reference and input builder live on the scoring server;
editing this copy changes nothing except your own understanding.
"""

import jax, jax.numpy as jnp
import numpy as np

N = 10000
E = 320000
D = 128


def gcn_layer(x, edge_index, W, b):
    # PyG GCNConv: add self-loops, symmetric normalization, x @ W, scatter-add, + bias
    n = x.shape[0]
    loop = jnp.arange(n, dtype=edge_index.dtype)
    src = jnp.concatenate([edge_index[0], loop])
    dst = jnp.concatenate([edge_index[1], loop])
    deg = jnp.zeros((n,), dtype=x.dtype).at[dst].add(1.0)
    dinv = jnp.where(deg > 0, jax.lax.rsqrt(deg), 0.0)
    norm = dinv[src] * dinv[dst]
    h = x @ W
    msg = h[src] * norm[:, None]
    out = jnp.zeros((n, W.shape[1]), dtype=x.dtype).at[dst].add(msg)
    return out + b


def setup_inputs(seed: int = 0) -> dict:
    key = jax.random.key(seed)
    ks = jax.random.split(key, 8)
    x = jax.random.normal(ks[0], (N, D), dtype=jnp.float32)
    edge_index = jax.random.randint(ks[1], (2, E), 0, N)
    scale = 1.0 / np.sqrt(D)
    W1 = jax.random.normal(ks[2], (D, D), dtype=jnp.float32) * scale
    b1 = jnp.zeros((D,), dtype=jnp.float32)
    W2 = jax.random.normal(ks[3], (D, D), dtype=jnp.float32) * scale
    b2 = jnp.zeros((D,), dtype=jnp.float32)
    W3 = jax.random.normal(ks[4], (D, D), dtype=jnp.float32) * scale
    b3 = jnp.zeros((D,), dtype=jnp.float32)
    return {"x": x, "edge_index": edge_index, "W1": W1, "b1": b1, "W2": W2, "b2": b2, "W3": W3, "b3": b3}


def reference(x, edge_index, W1, b1, W2, b2, W3, b3):
    h = jax.nn.relu(gcn_layer(x, edge_index, W1, b1))
    h = jax.nn.relu(gcn_layer(h, edge_index, W2, b2))
    h = jax.nn.relu(gcn_layer(h, edge_index, W3, b3))
    return h

if __name__ == "__main__":
    import jax
    _d = setup_inputs()
    print(jax.jit(kernel)(*tuple(_d.values())))

</pallas_src>

<mosaic_0001>
#map = affine_map<(d0, d1) -> (0, 0)>
module attributes {stable_mosaic.version = 14 : i64} {
  func.func @body(%arg0: i32, %arg1: i32, %arg2: memref<10000x128xf32, #tpu.memory_space<hbm>>, %arg3: memref<2560x128xi32, #tpu.memory_space<hbm>>, %arg4: memref<2560x128xi32, #tpu.memory_space<hbm>>, %arg5: memref<128x128xf32, #tpu.memory_space<hbm>>, %arg6: memref<20480x128xf32, #tpu.memory_space<hbm>>, %arg7: memref<10240x128xf32, #tpu.memory_space<vmem_shared>>, %arg8: memref<8x128xi32, #tpu.memory_space<vmem>>, %arg9: memref<8x128xi32, #tpu.memory_space<vmem>>, %arg10: memref<128x128xf32, #tpu.memory_space<vmem>>, %arg11: memref<128x128xf32, #tpu.memory_space<vmem>>, %arg12: memref<!tpu.dma_semaphore, #tpu.memory_space<semaphore_mem>>) attributes {dimension_semantics = [#tpu.dimension_semantics<core_parallel>, #tpu.dimension_semantics<subcore_parallel>], iteration_bounds = array<i64: 2, 16>, scalar_prefetch = 0 : i64, scratch_operands = 6 : i64, tpu.core_type = #tpu.core_type<sc_vector_subcore>, window_params = [{transform_indices = #map}, {transform_indices = #map}, {transform_indices = #map}, {transform_indices = #map}, {transform_indices = #map}]} {
    %eq3A = arith.constant 1 : i32
    %eq3A_0 = arith.cmpi eq, %arg0, %eq3A : i32
    %mul3A = arith.constant 80 : i32
    %mul3A_1 = arith.muli %arg1, %mul3A : i32
    %mul3A_2 = arith.constant 80 : i32
    %mul3A_3 = arith.muli %arg1, %mul3A_2 : i32
    %add3A = arith.constant 1280 : i32
    %add3A_4 = arith.addi %add3A, %mul3A_3 : i32
    %select_n3A = arith.select %eq3A_0, %mul3A_1, %add3A_4 : i32
    %jit3A = arith.constant 80 : i32
    %jit3A_5 = arith.constant 80 : i32
    %select_n3A_6 = arith.select %eq3A_0, %jit3A, %jit3A_5 : i32
    "tpu.region"() ({
      %run_scoped3A = tpu.sem_alloc : memref<!tpu.dma_semaphore, #tpu.memory_space<semaphore_mem>>
      tpu.enqueue_dma source(%arg5 : memref<128x128xf32, #tpu.memory_space<hbm>>) target(%arg10 : memref<128x128xf32, #tpu.memory_space<vmem>>) target_semaphore(%run_scoped3A : memref<!tpu.dma_semaphore, #tpu.memory_space<semaphore_mem>>)
      tpu.wait_dma2 semaphore(%run_scoped3A : memref<!tpu.dma_semaphore, #tpu.memory_space<semaphore_mem>>) src(%arg5 : memref<128x128xf32, #tpu.memory_space<hbm>>) dst(%arg10 : memref<128x128xf32, #tpu.memory_space<vmem>>)
      tpu.yield
    }) : () -> ()
    %scan3A = arith.constant 0 : i32
    %scan3A_7 = arith.constant 0 : i32
    %scan3A_8 = arith.constant 5 : i32
    %scan3A_9 = arith.addi %scan3A_7, %scan3A_8 : i32
    %scan3A_10 = arith.constant 1 : i32
    scf.for %scan3A_47 = %scan3A_7 to %scan3A_9 step %scan3A_10  : i32 {
      %mul3A_48 = arith.constant 640 : i32
      %mul3A_49 = arith.muli %arg1, %mul3A_48 : i32
      %mul3A_50 = arith.constant 128 : i32
      %mul3A_51 = arith.muli %scan3A_47, %mul3A_50 : i32
      %add3A_52 = arith.addi %mul3A_49, %mul3A_51 : i32
      "tpu.region"() ({
        %run_scoped3A = tpu.sem_alloc : memref<!tpu.dma_semaphore, #tpu.memory_space<semaphore_mem>>
        %dma_start3A = arith.constant 0 : i32
        %dma_start3A_53 = tpu.memref_slice %arg7[%add3A_52, %dma_start3A] : memref<10240x128xf32, #tpu.memory_space<vmem_shared>> -> memref<128x128xf32, #tpu.memory_space<vmem_shared>>
        %dma_start3A_54 = arith.constant 0 : i32
        %dma_start3A_55 = tpu.memref_slice %arg7[%add3A_52, %dma_start3A_54] : memref<10240x128xf32, #tpu.memory_space<vmem_shared>> -> memref<128x128xf32, #tpu.memory_space<vmem_shared>>
        tpu.enqueue_dma source(%arg10 : memref<128x128xf32, #tpu.memory_space<vmem>>) target(%dma_start3A_55 : memref<128x128xf32, #tpu.memory_space<vmem_shared>>) target_semaphore(%run_scoped3A : memref<!tpu.dma_semaphore, #tpu.memory_space<semaphore_mem>>)
        %dma_wait3A = arith.constant 0 : i32
        %dma_wait3A_56 = tpu.memref_slice %arg7[%add3A_52, %dma_wait3A] : memref<10240x128xf32, #tpu.memory_space<vmem_shared>> -> memref<128x128xf32, #tpu.memory_space<vmem_shared>>
        %dma_wait3A_57 = arith.constant 0 : i32
        %dma_wait3A_58 = tpu.memref_slice %arg7[%add3A_52, %dma_wait3A_57] : memref<10240x128xf32, #tpu.memory_space<vmem_shared>> -> memref<128x128xf32, #tpu.memory_space<vmem_shared>>
        tpu.wait_dma2 semaphore(%run_scoped3A : memref<!tpu.dma_semaphore, #tpu.memory_space<semaphore_mem>>) src(%arg10 : memref<128x128xf32, #tpu.memory_space<vmem>>) dst(%dma_wait3A_58 : memref<128x128xf32, #tpu.memory_space<vmem_shared>>)
        tpu.yield
      }) : () -> ()
    }
    %scan3A_11 = arith.constant 5 : i32
    %barrier3A = arith.constant 0 : index
    tpu.barrier barrier_id(%barrier3A)
    %jit3A_12 = arith.constant 8 : i32
    %div3A = arith.divsi %select_n3A_6, %jit3A_12 : i32
    %sign3A = arith.constant 0 : i32
    %sign3A_13 = arith.cmpi sgt, %select_n3A_6, %sign3A : i32
    %sign3A_14 = arith.extui %sign3A_13 : i1 to i32
    %sign3A_15 = arith.constant 0 : i32
    %sign3A_16 = arith.cmpi slt, %select_n3A_6, %sign3A_15 : i32
    %sign3A_17 = arith.extui %sign3A_16 : i1 to i32
    %sign3A_18 = arith.subi %sign3A_14, %sign3A_17 : i32
    %sign3A_19 = arith.constant 0 : i32
    %sign3A_20 = arith.cmpi sgt, %jit3A_12, %sign3A_19 : i32
    %sign3A_21 = arith.extui %sign3A_20 : i1 to i32
    %sign3A_22 = arith.constant 0 : i32
    %sign3A_23 = arith.cmpi slt, %jit3A_12, %sign3A_22 : i32
    %sign3A_24 = arith.extui %sign3A_23 : i1 to i32
    %sign3A_25 = arith.subi %sign3A_21, %sign3A_24 : i32
    %ne3A = arith.cmpi ne, %sign3A_18, %sign3A_25 : i32
    %rem3A = arith.remsi %select_n3A_6, %jit3A_12 : i32
    %ne3A_26 = arith.constant 0 : i32
    %ne3A_27 = arith.cmpi ne, %rem3A, %ne3A_26 : i32
    %and3A = arith.andi %ne3A, %ne3A_27 : i1
    %sub3A = arith.constant 1 : i32
    %sub3A_28 = arith.subi %div3A, %sub3A : i32
    %select_n3A_29 = arith.select %and3A, %sub3A_28, %div3A : i32
    %while3A = arith.constant 0 : i32
    %while3A_30 = arith.constant 0 : i32
    %while3A_31 = arith.subi %select_n3A_29, %while3A_30 : i32
    %while3A_32 = arith.addi %while3A_30, %while3A_31 : i32
    %while3A_33 = arith.constant 1 : i32
    %while3A_34 = arith.divsi %while3A_31, %while3A_33 : i32
    %while3A_35 = arith.muli %while3A_34, %while3A_33 : i32
    %while3A_36 = arith.addi %while3A_30, %while3A_35 : i32
    %while3A_37 = arith.constant 1 : i32
    scf.for %while3A_47 = %while3A_30 to %while3A_36 step %while3A_37  : i32 {
      %mul3A_48 = arith.constant 8 : i32
      %mul3A_49 = arith.muli %while3A_47, %mul3A_48 : i32
      %add3A_50 = arith.addi %select_n3A, %mul3A_49 : i32
      "tpu.region"() ({
        %run_scoped3A_168 = tpu.sem_alloc : memref<!tpu.dma_semaphore, #tpu.memory_space<semaphore_mem>>
        %dma_start3A_169 = arith.constant 0 : i32
        %dma_start3A_170 = tpu.memref_slice %arg3[%add3A_50, %dma_start3A_169] : memref<2560x128xi32, #tpu.memory_space<hbm>> -> memref<8x128xi32, #tpu.memory_space<hbm>>
        %dma_start3A_171 = arith.constant 0 : i32
        %dma_start3A_172 = tpu.memref_slice %arg3[%add3A_50, %dma_start3A_171] : memref<2560x128xi32, #tpu.memory_space<hbm>> -> memref<8x128xi32, #tpu.memory_space<hbm>>
        tpu.enqueue_dma source(%dma_start3A_172 : memref<8x128xi32, #tpu.memory_space<hbm>>) target(%arg8 : memref<8x128xi32, #tpu.memory_space<vmem>>) target_semaphore(%run_scoped3A_168 : memref<!tpu.dma_semaphore, #tpu.memory_space<semaphore_mem>>)
        %dma_wait3A_173 = arith.constant 0 : i32
        %dma_wait3A_174 = tpu.memref_slice %arg3[%add3A_50, %dma_wait3A_173] : memref<2560x128xi32, #tpu.memory_space<hbm>> -> memref<8x128xi32, #tpu.memory_space<hbm>>
        %dma_wait3A_175 = arith.constant 0 : i32
        %dma_wait3A_176 = tpu.memref_slice %arg3[%add3A_50, %dma_wait3A_175] : memref<2560x128xi32, #tpu.memory_space<hbm>> -> memref<8x128xi32, #tpu.memory_space<hbm>>
        tpu.wait_dma2 semaphore(%run_scoped3A_168 : memref<!tpu.dma_semaphore, #tpu.memory_space<semaphore_mem>>) src(%dma_wait3A_176 : memref<8x128xi32, #tpu.memory_space<hbm>>) dst(%arg8 : memref<8x128xi32, #tpu.memory_space<vmem>>)
        tpu.yield
      }) : () -> ()
      "tpu.region"() ({
        %run_scoped3A_168 = tpu.sem_alloc : memref<!tpu.dma_semaphore, #tpu.memory_space<semaphore_mem>>
        %dma_start3A_169 = arith.constant 0 : i32
        %dma_start3A_170 = tpu.memref_slice %arg4[%add3A_50, %dma_start3A_169] : memref<2560x128xi32, #tpu.memory_space<hbm>> -> memref<8x128xi32, #tpu.memory_space<hbm>>
        %dma_start3A_171 = arith.constant 0 : i32
        %dma_start3A_172 = tpu.memref_slice %arg4[%add3A_50, %dma_start3A_171] : memref<2560x128xi32, #tpu.memory_space<hbm>> -> memref<8x128xi32, #tpu.memory_space<hbm>>
        tpu.enqueue_dma source(%dma_start3A_172 : memref<8x128xi32, #tpu.memory_space<hbm>>) target(%arg9 : memref<8x128xi32, #tpu.memory_space<vmem>>) target_semaphore(%run_scoped3A_168 : memref<!tpu.dma_semaphore, #tpu.memory_space<semaphore_mem>>)
        %dma_wait3A_173 = arith.constant 0 : i32
        %dma_wait3A_174 = tpu.memref_slice %arg4[%add3A_50, %dma_wait3A_173] : memref<2560x128xi32, #tpu.memory_space<hbm>> -> memref<8x128xi32, #tpu.memory_space<hbm>>
        %dma_wait3A_175 = arith.constant 0 : i32
        %dma_wait3A_176 = tpu.memref_slice %arg4[%add3A_50, %dma_wait3A_175] : memref<2560x128xi32, #tpu.memory_space<hbm>> -> memref<8x128xi32, #tpu.memory_space<hbm>>
        tpu.wait_dma2 semaphore(%run_scoped3A_168 : memref<!tpu.dma_semaphore, #tpu.memory_space<semaphore_mem>>) src(%dma_wait3A_176 : memref<8x128xi32, #tpu.memory_space<hbm>>) dst(%arg9 : memref<8x128xi32, #tpu.memory_space<vmem>>)
        tpu.yield
      }) : () -> ()
      %dma_start3A = arith.constant 0 : i32
      %dma_start3A_51 = arith.constant 0 : i32
      %dma_start3A_52 = tpu.memref_slice %arg8[%dma_start3A, %dma_start3A_51] : memref<8x128xi32, #tpu.memory_space<vmem>> -> memref<1x128xi32, #tpu.memory_space<vmem>>
      %dma_start3A_53 = tpu.memref_squeeze %dma_start3A_52 : memref<1x128xi32, #tpu.memory_space<vmem>> -> memref<128xi32, #tpu.memory_space<vmem>>
      %dma_start3A_54 = arith.constant 0 : i32
      %dma_start3A_55 = arith.constant 0 : i32
      %dma_start3A_56 = tpu.memref_slice %arg2[%dma_start3A_54, %dma_start3A_55] : memref<10000x128xf32, #tpu.memory_space<hbm>> -> memref<10000x128xf32, #tpu.memory_space<hbm>>
      tpu.enqueue_indirect_dma source(%dma_start3A_56 : memref<10000x128xf32, #tpu.memory_space<hbm>>) target(%arg10 : memref<128x128xf32, #tpu.memory_space<vmem>>) offsets(%dma_start3A_53 : memref<128xi32, #tpu.memory_space<vmem>>) semaphore(%arg12 : memref<!tpu.dma_semaphore, #tpu.memory_space<semaphore_mem>>)
      %dma_start3A_57 = arith.constant 1 : i32
      %dma_start3A_58 = arith.constant 0 : i32
      %dma_start3A_59 = tpu.memref_slice %arg8[%dma_start3A_57, %dma_start3A_58] : memref<8x128xi32, #tpu.memory_space<vmem>> -> memref<1x128xi32, #tpu.memory_space<vmem>>
      %dma_start3A_60 = tpu.memref_squeeze %dma_start3A_59 : memref<1x128xi32, #tpu.memory_space<vmem>> -> memref<128xi32, #tpu.memory_space<vmem>>
      %dma_start3A_61 = arith.constant 0 : i32
      %dma_start3A_62 = arith.constant 0 : i32
      %dma_start3A_63 = tpu.memref_slice %arg2[%dma_start3A_61, %dma_start3A_62] : memref<10000x128xf32, #tpu.memory_space<hbm>> -> memref<10000x128xf32, #tpu.memory_space<hbm>>
      tpu.enqueue_indirect_dma source(%dma_start3A_63 : memref<10000x128xf32, #tpu.memory_space<hbm>>) target(%arg11 : memref<128x128xf32, #tpu.memory_space<vmem>>) offsets(%dma_start3A_60 : memref<128xi32, #tpu.memory_space<vmem>>) semaphore(%arg12 : memref<!tpu.dma_semaphore, #tpu.memory_space<semaphore_mem>>)
      %dma_wait3A = arith.constant 0 : i32
      %dma_wait3A_64 = arith.constant 0 : i32
      %dma_wait3A_65 = tpu.memref_slice %arg8[%dma_wait3A, %dma_wait3A_64] : memref<8x128xi32, #tpu.memory_space<vmem>> -> memref<1x128xi32, #tpu.memory_space<vmem>>
      %dma_wait3A_66 = tpu.memref_squeeze %dma_wait3A_65 : memref<1x128xi32, #tpu.memory_space<vmem>> -> memref<128xi32, #tpu.memory_space<vmem>>
      %dma_wait3A_67 = arith.constant 0 : i32
      %dma_wait3A_68 = arith.constant 0 : i32
      %dma_wait3A_69 = tpu.memref_slice %arg2[%dma_wait3A_67, %dma_wait3A_68] : memref<10000x128xf32, #tpu.memory_space<hbm>> -> memref<10000x128xf32, #tpu.memory_space<hbm>>
      tpu.wait_indirect_dma semaphore(%arg12 : memref<!tpu.dma_semaphore, #tpu.memory_space<semaphore_mem>>) src(%dma_wait3A_69 : memref<10000x128xf32, #tpu.memory_space<hbm>>) dst(%arg10 : memref<128x128xf32, #tpu.memory_space<vmem>>)
      %dma_wait3A_70 = arith.constant 1 : i32
      %dma_wait3A_71 = arith.constant 0 : i32
      %dma_wait3A_72 = tpu.memref_slice %arg8[%dma_wait3A_70, %dma_wait3A_71] : memref<8x128xi32, #tpu.memory_space<vmem>> -> memref<1x128xi32, #tpu.memory_space<vmem>>
      %dma_wait3A_73 = tpu.memref_squeeze %dma_wait3A_72 : memref<1x128xi32, #tpu.memory_space<vmem>> -> memref<128xi32, #tpu.memory_space<vmem>>
      %dma_wait3A_74 = arith.constant 0 : i32
      %dma_wait3A_75 = arith.constant 0 : i32
      %dma_wait3A_76 = tpu.memref_slice %arg2[%dma_wait3A_74, %dma_wait3A_75] : memref<10000x128xf32, #tpu.memory_space<hbm>> -> memref<10000x128xf32, #tpu.memory_space<hbm>>
      tpu.wait_indirect_dma semaphore(%arg12 : memref<!tpu.dma_semaphore, #tpu.memory_space<semaphore_mem>>) src(%dma_wait3A_76 : memref<10000x128xf32, #tpu.memory_space<hbm>>) dst(%arg11 : memref<128x128xf32, #tpu.memory_space<vmem>>)
      %run_scoped3A = arith.constant 0 : i32
      "tpu.region"() ({
        %run_scoped3A_168 = tpu.sem_alloc : memref<!tpu.dma_semaphore, #tpu.memory_space<semaphore_mem>>
        %dma_start3A_169 = arith.constant 0 : i32
        %dma_start3A_170 = tpu.memref_slice %arg9[%run_scoped3A, %dma_start3A_169] : memref<8x128xi32, #tpu.memory_space<vmem>> -> memref<1x128xi32, #tpu.memory_space<vmem>>
        %dma_start3A_171 = tpu.memref_squeeze %dma_start3A_170 : memref<1x128xi32, #tpu.memory_space<vmem>> -> memref<128xi32, #tpu.memory_space<vmem>>
        %dma_start3A_172 = arith.constant 0 : i32
        %dma_start3A_173 = arith.constant 0 : i32
        %dma_start3A_174 = tpu.memref_slice %arg7[%dma_start3A_172, %dma_start3A_173] : memref<10240x128xf32, #tpu.memory_space<vmem_shared>> -> memref<10240x128xf32, #tpu.memory_space<vmem_shared>>
        tpu.enqueue_indirect_dma source(%arg10 : memref<128x128xf32, #tpu.memory_space<vmem>>) target(%dma_start3A_174 : memref<10240x128xf32, #tpu.memory_space<vmem_shared>>) offsets(%dma_start3A_171 : memref<128xi32, #tpu.memory_space<vmem>>) semaphore(%run_scoped3A_168 : memref<!tpu.dma_semaphore, #tpu.memory_space<semaphore_mem>>) {add = true}
        %dma_wait3A_175 = arith.constant 0 : i32
        %dma_wait3A_176 = tpu.memref_slice %arg9[%run_scoped3A, %dma_wait3A_175] : memref<8x128xi32, #tpu.memory_space<vmem>> -> memref<1x128xi32, #tpu.memory_space<vmem>>
        %dma_wait3A_177 = tpu.memref_squeeze %dma_wait3A_176 : memref<1x128xi32, #tpu.memory_space<vmem>> -> memref<128xi32, #tpu.memory_space<vmem>>
        %dma_wait3A_178 = arith.constant 0 : i32
        %dma_wait3A_179 = arith.constant 0 : i32
        %dma_wait3A_180 = tpu.memref_slice %arg7[%dma_wait3A_178, %dma_wait3A_179] : memref<10240x128xf32, #tpu.memory_space<vmem_shared>> -> memref<10240x128xf32, #tpu.memory_space<vmem_shared>>
        tpu.wait_indirect_dma semaphore(%run_scoped3A_168 : memref<!tpu.dma_semaphore, #tpu.memory_space<semaphore_mem>>) src(%arg10 : memref<128x128xf32, #tpu.memory_space<vmem>>) dst(%dma_wait3A_180 : memref<10240x128xf32, #tpu.memory_space<vmem_shared>>)
        tpu.yield
      }) : () -> ()
      %run_scoped3A_77 = arith.constant 1 : i32
      "tpu.region"() ({
        %run_scoped3A_168 = tpu.sem_alloc : memref<!tpu.dma_semaphore, #tpu.memory_space<semaphore_mem>>
        %dma_start3A_169 = arith.constant 0 : i32
        %dma_start3A_170 = tpu.memref_slice %arg9[%run_scoped3A_77, %dma_start3A_169] : memref<8x128xi32, #tpu.memory_space<vmem>> -> memref<1x128xi32, #tpu.memory_space<vmem>>
        %dma_start3A_171 = tpu.memref_squeeze %dma_start3A_170 : memref<1x128xi32, #tpu.memory_space<vmem>> -> memref<128xi32, #tpu.memory_space<vmem>>
        %dma_start3A_172 = arith.constant 0 : i32
        %dma_start3A_173 = arith.constant 0 : i32
        %dma_start3A_174 = tpu.memref_slice %arg7[%dma_start3A_172, %dma_start3A_173] : memref<10240x128xf32, #tpu.memory_space<vmem_shared>> -> memref<10240x128xf32, #tpu.memory_space<vmem_shared>>
        tpu.enqueue_indirect_dma source(%arg11 : memref<128x128xf32, #tpu.memory_space<vmem>>) target(%dma_start3A_174 : memref<10240x128xf32, #tpu.memory_space<vmem_shared>>) offsets(%dma_start3A_171 : memref<128xi32, #tpu.memory_space<vmem>>) semaphore(%run_scoped3A_168 : memref<!tpu.dma_semaphore, #tpu.memory_space<semaphore_mem>>) {add = true}
        %dma_wait3A_175 = arith.constant 0 : i32
        %dma_wait3A_176 = tpu.memref_slice %arg9[%run_scoped3A_77, %dma_wait3A_175] : memref<8x128xi32, #tpu.memory_space<vmem>> -> memref<1x128xi32, #tpu.memory_space<vmem>>
        %dma_wait3A_177 = tpu.memref_squeeze %dma_wait3A_176 : memref<1x128xi32, #tpu.memory_space<vmem>> -> memref<128xi32, #tpu.memory_space<vmem>>
        %dma_wait3A_178 = arith.constant 0 : i32
        %dma_wait3A_179 = arith.constant 0 : i32
        %dma_wait3A_180 = tpu.memref_slice %arg7[%dma_wait3A_178, %dma_wait3A_179] : memref<10240x128xf32, #tpu.memory_space<vmem_shared>> -> memref<10240x128xf32, #tpu.memory_space<vmem_shared>>
        tpu.wait_indirect_dma semaphore(%run_scoped3A_168 : memref<!tpu.dma_semaphore, #tpu.memory_space<semaphore_mem>>) src(%arg11 : memref<128x128xf32, #tpu.memory_space<vmem>>) dst(%dma_wait3A_180 : memref<10240x128xf32, #tpu.memory_space<vmem_shared>>)
        tpu.yield
      }) : () -> ()
      %dma_start3A_78 = arith.constant 2 : i32
      %dma_start3A_79 = arith.constant 0 : i32
      %dma_start3A_80 = tpu.memref_slice %arg8[%dma_start3A_78, %dma_start3A_79] : memref<8x128xi32, #tpu.memory_space<vmem>> -> memref<1x128xi32, #tpu.memory_space<vmem>>
      %dma_start3A_81 = tpu.memref_squeeze %dma_start3A_80 : memref<1x128xi32, #tpu.memory_space<vmem>> -> memref<128xi32, #tpu.memory_space<vmem>>
      %dma_start3A_82 = arith.constant 0 : i32
      %dma_start3A_83 = arith.constant 0 : i32
      %dma_start3A_84 = tpu.memref_slice %arg2[%dma_start3A_82, %dma_start3A_83] : memref<10000x128xf32, #tpu.memory_space<hbm>> -> memref<10000x128xf32, #tpu.memory_space<hbm>>
      tpu.enqueue_indirect_dma source(%dma_start3A_84 : memref<10000x128xf32, #tpu.memory_space<hbm>>) target(%arg10 : memref<128x128xf32, #tpu.memory_space<vmem>>) offsets(%dma_start3A_81 : memref<128xi32, #tpu.memory_space<vmem>>) semaphore(%arg12 : memref<!tpu.dma_semaphore, #tpu.memory_space<semaphore_mem>>)
      %dma_start3A_85 = arith.constant 3 : i32
      %dma_start3A_86 = arith.constant 0 : i32
      %dma_start3A_87 = tpu.memref_slice %arg8[%dma_start3A_85, %dma_start3A_86] : memref<8x128xi32, #tpu.memory_space<vmem>> -> memref<1x128xi32, #tpu.memory_space<vmem>>
      %dma_start3A_88 = tpu.memref_squeeze %dma_start3A_87 : memref<1x128xi32, #tpu.memory_space<vmem>> -> memref<128xi32, #tpu.memory_space<vmem>>
      %dma_start3A_89 = arith.constant 0 : i32
      %dma_start3A_90 = arith.constant 0 : i32
      %dma_start3A_91 = tpu.memref_slice %arg2[%dma_start3A_89, %dma_start3A_90] : memref<10000x128xf32, #tpu.memory_space<hbm>> -> memref<10000x128xf32, #tpu.memory_space<hbm>>
      tpu.enqueue_indirect_dma source(%dma_start3A_91 : memref<10000x128xf32, #tpu.memory_space<hbm>>) target(%arg11 : memref<128x128xf32, #tpu.memory_space<vmem>>) offsets(%dma_start3A_88 : memref<128xi32, #tpu.memory_space<vmem>>) semaphore(%arg12 : memref<!tpu.dma_semaphore, #tpu.memory_space<semaphore_mem>>)
      %dma_wait3A_92 = arith.constant 2 : i32
      %dma_wait3A_93 = arith.constant 0 : i32
      %dma_wait3A_94 = tpu.memref_slice %arg8[%dma_wait3A_92, %dma_wait3A_93] : memref<8x128xi32, #tpu.memory_space<vmem>> -> memref<1x128xi32, #tpu.memory_space<vmem>>
      %dma_wait3A_95 = tpu.memref_squeeze %dma_wait3A_94 : memref<1x128xi32, #tpu.memory_space<vmem>> -> memref<128xi32, #tpu.memory_space<vmem>>
      %dma_wait3A_96 = arith.constant 0 : i32
      %dma_wait3A_97 = arith.constant 0 : i32
      %dma_wait3A_98 = tpu.memref_slice %arg2[%dma_wait3A_96, %dma_wait3A_97] : memref<10000x128xf32, #tpu.memory_space<hbm>> -> memref<10000x128xf32, #tpu.memory_space<hbm>>
      tpu.wait_indirect_dma semaphore(%arg12 : memref<!tpu.dma_semaphore, #tpu.memory_space<semaphore_mem>>) src(%dma_wait3A_98 : memref<10000x128xf32, #tpu.memory_space<hbm>>) dst(%arg10 : memref<128x128xf32, #tpu.memory_space<vmem>>)
      %dma_wait3A_99 = arith.constant 3 : i32
      %dma_wait3A_100 = arith.constant 0 : i32
      %dma_wait3A_101 = tpu.memref_slice %arg8[%dma_wait3A_99, %dma_wait3A_100] : memref<8x128xi32, #tpu.memory_space<vmem>> -> memref<1x128xi32, #tpu.memory_space<vmem>>
      %dma_wait3A_102 = tpu.memref_squeeze %dma_wait3A_101 : memref<1x128xi32, #tpu.memory_space<vmem>> -> memref<128xi32, #tpu.memory_space<vmem>>
      %dma_wait3A_103 = arith.constant 0 : i32
      %dma_wait3A_104 = arith.constant 0 : i32
      %dma_wait3A_105 = tpu.memref_slice %arg2[%dma_wait3A_103, %dma_wait3A_104] : memref<10000x128xf32, #tpu.memory_space<hbm>> -> memref<10000x128xf32, #tpu.memory_space<hbm>>
      tpu.wait_indirect_dma semaphore(%arg12 : memref<!tpu.dma_semaphore, #tpu.memory_space<semaphore_mem>>) src(%dma_wait3A_105 : memref<10000x128xf32, #tpu.memory_space<hbm>>) dst(%arg11 : memref<128x128xf32, #tpu.memory_space<vmem>>)
      %run_scoped3A_106 = arith.constant 2 : i32
      "tpu.region"() ({
        %run_scoped3A_168 = tpu.sem_alloc : memref<!tpu.dma_semaphore, #tpu.memory_space<semaphore_mem>>
        %dma_start3A_169 = arith.constant 0 : i32
        %dma_start3A_170 = tpu.memref_slice %arg9[%run_scoped3A_106, %dma_start3A_169] : memref<8x128xi32, #tpu.memory_space<vmem>> -> memref<1x128xi32, #tpu.memory_space<vmem>>
        %dma_start3A_171 = tpu.memref_squeeze %dma_start3A_170 : memref<1x128xi32, #tpu.memory_space<vmem>> -> memref<128xi32, #tpu.memory_space<vmem>>
        %dma_start3A_172 = arith.constant 0 : i32
        %dma_start3A_173 = arith.constant 0 : i32
        %dma_start3A_174 = tpu.memref_slice %arg7[%dma_start3A_172, %dma_start3A_173] : memref<10240x128xf32, #tpu.memory_space<vmem_shared>> -> memref<10240x128xf32, #tpu.memory_space<vmem_shared>>
        tpu.enqueue_indirect_dma source(%arg10 : memref<128x128xf32, #tpu.memory_space<vmem>>) target(%dma_start3A_174 : memref<10240x128xf32, #tpu.memory_space<vmem_shared>>) offsets(%dma_start3A_171 : memref<128xi32, #tpu.memory_space<vmem>>) semaphore(%run_scoped3A_168 : memref<!tpu.dma_semaphore, #tpu.memory_space<semaphore_mem>>) {add = true}
        %dma_wait3A_175 = arith.constant 0 : i32
        %dma_wait3A_176 = tpu.memref_slice %arg9[%run_scoped3A_106, %dma_wait3A_175] : memref<8x128xi32, #tpu.memory_space<vmem>> -> memref<1x128xi32, #tpu.memory_space<vmem>>
        %dma_wait3A_177 = tpu.memref_squeeze %dma_wait3A_176 : memref<1x128xi32, #tpu.memory_space<vmem>> -> memref<128xi32, #tpu.memory_space<vmem>>
        %dma_wait3A_178 = arith.constant 0 : i32
        %dma_wait3A_179 = arith.constant 0 : i32
        %dma_wait3A_180 = tpu.memref_slice %arg7[%dma_wait3A_178, %dma_wait3A_179] : memref<10240x128xf32, #tpu.memory_space<vmem_shared>> -> memref<10240x128xf32, #tpu.memory_space<vmem_shared>>
        tpu.wait_indirect_dma semaphore(%run_scoped3A_168 : memref<!tpu.dma_semaphore, #tpu.memory_space<semaphore_mem>>) src(%arg10 : memref<128x128xf32, #tpu.memory_space<vmem>>) dst(%dma_wait3A_180 : memref<10240x128xf32, #tpu.memory_space<vmem_shared>>)
        tpu.yield
      }) : () -> ()
      %run_scoped3A_107 = arith.constant 3 : i32
      "tpu.region"() ({
        %run_scoped3A_168 = tpu.sem_alloc : memref<!tpu.dma_semaphore, #tpu.memory_space<semaphore_mem>>
        %dma_start3A_169 = arith.constant 0 : i32
        %dma_start3A_170 = tpu.memref_slice %arg9[%run_scoped3A_107, %dma_start3A_169] : memref<8x128xi32, #tpu.memory_space<vmem>> -> memref<1x128xi32, #tpu.memory_space<vmem>>
        %dma_start3A_171 = tpu.memref_squeeze %dma_start3A_170 : memref<1x128xi32, #tpu.memory_space<vmem>> -> memref<128xi32, #tpu.memory_space<vmem>>
        %dma_start3A_172 = arith.constant 0 : i32
        %dma_start3A_173 = arith.constant 0 : i32
        %dma_start3A_174 = tpu.memref_slice %arg7[%dma_start3A_172, %dma_start3A_173] : memref<10240x128xf32, #tpu.memory_space<vmem_shared>> -> memref<10240x128xf32, #tpu.memory_space<vmem_shared>>
        tpu.enqueue_indirect_dma source(%arg11 : memref<128x128xf32, #tpu.memory_space<vmem>>) target(%dma_start3A_174 : memref<10240x128xf32, #tpu.memory_space<vmem_shared>>) offsets(%dma_start3A_171 : memref<128xi32, #tpu.memory_space<vmem>>) semaphore(%run_scoped3A_168 : memref<!tpu.dma_semaphore, #tpu.memory_space<semaphore_mem>>) {add = true}
        %dma_wait3A_175 = arith.constant 0 : i32
        %dma_wait3A_176 = tpu.memref_slice %arg9[%run_scoped3A_107, %dma_wait3A_175] : memref<8x128xi32, #tpu.memory_space<vmem>> -> memref<1x128xi32, #tpu.memory_space<vmem>>
        %dma_wait3A_177 = tpu.memref_squeeze %dma_wait3A_176 : memref<1x128xi32, #tpu.memory_space<vmem>> -> memref<128xi32, #tpu.memory_space<vmem>>
        %dma_wait3A_178 = arith.constant 0 : i32
        %dma_wait3A_179 = arith.constant 0 : i32
        %dma_wait3A_180 = tpu.memref_slice %arg7[%dma_wait3A_178, %dma_wait3A_179] : memref<10240x128xf32, #tpu.memory_space<vmem_shared>> -> memref<10240x128xf32, #tpu.memory_space<vmem_shared>>
        tpu.wait_indirect_dma semaphore(%run_scoped3A_168 : memref<!tpu.dma_semaphore, #tpu.memory_space<semaphore_mem>>) src(%arg11 : memref<128x128xf32, #tpu.memory_space<vmem>>) dst(%dma_wait3A_180 : memref<10240x128xf32, #tpu.memory_space<vmem_shared>>)
        tpu.yield
      }) : () -> ()
      %dma_start3A_108 = arith.constant 4 : i32
      %dma_start3A_109 = arith.constant 0 : i32
      %dma_start3A_110 = tpu.memref_slice %arg8[%dma_start3A_108, %dma_start3A_109] : memref<8x128xi32, #tpu.memory_space<vmem>> -> memref<1x128xi32, #tpu.memory_space<vmem>>
      %dma_start3A_111 = tpu.memref_squeeze %dma_start3A_110 : memref<1x128xi32, #tpu.memory_space<vmem>> -> memref<128xi32, #tpu.memory_space<vmem>>
      %dma_start3A_112 = arith.constant 0 : i32
      %dma_start3A_113 = arith.constant 0 : i32
      %dma_start3A_114 = tpu.memref_slice %arg2[%dma_start3A_112, %dma_start3A_113] : memref<10000x128xf32, #tpu.memory_space<hbm>> -> memref<10000x128xf32, #tpu.memory_space<hbm>>
      tpu.enqueue_indirect_dma source(%dma_start3A_114 : memref<10000x128xf32, #tpu.memory_space<hbm>>) target(%arg10 : memref<128x128xf32, #tpu.memory_space<vmem>>) offsets(%dma_start3A_111 : memref<128xi32, #tpu.memory_space<vmem>>) semaphore(%arg12 : memref<!tpu.dma_semaphore, #tpu.memory_space<semaphore_mem>>)
      %dma_start3A_115 = arith.constant 5 : i32
      %dma_start3A_116 = arith.constant 0 : i32
      %dma_start3A_117 = tpu.memref_slice %arg8[%dma_start3A_115, %dma_start3A_116] : memref<8x128xi32, #tpu.memory_space<vmem>> -> memref<1x128xi32, #tpu.memory_space<vmem>>
      %dma_start3A_118 = tpu.memref_squeeze %dma_start3A_117 : memref<1x128xi32, #tpu.memory_space<vmem>> -> memref<128xi32, #tpu.memory_space<vmem>>
      %dma_start3A_119 = arith.constant 0 : i32
      %dma_start3A_120 = arith.constant 0 : i32
      %dma_start3A_121 = tpu.memref_slice %arg2[%dma_start3A_119, %dma_start3A_120] : memref<10000x128xf32, #tpu.memory_space<hbm>> -> memref<10000x128xf32, #tpu.memory_space<hbm>>
      tpu.enqueue_indirect_dma source(%dma_start3A_121 : memref<10000x128xf32, #tpu.memory_space<hbm>>) target(%arg11 : memref<128x128xf32, #tpu.memory_space<vmem>>) offsets(%dma_start3A_118 : memref<128xi32, #tpu.memory_space<vmem>>) semaphore(%arg12 : memref<!tpu.dma_semaphore, #tpu.memory_space<semaphore_mem>>)
      %dma_wait3A_122 = arith.constant 4 : i32
      %dma_wait3A_123 = arith.constant 0 : i32
      %dma_wait3A_124 = tpu.memref_slice %arg8[%dma_wait3A_122, %dma_wait3A_123] : memref<8x128xi32, #tpu.memory_space<vmem>> -> memref<1x128xi32, #tpu.memory_space<vmem>>
      %dma_wait3A_125 = tpu.memref_squeeze %dma_wait3A_124 : memref<1x128xi32, #tpu.memory_space<vmem>> -> memref<128xi32, #tpu.memory_space<vmem>>
      %dma_wait3A_126 = arith.constant 0 : i32
      %dma_wait3A_127 = arith.constant 0 : i32
      %dma_wait3A_128 = tpu.memref_slice %arg2[%dma_wait3A_126, %dma_wait3A_127] : memref<10000x128xf32, #tpu.memory_space<hbm>> -> memref<10000x128xf32, #tpu.memory_space<hbm>>
      tpu.wait_indirect_dma semaphore(%arg12 : memref<!tpu.dma_semaphore, #tpu.memory_space<semaphore_mem>>) src(%dma_wait3A_128 : memref<10000x128xf32, #tpu.memory_space<hbm>>) dst(%arg10 : memref<128x128xf32, #tpu.memory_space<vmem>>)
      %dma_wait3A_129 = arith.constant 5 : i32
      %dma_wait3A_130 = arith.constant 0 : i32
      %dma_wait3A_131 = tpu.memref_slice %arg8[%dma_wait3A_129, %dma_wait3A_130] : memref<8x128xi32, #tpu.memory_space<vmem>> -> memref<1x128xi32, #tpu.memory_space<vmem>>
      %dma_wait3A_132 = tpu.memref_squeeze %dma_wait3A_131 : memref<1x128xi32, #tpu.memory_space<vmem>> -> memref<128xi32, #tpu.memory_space<vmem>>
      %dma_wait3A_133 = arith.constant 0 : i32
      %dma_wait3A_134 = arith.constant 0 : i32
      %dma_wait3A_135 = tpu.memref_slice %arg2[%dma_wait3A_133, %dma_wait3A_134] : memref<10000x128xf32, #tpu.memory_space<hbm>> -> memref<10000x128xf32, #tpu.memory_space<hbm>>
      tpu.wait_indirect_dma semaphore(%arg12 : memref<!tpu.dma_semaphore, #tpu.memory_space<semaphore_mem>>) src(%dma_wait3A_135 : memref<10000x128xf32, #tpu.memory_space<hbm>>) dst(%arg11 : memref<128x128xf32, #tpu.memory_space<vmem>>)
      %run_scoped3A_136 = arith.constant 4 : i32
      "tpu.region"() ({
        %run_scoped3A_168 = tpu.sem_alloc : memref<!tpu.dma_semaphore, #tpu.memory_space<semaphore_mem>>
        %dma_start3A_169 = arith.constant 0 : i32
        %dma_start3A_170 = tpu.memref_slice %arg9[%run_scoped3A_136, %dma_start3A_169] : memref<8x128xi32, #tpu.memory_space<vmem>> -> memref<1x128xi32, #tpu.memory_space<vmem>>
        %dma_start3A_171 = tpu.memref_squeeze %dma_start3A_170 : memref<1x128xi32, #tpu.memory_space<vmem>> -> memref<128xi32, #tpu.memory_space<vmem>>
        %dma_start3A_172 = arith.constant 0 : i32
        %dma_start3A_173 = arith.constant 0 : i32
        %dma_start3A_174 = tpu.memref_slice %arg7[%dma_start3A_172, %dma_start3A_173] : memref<10240x128xf32, #tpu.memory_space<vmem_shared>> -> memref<10240x128xf32, #tpu.memory_space<vmem_shared>>
        tpu.enqueue_indirect_dma source(%arg10 : memref<128x128xf32, #tpu.memory_space<vmem>>) target(%dma_start3A_174 : memref<10240x128xf32, #tpu.memory_space<vmem_shared>>) offsets(%dma_start3A_171 : memref<128xi32, #tpu.memory_space<vmem>>) semaphore(%run_scoped3A_168 : memref<!tpu.dma_semaphore, #tpu.memory_space<semaphore_mem>>) {add = true}
        %dma_wait3A_175 = arith.constant 0 : i32
        %dma_wait3A_176 = tpu.memref_slice %arg9[%run_scoped3A_136, %dma_wait3A_175] : memref<8x128xi32, #tpu.memory_space<vmem>> -> memref<1x128xi32, #tpu.memory_space<vmem>>
        %dma_wait3A_177 = tpu.memref_squeeze %dma_wait3A_176 : memref<1x128xi32, #tpu.memory_space<vmem>> -> memref<128xi32, #tpu.memory_space<vmem>>
        %dma_wait3A_178 = arith.constant 0 : i32
        %dma_wait3A_179 = arith.constant 0 : i32
        %dma_wait3A_180 = tpu.memref_slice %arg7[%dma_wait3A_178, %dma_wait3A_179] : memref<10240x128xf32, #tpu.memory_space<vmem_shared>> -> memref<10240x128xf32, #tpu.memory_space<vmem_shared>>
        tpu.wait_indirect_dma semaphore(%run_scoped3A_168 : memref<!tpu.dma_semaphore, #tpu.memory_space<semaphore_mem>>) src(%arg10 : memref<128x128xf32, #tpu.memory_space<vmem>>) dst(%dma_wait3A_180 : memref<10240x128xf32, #tpu.memory_space<vmem_shared>>)
        tpu.yield
      }) : () -> ()
      %run_scoped3A_137 = arith.constant 5 : i32
      "tpu.region"() ({
        %run_scoped3A_168 = tpu.sem_alloc : memref<!tpu.dma_semaphore, #tpu.memory_space<semaphore_mem>>
        %dma_start3A_169 = arith.constant 0 : i32
        %dma_start3A_170 = tpu.memref_slice %arg9[%run_scoped3A_137, %dma_start3A_169] : memref<8x128xi32, #tpu.memory_space<vmem>> -> memref<1x128xi32, #tpu.memory_space<vmem>>
        %dma_start3A_171 = tpu.memref_squeeze %dma_start3A_170 : memref<1x128xi32, #tpu.memory_space<vmem>> -> memref<128xi32, #tpu.memory_space<vmem>>
        %dma_start3A_172 = arith.constant 0 : i32
        %dma_start3A_173 = arith.constant 0 : i32
        %dma_start3A_174 = tpu.memref_slice %arg7[%dma_start3A_172, %dma_start3A_173] : memref<10240x128xf32, #tpu.memory_space<vmem_shared>> -> memref<10240x128xf32, #tpu.memory_space<vmem_shared>>
        tpu.enqueue_indirect_dma source(%arg11 : memref<128x128xf32, #tpu.memory_space<vmem>>) target(%dma_start3A_174 : memref<10240x128xf32, #tpu.memory_space<vmem_shared>>) offsets(%dma_start3A_171 : memref<128xi32, #tpu.memory_space<vmem>>) semaphore(%run_scoped3A_168 : memref<!tpu.dma_semaphore, #tpu.memory_space<semaphore_mem>>) {add = true}
        %dma_wait3A_175 = arith.constant 0 : i32
        %dma_wait3A_176 = tpu.memref_slice %arg9[%run_scoped3A_137, %dma_wait3A_175] : memref<8x128xi32, #tpu.memory_space<vmem>> -> memref<1x128xi32, #tpu.memory_space<vmem>>
        %dma_wait3A_177 = tpu.memref_squeeze %dma_wait3A_176 : memref<1x128xi32, #tpu.memory_space<vmem>> -> memref<128xi32, #tpu.memory_space<vmem>>
        %dma_wait3A_178 = arith.constant 0 : i32
        %dma_wait3A_179 = arith.constant 0 : i32
        %dma_wait3A_180 = tpu.memref_slice %arg7[%dma_wait3A_178, %dma_wait3A_179] : memref<10240x128xf32, #tpu.memory_space<vmem_shared>> -> memref<10240x128xf32, #tpu.memory_space<vmem_shared>>
        tpu.wait_indirect_dma semaphore(%run_scoped3A_168 : memref<!tpu.dma_semaphore, #tpu.memory_space<semaphore_mem>>) src(%arg11 : memref<128x128xf32, #tpu.memory_space<vmem>>) dst(%dma_wait3A_180 : memref<10240x128xf32, #tpu.memory_space<vmem_shared>>)
        tpu.yield
      }) : () -> ()
      %dma_start3A_138 = arith.constant 6 : i32
      %dma_start3A_139 = arith.constant 0 : i32
      %dma_start3A_140 = tpu.memref_slice %arg8[%dma_start3A_138, %dma_start3A_139] : memref<8x128xi32, #tpu.memory_space<vmem>> -> memref<1x128xi32, #tpu.memory_space<vmem>>
      %dma_start3A_141 = tpu.memref_squeeze %dma_start3A_140 : memref<1x128xi32, #tpu.memory_space<vmem>> -> memref<128xi32, #tpu.memory_space<vmem>>
      %dma_start3A_142 = arith.constant 0 : i32
      %dma_start3A_143 = arith.constant 0 : i32
      %dma_start3A_144 = tpu.memref_slice %arg2[%dma_start3A_142, %dma_start3A_143] : memref<10000x128xf32, #tpu.memory_space<hbm>> -> memref<10000x128xf32, #tpu.memory_space<hbm>>
      tpu.enqueue_indirect_dma source(%dma_start3A_144 : memref<10000x128xf32, #tpu.memory_space<hbm>>) target(%arg10 : memref<128x128xf32, #tpu.memory_space<vmem>>) offsets(%dma_start3A_141 : memref<128xi32, #tpu.memory_space<vmem>>) semaphore(%arg12 : memref<!tpu.dma_semaphore, #tpu.memory_space<semaphore_mem>>)
      %dma_start3A_145 = arith.constant 7 : i32
      %dma_start3A_146 = arith.constant 0 : i32
      %dma_start3A_147 = tpu.memref_slice %arg8[%dma_start3A_145, %dma_start3A_146] : memref<8x128xi32, #tpu.memory_space<vmem>> -> memref<1x128xi32, #tpu.memory_space<vmem>>
      %dma_start3A_148 = tpu.memref_squeeze %dma_start3A_147 : memref<1x128xi32, #tpu.memory_space<vmem>> -> memref<128xi32, #tpu.memory_space<vmem>>
      %dma_start3A_149 = arith.constant 0 : i32
      %dma_start3A_150 = arith.constant 0 : i32
      %dma_start3A_151 = tpu.memref_slice %arg2[%dma_start3A_149, %dma_start3A_150] : memref<10000x128xf32, #tpu.memory_space<hbm>> -> memref<10000x128xf32, #tpu.memory_space<hbm>>
      tpu.enqueue_indirect_dma source(%dma_start3A_151 : memref<10000x128xf32, #tpu.memory_space<hbm>>) target(%arg11 : memref<128x128xf32, #tpu.memory_space<vmem>>) offsets(%dma_start3A_148 : memref<128xi32, #tpu.memory_space<vmem>>) semaphore(%arg12 : memref<!tpu.dma_semaphore, #tpu.memory_space<semaphore_mem>>)
      %dma_wait3A_152 = arith.constant 6 : i32
      %dma_wait3A_153 = arith.constant 0 : i32
      %dma_wait3A_154 = tpu.memref_slice %arg8[%dma_wait3A_152, %dma_wait3A_153] : memref<8x128xi32, #tpu.memory_space<vmem>> -> memref<1x128xi32, #tpu.memory_space<vmem>>
      %dma_wait3A_155 = tpu.memref_squeeze %dma_wait3A_154 : memref<1x128xi32, #tpu.memory_space<vmem>> -> memref<128xi32, #tpu.memory_space<vmem>>
      %dma_wait3A_156 = arith.constant 0 : i32
      %dma_wait3A_157 = arith.constant 0 : i32
      %dma_wait3A_158 = tpu.memref_slice %arg2[%dma_wait3A_156, %dma_wait3A_157] : memref<10000x128xf32, #tpu.memory_space<hbm>> -> memref<10000x128xf32, #tpu.memory_space<hbm>>
      tpu.wait_indirect_dma semaphore(%arg12 : memref<!tpu.dma_semaphore, #tpu.memory_space<semaphore_mem>>) src(%dma_wait3A_158 : memref<10000x128xf32, #tpu.memory_space<hbm>>) dst(%arg10 : memref<128x128xf32, #tpu.memory_space<vmem>>)
      %dma_wait3A_159 = arith.constant 7 : i32
      %dma_wait3A_160 = arith.constant 0 : i32
      %dma_wait3A_161 = tpu.memref_slice %arg8[%dma_wait3A_159, %dma_wait3A_160] : memref<8x128xi32, #tpu.memory_space<vmem>> -> memref<1x128xi32, #tpu.memory_space<vmem>>
      %dma_wait3A_162 = tpu.memref_squeeze %dma_wait3A_161 : memref<1x128xi32, #tpu.memory_space<vmem>> -> memref<128xi32, #tpu.memory_space<vmem>>
      %dma_wait3A_163 = arith.constant 0 : i32
      %dma_wait3A_164 = arith.constant 0 : i32
      %dma_wait3A_165 = tpu.memref_slice %arg2[%dma_wait3A_163, %dma_wait3A_164] : memref<10000x128xf32, #tpu.memory_space<hbm>> -> memref<10000x128xf32, #tpu.memory_space<hbm>>
      tpu.wait_indirect_dma semaphore(%arg12 : memref<!tpu.dma_semaphore, #tpu.memory_space<semaphore_mem>>) src(%dma_wait3A_165 : memref<10000x128xf32, #tpu.memory_space<hbm>>) dst(%arg11 : memref<128x128xf32, #tpu.memory_space<vmem>>)
      %run_scoped3A_166 = arith.constant 6 : i32
      "tpu.region"() ({
        %run_scoped3A_168 = tpu.sem_alloc : memref<!tpu.dma_semaphore, #tpu.memory_space<semaphore_mem>>
        %dma_start3A_169 = arith.constant 0 : i32
        %dma_start3A_170 = tpu.memref_slice %arg9[%run_scoped3A_166, %dma_start3A_169] : memref<8x128xi32, #tpu.memory_space<vmem>> -> memref<1x128xi32, #tpu.memory_space<vmem>>
        %dma_start3A_171 = tpu.memref_squeeze %dma_start3A_170 : memref<1x128xi32, #tpu.memory_space<vmem>> -> memref<128xi32, #tpu.memory_space<vmem>>
        %dma_start3A_172 = arith.constant 0 : i32
        %dma_start3A_173 = arith.constant 0 : i32
        %dma_start3A_174 = tpu.memref_slice %arg7[%dma_start3A_172, %dma_start3A_173] : memref<10240x128xf32, #tpu.memory_space<vmem_shared>> -> memref<10240x128xf32, #tpu.memory_space<vmem_shared>>
        tpu.enqueue_indirect_dma source(%arg10 : memref<128x128xf32, #tpu.memory_space<vmem>>) target(%dma_start3A_174 : memref<10240x128xf32, #tpu.memory_space<vmem_shared>>) offsets(%dma_start3A_171 : memref<128xi32, #tpu.memory_space<vmem>>) semaphore(%run_scoped3A_168 : memref<!tpu.dma_semaphore, #tpu.memory_space<semaphore_mem>>) {add = true}
        %dma_wait3A_175 = arith.constant 0 : i32
        %dma_wait3A_176 = tpu.memref_slice %arg9[%run_scoped3A_166, %dma_wait3A_175] : memref<8x128xi32, #tpu.memory_space<vmem>> -> memref<1x128xi32, #tpu.memory_space<vmem>>
        %dma_wait3A_177 = tpu.memref_squeeze %dma_wait3A_176 : memref<1x128xi32, #tpu.memory_space<vmem>> -> memref<128xi32, #tpu.memory_space<vmem>>
        %dma_wait3A_178 = arith.constant 0 : i32
        %dma_wait3A_179 = arith.constant 0 : i32
        %dma_wait3A_180 = tpu.memref_slice %arg7[%dma_wait3A_178, %dma_wait3A_179] : memref<10240x128xf32, #tpu.memory_space<vmem_shared>> -> memref<10240x128xf32, #tpu.memory_space<vmem_shared>>
        tpu.wait_indirect_dma semaphore(%run_scoped3A_168 : memref<!tpu.dma_semaphore, #tpu.memory_space<semaphore_mem>>) src(%arg10 : memref<128x128xf32, #tpu.memory_space<vmem>>) dst(%dma_wait3A_180 : memref<10240x128xf32, #tpu.memory_space<vmem_shared>>)
        tpu.yield
      }) : () -> ()
      %run_scoped3A_167 = arith.constant 7 : i32
      "tpu.region"() ({
        %run_scoped3A_168 = tpu.sem_alloc : memref<!tpu.dma_semaphore, #tpu.memory_space<semaphore_mem>>
        %dma_start3A_169 = arith.constant 0 : i32
        %dma_start3A_170 = tpu.memref_slice %arg9[%run_scoped3A_167, %dma_start3A_169] : memref<8x128xi32, #tpu.memory_space<vmem>> -> memref<1x128xi32, #tpu.memory_space<vmem>>
        %dma_start3A_171 = tpu.memref_squeeze %dma_start3A_170 : memref<1x128xi32, #tpu.memory_space<vmem>> -> memref<128xi32, #tpu.memory_space<vmem>>
        %dma_start3A_172 = arith.constant 0 : i32
        %dma_start3A_173 = arith.constant 0 : i32
        %dma_start3A_174 = tpu.memref_slice %arg7[%dma_start3A_172, %dma_start3A_173] : memref<10240x128xf32, #tpu.memory_space<vmem_shared>> -> memref<10240x128xf32, #tpu.memory_space<vmem_shared>>
        tpu.enqueue_indirect_dma source(%arg11 : memref<128x128xf32, #tpu.memory_space<vmem>>) target(%dma_start3A_174 : memref<10240x128xf32, #tpu.memory_space<vmem_shared>>) offsets(%dma_start3A_171 : memref<128xi32, #tpu.memory_space<vmem>>) semaphore(%run_scoped3A_168 : memref<!tpu.dma_semaphore, #tpu.memory_space<semaphore_mem>>) {add = true}
        %dma_wait3A_175 = arith.constant 0 : i32
        %dma_wait3A_176 = tpu.memref_slice %arg9[%run_scoped3A_167, %dma_wait3A_175] : memref<8x128xi32, #tpu.memory_space<vmem>> -> memref<1x128xi32, #tpu.memory_space<vmem>>
        %dma_wait3A_177 = tpu.memref_squeeze %dma_wait3A_176 : memref<1x128xi32, #tpu.memory_space<vmem>> -> memref<128xi32, #tpu.memory_space<vmem>>
        %dma_wait3A_178 = arith.constant 0 : i32
        %dma_wait3A_179 = arith.constant 0 : i32
        %dma_wait3A_180 = tpu.memref_slice %arg7[%dma_wait3A_178, %dma_wait3A_179] : memref<10240x128xf32, #tpu.memory_space<vmem_shared>> -> memref<10240x128xf32, #tpu.memory_space<vmem_shared>>
        tpu.wait_indirect_dma semaphore(%run_scoped3A_168 : memref<!tpu.dma_semaphore, #tpu.memory_space<semaphore_mem>>) src(%arg11 : memref<128x128xf32, #tpu.memory_space<vmem>>) dst(%dma_wait3A_180 : memref<10240x128xf32, #tpu.memory_space<vmem_shared>>)
        tpu.yield
      }) : () -> ()
    }
    %while3A_38 = arith.constant 1 : i32
    scf.for %while3A_47 = %while3A_36 to %while3A_32 step %while3A_38  : i32 {
      %mul3A_48 = arith.constant 8 : i32
      %mul3A_49 = arith.muli %while3A_47, %mul3A_48 : i32
      %add3A_50 = arith.addi %select_n3A, %mul3A_49 : i32
      "tpu.region"() ({
        %run_scoped3A_168 = tpu.sem_alloc : memref<!tpu.dma_semaphore, #tpu.memory_space<semaphore_mem>>
        %dma_start3A_169 = arith.constant 0 : i32
        %dma_start3A_170 = tpu.memref_slice %arg3[%add3A_50, %dma_start3A_169] : memref<2560x128xi32, #tpu.memory_space<hbm>> -> memref<8x128xi32, #tpu.memory_space<hbm>>
        %dma_start3A_171 = arith.constant 0 : i32
        %dma_start3A_172 = tpu.memref_slice %arg3[%add3A_50, %dma_start3A_171] : memref<2560x128xi32, #tpu.memory_space<hbm>> -> memref<8x128xi32, #tpu.memory_space<hbm>>
        tpu.enqueue_dma source(%dma_start3A_172 : memref<8x128xi32, #tpu.memory_space<hbm>>) target(%arg8 : memref<8x128xi32, #tpu.memory_space<vmem>>) target_semaphore(%run_scoped3A_168 : memref<!tpu.dma_semaphore, #tpu.memory_space<semaphore_mem>>)
        %dma_wait3A_173 = arith.constant 0 : i32
        %dma_wait3A_174 = tpu.memref_slice %arg3[%add3A_50, %dma_wait3A_173] : memref<2560x128xi32, #tpu.memory_space<hbm>> -> memref<8x128xi32, #tpu.memory_space<hbm>>
        %dma_wait3A_175 = arith.constant 0 : i32
        %dma_wait3A_176 = tpu.memref_slice %arg3[%add3A_50, %dma_wait3A_175] : memref<2560x128xi32, #tpu.memory_space<hbm>> -> memref<8x128xi32, #tpu.memory_space<hbm>>
        tpu.wait_dma2 semaphore(%run_scoped3A_168 : memref<!tpu.dma_semaphore, #tpu.memory_space<semaphore_mem>>) src(%dma_wait3A_176 : memref<8x128xi32, #tpu.memory_space<hbm>>) dst(%arg8 : memref<8x128xi32, #tpu.memory_space<vmem>>)
        tpu.yield
      }) : () -> ()
      "tpu.region"() ({
        %run_scoped3A_168 = tpu.sem_alloc : memref<!tpu.dma_semaphore, #tpu.memory_space<semaphore_mem>>
        %dma_start3A_169 = arith.constant 0 : i32
        %dma_start3A_170 = tpu.memref_slice %arg4[%add3A_50, %dma_start3A_169] : memref<2560x128xi32, #tpu.memory_space<hbm>> -> memref<8x128xi32, #tpu.memory_space<hbm>>
        %dma_start3A_171 = arith.constant 0 : i32
        %dma_start3A_172 = tpu.memref_slice %arg4[%add3A_50, %dma_start3A_171] : memref<2560x128xi32, #tpu.memory_space<hbm>> -> memref<8x128xi32, #tpu.memory_space<hbm>>
        tpu.enqueue_dma source(%dma_start3A_172 : memref<8x128xi32, #tpu.memory_space<hbm>>) target(%arg9 : memref<8x128xi32, #tpu.memory_space<vmem>>) target_semaphore(%run_scoped3A_168 : memref<!tpu.dma_semaphore, #tpu.memory_space<semaphore_mem>>)
        %dma_wait3A_173 = arith.constant 0 : i32
        %dma_wait3A_174 = tpu.memref_slice %arg4[%add3A_50, %dma_wait3A_173] : memref<2560x128xi32, #tpu.memory_space<hbm>> -> memref<8x128xi32, #tpu.memory_space<hbm>>
        %dma_wait3A_175 = arith.constant 0 : i32
        %dma_wait3A_176 = tpu.memref_slice %arg4[%add3A_50, %dma_wait3A_175] : memref<2560x128xi32, #tpu.memory_space<hbm>> -> memref<8x128xi32, #tpu.memory_space<hbm>>
        tpu.wait_dma2 semaphore(%run_scoped3A_168 : memref<!tpu.dma_semaphore, #tpu.memory_space<semaphore_mem>>) src(%dma_wait3A_176 : memref<8x128xi32, #tpu.memory_space<hbm>>) dst(%arg9 : memref<8x128xi32, #tpu.memory_space<vmem>>)
        tpu.yield
      }) : () -> ()
      %dma_start3A = arith.constant 0 : i32
      %dma_start3A_51 = arith.constant 0 : i32
      %dma_start3A_52 = tpu.memref_slice %arg8[%dma_start3A, %dma_start3A_51] : memref<8x128xi32, #tpu.memory_space<vmem>> -> memref<1x128xi32, #tpu.memory_space<vmem>>
      %dma_start3A_53 = tpu.memref_squeeze %dma_start3A_52 : memref<1x128xi32, #tpu.memory_space<vmem>> -> memref<128xi32, #tpu.memory_space<vmem>>
      %dma_start3A_54 = arith.constant 0 : i32
      %dma_start3A_55 = arith.constant 0 : i32
      %dma_start3A_56 = tpu.memref_slice %arg2[%dma_start3A_54, %dma_start3A_55] : memref<10000x128xf32, #tpu.memory_space<hbm>> -> memref<10000x128xf32, #tpu.memory_space<hbm>>
      tpu.enqueue_indirect_dma source(%dma_start3A_56 : memref<10000x128xf32, #tpu.memory_space<hbm>>) target(%arg10 : memref<128x128xf32, #tpu.memory_space<vmem>>) offsets(%dma_start3A_53 : memref<128xi32, #tpu.memory_space<vmem>>) semaphore(%arg12 : memref<!tpu.dma_semaphore, #tpu.memory_space<semaphore_mem>>)
      %dma_start3A_57 = arith.constant 1 : i32
      %dma_start3A_58 = arith.constant 0 : i32
      %dma_start3A_59 = tpu.memref_slice %arg8[%dma_start3A_57, %dma_start3A_58] : memref<8x128xi32, #tpu.memory_space<vmem>> -> memref<1x128xi32, #tpu.memory_space<vmem>>
      %dma_start3A_60 = tpu.memref_squeeze %dma_start3A_59 : memref<1x128xi32, #tpu.memory_space<vmem>> -> memref<128xi32, #tpu.memory_space<vmem>>
      %dma_start3A_61 = arith.constant 0 : i32
      %dma_start3A_62 = arith.constant 0 : i32
      %dma_start3A_63 = tpu.memref_slice %arg2[%dma_start3A_61, %dma_start3A_62] : memref<10000x128xf32, #tpu.memory_space<hbm>> -> memref<10000x128xf32, #tpu.memory_space<hbm>>
      tpu.enqueue_indirect_dma source(%dma_start3A_63 : memref<10000x128xf32, #tpu.memory_space<hbm>>) target(%arg11 : memref<128x128xf32, #tpu.memory_space<vmem>>) offsets(%dma_start3A_60 : memref<128xi32, #tpu.memory_space<vmem>>) semaphore(%arg12 : memref<!tpu.dma_semaphore, #tpu.memory_space<semaphore_mem>>)
      %dma_wait3A = arith.constant 0 : i32
      %dma_wait3A_64 = arith.constant 0 : i32
      %dma_wait3A_65 = tpu.memref_slice %arg8[%dma_wait3A, %dma_wait3A_64] : memref<8x128xi32, #tpu.memory_space<vmem>> -> memref<1x128xi32, #tpu.memory_space<vmem>>
      %dma_wait3A_66 = tpu.memref_squeeze %dma_wait3A_65 : memref<1x128xi32, #tpu.memory_space<vmem>> -> memref<128xi32, #tpu.memory_space<vmem>>
      %dma_wait3A_67 = arith.constant 0 : i32
      %dma_wait3A_68 = arith.constant 0 : i32
      %dma_wait3A_69 = tpu.memref_slice %arg2[%dma_wait3A_67, %dma_wait3A_68] : memref<10000x128xf32, #tpu.memory_space<hbm>> -> memref<10000x128xf32, #tpu.memory_space<hbm>>
      tpu.wait_indirect_dma semaphore(%arg12 : memref<!tpu.dma_semaphore, #tpu.memory_space<semaphore_mem>>) src(%dma_wait3A_69 : memref<10000x128xf32, #tpu.memory_space<hbm>>) dst(%arg10 : memref<128x128xf32, #tpu.memory_space<vmem>>)
      %dma_wait3A_70 = arith.constant 1 : i32
      %dma_wait3A_71 = arith.constant 0 : i32
      %dma_wait3A_72 = tpu.memref_slice %arg8[%dma_wait3A_70, %dma_wait3A_71] : memref<8x128xi32, #tpu.memory_space<vmem>> -> memref<1x128xi32, #tpu.memory_space<vmem>>
      %dma_wait3A_73 = tpu.memref_squeeze %dma_wait3A_72 : memref<1x128xi32, #tpu.memory_space<vmem>> -> memref<128xi32, #tpu.memory_space<vmem>>
      %dma_wait3A_74 = arith.constant 0 : i32
      %dma_wait3A_75 = arith.constant 0 : i32
      %dma_wait3A_76 = tpu.memref_slice %arg2[%dma_wait3A_74, %dma_wait3A_75] : memref<10000x128xf32, #tpu.memory_space<hbm>> -> memref<10000x128xf32, #tpu.memory_space<hbm>>
      tpu.wait_indirect_dma semaphore(%arg12 : memref<!tpu.dma_semaphore, #tpu.memory_space<semaphore_mem>>) src(%dma_wait3A_76 : memref<10000x128xf32, #tpu.memory_space<hbm>>) dst(%arg11 : memref<128x128xf32, #tpu.memory_space<vmem>>)
      %run_scoped3A = arith.constant 0 : i32
      "tpu.region"() ({
        %run_scoped3A_168 = tpu.sem_alloc : memref<!tpu.dma_semaphore, #tpu.memory_space<semaphore_mem>>
        %dma_start3A_169 = arith.constant 0 : i32
        %dma_start3A_170 = tpu.memref_slice %arg9[%run_scoped3A, %dma_start3A_169] : memref<8x128xi32, #tpu.memory_space<vmem>> -> memref<1x128xi32, #tpu.memory_space<vmem>>
        %dma_start3A_171 = tpu.memref_squeeze %dma_start3A_170 : memref<1x128xi32, #tpu.memory_space<vmem>> -> memref<128xi32, #tpu.memory_space<vmem>>
        %dma_start3A_172 = arith.constant 0 : i32
        %dma_start3A_173 = arith.constant 0 : i32
        %dma_start3A_174 = tpu.memref_slice %arg7[%dma_start3A_172, %dma_start3A_173] : memref<10240x128xf32, #tpu.memory_space<vmem_shared>> -> memref<10240x128xf32, #tpu.memory_space<vmem_shared>>
        tpu.enqueue_indirect_dma source(%arg10 : memref<128x128xf32, #tpu.memory_space<vmem>>) target(%dma_start3A_174 : memref<10240x128xf32, #tpu.memory_space<vmem_shared>>) offsets(%dma_start3A_171 : memref<128xi32, #tpu.memory_space<vmem>>) semaphore(%run_scoped3A_168 : memref<!tpu.dma_semaphore, #tpu.memory_space<semaphore_mem>>) {add = true}
        %dma_wait3A_175 = arith.constant 0 : i32
        %dma_wait3A_176 = tpu.memref_slice %arg9[%run_scoped3A, %dma_wait3A_175] : memref<8x128xi32, #tpu.memory_space<vmem>> -> memref<1x128xi32, #tpu.memory_space<vmem>>
        %dma_wait3A_177 = tpu.memref_squeeze %dma_wait3A_176 : memref<1x128xi32, #tpu.memory_space<vmem>> -> memref<128xi32, #tpu.memory_space<vmem>>
        %dma_wait3A_178 = arith.constant 0 : i32
        %dma_wait3A_179 = arith.constant 0 : i32
        %dma_wait3A_180 = tpu.memref_slice %arg7[%dma_wait3A_178, %dma_wait3A_179] : memref<10240x128xf32, #tpu.memory_space<vmem_shared>> -> memref<10240x128xf32, #tpu.memory_space<vmem_shared>>
        tpu.wait_indirect_dma semaphore(%run_scoped3A_168 : memref<!tpu.dma_semaphore, #tpu.memory_space<semaphore_mem>>) src(%arg10 : memref<128x128xf32, #tpu.memory_space<vmem>>) dst(%dma_wait3A_180 : memref<10240x128xf32, #tpu.memory_space<vmem_shared>>)
        tpu.yield
      }) : () -> ()
      %run_scoped3A_77 = arith.constant 1 : i32
      "tpu.region"() ({
        %run_scoped3A_168 = tpu.sem_alloc : memref<!tpu.dma_semaphore, #tpu.memory_space<semaphore_mem>>
        %dma_start3A_169 = arith.constant 0 : i32
        %dma_start3A_170 = tpu.memref_slice %arg9[%run_scoped3A_77, %dma_start3A_169] : memref<8x128xi32, #tpu.memory_space<vmem>> -> memref<1x128xi32, #tpu.memory_space<vmem>>
        %dma_start3A_171 = tpu.memref_squeeze %dma_start3A_170 : memref<1x128xi32, #tpu.memory_space<vmem>> -> memref<128xi32, #tpu.memory_space<vmem>>
        %dma_start3A_172 = arith.constant 0 : i32
        %dma_start3A_173 = arith.constant 0 : i32
        %dma_start3A_174 = tpu.memref_slice %arg7[%dma_start3A_172, %dma_start3A_173] : memref<10240x128xf32, #tpu.memory_space<vmem_shared>> -> memref<10240x128xf32, #tpu.memory_space<vmem_shared>>
        tpu.enqueue_indirect_dma source(%arg11 : memref<128x128xf32, #tpu.memory_space<vmem>>) target(%dma_start3A_174 : memref<10240x128xf32, #tpu.memory_space<vmem_shared>>) offsets(%dma_start3A_171 : memref<128xi32, #tpu.memory_space<vmem>>) semaphore(%run_scoped3A_168 : memref<!tpu.dma_semaphore, #tpu.memory_space<semaphore_mem>>) {add = true}
        %dma_wait3A_175 = arith.constant 0 : i32
        %dma_wait3A_176 = tpu.memref_slice %arg9[%run_scoped3A_77, %dma_wait3A_175] : memref<8x128xi32, #tpu.memory_space<vmem>> -> memref<1x128xi32, #tpu.memory_space<vmem>>
        %dma_wait3A_177 = tpu.memref_squeeze %dma_wait3A_176 : memref<1x128xi32, #tpu.memory_space<vmem>> -> memref<128xi32, #tpu.memory_space<vmem>>
        %dma_wait3A_178 = arith.constant 0 : i32
        %dma_wait3A_179 = arith.constant 0 : i32
        %dma_wait3A_180 = tpu.memref_slice %arg7[%dma_wait3A_178, %dma_wait3A_179] : memref<10240x128xf32, #tpu.memory_space<vmem_shared>> -> memref<10240x128xf32, #tpu.memory_space<vmem_shared>>
        tpu.wait_indirect_dma semaphore(%run_scoped3A_168 : memref<!tpu.dma_semaphore, #tpu.memory_space<semaphore_mem>>) src(%arg11 : memref<128x128xf32, #tpu.memory_space<vmem>>) dst(%dma_wait3A_180 : memref<10240x128xf32, #tpu.memory_space<vmem_shared>>)
        tpu.yield
      }) : () -> ()
      %dma_start3A_78 = arith.constant 2 : i32
      %dma_start3A_79 = arith.constant 0 : i32
      %dma_start3A_80 = tpu.memref_slice %arg8[%dma_start3A_78, %dma_start3A_79] : memref<8x128xi32, #tpu.memory_space<vmem>> -> memref<1x128xi32, #tpu.memory_space<vmem>>
      %dma_start3A_81 = tpu.memref_squeeze %dma_start3A_80 : memref<1x128xi32, #tpu.memory_space<vmem>> -> memref<128xi32, #tpu.memory_space<vmem>>
      %dma_start3A_82 = arith.constant 0 : i32
      %dma_start3A_83 = arith.constant 0 : i32
      %dma_start3A_84 = tpu.memref_slice %arg2[%dma_start3A_82, %dma_start3A_83] : memref<10000x128xf32, #tpu.memory_space<hbm>> -> memref<10000x128xf32, #tpu.memory_space<hbm>>
      tpu.enqueue_indirect_dma source(%dma_start3A_84 : memref<10000x128xf32, #tpu.memory_space<hbm>>) target(%arg10 : memref<128x128xf32, #tpu.memory_space<vmem>>) offsets(%dma_start3A_81 : memref<128xi32, #tpu.memory_space<vmem>>) semaphore(%arg12 : memref<!tpu.dma_semaphore, #tpu.memory_space<semaphore_mem>>)
      %dma_start3A_85 = arith.constant 3 : i32
      %dma_start3A_86 = arith.constant 0 : i32
      %dma_start3A_87 = tpu.memref_slice %arg8[%dma_start3A_85, %dma_start3A_86] : memref<8x128xi32, #tpu.memory_space<vmem>> -> memref<1x128xi32, #tpu.memory_space<vmem>>
      %dma_start3A_88 = tpu.memref_squeeze %dma_start3A_87 : memref<1x128xi32, #tpu.memory_space<vmem>> -> memref<128xi32, #tpu.memory_space<vmem>>
      %dma_start3A_89 = arith.constant 0 : i32
      %dma_start3A_90 = arith.constant 0 : i32
      %dma_start3A_91 = tpu.memref_slice %arg2[%dma_start3A_89, %dma_start3A_90] : memref<10000x128xf32, #tpu.memory_space<hbm>> -> memref<10000x128xf32, #tpu.memory_space<hbm>>
      tpu.enqueue_indirect_dma source(%dma_start3A_91 : memref<10000x128xf32, #tpu.memory_space<hbm>>) target(%arg11 : memref<128x128xf32, #tpu.memory_space<vmem>>) offsets(%dma_start3A_88 : memref<128xi32, #tpu.memory_space<vmem>>) semaphore(%arg12 : memref<!tpu.dma_semaphore, #tpu.memory_space<semaphore_mem>>)
      %dma_wait3A_92 = arith.constant 2 : i32
      %dma_wait3A_93 = arith.constant 0 : i32
      %dma_wait3A_94 = tpu.memref_slice %arg8[%dma_wait3A_92, %dma_wait3A_93] : memref<8x128xi32, #tpu.memory_space<vmem>> -> memref<1x128xi32, #tpu.memory_space<vmem>>
      %dma_wait3A_95 = tpu.memref_squeeze %dma_wait3A_94 : memref<1x128xi32, #tpu.memory_space<vmem>> -> memref<128xi32, #tpu.memory_space<vmem>>
      %dma_wait3A_96 = arith.constant 0 : i32
      %dma_wait3A_97 = arith.constant 0 : i32
      %dma_wait3A_98 = tpu.memref_slice %arg2[%dma_wait3A_96, %dma_wait3A_97] : memref<10000x128xf32, #tpu.memory_space<hbm>> -> memref<10000x128xf32, #tpu.memory_space<hbm>>
      tpu.wait_indirect_dma semaphore(%arg12 : memref<!tpu.dma_semaphore, #tpu.memory_space<semaphore_mem>>) src(%dma_wait3A_98 : memref<10000x128xf32, #tpu.memory_space<hbm>>) dst(%arg10 : memref<128x128xf32, #tpu.memory_space<vmem>>)
      %dma_wait3A_99 = arith.constant 3 : i32
      %dma_wait3A_100 = arith.constant 0 : i32
      %dma_wait3A_101 = tpu.memref_slice %arg8[%dma_wait3A_99, %dma_wait3A_100] : memref<8x128xi32, #tpu.memory_space<vmem>> -> memref<1x128xi32, #tpu.memory_space<vmem>>
      %dma_wait3A_102 = tpu.memref_squeeze %dma_wait3A_101 : memref<1x128xi32, #tpu.memory_space<vmem>> -> memref<128xi32, #tpu.memory_space<vmem>>
      %dma_wait3A_103 = arith.constant 0 : i32
      %dma_wait3A_104 = arith.constant 0 : i32
      %dma_wait3A_105 = tpu.memref_slice %arg2[%dma_wait3A_103, %dma_wait3A_104] : memref<10000x128xf32, #tpu.memory_space<hbm>> -> memref<10000x128xf32, #tpu.memory_space<hbm>>
      tpu.wait_indirect_dma semaphore(%arg12 : memref<!tpu.dma_semaphore, #tpu.memory_space<semaphore_mem>>) src(%dma_wait3A_105 : memref<10000x128xf32, #tpu.memory_space<hbm>>) dst(%arg11 : memref<128x128xf32, #tpu.memory_space<vmem>>)
      %run_scoped3A_106 = arith.constant 2 : i32
      "tpu.region"() ({
        %run_scoped3A_168 = tpu.sem_alloc : memref<!tpu.dma_semaphore, #tpu.memory_space<semaphore_mem>>
        %dma_start3A_169 = arith.constant 0 : i32
        %dma_start3A_170 = tpu.memref_slice %arg9[%run_scoped3A_106, %dma_start3A_169] : memref<8x128xi32, #tpu.memory_space<vmem>> -> memref<1x128xi32, #tpu.memory_space<vmem>>
        %dma_start3A_171 = tpu.memref_squeeze %dma_start3A_170 : memref<1x128xi32, #tpu.memory_space<vmem>> -> memref<128xi32, #tpu.memory_space<vmem>>
        %dma_start3A_172 = arith.constant 0 : i32
        %dma_start3A_173 = arith.constant 0 : i32
        %dma_start3A_174 = tpu.memref_slice %arg7[%dma_start3A_172, %dma_start3A_173] : memref<10240x128xf32, #tpu.memory_space<vmem_shared>> -> memref<10240x128xf32, #tpu.memory_space<vmem_shared>>
        tpu.enqueue_indirect_dma source(%arg10 : memref<128x128xf32, #tpu.memory_space<vmem>>) target(%dma_start3A_174 : memref<10240x128xf32, #tpu.memory_space<vmem_shared>>) offsets(%dma_start3A_171 : memref<128xi32, #tpu.memory_space<vmem>>) semaphore(%run_scoped3A_168 : memref<!tpu.dma_semaphore, #tpu.memory_space<semaphore_mem>>) {add = true}
        %dma_wait3A_175 = arith.constant 0 : i32
        %dma_wait3A_176 = tpu.memref_slice %arg9[%run_scoped3A_106, %dma_wait3A_175] : memref<8x128xi32, #tpu.memory_space<vmem>> -> memref<1x128xi32, #tpu.memory_space<vmem>>
        %dma_wait3A_177 = tpu.memref_squeeze %dma_wait3A_176 : memref<1x128xi32, #tpu.memory_space<vmem>> -> memref<128xi32, #tpu.memory_space<vmem>>
        %dma_wait3A_178 = arith.constant 0 : i32
        %dma_wait3A_179 = arith.constant 0 : i32
        %dma_wait3A_180 = tpu.memref_slice %arg7[%dma_wait3A_178, %dma_wait3A_179] : memref<10240x128xf32, #tpu.memory_space<vmem_shared>> -> memref<10240x128xf32, #tpu.memory_space<vmem_shared>>
        tpu.wait_indirect_dma semaphore(%run_scoped3A_168 : memref<!tpu.dma_semaphore, #tpu.memory_space<semaphore_mem>>) src(%arg10 : memref<128x128xf32, #tpu.memory_space<vmem>>) dst(%dma_wait3A_180 : memref<10240x128xf32, #tpu.memory_space<vmem_shared>>)
        tpu.yield
      }) : () -> ()
      %run_scoped3A_107 = arith.constant 3 : i32
      "tpu.region"() ({
        %run_scoped3A_168 = tpu.sem_alloc : memref<!tpu.dma_semaphore, #tpu.memory_space<semaphore_mem>>
        %dma_start3A_169 = arith.constant 0 : i32
        %dma_start3A_170 = tpu.memref_slice %arg9[%run_scoped3A_107, %dma_start3A_169] : memref<8x128xi32, #tpu.memory_space<vmem>> -> memref<1x128xi32, #tpu.memory_space<vmem>>
        %dma_start3A_171 = tpu.memref_squeeze %dma_start3A_170 : memref<1x128xi32, #tpu.memory_space<vmem>> -> memref<128xi32, #tpu.memory_space<vmem>>
        %dma_start3A_172 = arith.constant 0 : i32
        %dma_start3A_173 = arith.constant 0 : i32
        %dma_start3A_174 = tpu.memref_slice %arg7[%dma_start3A_172, %dma_start3A_173] : memref<10240x128xf32, #tpu.memory_space<vmem_shared>> -> memref<10240x128xf32, #tpu.memory_space<vmem_shared>>
        tpu.enqueue_indirect_dma source(%arg11 : memref<128x128xf32, #tpu.memory_space<vmem>>) target(%dma_start3A_174 : memref<10240x128xf32, #tpu.memory_space<vmem_shared>>) offsets(%dma_start3A_171 : memref<128xi32, #tpu.memory_space<vmem>>) semaphore(%run_scoped3A_168 : memref<!tpu.dma_semaphore, #tpu.memory_space<semaphore_mem>>) {add = true}
        %dma_wait3A_175 = arith.constant 0 : i32
        %dma_wait3A_176 = tpu.memref_slice %arg9[%run_scoped3A_107, %dma_wait3A_175] : memref<8x128xi32, #tpu.memory_space<vmem>> -> memref<1x128xi32, #tpu.memory_space<vmem>>
        %dma_wait3A_177 = tpu.memref_squeeze %dma_wait3A_176 : memref<1x128xi32, #tpu.memory_space<vmem>> -> memref<128xi32, #tpu.memory_space<vmem>>
        %dma_wait3A_178 = arith.constant 0 : i32
        %dma_wait3A_179 = arith.constant 0 : i32
        %dma_wait3A_180 = tpu.memref_slice %arg7[%dma_wait3A_178, %dma_wait3A_179] : memref<10240x128xf32, #tpu.memory_space<vmem_shared>> -> memref<10240x128xf32, #tpu.memory_space<vmem_shared>>
        tpu.wait_indirect_dma semaphore(%run_scoped3A_168 : memref<!tpu.dma_semaphore, #tpu.memory_space<semaphore_mem>>) src(%arg11 : memref<128x128xf32, #tpu.memory_space<vmem>>) dst(%dma_wait3A_180 : memref<10240x128xf32, #tpu.memory_space<vmem_shared>>)
        tpu.yield
      }) : () -> ()
      %dma_start3A_108 = arith.constant 4 : i32
      %dma_start3A_109 = arith.constant 0 : i32
      %dma_start3A_110 = tpu.memref_slice %arg8[%dma_start3A_108, %dma_start3A_109] : memref<8x128xi32, #tpu.memory_space<vmem>> -> memref<1x128xi32, #tpu.memory_space<vmem>>
      %dma_start3A_111 = tpu.memref_squeeze %dma_start3A_110 : memref<1x128xi32, #tpu.memory_space<vmem>> -> memref<128xi32, #tpu.memory_space<vmem>>
      %dma_start3A_112 = arith.constant 0 : i32
      %dma_start3A_113 = arith.constant 0 : i32
      %dma_start3A_114 = tpu.memref_slice %arg2[%dma_start3A_112, %dma_start3A_113] : memref<10000x128xf32, #tpu.memory_space<hbm>> -> memref<10000x128xf32, #tpu.memory_space<hbm>>
      tpu.enqueue_indirect_dma source(%dma_start3A_114 : memref<10000x128xf32, #tpu.memory_space<hbm>>) target(%arg10 : memref<128x128xf32, #tpu.memory_space<vmem>>) offsets(%dma_start3A_111 : memref<128xi32, #tpu.memory_space<vmem>>) semaphore(%arg12 : memref<!tpu.dma_semaphore, #tpu.memory_space<semaphore_mem>>)
      %dma_start3A_115 = arith.constant 5 : i32
      %dma_start3A_116 = arith.constant 0 : i32
      %dma_start3A_117 = tpu.memref_slice %arg8[%dma_start3A_115, %dma_start3A_116] : memref<8x128xi32, #tpu.memory_space<vmem>> -> memref<1x128xi32, #tpu.memory_space<vmem>>
      %dma_start3A_118 = tpu.memref_squeeze %dma_start3A_117 : memref<1x128xi32, #tpu.memory_space<vmem>> -> memref<128xi32, #tpu.memory_space<vmem>>
      %dma_start3A_119 = arith.constant 0 : i32
      %dma_start3A_120 = arith.constant 0 : i32
      %dma_start3A_121 = tpu.memref_slice %arg2[%dma_start3A_119, %dma_start3A_120] : memref<10000x128xf32, #tpu.memory_space<hbm>> -> memref<10000x128xf32, #tpu.memory_space<hbm>>
      tpu.enqueue_indirect_dma source(%dma_start3A_121 : memref<10000x128xf32, #tpu.memory_space<hbm>>) target(%arg11 : memref<128x128xf32, #tpu.memory_space<vmem>>) offsets(%dma_start3A_118 : memref<128xi32, #tpu.memory_space<vmem>>) semaphore(%arg12 : memref<!tpu.dma_semaphore, #tpu.memory_space<semaphore_mem>>)
      %dma_wait3A_122 = arith.constant 4 : i32
      %dma_wait3A_123 = arith.constant 0 : i32
      %dma_wait3A_124 = tpu.memref_slice %arg8[%dma_wait3A_122, %dma_wait3A_123] : memref<8x128xi32, #tpu.memory_space<vmem>> -> memref<1x128xi32, #tpu.memory_space<vmem>>
      %dma_wait3A_125 = tpu.memref_squeeze %dma_wait3A_124 : memref<1x128xi32, #tpu.memory_space<vmem>> -> memref<128xi32, #tpu.memory_space<vmem>>
      %dma_wait3A_126 = arith.constant 0 : i32
      %dma_wait3A_127 = arith.constant 0 : i32
      %dma_wait3A_128 = tpu.memref_slice %arg2[%dma_wait3A_126, %dma_wait3A_127] : memref<10000x128xf32, #tpu.memory_space<hbm>> -> memref<10000x128xf32, #tpu.memory_space<hbm>>
      tpu.wait_indirect_dma semaphore(%arg12 : memref<!tpu.dma_semaphore, #tpu.memory_space<semaphore_mem>>) src(%dma_wait3A_128 : memref<10000x128xf32, #tpu.memory_space<hbm>>) dst(%arg10 : memref<128x128xf32, #tpu.memory_space<vmem>>)
      %dma_wait3A_129 = arith.constant 5 : i32
      %dma_wait3A_130 = arith.constant 0 : i32
      %dma_wait3A_131 = tpu.memref_slice %arg8[%dma_wait3A_129, %dma_wait3A_130] : memref<8x128xi32, #tpu.memory_space<vmem>> -> memref<1x128xi32, #tpu.memory_space<vmem>>
      %dma_wait3A_132 = tpu.memref_squeeze %dma_wait3A_131 : memref<1x128xi32, #tpu.memory_space<vmem>> -> memref<128xi32, #tpu.memory_space<vmem>>
      %dma_wait3A_133 = arith.constant 0 : i32
      %dma_wait3A_134 = arith.constant 0 : i32
      %dma_wait3A_135 = tpu.memref_slice %arg2[%dma_wait3A_133, %dma_wait3A_134] : memref<10000x128xf32, #tpu.memory_space<hbm>> -> memref<10000x128xf32, #tpu.memory_space<hbm>>
      tpu.wait_indirect_dma semaphore(%arg12 : memref<!tpu.dma_semaphore, #tpu.memory_space<semaphore_mem>>) src(%dma_wait3A_135 : memref<10000x128xf32, #tpu.memory_space<hbm>>) dst(%arg11 : memref<128x128xf32, #tpu.memory_space<vmem>>)
      %run_scoped3A_136 = arith.constant 4 : i32
      "tpu.region"() ({
        %run_scoped3A_168 = tpu.sem_alloc : memref<!tpu.dma_semaphore, #tpu.memory_space<semaphore_mem>>
        %dma_start3A_169 = arith.constant 0 : i32
        %dma_start3A_170 = tpu.memref_slice %arg9[%run_scoped3A_136, %dma_start3A_169] : memref<8x128xi32, #tpu.memory_space<vmem>> -> memref<1x128xi32, #tpu.memory_space<vmem>>
        %dma_start3A_171 = tpu.memref_squeeze %dma_start3A_170 : memref<1x128xi32, #tpu.memory_space<vmem>> -> memref<128xi32, #tpu.memory_space<vmem>>
        %dma_start3A_172 = arith.constant 0 : i32
        %dma_start3A_173 = arith.constant 0 : i32
        %dma_start3A_174 = tpu.memref_slice %arg7[%dma_start3A_172, %dma_start3A_173] : memref<10240x128xf32, #tpu.memory_space<vmem_shared>> -> memref<10240x128xf32, #tpu.memory_space<vmem_shared>>
        tpu.enqueue_indirect_dma source(%arg10 : memref<128x128xf32, #tpu.memory_space<vmem>>) target(%dma_start3A_174 : memref<10240x128xf32, #tpu.memory_space<vmem_shared>>) offsets(%dma_start3A_171 : memref<128xi32, #tpu.memory_space<vmem>>) semaphore(%run_scoped3A_168 : memref<!tpu.dma_semaphore, #tpu.memory_space<semaphore_mem>>) {add = true}
        %dma_wait3A_175 = arith.constant 0 : i32
        %dma_wait3A_176 = tpu.memref_slice %arg9[%run_scoped3A_136, %dma_wait3A_175] : memref<8x128xi32, #tpu.memory_space<vmem>> -> memref<1x128xi32, #tpu.memory_space<vmem>>
        %dma_wait3A_177 = tpu.memref_squeeze %dma_wait3A_176 : memref<1x128xi32, #tpu.memory_space<vmem>> -> memref<128xi32, #tpu.memory_space<vmem>>
        %dma_wait3A_178 = arith.constant 0 : i32
        %dma_wait3A_179 = arith.constant 0 : i32
        %dma_wait3A_180 = tpu.memref_slice %arg7[%dma_wait3A_178, %dma_wait3A_179] : memref<10240x128xf32, #tpu.memory_space<vmem_shared>> -> memref<10240x128xf32, #tpu.memory_space<vmem_shared>>
        tpu.wait_indirect_dma semaphore(%run_scoped3A_168 : memref<!tpu.dma_semaphore, #tpu.memory_space<semaphore_mem>>) src(%arg10 : memref<128x128xf32, #tpu.memory_space<vmem>>) dst(%dma_wait3A_180 : memref<10240x128xf32, #tpu.memory_space<vmem_shared>>)
        tpu.yield
      }) : () -> ()
      %run_scoped3A_137 = arith.constant 5 : i32
      "tpu.region"() ({
        %run_scoped3A_168 = tpu.sem_alloc : memref<!tpu.dma_semaphore, #tpu.memory_space<semaphore_mem>>
        %dma_start3A_169 = arith.constant 0 : i32
        %dma_start3A_170 = tpu.memref_slice %arg9[%run_scoped3A_137, %dma_start3A_169] : memref<8x128xi32, #tpu.memory_space<vmem>> -> memref<1x128xi32, #tpu.memory_space<vmem>>
        %dma_start3A_171 = tpu.memref_squeeze %dma_start3A_170 : memref<1x128xi32, #tpu.memory_space<vmem>> -> memref<128xi32, #tpu.memory_space<vmem>>
        %dma_start3A_172 = arith.constant 0 : i32
        %dma_start3A_173 = arith.constant 0 : i32
        %dma_start3A_174 = tpu.memref_slice %arg7[%dma_start3A_172, %dma_start3A_173] : memref<10240x128xf32, #tpu.memory_space<vmem_shared>> -> memref<10240x128xf32, #tpu.memory_space<vmem_shared>>
        tpu.enqueue_indirect_dma source(%arg11 : memref<128x128xf32, #tpu.memory_space<vmem>>) target(%dma_start3A_174 : memref<10240x128xf32, #tpu.memory_space<vmem_shared>>) offsets(%dma_start3A_171 : memref<128xi32, #tpu.memory_space<vmem>>) semaphore(%run_scoped3A_168 : memref<!tpu.dma_semaphore, #tpu.memory_space<semaphore_mem>>) {add = true}
        %dma_wait3A_175 = arith.constant 0 : i32
        %dma_wait3A_176 = tpu.memref_slice %arg9[%run_scoped3A_137, %dma_wait3A_175] : memref<8x128xi32, #tpu.memory_space<vmem>> -> memref<1x128xi32, #tpu.memory_space<vmem>>
        %dma_wait3A_177 = tpu.memref_squeeze %dma_wait3A_176 : memref<1x128xi32, #tpu.memory_space<vmem>> -> memref<128xi32, #tpu.memory_space<vmem>>
        %dma_wait3A_178 = arith.constant 0 : i32
        %dma_wait3A_179 = arith.constant 0 : i32
        %dma_wait3A_180 = tpu.memref_slice %arg7[%dma_wait3A_178, %dma_wait3A_179] : memref<10240x128xf32, #tpu.memory_space<vmem_shared>> -> memref<10240x128xf32, #tpu.memory_space<vmem_shared>>
        tpu.wait_indirect_dma semaphore(%run_scoped3A_168 : memref<!tpu.dma_semaphore, #tpu.memory_space<semaphore_mem>>) src(%arg11 : memref<128x128xf32, #tpu.memory_space<vmem>>) dst(%dma_wait3A_180 : memref<10240x128xf32, #tpu.memory_space<vmem_shared>>)
        tpu.yield
      }) : () -> ()
      %dma_start3A_138 = arith.constant 6 : i32
      %dma_start3A_139 = arith.constant 0 : i32
      %dma_start3A_140 = tpu.memref_slice %arg8[%dma_start3A_138, %dma_start3A_139] : memref<8x128xi32, #tpu.memory_space<vmem>> -> memref<1x128xi32, #tpu.memory_space<vmem>>
      %dma_start3A_141 = tpu.memref_squeeze %dma_start3A_140 : memref<1x128xi32, #tpu.memory_space<vmem>> -> memref<128xi32, #tpu.memory_space<vmem>>
      %dma_start3A_142 = arith.constant 0 : i32
      %dma_start3A_143 = arith.constant 0 : i32
      %dma_start3A_144 = tpu.memref_slice %arg2[%dma_start3A_142, %dma_start3A_143] : memref<10000x128xf32, #tpu.memory_space<hbm>> -> memref<10000x128xf32, #tpu.memory_space<hbm>>
      tpu.enqueue_indirect_dma source(%dma_start3A_144 : memref<10000x128xf32, #tpu.memory_space<hbm>>) target(%arg10 : memref<128x128xf32, #tpu.memory_space<vmem>>) offsets(%dma_start3A_141 : memref<128xi32, #tpu.memory_space<vmem>>) semaphore(%arg12 : memref<!tpu.dma_semaphore, #tpu.memory_space<semaphore_mem>>)
      %dma_start3A_145 = arith.constant 7 : i32
      %dma_start3A_146 = arith.constant 0 : i32
      %dma_start3A_147 = tpu.memref_slice %arg8[%dma_start3A_145, %dma_start3A_146] : memref<8x128xi32, #tpu.memory_space<vmem>> -> memref<1x128xi32, #tpu.memory_space<vmem>>
      %dma_start3A_148 = tpu.memref_squeeze %dma_start3A_147 : memref<1x128xi32, #tpu.memory_space<vmem>> -> memref<128xi32, #tpu.memory_space<vmem>>
      %dma_start3A_149 = arith.constant 0 : i32
      %dma_start3A_150 = arith.constant 0 : i32
      %dma_start3A_151 = tpu.memref_slice %arg2[%dma_start3A_149, %dma_start3A_150] : memref<10000x128xf32, #tpu.memory_space<hbm>> -> memref<10000x128xf32, #tpu.memory_space<hbm>>
      tpu.enqueue_indirect_dma source(%dma_start3A_151 : memref<10000x128xf32, #tpu.memory_space<hbm>>) target(%arg11 : memref<128x128xf32, #tpu.memory_space<vmem>>) offsets(%dma_start3A_148 : memref<128xi32, #tpu.memory_space<vmem>>) semaphore(%arg12 : memref<!tpu.dma_semaphore, #tpu.memory_space<semaphore_mem>>)
      %dma_wait3A_152 = arith.constant 6 : i32
      %dma_wait3A_153 = arith.constant 0 : i32
      %dma_wait3A_154 = tpu.memref_slice %arg8[%dma_wait3A_152, %dma_wait3A_153] : memref<8x128xi32, #tpu.memory_space<vmem>> -> memref<1x128xi32, #tpu.memory_space<vmem>>
      %dma_wait3A_155 = tpu.memref_squeeze %dma_wait3A_154 : memref<1x128xi32, #tpu.memory_space<vmem>> -> memref<128xi32, #tpu.memory_space<vmem>>
      %dma_wait3A_156 = arith.constant 0 : i32
      %dma_wait3A_157 = arith.constant 0 : i32
      %dma_wait3A_158 = tpu.memref_slice %arg2[%dma_wait3A_156, %dma_wait3A_157] : memref<10000x128xf32, #tpu.memory_space<hbm>> -> memref<10000x128xf32, #tpu.memory_space<hbm>>
      tpu.wait_indirect_dma semaphore(%arg12 : memref<!tpu.dma_semaphore, #tpu.memory_space<semaphore_mem>>) src(%dma_wait3A_158 : memref<10000x128xf32, #tpu.memory_space<hbm>>) dst(%arg10 : memref<128x128xf32, #tpu.memory_space<vmem>>)
      %dma_wait3A_159 = arith.constant 7 : i32
      %dma_wait3A_160 = arith.constant 0 : i32
      %dma_wait3A_161 = tpu.memref_slice %arg8[%dma_wait3A_159, %dma_wait3A_160] : memref<8x128xi32, #tpu.memory_space<vmem>> -> memref<1x128xi32, #tpu.memory_space<vmem>>
      %dma_wait3A_162 = tpu.memref_squeeze %dma_wait3A_161 : memref<1x128xi32, #tpu.memory_space<vmem>> -> memref<128xi32, #tpu.memory_space<vmem>>
      %dma_wait3A_163 = arith.constant 0 : i32
      %dma_wait3A_164 = arith.constant 0 : i32
      %dma_wait3A_165 = tpu.memref_slice %arg2[%dma_wait3A_163, %dma_wait3A_164] : memref<10000x128xf32, #tpu.memory_space<hbm>> -> memref<10000x128xf32, #tpu.memory_space<hbm>>
      tpu.wait_indirect_dma semaphore(%arg12 : memref<!tpu.dma_semaphore, #tpu.memory_space<semaphore_mem>>) src(%dma_wait3A_165 : memref<10000x128xf32, #tpu.memory_space<hbm>>) dst(%arg11 : memref<128x128xf32, #tpu.memory_space<vmem>>)
      %run_scoped3A_166 = arith.constant 6 : i32
      "tpu.region"() ({
        %run_scoped3A_168 = tpu.sem_alloc : memref<!tpu.dma_semaphore, #tpu.memory_space<semaphore_mem>>
        %dma_start3A_169 = arith.constant 0 : i32
        %dma_start3A_170 = tpu.memref_slice %arg9[%run_scoped3A_166, %dma_start3A_169] : memref<8x128xi32, #tpu.memory_space<vmem>> -> memref<1x128xi32, #tpu.memory_space<vmem>>
        %dma_start3A_171 = tpu.memref_squeeze %dma_start3A_170 : memref<1x128xi32, #tpu.memory_space<vmem>> -> memref<128xi32, #tpu.memory_space<vmem>>
        %dma_start3A_172 = arith.constant 0 : i32
        %dma_start3A_173 = arith.constant 0 : i32
        %dma_start3A_174 = tpu.memref_slice %arg7[%dma_start3A_172, %dma_start3A_173] : memref<10240x128xf32, #tpu.memory_space<vmem_shared>> -> memref<10240x128xf32, #tpu.memory_space<vmem_shared>>
        tpu.enqueue_indirect_dma source(%arg10 : memref<128x128xf32, #tpu.memory_space<vmem>>) target(%dma_start3A_174 : memref<10240x128xf32, #tpu.memory_space<vmem_shared>>) offsets(%dma_start3A_171 : memref<128xi32, #tpu.memory_space<vmem>>) semaphore(%run_scoped3A_168 : memref<!tpu.dma_semaphore, #tpu.memory_space<semaphore_mem>>) {add = true}
        %dma_wait3A_175 = arith.constant 0 : i32
        %dma_wait3A_176 = tpu.memref_slice %arg9[%run_scoped3A_166, %dma_wait3A_175] : memref<8x128xi32, #tpu.memory_space<vmem>> -> memref<1x128xi32, #tpu.memory_space<vmem>>
        %dma_wait3A_177 = tpu.memref_squeeze %dma_wait3A_176 : memref<1x128xi32, #tpu.memory_space<vmem>> -> memref<128xi32, #tpu.memory_space<vmem>>
        %dma_wait3A_178 = arith.constant 0 : i32
        %dma_wait3A_179 = arith.constant 0 : i32
        %dma_wait3A_180 = tpu.memref_slice %arg7[%dma_wait3A_178, %dma_wait3A_179] : memref<10240x128xf32, #tpu.memory_space<vmem_shared>> -> memref<10240x128xf32, #tpu.memory_space<vmem_shared>>
        tpu.wait_indirect_dma semaphore(%run_scoped3A_168 : memref<!tpu.dma_semaphore, #tpu.memory_space<semaphore_mem>>) src(%arg10 : memref<128x128xf32, #tpu.memory_space<vmem>>) dst(%dma_wait3A_180 : memref<10240x128xf32, #tpu.memory_space<vmem_shared>>)
        tpu.yield
      }) : () -> ()
      %run_scoped3A_167 = arith.constant 7 : i32
      "tpu.region"() ({
        %run_scoped3A_168 = tpu.sem_alloc : memref<!tpu.dma_semaphore, #tpu.memory_space<semaphore_mem>>
        %dma_start3A_169 = arith.constant 0 : i32
        %dma_start3A_170 = tpu.memref_slice %arg9[%run_scoped3A_167, %dma_start3A_169] : memref<8x128xi32, #tpu.memory_space<vmem>> -> memref<1x128xi32, #tpu.memory_space<vmem>>
        %dma_start3A_171 = tpu.memref_squeeze %dma_start3A_170 : memref<1x128xi32, #tpu.memory_space<vmem>> -> memref<128xi32, #tpu.memory_space<vmem>>
        %dma_start3A_172 = arith.constant 0 : i32
        %dma_start3A_173 = arith.constant 0 : i32
        %dma_start3A_174 = tpu.memref_slice %arg7[%dma_start3A_172, %dma_start3A_173] : memref<10240x128xf32, #tpu.memory_space<vmem_shared>> -> memref<10240x128xf32, #tpu.memory_space<vmem_shared>>
        tpu.enqueue_indirect_dma source(%arg11 : memref<128x128xf32, #tpu.memory_space<vmem>>) target(%dma_start3A_174 : memref<10240x128xf32, #tpu.memory_space<vmem_shared>>) offsets(%dma_start3A_171 : memref<128xi32, #tpu.memory_space<vmem>>) semaphore(%run_scoped3A_168 : memref<!tpu.dma_semaphore, #tpu.memory_space<semaphore_mem>>) {add = true}
        %dma_wait3A_175 = arith.constant 0 : i32
        %dma_wait3A_176 = tpu.memref_slice %arg9[%run_scoped3A_167, %dma_wait3A_175] : memref<8x128xi32, #tpu.memory_space<vmem>> -> memref<1x128xi32, #tpu.memory_space<vmem>>
        %dma_wait3A_177 = tpu.memref_squeeze %dma_wait3A_176 : memref<1x128xi32, #tpu.memory_space<vmem>> -> memref<128xi32, #tpu.memory_space<vmem>>
        %dma_wait3A_178 = arith.constant 0 : i32
        %dma_wait3A_179 = arith.constant 0 : i32
        %dma_wait3A_180 = tpu.memref_slice %arg7[%dma_wait3A_178, %dma_wait3A_179] : memref<10240x128xf32, #tpu.memory_space<vmem_shared>> -> memref<10240x128xf32, #tpu.memory_space<vmem_shared>>
        tpu.wait_indirect_dma semaphore(%run_scoped3A_168 : memref<!tpu.dma_semaphore, #tpu.memory_space<semaphore_mem>>) src(%arg11 : memref<128x128xf32, #tpu.memory_space<vmem>>) dst(%dma_wait3A_180 : memref<10240x128xf32, #tpu.memory_space<vmem_shared>>)
        tpu.yield
      }) : () -> ()
    }
    %barrier3A_39 = arith.constant 0 : index
    tpu.barrier barrier_id(%barrier3A_39)
    %mul3A_40 = arith.constant 10240 : i32
    %mul3A_41 = arith.muli %arg0, %mul3A_40 : i32
    %mul3A_42 = arith.constant 640 : i32
    %mul3A_43 = arith.muli %arg1, %mul3A_42 : i32
    %add3A_44 = arith.addi %mul3A_41, %mul3A_43 : i32
    %mul3A_45 = arith.constant 640 : i32
    %mul3A_46 = arith.muli %arg1, %mul3A_45 : i32
    "tpu.region"() ({
      %run_scoped3A = tpu.sem_alloc : memref<!tpu.dma_semaphore, #tpu.memory_space<semaphore_mem>>
      %dma_start3A = arith.constant 0 : i32
      %dma_start3A_47 = tpu.memref_slice %arg6[%add3A_44, %dma_start3A] : memref<20480x128xf32, #tpu.memory_space<hbm>> -> memref<640x128xf32, #tpu.memory_space<hbm>>
      %dma_start3A_48 = arith.constant 0 : i32
      %dma_start3A_49 = tpu.memref_slice %arg7[%mul3A_46, %dma_start3A_48] : memref<10240x128xf32, #tpu.memory_space<vmem_shared>> -> memref<640x128xf32, #tpu.memory_space<vmem_shared>>
      tpu.enqueue_dma source(%dma_start3A_49 : memref<640x128xf32, #tpu.memory_space<vmem_shared>>) target(%dma_start3A_47 : memref<640x128xf32, #tpu.memory_space<hbm>>) target_semaphore(%run_scoped3A : memref<!tpu.dma_semaphore, #tpu.memory_space<semaphore_mem>>)
      %dma_wait3A = arith.constant 0 : i32
      %dma_wait3A_50 = tpu.memref_slice %arg6[%add3A_44, %dma_wait3A] : memref<20480x128xf32, #tpu.memory_space<hbm>> -> memref<640x128xf32, #tpu.memory_space<hbm>>
      %dma_wait3A_51 = arith.constant 0 : i32
      %dma_wait3A_52 = tpu.memref_slice %arg7[%mul3A_46, %dma_wait3A_51] : memref<10240x128xf32, #tpu.memory_space<vmem_shared>> -> memref<640x128xf32, #tpu.memory_space<vmem_shared>>
      tpu.wait_dma2 semaphore(%run_scoped3A : memref<!tpu.dma_semaphore, #tpu.memory_space<semaphore_mem>>) src(%dma_wait3A_52 : memref<640x128xf32, #tpu.memory_space<vmem_shared>>) dst(%dma_wait3A_50 : memref<640x128xf32, #tpu.memory_space<hbm>>)
      tpu.yield
    }) : () -> ()
    return
  }
}

#map = affine_map<(d0, d1) -> (0, 0)>
#map1 = affine_map<(d0, d1) -> (0)>
module attributes {stable_mosaic.version = 14 : i64} {
  func.func @body(%arg0: i32, %arg1: i32, %arg2: memref<2560x128xi32, #tpu.memory_space<hbm>>, %arg3: memref<128xf32, #tpu.memory_space<hbm>>, %arg4: memref<640xf32, #tpu.memory_space<hbm>>, %arg5: memref<20480xf32, #tpu.memory_space<hbm>>, %arg6: memref<10240xf32, #tpu.memory_space<vmem_shared>>, %arg7: memref<80x128xi32, #tpu.memory_space<vmem>>, %arg8: memref<128xf32, #tpu.memory_space<vmem>>, %arg9: memref<640xf32, #tpu.memory_space<vmem>>) attributes {dimension_semantics = [#tpu.dimension_semantics<core_parallel>, #tpu.dimension_semantics<subcore_parallel>], iteration_bounds = array<i64: 2, 16>, scalar_prefetch = 0 : i64, scratch_operands = 4 : i64, tpu.core_type = #tpu.core_type<sc_vector_subcore>, window_params = [{transform_indices = #map}, {transform_indices = #map1}, {transform_indices = #map1}, {transform_indices = #map1}]} {
    %eq3A = arith.constant 1 : i32
    %eq3A_0 = arith.cmpi eq, %arg0, %eq3A : i32
    %mul3A = arith.constant 80 : i32
    %mul3A_1 = arith.muli %arg1, %mul3A : i32
    %mul3A_2 = arith.constant 80 : i32
    %mul3A_3 = arith.muli %arg1, %mul3A_2 : i32
    %add3A = arith.constant 1280 : i32
    %add3A_4 = arith.addi %add3A, %mul3A_3 : i32
    %select_n3A = arith.select %eq3A_0, %mul3A_1, %add3A_4 : i32
    %jit3A = arith.constant 80 : i32
    %jit3A_5 = arith.constant 80 : i32
    %select_n3A_6 = arith.select %eq3A_0, %jit3A, %jit3A_5 : i32
    "tpu.region"() ({
      %run_scoped3A = tpu.sem_alloc : memref<!tpu.dma_semaphore, #tpu.memory_space<semaphore_mem>>
      tpu.enqueue_dma source(%arg4 : memref<640xf32, #tpu.memory_space<hbm>>) target(%arg9 : memref<640xf32, #tpu.memory_space<vmem>>) target_semaphore(%run_scoped3A : memref<!tpu.dma_semaphore, #tpu.memory_space<semaphore_mem>>)
      tpu.wait_dma2 semaphore(%run_scoped3A : memref<!tpu.dma_semaphore, #tpu.memory_space<semaphore_mem>>) src(%arg4 : memref<640xf32, #tpu.memory_space<hbm>>) dst(%arg9 : memref<640xf32, #tpu.memory_space<vmem>>)
      tpu.yield
    }) : () -> ()
    %mul3A_7 = arith.constant 640 : i32
    %mul3A_8 = arith.muli %arg1, %mul3A_7 : i32
    "tpu.region"() ({
      %run_scoped3A = tpu.sem_alloc : memref<!tpu.dma_semaphore, #tpu.memory_space<semaphore_mem>>
      %dma_start3A = tpu.memref_slice %arg6[%mul3A_8] : memref<10240xf32, #tpu.memory_space<vmem_shared>> -> memref<640xf32, #tpu.memory_space<vmem_shared>>
      %dma_start3A_26 = tpu.memref_slice %arg6[%mul3A_8] : memref<10240xf32, #tpu.memory_space<vmem_shared>> -> memref<640xf32, #tpu.memory_space<vmem_shared>>
      tpu.enqueue_dma source(%arg9 : memref<640xf32, #tpu.memory_space<vmem>>) target(%dma_start3A_26 : memref<640xf32, #tpu.memory_space<vmem_shared>>) target_semaphore(%run_scoped3A : memref<!tpu.dma_semaphore, #tpu.memory_space<semaphore_mem>>)
      %dma_wait3A = tpu.memref_slice %arg6[%mul3A_8] : memref<10240xf32, #tpu.memory_space<vmem_shared>> -> memref<640xf32, #tpu.memory_space<vmem_shared>>
      %dma_wait3A_27 = tpu.memref_slice %arg6[%mul3A_8] : memref<10240xf32, #tpu.memory_space<vmem_shared>> -> memref<640xf32, #tpu.memory_space<vmem_shared>>
      tpu.wait_dma2 semaphore(%run_scoped3A : memref<!tpu.dma_semaphore, #tpu.memory_space<semaphore_mem>>) src(%arg9 : memref<640xf32, #tpu.memory_space<vmem>>) dst(%dma_wait3A_27 : memref<640xf32, #tpu.memory_space<vmem_shared>>)
      tpu.yield
    }) : () -> ()
    "tpu.region"() ({
      %run_scoped3A = tpu.sem_alloc : memref<!tpu.dma_semaphore, #tpu.memory_space<semaphore_mem>>
      tpu.enqueue_dma source(%arg3 : memref<128xf32, #tpu.memory_space<hbm>>) target(%arg8 : memref<128xf32, #tpu.memory_space<vmem>>) target_semaphore(%run_scoped3A : memref<!tpu.dma_semaphore, #tpu.memory_space<semaphore_mem>>)
      tpu.wait_dma2 semaphore(%run_scoped3A : memref<!tpu.dma_semaphore, #tpu.memory_space<semaphore_mem>>) src(%arg3 : memref<128xf32, #tpu.memory_space<hbm>>) dst(%arg8 : memref<128xf32, #tpu.memory_space<vmem>>)
      tpu.yield
    }) : () -> ()
    "tpu.region"() ({
      %run_scoped3A = tpu.sem_alloc : memref<!tpu.dma_semaphore, #tpu.memory_space<semaphore_mem>>
      %dma_start3A = arith.constant 0 : i32
      %dma_start3A_26 = tpu.memref_slice %arg2[%select_n3A, %dma_start3A] : memref<2560x128xi32, #tpu.memory_space<hbm>> -> memref<80x128xi32, #tpu.memory_space<hbm>>
      %dma_start3A_27 = arith.constant 0 : i32
      %dma_start3A_28 = tpu.memref_slice %arg2[%select_n3A, %dma_start3A_27] : memref<2560x128xi32, #tpu.memory_space<hbm>> -> memref<80x128xi32, #tpu.memory_space<hbm>>
      tpu.enqueue_dma source(%dma_start3A_28 : memref<80x128xi32, #tpu.memory_space<hbm>>) target(%arg7 : memref<80x128xi32, #tpu.memory_space<vmem>>) target_semaphore(%run_scoped3A : memref<!tpu.dma_semaphore, #tpu.memory_space<semaphore_mem>>)
      %dma_wait3A = arith.constant 0 : i32
      %dma_wait3A_29 = tpu.memref_slice %arg2[%select_n3A, %dma_wait3A] : memref<2560x128xi32, #tpu.memory_space<hbm>> -> memref<80x128xi32, #tpu.memory_space<hbm>>
      %dma_wait3A_30 = arith.constant 0 : i32
      %dma_wait3A_31 = tpu.memref_slice %arg2[%select_n3A, %dma_wait3A_30] : memref<2560x128xi32, #tpu.memory_space<hbm>> -> memref<80x128xi32, #tpu.memory_space<hbm>>
      tpu.wait_dma2 semaphore(%run_scoped3A : memref<!tpu.dma_semaphore, #tpu.memory_space<semaphore_mem>>) src(%dma_wait3A_31 : memref<80x128xi32, #tpu.memory_space<hbm>>) dst(%arg7 : memref<80x128xi32, #tpu.memory_space<vmem>>)
      tpu.yield
    }) : () -> ()
    %barrier3A = arith.constant 0 : index
    tpu.barrier barrier_id(%barrier3A)
    %while3A = arith.constant 0 : i32
    %while3A_9 = arith.constant 0 : i32
    %while3A_10 = arith.subi %select_n3A_6, %while3A_9 : i32
    %while3A_11 = arith.addi %while3A_9, %while3A_10 : i32
    %while3A_12 = arith.constant 1 : i32
    %while3A_13 = arith.divsi %while3A_10, %while3A_12 : i32
    %while3A_14 = arith.muli %while3A_13, %while3A_12 : i32
    %while3A_15 = arith.addi %while3A_9, %while3A_14 : i32
    %while3A_16 = arith.constant 1 : i32
    scf.for %while3A_26 = %while3A_9 to %while3A_15 step %while3A_16  : i32 {
      "tpu.region"() ({
        %run_scoped3A = tpu.sem_alloc : memref<!tpu.dma_semaphore, #tpu.memory_space<semaphore_mem>>
        %dma_start3A = arith.constant 0 : i32
        %dma_start3A_27 = tpu.memref_slice %arg7[%while3A_26, %dma_start3A] : memref<80x128xi32, #tpu.memory_space<vmem>> -> memref<1x128xi32, #tpu.memory_space<vmem>>
        %dma_start3A_28 = tpu.memref_squeeze %dma_start3A_27 : memref<1x128xi32, #tpu.memory_space<vmem>> -> memref<128xi32, #tpu.memory_space<vmem>>
        %dma_start3A_29 = arith.constant 0 : i32
        %dma_start3A_30 = tpu.memref_slice %arg6[%dma_start3A_29] : memref<10240xf32, #tpu.memory_space<vmem_shared>> -> memref<10240xf32, #tpu.memory_space<vmem_shared>>
        tpu.enqueue_indirect_dma source(%arg8 : memref<128xf32, #tpu.memory_space<vmem>>) target(%dma_start3A_30 : memref<10240xf32, #tpu.memory_space<vmem_shared>>) offsets(%dma_start3A_28 : memref<128xi32, #tpu.memory_space<vmem>>) semaphore(%run_scoped3A : memref<!tpu.dma_semaphore, #tpu.memory_space<semaphore_mem>>) {add = true}
        %dma_wait3A = arith.constant 0 : i32
        %dma_wait3A_31 = tpu.memref_slice %arg7[%while3A_26, %dma_wait3A] : memref<80x128xi32, #tpu.memory_space<vmem>> -> memref<1x128xi32, #tpu.memory_space<vmem>>
        %dma_wait3A_32 = tpu.memref_squeeze %dma_wait3A_31 : memref<1x128xi32, #tpu.memory_space<vmem>> -> memref<128xi32, #tpu.memory_space<vmem>>
        %dma_wait3A_33 = arith.constant 0 : i32
        %dma_wait3A_34 = tpu.memref_slice %arg6[%dma_wait3A_33] : memref<10240xf32, #tpu.memory_space<vmem_shared>> -> memref<10240xf32, #tpu.memory_space<vmem_shared>>
        tpu.wait_indirect_dma semaphore(%run_scoped3A : memref<!tpu.dma_semaphore, #tpu.memory_space<semaphore_mem>>) src(%arg8 : memref<128xf32, #tpu.memory_space<vmem>>) dst(%dma_wait3A_34 : memref<10240xf32, #tpu.memory_space<vmem_shared>>)
        tpu.yield
      }) : () -> ()
    }
    %while3A_17 = arith.constant 1 : i32
    scf.for %while3A_26 = %while3A_15 to %while3A_11 step %while3A_17  : i32 {
      "tpu.region"() ({
        %run_scoped3A = tpu.sem_alloc : memref<!tpu.dma_semaphore, #tpu.memory_space<semaphore_mem>>
        %dma_start3A = arith.constant 0 : i32
        %dma_start3A_27 = tpu.memref_slice %arg7[%while3A_26, %dma_start3A] : memref<80x128xi32, #tpu.memory_space<vmem>> -> memref<1x128xi32, #tpu.memory_space<vmem>>
        %dma_start3A_28 = tpu.memref_squeeze %dma_start3A_27 : memref<1x128xi32, #tpu.memory_space<vmem>> -> memref<128xi32, #tpu.memory_space<vmem>>
        %dma_start3A_29 = arith.constant 0 : i32
        %dma_start3A_30 = tpu.memref_slice %arg6[%dma_start3A_29] : memref<10240xf32, #tpu.memory_space<vmem_shared>> -> memref<10240xf32, #tpu.memory_space<vmem_shared>>
        tpu.enqueue_indirect_dma source(%arg8 : memref<128xf32, #tpu.memory_space<vmem>>) target(%dma_start3A_30 : memref<10240xf32, #tpu.memory_space<vmem_shared>>) offsets(%dma_start3A_28 : memref<128xi32, #tpu.memory_space<vmem>>) semaphore(%run_scoped3A : memref<!tpu.dma_semaphore, #tpu.memory_space<semaphore_mem>>) {add = true}
        %dma_wait3A = arith.constant 0 : i32
        %dma_wait3A_31 = tpu.memref_slice %arg7[%while3A_26, %dma_wait3A] : memref<80x128xi32, #tpu.memory_space<vmem>> -> memref<1x128xi32, #tpu.memory_space<vmem>>
        %dma_wait3A_32 = tpu.memref_squeeze %dma_wait3A_31 : memref<1x128xi32, #tpu.memory_space<vmem>> -> memref<128xi32, #tpu.memory_space<vmem>>
        %dma_wait3A_33 = arith.constant 0 : i32
        %dma_wait3A_34 = tpu.memref_slice %arg6[%dma_wait3A_33] : memref<10240xf32, #tpu.memory_space<vmem_shared>> -> memref<10240xf32, #tpu.memory_space<vmem_shared>>
        tpu.wait_indirect_dma semaphore(%run_scoped3A : memref<!tpu.dma_semaphore, #tpu.memory_space<semaphore_mem>>) src(%arg8 : memref<128xf32, #tpu.memory_space<vmem>>) dst(%dma_wait3A_34 : memref<10240xf32, #tpu.memory_space<vmem_shared>>)
        tpu.yield
      }) : () -> ()
    }
    %barrier3A_18 = arith.constant 0 : index
    tpu.barrier barrier_id(%barrier3A_18)
    %mul3A_19 = arith.constant 10240 : i32
    %mul3A_20 = arith.muli %arg0, %mul3A_19 : i32
    %mul3A_21 = arith.constant 640 : i32
    %mul3A_22 = arith.muli %arg1, %mul3A_21 : i32
    %add3A_23 = arith.addi %mul3A_20, %mul3A_22 : i32
    %mul3A_24 = arith.constant 640 : i32
    %mul3A_25 = arith.muli %arg1, %mul3A_24 : i32
    "tpu.region"() ({
      %run_scoped3A = tpu.sem_alloc : memref<!tpu.dma_semaphore, #tpu.memory_space<semaphore_mem>>
      %dma_start3A = tpu.memref_slice %arg5[%add3A_23] : memref<20480xf32, #tpu.memory_space<hbm>> -> memref<640xf32, #tpu.memory_space<hbm>>
      %dma_start3A_26 = tpu.memref_slice %arg6[%mul3A_25] : memref<10240xf32, #tpu.memory_space<vmem_shared>> -> memref<640xf32, #tpu.memory_space<vmem_shared>>
      tpu.enqueue_dma source(%dma_start3A_26 : memref<640xf32, #tpu.memory_space<vmem_shared>>) target(%dma_start3A : memref<640xf32, #tpu.memory_space<hbm>>) target_semaphore(%run_scoped3A : memref<!tpu.dma_semaphore, #tpu.memory_space<semaphore_mem>>)
      %dma_wait3A = tpu.memref_slice %arg5[%add3A_23] : memref<20480xf32, #tpu.memory_space<hbm>> -> memref<640xf32, #tpu.memory_space<hbm>>
      %dma_wait3A_27 = tpu.memref_slice %arg6[%mul3A_25] : memref<10240xf32, #tpu.memory_space<vmem_shared>> -> memref<640xf32, #tpu.memory_space<vmem_shared>>
      tpu.wait_dma2 semaphore(%run_scoped3A : memref<!tpu.dma_semaphore, #tpu.memory_space<semaphore_mem>>) src(%dma_wait3A_27 : memref<640xf32, #tpu.memory_space<vmem_shared>>) dst(%dma_wait3A : memref<640xf32, #tpu.memory_space<hbm>>)
      tpu.yield
    }) : () -> ()
    return
  }
}

#map = affine_map<(d0, d1) -> (0, 0)>
module attributes {stable_mosaic.version = 14 : i64} {
  func.func @body(%arg0: i32, %arg1: i32, %arg2: memref<10000x128xf32, #tpu.memory_space<hbm>>, %arg3: memref<2560x128xi32, #tpu.memory_space<hbm>>, %arg4: memref<2560x128xi32, #tpu.memory_space<hbm>>, %arg5: memref<128x128xf32, #tpu.memory_space<hbm>>, %arg6: memref<20480x128xf32, #tpu.memory_space<hbm>>, %arg7: memref<10240x128xf32, #tpu.memory_space<vmem_shared>>, %arg8: memref<8x128xi32, #tpu.memory_space<vmem>>, %arg9: memref<8x128xi32, #tpu.memory_space<vmem>>, %arg10: memref<128x128xf32, #tpu.memory_space<vmem>>, %arg11: memref<128x128xf32, #tpu.memory_space<vmem>>, %arg12: memref<!tpu.dma_semaphore, #tpu.memory_space<semaphore_mem>>) attributes {dimension_semantics = [#tpu.dimension_semantics<core_parallel>, #tpu.dimension_semantics<subcore_parallel>], iteration_bounds = array<i64: 2, 16>, scalar_prefetch = 0 : i64, scratch_operands = 6 : i64, tpu.core_type = #tpu.core_type<sc_vector_subcore>, window_params = [{transform_indices = #map}, {transform_indices = #map}, {transform_indices = #map}, {transform_indices = #map}, {transform_indices = #map}]} {
    %eq3A = arith.constant 1 : i32
    %eq3A_0 = arith.cmpi eq, %arg0, %eq3A : i32
    %mul3A = arith.constant 80 : i32
    %mul3A_1 = arith.muli %arg1, %mul3A : i32
    %mul3A_2 = arith.constant 80 : i32
    %mul3A_3 = arith.muli %arg1, %mul3A_2 : i32
    %add3A = arith.constant 1280 : i32
    %add3A_4 = arith.addi %add3A, %mul3A_3 : i32
    %select_n3A = arith.select %eq3A_0, %mul3A_1, %add3A_4 : i32
    %jit3A = arith.constant 80 : i32
    %jit3A_5 = arith.constant 80 : i32
    %select_n3A_6 = arith.select %eq3A_0, %jit3A, %jit3A_5 : i32
    "tpu.region"() ({
      %run_scoped3A = tpu.sem_alloc : memref<!tpu.dma_semaphore, #tpu.memory_space<semaphore_mem>>
      tpu.enqueue_dma source(%arg5 : memref<128x128xf32, #tpu.memory_space<hbm>>) target(%arg10 : memref<128x128xf32, #tpu.memory_space<vmem>>) target_semaphore(%run_scoped3A : memref<!tpu.dma_semaphore, #tpu.memory_space<semaphore_mem>>)
      tpu.wait_dma2 semaphore(%run_scoped3A : memref<!tpu.dma_semaphore, #tpu.memory_space<semaphore_mem>>) src(%arg5 : memref<128x128xf32, #tpu.memory_space<hbm>>) dst(%arg10 : memref<128x128xf32, #tpu.memory_space<vmem>>)
      tpu.yield
    }) : () -> ()
    %scan3A = arith.constant 0 : i32
    %scan3A_7 = arith.constant 0 : i32
    %scan3A_8 = arith.constant 5 : i32
    %scan3A_9 = arith.addi %scan3A_7, %scan3A_8 : i32
    %scan3A_10 = arith.constant 1 : i32
    scf.for %scan3A_47 = %scan3A_7 to %scan3A_9 step %scan3A_10  : i32 {
      %mul3A_48 = arith.constant 640 : i32
      %mul3A_49 = arith.muli %arg1, %mul3A_48 : i32
      %mul3A_50 = arith.constant 128 : i32
      %mul3A_51 = arith.muli %scan3A_47, %mul3A_50 : i32
      %add3A_52 = arith.addi %mul3A_49, %mul3A_51 : i32
      "tpu.region"() ({
        %run_scoped3A = tpu.sem_alloc : memref<!tpu.dma_semaphore, #tpu.memory_space<semaphore_mem>>
        %dma_start3A = arith.constant 0 : i32
        %dma_start3A_53 = tpu.memref_slice %arg7[%add3A_52, %dma_start3A] : memref<10240x128xf32, #tpu.memory_space<vmem_shared>> -> memref<128x128xf32, #tpu.memory_space<vmem_shared>>
        %dma_start3A_54 = arith.constant 0 : i32
        %dma_start3A_55 = tpu.memref_slice %arg7[%add3A_52, %dma_start3A_54] : memref<10240x128xf32, #tpu.memory_space<vmem_shared>> -> memref<128x128xf32, #tpu.memory_space<vmem_shared>>
        tpu.enqueue_dma source(%arg10 : memref<128x128xf32, #tpu.memory_space<vmem>>) target(%dma_start3A_55 : memref<128x128xf32, #tpu.memory_space<vmem_shared>>) target_semaphore(%run_scoped3A : memref<!tpu.dma_semaphore, #tpu.memory_space<semaphore_mem>>)
        %dma_wait3A = arith.constant 0 : i32
        %dma_wait3A_56 = tpu.memref_slice %arg7[%add3A_52, %dma_wait3A] : memref<10240x128xf32, #tpu.memory_space<vmem_shared>> -> memref<128x128xf32, #tpu.memory_space<vmem_shared>>
        %dma_wait3A_57 = arith.constant 0 : i32
        %dma_wait3A_58 = tpu.memref_slice %arg7[%add3A_52, %dma_wait3A_57] : memref<10240x128xf32, #tpu.memory_space<vmem_shared>> -> memref<128x128xf32, #tpu.memory_space<vmem_shared>>
        tpu.wait_dma2 semaphore(%run_scoped3A : memref<!tpu.dma_semaphore, #tpu.memory_space<semaphore_mem>>) src(%arg10 : memref<128x128xf32, #tpu.memory_space<vmem>>) dst(%dma_wait3A_58 : memref<128x128xf32, #tpu.memory_space<vmem_shared>>)
        tpu.yield
      }) : () -> ()
    }
    %scan3A_11 = arith.constant 5 : i32
    %barrier3A = arith.constant 0 : index
    tpu.barrier barrier_id(%barrier3A)
    %jit3A_12 = arith.constant 8 : i32
    %div3A = arith.divsi %select_n3A_6, %jit3A_12 : i32
    %sign3A = arith.constant 0 : i32
    %sign3A_13 = arith.cmpi sgt, %select_n3A_6, %sign3A : i32
    %sign3A_14 = arith.extui %sign3A_13 : i1 to i32
    %sign3A_15 = arith.constant 0 : i32
    %sign3A_16 = arith.cmpi slt, %select_n3A_6, %sign3A_15 : i32
    %sign3A_17 = arith.extui %sign3A_16 : i1 to i32
    %sign3A_18 = arith.subi %sign3A_14, %sign3A_17 : i32
    %sign3A_19 = arith.constant 0 : i32
    %sign3A_20 = arith.cmpi sgt, %jit3A_12, %sign3A_19 : i32
    %sign3A_21 = arith.extui %sign3A_20 : i1 to i32
    %sign3A_22 = arith.constant 0 : i32
    %sign3A_23 = arith.cmpi slt, %jit3A_12, %sign3A_22 : i32
    %sign3A_24 = arith.extui %sign3A_23 : i1 to i32
    %sign3A_25 = arith.subi %sign3A_21, %sign3A_24 : i32
    %ne3A = arith.cmpi ne, %sign3A_18, %sign3A_25 : i32
    %rem3A = arith.remsi %select_n3A_6, %jit3A_12 : i32
    %ne3A_26 = arith.constant 0 : i32
    %ne3A_27 = arith.cmpi ne, %rem3A, %ne3A_26 : i32
    %and3A = arith.andi %ne3A, %ne3A_27 : i1
    %sub3A = arith.constant 1 : i32
    %sub3A_28 = arith.subi %div3A, %sub3A : i32
    %select_n3A_29 = arith.select %and3A, %sub3A_28, %div3A : i32
    %while3A = arith.constant 0 : i32
    %while3A_30 = arith.constant 0 : i32
    %while3A_31 = arith.subi %select_n3A_29, %while3A_30 : i32
    %while3A_32 = arith.addi %while3A_30, %while3A_31 : i32
    %while3A_33 = arith.constant 1 : i32
    %while3A_34 = arith.divsi %while3A_31, %while3A_33 : i32
    %while3A_35 = arith.muli %while3A_34, %while3A_33 : i32
    %while3A_36 = arith.addi %while3A_30, %while3A_35 : i32
    %while3A_37 = arith.constant 1 : i32
    scf.for %while3A_47 = %while3A_30 to %while3A_36 step %while3A_37  : i32 {
      %mul3A_48 = arith.constant 8 : i32
      %mul3A_49 = arith.muli %while3A_47, %mul3A_48 : i32
      %add3A_50 = arith.addi %select_n3A, %mul3A_49 : i32
      "tpu.region"() ({
        %run_scoped3A_168 = tpu.sem_alloc : memref<!tpu.dma_semaphore, #tpu.memory_space<semaphore_mem>>
        %dma_start3A_169 = arith.constant 0 : i32
        %dma_start3A_170 = tpu.memref_slice %arg3[%add3A_50, %dma_start3A_169] : memref<2560x128xi32, #tpu.memory_space<hbm>> -> memref<8x128xi32, #tpu.memory_space<hbm>>
        %dma_start3A_171 = arith.constant 0 : i32
        %dma_start3A_172 = tpu.memref_slice %arg3[%add3A_50, %dma_start3A_171] : memref<2560x128xi32, #tpu.memory_space<hbm>> -> memref<8x128xi32, #tpu.memory_space<hbm>>
        tpu.enqueue_dma source(%dma_start3A_172 : memref<8x128xi32, #tpu.memory_space<hbm>>) target(%arg8 : memref<8x128xi32, #tpu.memory_space<vmem>>) target_semaphore(%run_scoped3A_168 : memref<!tpu.dma_semaphore, #tpu.memory_space<semaphore_mem>>)
        %dma_wait3A_173 = arith.constant 0 : i32
        %dma_wait3A_174 = tpu.memref_slice %arg3[%add3A_50, %dma_wait3A_173] : memref<2560x128xi32, #tpu.memory_space<hbm>> -> memref<8x128xi32, #tpu.memory_space<hbm>>
        %dma_wait3A_175 = arith.constant 0 : i32
        %dma_wait3A_176 = tpu.memref_slice %arg3[%add3A_50, %dma_wait3A_175] : memref<2560x128xi32, #tpu.memory_space<hbm>> -> memref<8x128xi32, #tpu.memory_space<hbm>>
        tpu.wait_dma2 semaphore(%run_scoped3A_168 : memref<!tpu.dma_semaphore, #tpu.memory_space<semaphore_mem>>) src(%dma_wait3A_176 : memref<8x128xi32, #tpu.memory_space<hbm>>) dst(%arg8 : memref<8x128xi32, #tpu.memory_space<vmem>>)
        tpu.yield
      }) : () -> ()
      "tpu.region"() ({
        %run_scoped3A_168 = tpu.sem_alloc : memref<!tpu.dma_semaphore, #tpu.memory_space<semaphore_mem>>
        %dma_start3A_169 = arith.constant 0 : i32
        %dma_start3A_170 = tpu.memref_slice %arg4[%add3A_50, %dma_start3A_169] : memref<2560x128xi32, #tpu.memory_space<hbm>> -> memref<8x128xi32, #tpu.memory_space<hbm>>
        %dma_start3A_171 = arith.constant 0 : i32
        %dma_start3A_172 = tpu.memref_slice %arg4[%add3A_50, %dma_start3A_171] : memref<2560x128xi32, #tpu.memory_space<hbm>> -> memref<8x128xi32, #tpu.memory_space<hbm>>
        tpu.enqueue_dma source(%dma_start3A_172 : memref<8x128xi32, #tpu.memory_space<hbm>>) target(%arg9 : memref<8x128xi32, #tpu.memory_space<vmem>>) target_semaphore(%run_scoped3A_168 : memref<!tpu.dma_semaphore, #tpu.memory_space<semaphore_mem>>)
        %dma_wait3A_173 = arith.constant 0 : i32
        %dma_wait3A_174 = tpu.memref_slice %arg4[%add3A_50, %dma_wait3A_173] : memref<2560x128xi32, #tpu.memory_space<hbm>> -> memref<8x128xi32, #tpu.memory_space<hbm>>
        %dma_wait3A_175 = arith.constant 0 : i32
        %dma_wait3A_176 = tpu.memref_slice %arg4[%add3A_50, %dma_wait3A_175] : memref<2560x128xi32, #tpu.memory_space<hbm>> -> memref<8x128xi32, #tpu.memory_space<hbm>>
        tpu.wait_dma2 semaphore(%run_scoped3A_168 : memref<!tpu.dma_semaphore, #tpu.memory_space<semaphore_mem>>) src(%dma_wait3A_176 : memref<8x128xi32, #tpu.memory_space<hbm>>) dst(%arg9 : memref<8x128xi32, #tpu.memory_space<vmem>>)
        tpu.yield
      }) : () -> ()
      %dma_start3A = arith.constant 0 : i32
      %dma_start3A_51 = arith.constant 0 : i32
      %dma_start3A_52 = tpu.memref_slice %arg8[%dma_start3A, %dma_start3A_51] : memref<8x128xi32, #tpu.memory_space<vmem>> -> memref<1x128xi32, #tpu.memory_space<vmem>>
      %dma_start3A_53 = tpu.memref_squeeze %dma_start3A_52 : memref<1x128xi32, #tpu.memory_space<vmem>> -> memref<128xi32, #tpu.memory_space<vmem>>
      %dma_start3A_54 = arith.constant 0 : i32
      %dma_start3A_55 = arith.constant 0 : i32
      %dma_start3A_56 = tpu.memref_slice %arg2[%dma_start3A_54, %dma_start3A_55] : memref<10000x128xf32, #tpu.memory_space<hbm>> -> memref<10000x128xf32, #tpu.memory_space<hbm>>
      tpu.enqueue_indirect_dma source(%dma_start3A_56 : memref<10000x128xf32, #tpu.memory_space<hbm>>) target(%arg10 : memref<128x128xf32, #tpu.memory_space<vmem>>) offsets(%dma_start3A_53 : memref<128xi32, #tpu.memory_space<vmem>>) semaphore(%arg12 : memref<!tpu.dma_semaphore, #tpu.memory_space<semaphore_mem>>)
      %dma_start3A_57 = arith.constant 1 : i32
      %dma_start3A_58 = arith.constant 0 : i32
      %dma_start3A_59 = tpu.memref_slice %arg8[%dma_start3A_57, %dma_start3A_58] : memref<8x128xi32, #tpu.memory_space<vmem>> -> memref<1x128xi32, #tpu.memory_space<vmem>>
      %dma_start3A_60 = tpu.memref_squeeze %dma_start3A_59 : memref<1x128xi32, #tpu.memory_space<vmem>> -> memref<128xi32, #tpu.memory_space<vmem>>
      %dma_start3A_61 = arith.constant 0 : i32
      %dma_start3A_62 = arith.constant 0 : i32
      %dma_start3A_63 = tpu.memref_slice %arg2[%dma_start3A_61, %dma_start3A_62] : memref<10000x128xf32, #tpu.memory_space<hbm>> -> memref<10000x128xf32, #tpu.memory_space<hbm>>
      tpu.enqueue_indirect_dma source(%dma_start3A_63 : memref<10000x128xf32, #tpu.memory_space<hbm>>) target(%arg11 : memref<128x128xf32, #tpu.memory_space<vmem>>) offsets(%dma_start3A_60 : memref<128xi32, #tpu.memory_space<vmem>>) semaphore(%arg12 : memref<!tpu.dma_semaphore, #tpu.memory_space<semaphore_mem>>)
      %dma_wait3A = arith.constant 0 : i32
      %dma_wait3A_64 = arith.constant 0 : i32
      %dma_wait3A_65 = tpu.memref_slice %arg8[%dma_wait3A, %dma_wait3A_64] : memref<8x128xi32, #tpu.memory_space<vmem>> -> memref<1x128xi32, #tpu.memory_space<vmem>>
      %dma_wait3A_66 = tpu.memref_squeeze %dma_wait3A_65 : memref<1x128xi32, #tpu.memory_space<vmem>> -> memref<128xi32, #tpu.memory_space<vmem>>
      %dma_wait3A_67 = arith.constant 0 : i32
      %dma_wait3A_68 = arith.constant 0 : i32
      %dma_wait3A_69 = tpu.memref_slice %arg2[%dma_wait3A_67, %dma_wait3A_68] : memref<10000x128xf32, #tpu.memory_space<hbm>> -> memref<10000x128xf32, #tpu.memory_space<hbm>>
      tpu.wait_indirect_dma semaphore(%arg12 : memref<!tpu.dma_semaphore, #tpu.memory_space<semaphore_mem>>) src(%dma_wait3A_69 : memref<10000x128xf32, #tpu.memory_space<hbm>>) dst(%arg10 : memref<128x128xf32, #tpu.memory_space<vmem>>)
      %dma_wait3A_70 = arith.constant 1 : i32
      %dma_wait3A_71 = arith.constant 0 : i32
      %dma_wait3A_72 = tpu.memref_slice %arg8[%dma_wait3A_70, %dma_wait3A_71] : memref<8x128xi32, #tpu.memory_space<vmem>> -> memref<1x128xi32, #tpu.memory_space<vmem>>
      %dma_wait3A_73 = tpu.memref_squeeze %dma_wait3A_72 : memref<1x128xi32, #tpu.memory_space<vmem>> -> memref<128xi32, #tpu.memory_space<vmem>>
      %dma_wait3A_74 = arith.constant 0 : i32
      %dma_wait3A_75 = arith.constant 0 : i32
      %dma_wait3A_76 = tpu.memref_slice %arg2[%dma_wait3A_74, %dma_wait3A_75] : memref<10000x128xf32, #tpu.memory_space<hbm>> -> memref<10000x128xf32, #tpu.memory_space<hbm>>
      tpu.wait_indirect_dma semaphore(%arg12 : memref<!tpu.dma_semaphore, #tpu.memory_space<semaphore_mem>>) src(%dma_wait3A_76 : memref<10000x128xf32, #tpu.memory_space<hbm>>) dst(%arg11 : memref<128x128xf32, #tpu.memory_space<vmem>>)
      %run_scoped3A = arith.constant 0 : i32
      "tpu.region"() ({
        %run_scoped3A_168 = tpu.sem_alloc : memref<!tpu.dma_semaphore, #tpu.memory_space<semaphore_mem>>
        %dma_start3A_169 = arith.constant 0 : i32
        %dma_start3A_170 = tpu.memref_slice %arg9[%run_scoped3A, %dma_start3A_169] : memref<8x128xi32, #tpu.memory_space<vmem>> -> memref<1x128xi32, #tpu.memory_space<vmem>>
        %dma_start3A_171 = tpu.memref_squeeze %dma_start3A_170 : memref<1x128xi32, #tpu.memory_space<vmem>> -> memref<128xi32, #tpu.memory_space<vmem>>
        %dma_start3A_172 = arith.constant 0 : i32
        %dma_start3A_173 = arith.constant 0 : i32
        %dma_start3A_174 = tpu.memref_slice %arg7[%dma_start3A_172, %dma_start3A_173] : memref<10240x128xf32, #tpu.memory_space<vmem_shared>> -> memref<10240x128xf32, #tpu.memory_space<vmem_shared>>
        tpu.enqueue_indirect_dma source(%arg10 : memref<128x128xf32, #tpu.memory_space<vmem>>) target(%dma_start3A_174 : memref<10240x128xf32, #tpu.memory_space<vmem_shared>>) offsets(%dma_start3A_171 : memref<128xi32, #tpu.memory_space<vmem>>) semaphore(%run_scoped3A_168 : memref<!tpu.dma_semaphore, #tpu.memory_space<semaphore_mem>>) {add = true}
        %dma_wait3A_175 = arith.constant 0 : i32
        %dma_wait3A_176 = tpu.memref_slice %arg9[%run_scoped3A, %dma_wait3A_175] : memref<8x128xi32, #tpu.memory_space<vmem>> -> memref<1x128xi32, #tpu.memory_space<vmem>>
        %dma_wait3A_177 = tpu.memref_squeeze %dma_wait3A_176 : memref<1x128xi32, #tpu.memory_space<vmem>> -> memref<128xi32, #tpu.memory_space<vmem>>
        %dma_wait3A_178 = arith.constant 0 : i32
        %dma_wait3A_179 = arith.constant 0 : i32
        %dma_wait3A_180 = tpu.memref_slice %arg7[%dma_wait3A_178, %dma_wait3A_179] : memref<10240x128xf32, #tpu.memory_space<vmem_shared>> -> memref<10240x128xf32, #tpu.memory_space<vmem_shared>>
        tpu.wait_indirect_dma semaphore(%run_scoped3A_168 : memref<!tpu.dma_semaphore, #tpu.memory_space<semaphore_mem>>) src(%arg10 : memref<128x128xf32, #tpu.memory_space<vmem>>) dst(%dma_wait3A_180 : memref<10240x128xf32, #tpu.memory_space<vmem_shared>>)
        tpu.yield
      }) : () -> ()
      %run_scoped3A_77 = arith.constant 1 : i32
      "tpu.region"() ({
        %run_scoped3A_168 = tpu.sem_alloc : memref<!tpu.dma_semaphore, #tpu.memory_space<semaphore_mem>>
        %dma_start3A_169 = arith.constant 0 : i32
        %dma_start3A_170 = tpu.memref_slice %arg9[%run_scoped3A_77, %dma_start3A_169] : memref<8x128xi32, #tpu.memory_space<vmem>> -> memref<1x128xi32, #tpu.memory_space<vmem>>
        %dma_start3A_171 = tpu.memref_squeeze %dma_start3A_170 : memref<1x128xi32, #tpu.memory_space<vmem>> -> memref<128xi32, #tpu.memory_space<vmem>>
        %dma_start3A_172 = arith.constant 0 : i32
        %dma_start3A_173 = arith.constant 0 : i32
        %dma_start3A_174 = tpu.memref_slice %arg7[%dma_start3A_172, %dma_start3A_173] : memref<10240x128xf32, #tpu.memory_space<vmem_shared>> -> memref<10240x128xf32, #tpu.memory_space<vmem_shared>>
        tpu.enqueue_indirect_dma source(%arg11 : memref<128x128xf32, #tpu.memory_space<vmem>>) target(%dma_start3A_174 : memref<10240x128xf32, #tpu.memory_space<vmem_shared>>) offsets(%dma_start3A_171 : memref<128xi32, #tpu.memory_space<vmem>>) semaphore(%run_scoped3A_168 : memref<!tpu.dma_semaphore, #tpu.memory_space<semaphore_mem>>) {add = true}
        %dma_wait3A_175 = arith.constant 0 : i32
        %dma_wait3A_176 = tpu.memref_slice %arg9[%run_scoped3A_77, %dma_wait3A_175] : memref<8x128xi32, #tpu.memory_space<vmem>> -> memref<1x128xi32, #tpu.memory_space<vmem>>
        %dma_wait3A_177 = tpu.memref_squeeze %dma_wait3A_176 : memref<1x128xi32, #tpu.memory_space<vmem>> -> memref<128xi32, #tpu.memory_space<vmem>>
        %dma_wait3A_178 = arith.constant 0 : i32
        %dma_wait3A_179 = arith.constant 0 : i32
        %dma_wait3A_180 = tpu.memref_slice %arg7[%dma_wait3A_178, %dma_wait3A_179] : memref<10240x128xf32, #tpu.memory_space<vmem_shared>> -> memref<10240x128xf32, #tpu.memory_space<vmem_shared>>
        tpu.wait_indirect_dma semaphore(%run_scoped3A_168 : memref<!tpu.dma_semaphore, #tpu.memory_space<semaphore_mem>>) src(%arg11 : memref<128x128xf32, #tpu.memory_space<vmem>>) dst(%dma_wait3A_180 : memref<10240x128xf32, #tpu.memory_space<vmem_shared>>)
        tpu.yield
      }) : () -> ()
      %dma_start3A_78 = arith.constant 2 : i32
      %dma_start3A_79 = arith.constant 0 : i32
      %dma_start3A_80 = tpu.memref_slice %arg8[%dma_start3A_78, %dma_start3A_79] : memref<8x128xi32, #tpu.memory_space<vmem>> -> memref<1x128xi32, #tpu.memory_space<vmem>>
      %dma_start3A_81 = tpu.memref_squeeze %dma_start3A_80 : memref<1x128xi32, #tpu.memory_space<vmem>> -> memref<128xi32, #tpu.memory_space<vmem>>
      %dma_start3A_82 = arith.constant 0 : i32
      %dma_start3A_83 = arith.constant 0 : i32
      %dma_start3A_84 = tpu.memref_slice %arg2[%dma_start3A_82, %dma_start3A_83] : memref<10000x128xf32, #tpu.memory_space<hbm>> -> memref<10000x128xf32, #tpu.memory_space<hbm>>
      tpu.enqueue_indirect_dma source(%dma_start3A_84 : memref<10000x128xf32, #tpu.memory_space<hbm>>) target(%arg10 : memref<128x128xf32, #tpu.memory_space<vmem>>) offsets(%dma_start3A_81 : memref<128xi32, #tpu.memory_space<vmem>>) semaphore(%arg12 : memref<!tpu.dma_semaphore, #tpu.memory_space<semaphore_mem>>)
      %dma_start3A_85 = arith.constant 3 : i32
      %dma_start3A_86 = arith.constant 0 : i32
      %dma_start3A_87 = tpu.memref_slice %arg8[%dma_start3A_85, %dma_start3A_86] : memref<8x128xi32, #tpu.memory_space<vmem>> -> memref<1x128xi32, #tpu.memory_space<vmem>>
      %dma_start3A_88 = tpu.memref_squeeze %dma_start3A_87 : memref<1x128xi32, #tpu.memory_space<vmem>> -> memref<128xi32, #tpu.memory_space<vmem>>
      %dma_start3A_89 = arith.constant 0 : i32
      %dma_start3A_90 = arith.constant 0 : i32
      %dma_start3A_91 = tpu.memref_slice %arg2[%dma_start3A_89, %dma_start3A_90] : memref<10000x128xf32, #tpu.memory_space<hbm>> -> memref<10000x128xf32, #tpu.memory_space<hbm>>
      tpu.enqueue_indirect_dma source(%dma_start3A_91 : memref<10000x128xf32, #tpu.memory_space<hbm>>) target(%arg11 : memref<128x128xf32, #tpu.memory_space<vmem>>) offsets(%dma_start3A_88 : memref<128xi32, #tpu.memory_space<vmem>>) semaphore(%arg12 : memref<!tpu.dma_semaphore, #tpu.memory_space<semaphore_mem>>)
      %dma_wait3A_92 = arith.constant 2 : i32
      %dma_wait3A_93 = arith.constant 0 : i32
      %dma_wait3A_94 = tpu.memref_slice %arg8[%dma_wait3A_92, %dma_wait3A_93] : memref<8x128xi32, #tpu.memory_space<vmem>> -> memref<1x128xi32, #tpu.memory_space<vmem>>
      %dma_wait3A_95 = tpu.memref_squeeze %dma_wait3A_94 : memref<1x128xi32, #tpu.memory_space<vmem>> -> memref<128xi32, #tpu.memory_space<vmem>>
      %dma_wait3A_96 = arith.constant 0 : i32
      %dma_wait3A_97 = arith.constant 0 : i32
      %dma_wait3A_98 = tpu.memref_slice %arg2[%dma_wait3A_96, %dma_wait3A_97] : memref<10000x128xf32, #tpu.memory_space<hbm>> -> memref<10000x128xf32, #tpu.memory_space<hbm>>
      tpu.wait_indirect_dma semaphore(%arg12 : memref<!tpu.dma_semaphore, #tpu.memory_space<semaphore_mem>>) src(%dma_wait3A_98 : memref<10000x128xf32, #tpu.memory_space<hbm>>) dst(%arg10 : memref<128x128xf32, #tpu.memory_space<vmem>>)
      %dma_wait3A_99 = arith.constant 3 : i32
      %dma_wait3A_100 = arith.constant 0 : i32
      %dma_wait3A_101 = tpu.memref_slice %arg8[%dma_wait3A_99, %dma_wait3A_100] : memref<8x128xi32, #tpu.memory_space<vmem>> -> memref<1x128xi32, #tpu.memory_space<vmem>>
      %dma_wait3A_102 = tpu.memref_squeeze %dma_wait3A_101 : memref<1x128xi32, #tpu.memory_space<vmem>> -> memref<128xi32, #tpu.memory_space<vmem>>
      %dma_wait3A_103 = arith.constant 0 : i32
      %dma_wait3A_104 = arith.constant 0 : i32
      %dma_wait3A_105 = tpu.memref_slice %arg2[%dma_wait3A_103, %dma_wait3A_104] : memref<10000x128xf32, #tpu.memory_space<hbm>> -> memref<10000x128xf32, #tpu.memory_space<hbm>>
      tpu.wait_indirect_dma semaphore(%arg12 : memref<!tpu.dma_semaphore, #tpu.memory_space<semaphore_mem>>) src(%dma_wait3A_105 : memref<10000x128xf32, #tpu.memory_space<hbm>>) dst(%arg11 : memref<128x128xf32, #tpu.memory_space<vmem>>)
      %run_scoped3A_106 = arith.constant 2 : i32
      "tpu.region"() ({
        %run_scoped3A_168 = tpu.sem_alloc : memref<!tpu.dma_semaphore, #tpu.memory_space<semaphore_mem>>
        %dma_start3A_169 = arith.constant 0 : i32
        %dma_start3A_170 = tpu.memref_slice %arg9[%run_scoped3A_106, %dma_start3A_169] : memref<8x128xi32, #tpu.memory_space<vmem>> -> memref<1x128xi32, #tpu.memory_space<vmem>>
        %dma_start3A_171 = tpu.memref_squeeze %dma_start3A_170 : memref<1x128xi32, #tpu.memory_space<vmem>> -> memref<128xi32, #tpu.memory_space<vmem>>
        %dma_start3A_172 = arith.constant 0 : i32
        %dma_start3A_173 = arith.constant 0 : i32
        %dma_start3A_174 = tpu.memref_slice %arg7[%dma_start3A_172, %dma_start3A_173] : memref<10240x128xf32, #tpu.memory_space<vmem_shared>> -> memref<10240x128xf32, #tpu.memory_space<vmem_shared>>
        tpu.enqueue_indirect_dma source(%arg10 : memref<128x128xf32, #tpu.memory_space<vmem>>) target(%dma_start3A_174 : memref<10240x128xf32, #tpu.memory_space<vmem_shared>>) offsets(%dma_start3A_171 : memref<128xi32, #tpu.memory_space<vmem>>) semaphore(%run_scoped3A_168 : memref<!tpu.dma_semaphore, #tpu.memory_space<semaphore_mem>>) {add = true}
        %dma_wait3A_175 = arith.constant 0 : i32
        %dma_wait3A_176 = tpu.memref_slice %arg9[%run_scoped3A_106, %dma_wait3A_175] : memref<8x128xi32, #tpu.memory_space<vmem>> -> memref<1x128xi32, #tpu.memory_space<vmem>>
        %dma_wait3A_177 = tpu.memref_squeeze %dma_wait3A_176 : memref<1x128xi32, #tpu.memory_space<vmem>> -> memref<128xi32, #tpu.memory_space<vmem>>
        %dma_wait3A_178 = arith.constant 0 : i32
        %dma_wait3A_179 = arith.constant 0 : i32
        %dma_wait3A_180 = tpu.memref_slice %arg7[%dma_wait3A_178, %dma_wait3A_179] : memref<10240x128xf32, #tpu.memory_space<vmem_shared>> -> memref<10240x128xf32, #tpu.memory_space<vmem_shared>>
        tpu.wait_indirect_dma semaphore(%run_scoped3A_168 : memref<!tpu.dma_semaphore, #tpu.memory_space<semaphore_mem>>) src(%arg10 : memref<128x128xf32, #tpu.memory_space<vmem>>) dst(%dma_wait3A_180 : memref<10240x128xf32, #tpu.memory_space<vmem_shared>>)
        tpu.yield
      }) : () -> ()
      %run_scoped3A_107 = arith.constant 3 : i32
      "tpu.region"() ({
        %run_scoped3A_168 = tpu.sem_alloc : memref<!tpu.dma_semaphore, #tpu.memory_space<semaphore_mem>>
        %dma_start3A_169 = arith.constant 0 : i32
        %dma_start3A_170 = tpu.memref_slice %arg9[%run_scoped3A_107, %dma_start3A_169] : memref<8x128xi32, #tpu.memory_space<vmem>> -> memref<1x128xi32, #tpu.memory_space<vmem>>
        %dma_start3A_171 = tpu.memref_squeeze %dma_start3A_170 : memref<1x128xi32, #tpu.memory_space<vmem>> -> memref<128xi32, #tpu.memory_space<vmem>>
        %dma_start3A_172 = arith.constant 0 : i32
        %dma_start3A_173 = arith.constant 0 : i32
        %dma_start3A_174 = tpu.memref_slice %arg7[%dma_start3A_172, %dma_start3A_173] : memref<10240x128xf32, #tpu.memory_space<vmem_shared>> -> memref<10240x128xf32, #tpu.memory_space<vmem_shared>>
        tpu.enqueue_indirect_dma source(%arg11 : memref<128x128xf32, #tpu.memory_space<vmem>>) target(%dma_start3A_174 : memref<10240x128xf32, #tpu.memory_space<vmem_shared>>) offsets(%dma_start3A_171 : memref<128xi32, #tpu.memory_space<vmem>>) semaphore(%run_scoped3A_168 : memref<!tpu.dma_semaphore, #tpu.memory_space<semaphore_mem>>) {add = true}
        %dma_wait3A_175 = arith.constant 0 : i32
        %dma_wait3A_176 = tpu.memref_slice %arg9[%run_scoped3A_107, %dma_wait3A_175] : memref<8x128xi32, #tpu.memory_space<vmem>> -> memref<1x128xi32, #tpu.memory_space<vmem>>
        %dma_wait3A_177 = tpu.memref_squeeze %dma_wait3A_176 : memref<1x128xi32, #tpu.memory_space<vmem>> -> memref<128xi32, #tpu.memory_space<vmem>>
        %dma_wait3A_178 = arith.constant 0 : i32
        %dma_wait3A_179 = arith.constant 0 : i32
        %dma_wait3A_180 = tpu.memref_slice %arg7[%dma_wait3A_178, %dma_wait3A_179] : memref<10240x128xf32, #tpu.memory_space<vmem_shared>> -> memref<10240x128xf32, #tpu.memory_space<vmem_shared>>
        tpu.wait_indirect_dma semaphore(%run_scoped3A_168 : memref<!tpu.dma_semaphore, #tpu.memory_space<semaphore_mem>>) src(%arg11 : memref<128x128xf32, #tpu.memory_space<vmem>>) dst(%dma_wait3A_180 : memref<10240x128xf32, #tpu.memory_space<vmem_shared>>)
        tpu.yield
      }) : () -> ()
      %dma_start3A_108 = arith.constant 4 : i32
      %dma_start3A_109 = arith.constant 0 : i32
      %dma_start3A_110 = tpu.memref_slice %arg8[%dma_start3A_108, %dma_start3A_109] : memref<8x128xi32, #tpu.memory_space<vmem>> -> memref<1x128xi32, #tpu.memory_space<vmem>>
      %dma_start3A_111 = tpu.memref_squeeze %dma_start3A_110 : memref<1x128xi32, #tpu.memory_space<vmem>> -> memref<128xi32, #tpu.memory_space<vmem>>
      %dma_start3A_112 = arith.constant 0 : i32
      %dma_start3A_113 = arith.constant 0 : i32
      %dma_start3A_114 = tpu.memref_slice %arg2[%dma_start3A_112, %dma_start3A_113] : memref<10000x128xf32, #tpu.memory_space<hbm>> -> memref<10000x128xf32, #tpu.memory_space<hbm>>
      tpu.enqueue_indirect_dma source(%dma_start3A_114 : memref<10000x128xf32, #tpu.memory_space<hbm>>) target(%arg10 : memref<128x128xf32, #tpu.memory_space<vmem>>) offsets(%dma_start3A_111 : memref<128xi32, #tpu.memory_space<vmem>>) semaphore(%arg12 : memref<!tpu.dma_semaphore, #tpu.memory_space<semaphore_mem>>)
      %dma_start3A_115 = arith.constant 5 : i32
      %dma_start3A_116 = arith.constant 0 : i32
      %dma_start3A_117 = tpu.memref_slice %arg8[%dma_start3A_115, %dma_start3A_116] : memref<8x128xi32, #tpu.memory_space<vmem>> -> memref<1x128xi32, #tpu.memory_space<vmem>>
      %dma_start3A_118 = tpu.memref_squeeze %dma_start3A_117 : memref<1x128xi32, #tpu.memory_space<vmem>> -> memref<128xi32, #tpu.memory_space<vmem>>
      %dma_start3A_119 = arith.constant 0 : i32
      %dma_start3A_120 = arith.constant 0 : i32
      %dma_start3A_121 = tpu.memref_slice %arg2[%dma_start3A_119, %dma_start3A_120] : memref<10000x128xf32, #tpu.memory_space<hbm>> -> memref<10000x128xf32, #tpu.memory_space<hbm>>
      tpu.enqueue_indirect_dma source(%dma_start3A_121 : memref<10000x128xf32, #tpu.memory_space<hbm>>) target(%arg11 : memref<128x128xf32, #tpu.memory_space<vmem>>) offsets(%dma_start3A_118 : memref<128xi32, #tpu.memory_space<vmem>>) semaphore(%arg12 : memref<!tpu.dma_semaphore, #tpu.memory_space<semaphore_mem>>)
      %dma_wait3A_122 = arith.constant 4 : i32
      %dma_wait3A_123 = arith.constant 0 : i32
      %dma_wait3A_124 = tpu.memref_slice %arg8[%dma_wait3A_122, %dma_wait3A_123] : memref<8x128xi32, #tpu.memory_space<vmem>> -> memref<1x128xi32, #tpu.memory_space<vmem>>
      %dma_wait3A_125 = tpu.memref_squeeze %dma_wait3A_124 : memref<1x128xi32, #tpu.memory_space<vmem>> -> memref<128xi32, #tpu.memory_space<vmem>>
      %dma_wait3A_126 = arith.constant 0 : i32
      %dma_wait3A_127 = arith.constant 0 : i32
      %dma_wait3A_128 = tpu.memref_slice %arg2[%dma_wait3A_126, %dma_wait3A_127] : memref<10000x128xf32, #tpu.memory_space<hbm>> -> memref<10000x128xf32, #tpu.memory_space<hbm>>
      tpu.wait_indirect_dma semaphore(%arg12 : memref<!tpu.dma_semaphore, #tpu.memory_space<semaphore_mem>>) src(%dma_wait3A_128 : memref<10000x128xf32, #tpu.memory_space<hbm>>) dst(%arg10 : memref<128x128xf32, #tpu.memory_space<vmem>>)
      %dma_wait3A_129 = arith.constant 5 : i32
      %dma_wait3A_130 = arith.constant 0 : i32
      %dma_wait3A_131 = tpu.memref_slice %arg8[%dma_wait3A_129, %dma_wait3A_130] : memref<8x128xi32, #tpu.memory_space<vmem>> -> memref<1x128xi32, #tpu.memory_space<vmem>>
      %dma_wait3A_132 = tpu.memref_squeeze %dma_wait3A_131 : memref<1x128xi32, #tpu.memory_space<vmem>> -> memref<128xi32, #tpu.memory_space<vmem>>
      %dma_wait3A_133 = arith.constant 0 : i32
      %dma_wait3A_134 = arith.constant 0 : i32
      %dma_wait3A_135 = tpu.memref_slice %arg2[%dma_wait3A_133, %dma_wait3A_134] : memref<10000x128xf32, #tpu.memory_space<hbm>> -> memref<10000x128xf32, #tpu.memory_space<hbm>>
      tpu.wait_indirect_dma semaphore(%arg12 : memref<!tpu.dma_semaphore, #tpu.memory_space<semaphore_mem>>) src(%dma_wait3A_135 : memref<10000x128xf32, #tpu.memory_space<hbm>>) dst(%arg11 : memref<128x128xf32, #tpu.memory_space<vmem>>)
      %run_scoped3A_136 = arith.constant 4 : i32
      "tpu.region"() ({
        %run_scoped3A_168 = tpu.sem_alloc : memref<!tpu.dma_semaphore, #tpu.memory_space<semaphore_mem>>
        %dma_start3A_169 = arith.constant 0 : i32
        %dma_start3A_170 = tpu.memref_slice %arg9[%run_scoped3A_136, %dma_start3A_169] : memref<8x128xi32, #tpu.memory_space<vmem>> -> memref<1x128xi32, #tpu.memory_space<vmem>>
        %dma_start3A_171 = tpu.memref_squeeze %dma_start3A_170 : memref<1x128xi32, #tpu.memory_space<vmem>> -> memref<128xi32, #tpu.memory_space<vmem>>
        %dma_start3A_172 = arith.constant 0 : i32
        %dma_start3A_173 = arith.constant 0 : i32
        %dma_start3A_174 = tpu.memref_slice %arg7[%dma_start3A_172, %dma_start3A_173] : memref<10240x128xf32, #tpu.memory_space<vmem_shared>> -> memref<10240x128xf32, #tpu.memory_space<vmem_shared>>
        tpu.enqueue_indirect_dma source(%arg10 : memref<128x128xf32, #tpu.memory_space<vmem>>) target(%dma_start3A_174 : memref<10240x128xf32, #tpu.memory_space<vmem_shared>>) offsets(%dma_start3A_171 : memref<128xi32, #tpu.memory_space<vmem>>) semaphore(%run_scoped3A_168 : memref<!tpu.dma_semaphore, #tpu.memory_space<semaphore_mem>>) {add = true}
        %dma_wait3A_175 = arith.constant 0 : i32
        %dma_wait3A_176 = tpu.memref_slice %arg9[%run_scoped3A_136, %dma_wait3A_175] : memref<8x128xi32, #tpu.memory_space<vmem>> -> memref<1x128xi32, #tpu.memory_space<vmem>>
        %dma_wait3A_177 = tpu.memref_squeeze %dma_wait3A_176 : memref<1x128xi32, #tpu.memory_space<vmem>> -> memref<128xi32, #tpu.memory_space<vmem>>
        %dma_wait3A_178 = arith.constant 0 : i32
        %dma_wait3A_179 = arith.constant 0 : i32
        %dma_wait3A_180 = tpu.memref_slice %arg7[%dma_wait3A_178, %dma_wait3A_179] : memref<10240x128xf32, #tpu.memory_space<vmem_shared>> -> memref<10240x128xf32, #tpu.memory_space<vmem_shared>>
        tpu.wait_indirect_dma semaphore(%run_scoped3A_168 : memref<!tpu.dma_semaphore, #tpu.memory_space<semaphore_mem>>) src(%arg10 : memref<128x128xf32, #tpu.memory_space<vmem>>) dst(%dma_wait3A_180 : memref<10240x128xf32, #tpu.memory_space<vmem_shared>>)
        tpu.yield
      }) : () -> ()
      %run_scoped3A_137 = arith.constant 5 : i32
      "tpu.region"() ({
        %run_scoped3A_168 = tpu.sem_alloc : memref<!tpu.dma_semaphore, #tpu.memory_space<semaphore_mem>>
        %dma_start3A_169 = arith.constant 0 : i32
        %dma_start3A_170 = tpu.memref_slice %arg9[%run_scoped3A_137, %dma_start3A_169] : memref<8x128xi32, #tpu.memory_space<vmem>> -> memref<1x128xi32, #tpu.memory_space<vmem>>
        %dma_start3A_171 = tpu.memref_squeeze %dma_start3A_170 : memref<1x128xi32, #tpu.memory_space<vmem>> -> memref<128xi32, #tpu.memory_space<vmem>>
        %dma_start3A_172 = arith.constant 0 : i32
        %dma_start3A_173 = arith.constant 0 : i32
        %dma_start3A_174 = tpu.memref_slice %arg7[%dma_start3A_172, %dma_start3A_173] : memref<10240x128xf32, #tpu.memory_space<vmem_shared>> -> memref<10240x128xf32, #tpu.memory_space<vmem_shared>>
        tpu.enqueue_indirect_dma source(%arg11 : memref<128x128xf32, #tpu.memory_space<vmem>>) target(%dma_start3A_174 : memref<10240x128xf32, #tpu.memory_space<vmem_shared>>) offsets(%dma_start3A_171 : memref<128xi32, #tpu.memory_space<vmem>>) semaphore(%run_scoped3A_168 : memref<!tpu.dma_semaphore, #tpu.memory_space<semaphore_mem>>) {add = true}
        %dma_wait3A_175 = arith.constant 0 : i32
        %dma_wait3A_176 = tpu.memref_slice %arg9[%run_scoped3A_137, %dma_wait3A_175] : memref<8x128xi32, #tpu.memory_space<vmem>> -> memref<1x128xi32, #tpu.memory_space<vmem>>
        %dma_wait3A_177 = tpu.memref_squeeze %dma_wait3A_176 : memref<1x128xi32, #tpu.memory_space<vmem>> -> memref<128xi32, #tpu.memory_space<vmem>>
        %dma_wait3A_178 = arith.constant 0 : i32
        %dma_wait3A_179 = arith.constant 0 : i32
        %dma_wait3A_180 = tpu.memref_slice %arg7[%dma_wait3A_178, %dma_wait3A_179] : memref<10240x128xf32, #tpu.memory_space<vmem_shared>> -> memref<10240x128xf32, #tpu.memory_space<vmem_shared>>
        tpu.wait_indirect_dma semaphore(%run_scoped3A_168 : memref<!tpu.dma_semaphore, #tpu.memory_space<semaphore_mem>>) src(%arg11 : memref<128x128xf32, #tpu.memory_space<vmem>>) dst(%dma_wait3A_180 : memref<10240x128xf32, #tpu.memory_space<vmem_shared>>)
        tpu.yield
      }) : () -> ()
      %dma_start3A_138 = arith.constant 6 : i32
      %dma_start3A_139 = arith.constant 0 : i32
      %dma_start3A_140 = tpu.memref_slice %arg8[%dma_start3A_138, %dma_start3A_139] : memref<8x128xi32, #tpu.memory_space<vmem>> -> memref<1x128xi32, #tpu.memory_space<vmem>>
      %dma_start3A_141 = tpu.memref_squeeze %dma_start3A_140 : memref<1x128xi32, #tpu.memory_space<vmem>> -> memref<128xi32, #tpu.memory_space<vmem>>
      %dma_start3A_142 = arith.constant 0 : i32
      %dma_start3A_143 = arith.constant 0 : i32
      %dma_start3A_144 = tpu.memref_slice %arg2[%dma_start3A_142, %dma_start3A_143] : memref<10000x128xf32, #tpu.memory_space<hbm>> -> memref<10000x128xf32, #tpu.memory_space<hbm>>
      tpu.enqueue_indirect_dma source(%dma_start3A_144 : memref<10000x128xf32, #tpu.memory_space<hbm>>) target(%arg10 : memref<128x128xf32, #tpu.memory_space<vmem>>) offsets(%dma_start3A_141 : memref<128xi32, #tpu.memory_space<vmem>>) semaphore(%arg12 : memref<!tpu.dma_semaphore, #tpu.memory_space<semaphore_mem>>)
      %dma_start3A_145 = arith.constant 7 : i32
      %dma_start3A_146 = arith.constant 0 : i32
      %dma_start3A_147 = tpu.memref_slice %arg8[%dma_start3A_145, %dma_start3A_146] : memref<8x128xi32, #tpu.memory_space<vmem>> -> memref<1x128xi32, #tpu.memory_space<vmem>>
      %dma_start3A_148 = tpu.memref_squeeze %dma_start3A_147 : memref<1x128xi32, #tpu.memory_space<vmem>> -> memref<128xi32, #tpu.memory_space<vmem>>
      %dma_start3A_149 = arith.constant 0 : i32
      %dma_start3A_150 = arith.constant 0 : i32
      %dma_start3A_151 = tpu.memref_slice %arg2[%dma_start3A_149, %dma_start3A_150] : memref<10000x128xf32, #tpu.memory_space<hbm>> -> memref<10000x128xf32, #tpu.memory_space<hbm>>
      tpu.enqueue_indirect_dma source(%dma_start3A_151 : memref<10000x128xf32, #tpu.memory_space<hbm>>) target(%arg11 : memref<128x128xf32, #tpu.memory_space<vmem>>) offsets(%dma_start3A_148 : memref<128xi32, #tpu.memory_space<vmem>>) semaphore(%arg12 : memref<!tpu.dma_semaphore, #tpu.memory_space<semaphore_mem>>)
      %dma_wait3A_152 = arith.constant 6 : i32
      %dma_wait3A_153 = arith.constant 0 : i32
      %dma_wait3A_154 = tpu.memref_slice %arg8[%dma_wait3A_152, %dma_wait3A_153] : memref<8x128xi32, #tpu.memory_space<vmem>> -> memref<1x128xi32, #tpu.memory_space<vmem>>
      %dma_wait3A_155 = tpu.memref_squeeze %dma_wait3A_154 : memref<1x128xi32, #tpu.memory_space<vmem>> -> memref<128xi32, #tpu.memory_space<vmem>>
      %dma_wait3A_156 = arith.constant 0 : i32
      %dma_wait3A_157 = arith.constant 0 : i32
      %dma_wait3A_158 = tpu.memref_slice %arg2[%dma_wait3A_156, %dma_wait3A_157] : memref<10000x128xf32, #tpu.memory_space<hbm>> -> memref<10000x128xf32, #tpu.memory_space<hbm>>
      tpu.wait_indirect_dma semaphore(%arg12 : memref<!tpu.dma_semaphore, #tpu.memory_space<semaphore_mem>>) src(%dma_wait3A_158 : memref<10000x128xf32, #tpu.memory_space<hbm>>) dst(%arg10 : memref<128x128xf32, #tpu.memory_space<vmem>>)
      %dma_wait3A_159 = arith.constant 7 : i32
      %dma_wait3A_160 = arith.constant 0 : i32
      %dma_wait3A_161 = tpu.memref_slice %arg8[%dma_wait3A_159, %dma_wait3A_160] : memref<8x128xi32, #tpu.memory_space<vmem>> -> memref<1x128xi32, #tpu.memory_space<vmem>>
      %dma_wait3A_162 = tpu.memref_squeeze %dma_wait3A_161 : memref<1x128xi32, #tpu.memory_space<vmem>> -> memref<128xi32, #tpu.memory_space<vmem>>
      %dma_wait3A_163 = arith.constant 0 : i32
      %dma_wait3A_164 = arith.constant 0 : i32
      %dma_wait3A_165 = tpu.memref_slice %arg2[%dma_wait3A_163, %dma_wait3A_164] : memref<10000x128xf32, #tpu.memory_space<hbm>> -> memref<10000x128xf32, #tpu.memory_space<hbm>>
      tpu.wait_indirect_dma semaphore(%arg12 : memref<!tpu.dma_semaphore, #tpu.memory_space<semaphore_mem>>) src(%dma_wait3A_165 : memref<10000x128xf32, #tpu.memory_space<hbm>>) dst(%arg11 : memref<128x128xf32, #tpu.memory_space<vmem>>)
      %run_scoped3A_166 = arith.constant 6 : i32
      "tpu.region"() ({
        %run_scoped3A_168 = tpu.sem_alloc : memref<!tpu.dma_semaphore, #tpu.memory_space<semaphore_mem>>
        %dma_start3A_169 = arith.constant 0 : i32
        %dma_start3A_170 = tpu.memref_slice %arg9[%run_scoped3A_166, %dma_start3A_169] : memref<8x128xi32, #tpu.memory_space<vmem>> -> memref<1x128xi32, #tpu.memory_space<vmem>>
        %dma_start3A_171 = tpu.memref_squeeze %dma_start3A_170 : memref<1x128xi32, #tpu.memory_space<vmem>> -> memref<128xi32, #tpu.memory_space<vmem>>
        %dma_start3A_172 = arith.constant 0 : i32
        %dma_start3A_173 = arith.constant 0 : i32
        %dma_start3A_174 = tpu.memref_slice %arg7[%dma_start3A_172, %dma_start3A_173] : memref<10240x128xf32, #tpu.memory_space<vmem_shared>> -> memref<10240x128xf32, #tpu.memory_space<vmem_shared>>
        tpu.enqueue_indirect_dma source(%arg10 : memref<128x128xf32, #tpu.memory_space<vmem>>) target(%dma_start3A_174 : memref<10240x128xf32, #tpu.memory_space<vmem_shared>>) offsets(%dma_start3A_171 : memref<128xi32, #tpu.memory_space<vmem>>) semaphore(%run_scoped3A_168 : memref<!tpu.dma_semaphore, #tpu.memory_space<semaphore_mem>>) {add = true}
        %dma_wait3A_175 = arith.constant 0 : i32
        %dma_wait3A_176 = tpu.memref_slice %arg9[%run_scoped3A_166, %dma_wait3A_175] : memref<8x128xi32, #tpu.memory_space<vmem>> -> memref<1x128xi32, #tpu.memory_space<vmem>>
        %dma_wait3A_177 = tpu.memref_squeeze %dma_wait3A_176 : memref<1x128xi32, #tpu.memory_space<vmem>> -> memref<128xi32, #tpu.memory_space<vmem>>
        %dma_wait3A_178 = arith.constant 0 : i32
        %dma_wait3A_179 = arith.constant 0 : i32
        %dma_wait3A_180 = tpu.memref_slice %arg7[%dma_wait3A_178, %dma_wait3A_179] : memref<10240x128xf32, #tpu.memory_space<vmem_shared>> -> memref<10240x128xf32, #tpu.memory_space<vmem_shared>>
        tpu.wait_indirect_dma semaphore(%run_scoped3A_168 : memref<!tpu.dma_semaphore, #tpu.memory_space<semaphore_mem>>) src(%arg10 : memref<128x128xf32, #tpu.memory_space<vmem>>) dst(%dma_wait3A_180 : memref<10240x128xf32, #tpu.memory_space<vmem_shared>>)
        tpu.yield
      }) : () -> ()
      %run_scoped3A_167 = arith.constant 7 : i32
      "tpu.region"() ({
        %run_scoped3A_168 = tpu.sem_alloc : memref<!tpu.dma_semaphore, #tpu.memory_space<semaphore_mem>>
        %dma_start3A_169 = arith.constant 0 : i32
        %dma_start3A_170 = tpu.memref_slice %arg9[%run_scoped3A_167, %dma_start3A_169] : memref<8x128xi32, #tpu.memory_space<vmem>> -> memref<1x128xi32, #tpu.memory_space<vmem>>
        %dma_start3A_171 = tpu.memref_squeeze %dma_start3A_170 : memref<1x128xi32, #tpu.memory_space<vmem>> -> memref<128xi32, #tpu.memory_space<vmem>>
        %dma_start3A_172 = arith.constant 0 : i32
        %dma_start3A_173 = arith.constant 0 : i32
        %dma_start3A_174 = tpu.memref_slice %arg7[%dma_start3A_172, %dma_start3A_173] : memref<10240x128xf32, #tpu.memory_space<vmem_shared>> -> memref<10240x128xf32, #tpu.memory_space<vmem_shared>>
        tpu.enqueue_indirect_dma source(%arg11 : memref<128x128xf32, #tpu.memory_space<vmem>>) target(%dma_start3A_174 : memref<10240x128xf32, #tpu.memory_space<vmem_shared>>) offsets(%dma_start3A_171 : memref<128xi32, #tpu.memory_space<vmem>>) semaphore(%run_scoped3A_168 : memref<!tpu.dma_semaphore, #tpu.memory_space<semaphore_mem>>) {add = true}
        %dma_wait3A_175 = arith.constant 0 : i32
        %dma_wait3A_176 = tpu.memref_slice %arg9[%run_scoped3A_167, %dma_wait3A_175] : memref<8x128xi32, #tpu.memory_space<vmem>> -> memref<1x128xi32, #tpu.memory_space<vmem>>
        %dma_wait3A_177 = tpu.memref_squeeze %dma_wait3A_176 : memref<1x128xi32, #tpu.memory_space<vmem>> -> memref<128xi32, #tpu.memory_space<vmem>>
        %dma_wait3A_178 = arith.constant 0 : i32
        %dma_wait3A_179 = arith.constant 0 : i32
        %dma_wait3A_180 = tpu.memref_slice %arg7[%dma_wait3A_178, %dma_wait3A_179] : memref<10240x128xf32, #tpu.memory_space<vmem_shared>> -> memref<10240x128xf32, #tpu.memory_space<vmem_shared>>
        tpu.wait_indirect_dma semaphore(%run_scoped3A_168 : memref<!tpu.dma_semaphore, #tpu.memory_space<semaphore_mem>>) src(%arg11 : memref<128x128xf32, #tpu.memory_space<vmem>>) dst(%dma_wait3A_180 : memref<10240x128xf32, #tpu.memory_space<vmem_shared>>)
        tpu.yield
      }) : () -> ()
    }
    %while3A_38 = arith.constant 1 : i32
    scf.for %while3A_47 = %while3A_36 to %while3A_32 step %while3A_38  : i32 {
      %mul3A_48 = arith.constant 8 : i32
      %mul3A_49 = arith.muli %while3A_47, %mul3A_48 : i32
      %add3A_50 = arith.addi %select_n3A, %mul3A_49 : i32
      "tpu.region"() ({
        %run_scoped3A_168 = tpu.sem_alloc : memref<!tpu.dma_semaphore, #tpu.memory_space<semaphore_mem>>
        %dma_start3A_169 = arith.constant 0 : i32
        %dma_start3A_170 = tpu.memref_slice %arg3[%add3A_50, %dma_start3A_169] : memref<2560x128xi32, #tpu.memory_space<hbm>> -> memref<8x128xi32, #tpu.memory_space<hbm>>
        %dma_start3A_171 = arith.constant 0 : i32
        %dma_start3A_172 = tpu.memref_slice %arg3[%add3A_50, %dma_start3A_171] : memref<2560x128xi32, #tpu.memory_space<hbm>> -> memref<8x128xi32, #tpu.memory_space<hbm>>
        tpu.enqueue_dma source(%dma_start3A_172 : memref<8x128xi32, #tpu.memory_space<hbm>>) target(%arg8 : memref<8x128xi32, #tpu.memory_space<vmem>>) target_semaphore(%run_scoped3A_168 : memref<!tpu.dma_semaphore, #tpu.memory_space<semaphore_mem>>)
        %dma_wait3A_173 = arith.constant 0 : i32
        %dma_wait3A_174 = tpu.memref_slice %arg3[%add3A_50, %dma_wait3A_173] : memref<2560x128xi32, #tpu.memory_space<hbm>> -> memref<8x128xi32, #tpu.memory_space<hbm>>
        %dma_wait3A_175 = arith.constant 0 : i32
        %dma_wait3A_176 = tpu.memref_slice %arg3[%add3A_50, %dma_wait3A_175] : memref<2560x128xi32, #tpu.memory_space<hbm>> -> memref<8x128xi32, #tpu.memory_space<hbm>>
        tpu.wait_dma2 semaphore(%run_scoped3A_168 : memref<!tpu.dma_semaphore, #tpu.memory_space<semaphore_mem>>) src(%dma_wait3A_176 : memref<8x128xi32, #tpu.memory_space<hbm>>) dst(%arg8 : memref<8x128xi32, #tpu.memory_space<vmem>>)
        tpu.yield
      }) : () -> ()
      "tpu.region"() ({
        %run_scoped3A_168 = tpu.sem_alloc : memref<!tpu.dma_semaphore, #tpu.memory_space<semaphore_mem>>
        %dma_start3A_169 = arith.constant 0 : i32
        %dma_start3A_170 = tpu.memref_slice %arg4[%add3A_50, %dma_start3A_169] : memref<2560x128xi32, #tpu.memory_space<hbm>> -> memref<8x128xi32, #tpu.memory_space<hbm>>
        %dma_start3A_171 = arith.constant 0 : i32
        %dma_start3A_172 = tpu.memref_slice %arg4[%add3A_50, %dma_start3A_171] : memref<2560x128xi32, #tpu.memory_space<hbm>> -> memref<8x128xi32, #tpu.memory_space<hbm>>
        tpu.enqueue_dma source(%dma_start3A_172 : memref<8x128xi32, #tpu.memory_space<hbm>>) target(%arg9 : memref<8x128xi32, #tpu.memory_space<vmem>>) target_semaphore(%run_scoped3A_168 : memref<!tpu.dma_semaphore, #tpu.memory_space<semaphore_mem>>)
        %dma_wait3A_173 = arith.constant 0 : i32
        %dma_wait3A_174 = tpu.memref_slice %arg4[%add3A_50, %dma_wait3A_173] : memref<2560x128xi32, #tpu.memory_space<hbm>> -> memref<8x128xi32, #tpu.memory_space<hbm>>
        %dma_wait3A_175 = arith.constant 0 : i32
        %dma_wait3A_176 = tpu.memref_slice %arg4[%add3A_50, %dma_wait3A_175] : memref<2560x128xi32, #tpu.memory_space<hbm>> -> memref<8x128xi32, #tpu.memory_space<hbm>>
        tpu.wait_dma2 semaphore(%run_scoped3A_168 : memref<!tpu.dma_semaphore, #tpu.memory_space<semaphore_mem>>) src(%dma_wait3A_176 : memref<8x128xi32, #tpu.memory_space<hbm>>) dst(%arg9 : memref<8x128xi32, #tpu.memory_space<vmem>>)
        tpu.yield
      }) : () -> ()
      %dma_start3A = arith.constant 0 : i32
      %dma_start3A_51 = arith.constant 0 : i32
      %dma_start3A_52 = tpu.memref_slice %arg8[%dma_start3A, %dma_start3A_51] : memref<8x128xi32, #tpu.memory_space<vmem>> -> memref<1x128xi32, #tpu.memory_space<vmem>>
      %dma_start3A_53 = tpu.memref_squeeze %dma_start3A_52 : memref<1x128xi32, #tpu.memory_space<vmem>> -> memref<128xi32, #tpu.memory_space<vmem>>
      %dma_start3A_54 = arith.constant 0 : i32
      %dma_start3A_55 = arith.constant 0 : i32
      %dma_start3A_56 = tpu.memref_slice %arg2[%dma_start3A_54, %dma_start3A_55] : memref<10000x128xf32, #tpu.memory_space<hbm>> -> memref<10000x128xf32, #tpu.memory_space<hbm>>
      tpu.enqueue_indirect_dma source(%dma_start3A_56 : memref<10000x128xf32, #tpu.memory_space<hbm>>) target(%arg10 : memref<128x128xf32, #tpu.memory_space<vmem>>) offsets(%dma_start3A_53 : memref<128xi32, #tpu.memory_space<vmem>>) semaphore(%arg12 : memref<!tpu.dma_semaphore, #tpu.memory_space<semaphore_mem>>)
      %dma_start3A_57 = arith.constant 1 : i32
      %dma_start3A_58 = arith.constant 0 : i32
      %dma_start3A_59 = tpu.memref_slice %arg8[%dma_start3A_57, %dma_start3A_58] : memref<8x128xi32, #tpu.memory_space<vmem>> -> memref<1x128xi32, #tpu.memory_space<vmem>>
      %dma_start3A_60 = tpu.memref_squeeze %dma_start3A_59 : memref<1x128xi32, #tpu.memory_space<vmem>> -> memref<128xi32, #tpu.memory_space<vmem>>
      %dma_start3A_61 = arith.constant 0 : i32
      %dma_start3A_62 = arith.constant 0 : i32
      %dma_start3A_63 = tpu.memref_slice %arg2[%dma_start3A_61, %dma_start3A_62] : memref<10000x128xf32, #tpu.memory_space<hbm>> -> memref<10000x128xf32, #tpu.memory_space<hbm>>
      tpu.enqueue_indirect_dma source(%dma_start3A_63 : memref<10000x128xf32, #tpu.memory_space<hbm>>) target(%arg11 : memref<128x128xf32, #tpu.memory_space<vmem>>) offsets(%dma_start3A_60 : memref<128xi32, #tpu.memory_space<vmem>>) semaphore(%arg12 : memref<!tpu.dma_semaphore, #tpu.memory_space<semaphore_mem>>)
      %dma_wait3A = arith.constant 0 : i32
      %dma_wait3A_64 = arith.constant 0 : i32
      %dma_wait3A_65 = tpu.memref_slice %arg8[%dma_wait3A, %dma_wait3A_64] : memref<8x128xi32, #tpu.memory_space<vmem>> -> memref<1x128xi32, #tpu.memory_space<vmem>>
      %dma_wait3A_66 = tpu.memref_squeeze %dma_wait3A_65 : memref<1x128xi32, #tpu.memory_space<vmem>> -> memref<128xi32, #tpu.memory_space<vmem>>
      %dma_wait3A_67 = arith.constant 0 : i32
      %dma_wait3A_68 = arith.constant 0 : i32
      %dma_wait3A_69 = tpu.memref_slice %arg2[%dma_wait3A_67, %dma_wait3A_68] : memref<10000x128xf32, #tpu.memory_space<hbm>> -> memref<10000x128xf32, #tpu.memory_space<hbm>>
      tpu.wait_indirect_dma semaphore(%arg12 : memref<!tpu.dma_semaphore, #tpu.memory_space<semaphore_mem>>) src(%dma_wait3A_69 : memref<10000x128xf32, #tpu.memory_space<hbm>>) dst(%arg10 : memref<128x128xf32, #tpu.memory_space<vmem>>)
      %dma_wait3A_70 = arith.constant 1 : i32
      %dma_wait3A_71 = arith.constant 0 : i32
      %dma_wait3A_72 = tpu.memref_slice %arg8[%dma_wait3A_70, %dma_wait3A_71] : memref<8x128xi32, #tpu.memory_space<vmem>> -> memref<1x128xi32, #tpu.memory_space<vmem>>
      %dma_wait3A_73 = tpu.memref_squeeze %dma_wait3A_72 : memref<1x128xi32, #tpu.memory_space<vmem>> -> memref<128xi32, #tpu.memory_space<vmem>>
      %dma_wait3A_74 = arith.constant 0 : i32
      %dma_wait3A_75 = arith.constant 0 : i32
      %dma_wait3A_76 = tpu.memref_slice %arg2[%dma_wait3A_74, %dma_wait3A_75] : memref<10000x128xf32, #tpu.memory_space<hbm>> -> memref<10000x128xf32, #tpu.memory_space<hbm>>
      tpu.wait_indirect_dma semaphore(%arg12 : memref<!tpu.dma_semaphore, #tpu.memory_space<semaphore_mem>>) src(%dma_wait3A_76 : memref<10000x128xf32, #tpu.memory_space<hbm>>) dst(%arg11 : memref<128x128xf32, #tpu.memory_space<vmem>>)
      %run_scoped3A = arith.constant 0 : i32
      "tpu.region"() ({
        %run_scoped3A_168 = tpu.sem_alloc : memref<!tpu.dma_semaphore, #tpu.memory_space<semaphore_mem>>
        %dma_start3A_169 = arith.constant 0 : i32
        %dma_start3A_170 = tpu.memref_slice %arg9[%run_scoped3A, %dma_start3A_169] : memref<8x128xi32, #tpu.memory_space<vmem>> -> memref<1x128xi32, #tpu.memory_space<vmem>>
        %dma_start3A_171 = tpu.memref_squeeze %dma_start3A_170 : memref<1x128xi32, #tpu.memory_space<vmem>> -> memref<128xi32, #tpu.memory_space<vmem>>
        %dma_start3A_172 = arith.constant 0 : i32
        %dma_start3A_173 = arith.constant 0 : i32
        %dma_start3A_174 = tpu.memref_slice %arg7[%dma_start3A_172, %dma_start3A_173] : memref<10240x128xf32, #tpu.memory_space<vmem_shared>> -> memref<10240x128xf32, #tpu.memory_space<vmem_shared>>
        tpu.enqueue_indirect_dma source(%arg10 : memref<128x128xf32, #tpu.memory_space<vmem>>) target(%dma_start3A_174 : memref<10240x128xf32, #tpu.memory_space<vmem_shared>>) offsets(%dma_start3A_171 : memref<128xi32, #tpu.memory_space<vmem>>) semaphore(%run_scoped3A_168 : memref<!tpu.dma_semaphore, #tpu.memory_space<semaphore_mem>>) {add = true}
        %dma_wait3A_175 = arith.constant 0 : i32
        %dma_wait3A_176 = tpu.memref_slice %arg9[%run_scoped3A, %dma_wait3A_175] : memref<8x128xi32, #tpu.memory_space<vmem>> -> memref<1x128xi32, #tpu.memory_space<vmem>>
        %dma_wait3A_177 = tpu.memref_squeeze %dma_wait3A_176 : memref<1x128xi32, #tpu.memory_space<vmem>> -> memref<128xi32, #tpu.memory_space<vmem>>
        %dma_wait3A_178 = arith.constant 0 : i32
        %dma_wait3A_179 = arith.constant 0 : i32
        %dma_wait3A_180 = tpu.memref_slice %arg7[%dma_wait3A_178, %dma_wait3A_179] : memref<10240x128xf32, #tpu.memory_space<vmem_shared>> -> memref<10240x128xf32, #tpu.memory_space<vmem_shared>>
        tpu.wait_indirect_dma semaphore(%run_scoped3A_168 : memref<!tpu.dma_semaphore, #tpu.memory_space<semaphore_mem>>) src(%arg10 : memref<128x128xf32, #tpu.memory_space<vmem>>) dst(%dma_wait3A_180 : memref<10240x128xf32, #tpu.memory_space<vmem_shared>>)
        tpu.yield
      }) : () -> ()
      %run_scoped3A_77 = arith.constant 1 : i32
      "tpu.region"() ({
        %run_scoped3A_168 = tpu.sem_alloc : memref<!tpu.dma_semaphore, #tpu.memory_space<semaphore_mem>>
        %dma_start3A_169 = arith.constant 0 : i32
        %dma_start3A_170 = tpu.memref_slice %arg9[%run_scoped3A_77, %dma_start3A_169] : memref<8x128xi32, #tpu.memory_space<vmem>> -> memref<1x128xi32, #tpu.memory_space<vmem>>
        %dma_start3A_171 = tpu.memref_squeeze %dma_start3A_170 : memref<1x128xi32, #tpu.memory_space<vmem>> -> memref<128xi32, #tpu.memory_space<vmem>>
        %dma_start3A_172 = arith.constant 0 : i32
        %dma_start3A_173 = arith.constant 0 : i32
        %dma_start3A_174 = tpu.memref_slice %arg7[%dma_start3A_172, %dma_start3A_173] : memref<10240x128xf32, #tpu.memory_space<vmem_shared>> -> memref<10240x128xf32, #tpu.memory_space<vmem_shared>>
        tpu.enqueue_indirect_dma source(%arg11 : memref<128x128xf32, #tpu.memory_space<vmem>>) target(%dma_start3A_174 : memref<10240x128xf32, #tpu.memory_space<vmem_shared>>) offsets(%dma_start3A_171 : memref<128xi32, #tpu.memory_space<vmem>>) semaphore(%run_scoped3A_168 : memref<!tpu.dma_semaphore, #tpu.memory_space<semaphore_mem>>) {add = true}
        %dma_wait3A_175 = arith.constant 0 : i32
        %dma_wait3A_176 = tpu.memref_slice %arg9[%run_scoped3A_77, %dma_wait3A_175] : memref<8x128xi32, #tpu.memory_space<vmem>> -> memref<1x128xi32, #tpu.memory_space<vmem>>
        %dma_wait3A_177 = tpu.memref_squeeze %dma_wait3A_176 : memref<1x128xi32, #tpu.memory_space<vmem>> -> memref<128xi32, #tpu.memory_space<vmem>>
        %dma_wait3A_178 = arith.constant 0 : i32
        %dma_wait3A_179 = arith.constant 0 : i32
        %dma_wait3A_180 = tpu.memref_slice %arg7[%dma_wait3A_178, %dma_wait3A_179] : memref<10240x128xf32, #tpu.memory_space<vmem_shared>> -> memref<10240x128xf32, #tpu.memory_space<vmem_shared>>
        tpu.wait_indirect_dma semaphore(%run_scoped3A_168 : memref<!tpu.dma_semaphore, #tpu.memory_space<semaphore_mem>>) src(%arg11 : memref<128x128xf32, #tpu.memory_space<vmem>>) dst(%dma_wait3A_180 : memref<10240x128xf32, #tpu.memory_space<vmem_shared>>)
        tpu.yield
      }) : () -> ()
      %dma_start3A_78 = arith.constant 2 : i32
      %dma_start3A_79 = arith.constant 0 : i32
      %dma_start3A_80 = tpu.memref_slice %arg8[%dma_start3A_78, %dma_start3A_79] : memref<8x128xi32, #tpu.memory_space<vmem>> -> memref<1x128xi32, #tpu.memory_space<vmem>>
      %dma_start3A_81 = tpu.memref_squeeze %dma_start3A_80 : memref<1x128xi32, #tpu.memory_space<vmem>> -> memref<128xi32, #tpu.memory_space<vmem>>
      %dma_start3A_82 = arith.constant 0 : i32
      %dma_start3A_83 = arith.constant 0 : i32
      %dma_start3A_84 = tpu.memref_slice %arg2[%dma_start3A_82, %dma_start3A_83] : memref<10000x128xf32, #tpu.memory_space<hbm>> -> memref<10000x128xf32, #tpu.memory_space<hbm>>
      tpu.enqueue_indirect_dma source(%dma_start3A_84 : memref<10000x128xf32, #tpu.memory_space<hbm>>) target(%arg10 : memref<128x128xf32, #tpu.memory_space<vmem>>) offsets(%dma_start3A_81 : memref<128xi32, #tpu.memory_space<vmem>>) semaphore(%arg12 : memref<!tpu.dma_semaphore, #tpu.memory_space<semaphore_mem>>)
      %dma_start3A_85 = arith.constant 3 : i32
      %dma_start3A_86 = arith.constant 0 : i32
      %dma_start3A_87 = tpu.memref_slice %arg8[%dma_start3A_85, %dma_start3A_86] : memref<8x128xi32, #tpu.memory_space<vmem>> -> memref<1x128xi32, #tpu.memory_space<vmem>>
      %dma_start3A_88 = tpu.memref_squeeze %dma_start3A_87 : memref<1x128xi32, #tpu.memory_space<vmem>> -> memref<128xi32, #tpu.memory_space<vmem>>
      %dma_start3A_89 = arith.constant 0 : i32
      %dma_start3A_90 = arith.constant 0 : i32
      %dma_start3A_91 = tpu.memref_slice %arg2[%dma_start3A_89, %dma_start3A_90] : memref<10000x128xf32, #tpu.memory_space<hbm>> -> memref<10000x128xf32, #tpu.memory_space<hbm>>
      tpu.enqueue_indirect_dma source(%dma_start3A_91 : memref<10000x128xf32, #tpu.memory_space<hbm>>) target(%arg11 : memref<128x128xf32, #tpu.memory_space<vmem>>) offsets(%dma_start3A_88 : memref<128xi32, #tpu.memory_space<vmem>>) semaphore(%arg12 : memref<!tpu.dma_semaphore, #tpu.memory_space<semaphore_mem>>)
      %dma_wait3A_92 = arith.constant 2 : i32
      %dma_wait3A_93 = arith.constant 0 : i32
      %dma_wait3A_94 = tpu.memref_slice %arg8[%dma_wait3A_92, %dma_wait3A_93] : memref<8x128xi32, #tpu.memory_space<vmem>> -> memref<1x128xi32, #tpu.memory_space<vmem>>
      %dma_wait3A_95 = tpu.memref_squeeze %dma_wait3A_94 : memref<1x128xi32, #tpu.memory_space<vmem>> -> memref<128xi32, #tpu.memory_space<vmem>>
      %dma_wait3A_96 = arith.constant 0 : i32
      %dma_wait3A_97 = arith.constant 0 : i32
      %dma_wait3A_98 = tpu.memref_slice %arg2[%dma_wait3A_96, %dma_wait3A_97] : memref<10000x128xf32, #tpu.memory_space<hbm>> -> memref<10000x128xf32, #tpu.memory_space<hbm>>
      tpu.wait_indirect_dma semaphore(%arg12 : memref<!tpu.dma_semaphore, #tpu.memory_space<semaphore_mem>>) src(%dma_wait3A_98 : memref<10000x128xf32, #tpu.memory_space<hbm>>) dst(%arg10 : memref<128x128xf32, #tpu.memory_space<vmem>>)
      %dma_wait3A_99 = arith.constant 3 : i32
      %dma_wait3A_100 = arith.constant 0 : i32
      %dma_wait3A_101 = tpu.memref_slice %arg8[%dma_wait3A_99, %dma_wait3A_100] : memref<8x128xi32, #tpu.memory_space<vmem>> -> memref<1x128xi32, #tpu.memory_space<vmem>>
      %dma_wait3A_102 = tpu.memref_squeeze %dma_wait3A_101 : memref<1x128xi32, #tpu.memory_space<vmem>> -> memref<128xi32, #tpu.memory_space<vmem>>
      %dma_wait3A_103 = arith.constant 0 : i32
      %dma_wait3A_104 = arith.constant 0 : i32
      %dma_wait3A_105 = tpu.memref_slice %arg2[%dma_wait3A_103, %dma_wait3A_104] : memref<10000x128xf32, #tpu.memory_space<hbm>> -> memref<10000x128xf32, #tpu.memory_space<hbm>>
      tpu.wait_indirect_dma semaphore(%arg12 : memref<!tpu.dma_semaphore, #tpu.memory_space<semaphore_mem>>) src(%dma_wait3A_105 : memref<10000x128xf32, #tpu.memory_space<hbm>>) dst(%arg11 : memref<128x128xf32, #tpu.memory_space<vmem>>)
      %run_scoped3A_106 = arith.constant 2 : i32
      "tpu.region"() ({
        %run_scoped3A_168 = tpu.sem_alloc : memref<!tpu.dma_semaphore, #tpu.memory_space<semaphore_mem>>
        %dma_start3A_169 = arith.constant 0 : i32
        %dma_start3A_170 = tpu.memref_slice %arg9[%run_scoped3A_106, %dma_start3A_169] : memref<8x128xi32, #tpu.memory_space<vmem>> -> memref<1x128xi32, #tpu.memory_space<vmem>>
        %dma_start3A_171 = tpu.memref_squeeze %dma_start3A_170 : memref<1x128xi32, #tpu.memory_space<vmem>> -> memref<128xi32, #tpu.memory_space<vmem>>
        %dma_start3A_172 = arith.constant 0 : i32
        %dma_start3A_173 = arith.constant 0 : i32
        %dma_start3A_174 = tpu.memref_slice %arg7[%dma_start3A_172, %dma_start3A_173] : memref<10240x128xf32, #tpu.memory_space<vmem_shared>> -> memref<10240x128xf32, #tpu.memory_space<vmem_shared>>
        tpu.enqueue_indirect_dma source(%arg10 : memref<128x128xf32, #tpu.memory_space<vmem>>) target(%dma_start3A_174 : memref<10240x128xf32, #tpu.memory_space<vmem_shared>>) offsets(%dma_start3A_171 : memref<128xi32, #tpu.memory_space<vmem>>) semaphore(%run_scoped3A_168 : memref<!tpu.dma_semaphore, #tpu.memory_space<semaphore_mem>>) {add = true}
        %dma_wait3A_175 = arith.constant 0 : i32
        %dma_wait3A_176 = tpu.memref_slice %arg9[%run_scoped3A_106, %dma_wait3A_175] : memref<8x128xi32, #tpu.memory_space<vmem>> -> memref<1x128xi32, #tpu.memory_space<vmem>>
        %dma_wait3A_177 = tpu.memref_squeeze %dma_wait3A_176 : memref<1x128xi32, #tpu.memory_space<vmem>> -> memref<128xi32, #tpu.memory_space<vmem>>
        %dma_wait3A_178 = arith.constant 0 : i32
        %dma_wait3A_179 = arith.constant 0 : i32
        %dma_wait3A_180 = tpu.memref_slice %arg7[%dma_wait3A_178, %dma_wait3A_179] : memref<10240x128xf32, #tpu.memory_space<vmem_shared>> -> memref<10240x128xf32, #tpu.memory_space<vmem_shared>>
        tpu.wait_indirect_dma semaphore(%run_scoped3A_168 : memref<!tpu.dma_semaphore, #tpu.memory_space<semaphore_mem>>) src(%arg10 : memref<128x128xf32, #tpu.memory_space<vmem>>) dst(%dma_wait3A_180 : memref<10240x128xf32, #tpu.memory_space<vmem_shared>>)
        tpu.yield
      }) : () -> ()
      %run_scoped3A_107 = arith.constant 3 : i32
      "tpu.region"() ({
        %run_scoped3A_168 = tpu.sem_alloc : memref<!tpu.dma_semaphore, #tpu.memory_space<semaphore_mem>>
        %dma_start3A_169 = arith.constant 0 : i32
        %dma_start3A_170 = tpu.memref_slice %arg9[%run_scoped3A_107, %dma_start3A_169] : memref<8x128xi32, #tpu.memory_space<vmem>> -> memref<1x128xi32, #tpu.memory_space<vmem>>
        %dma_start3A_171 = tpu.memref_squeeze %dma_start3A_170 : memref<1x128xi32, #tpu.memory_space<vmem>> -> memref<128xi32, #tpu.memory_space<vmem>>
        %dma_start3A_172 = arith.constant 0 : i32
        %dma_start3A_173 = arith.constant 0 : i32
        %dma_start3A_174 = tpu.memref_slice %arg7[%dma_start3A_172, %dma_start3A_173] : memref<10240x128xf32, #tpu.memory_space<vmem_shared>> -> memref<10240x128xf32, #tpu.memory_space<vmem_shared>>
        tpu.enqueue_indirect_dma source(%arg11 : memref<128x128xf32, #tpu.memory_space<vmem>>) target(%dma_start3A_174 : memref<10240x128xf32, #tpu.memory_space<vmem_shared>>) offsets(%dma_start3A_171 : memref<128xi32, #tpu.memory_space<vmem>>) semaphore(%run_scoped3A_168 : memref<!tpu.dma_semaphore, #tpu.memory_space<semaphore_mem>>) {add = true}
        %dma_wait3A_175 = arith.constant 0 : i32
        %dma_wait3A_176 = tpu.memref_slice %arg9[%run_scoped3A_107, %dma_wait3A_175] : memref<8x128xi32, #tpu.memory_space<vmem>> -> memref<1x128xi32, #tpu.memory_space<vmem>>
        %dma_wait3A_177 = tpu.memref_squeeze %dma_wait3A_176 : memref<1x128xi32, #tpu.memory_space<vmem>> -> memref<128xi32, #tpu.memory_space<vmem>>
        %dma_wait3A_178 = arith.constant 0 : i32
        %dma_wait3A_179 = arith.constant 0 : i32
        %dma_wait3A_180 = tpu.memref_slice %arg7[%dma_wait3A_178, %dma_wait3A_179] : memref<10240x128xf32, #tpu.memory_space<vmem_shared>> -> memref<10240x128xf32, #tpu.memory_space<vmem_shared>>
        tpu.wait_indirect_dma semaphore(%run_scoped3A_168 : memref<!tpu.dma_semaphore, #tpu.memory_space<semaphore_mem>>) src(%arg11 : memref<128x128xf32, #tpu.memory_space<vmem>>) dst(%dma_wait3A_180 : memref<10240x128xf32, #tpu.memory_space<vmem_shared>>)
        tpu.yield
      }) : () -> ()
      %dma_start3A_108 = arith.constant 4 : i32
      %dma_start3A_109 = arith.constant 0 : i32
      %dma_start3A_110 = tpu.memref_slice %arg8[%dma_start3A_108, %dma_start3A_109] : memref<8x128xi32, #tpu.memory_space<vmem>> -> memref<1x128xi32, #tpu.memory_space<vmem>>
      %dma_start3A_111 = tpu.memref_squeeze %dma_start3A_110 : memref<1x128xi32, #tpu.memory_space<vmem>> -> memref<128xi32, #tpu.memory_space<vmem>>
      %dma_start3A_112 = arith.constant 0 : i32
      %dma_start3A_113 = arith.constant 0 : i32
      %dma_start3A_114 = tpu.memref_slice %arg2[%dma_start3A_112, %dma_start3A_113] : memref<10000x128xf32, #tpu.memory_space<hbm>> -> memref<10000x128xf32, #tpu.memory_space<hbm>>
      tpu.enqueue_indirect_dma source(%dma_start3A_114 : memref<10000x128xf32, #tpu.memory_space<hbm>>) target(%arg10 : memref<128x128xf32, #tpu.memory_space<vmem>>) offsets(%dma_start3A_111 : memref<128xi32, #tpu.memory_space<vmem>>) semaphore(%arg12 : memref<!tpu.dma_semaphore, #tpu.memory_space<semaphore_mem>>)
      %dma_start3A_115 = arith.constant 5 : i32
      %dma_start3A_116 = arith.constant 0 : i32
      %dma_start3A_117 = tpu.memref_slice %arg8[%dma_start3A_115, %dma_start3A_116] : memref<8x128xi32, #tpu.memory_space<vmem>> -> memref<1x128xi32, #tpu.memory_space<vmem>>
      %dma_start3A_118 = tpu.memref_squeeze %dma_start3A_117 : memref<1x128xi32, #tpu.memory_space<vmem>> -> memref<128xi32, #tpu.memory_space<vmem>>
      %dma_start3A_119 = arith.constant 0 : i32
      %dma_start3A_120 = arith.constant 0 : i32
      %dma_start3A_121 = tpu.memref_slice %arg2[%dma_start3A_119, %dma_start3A_120] : memref<10000x128xf32, #tpu.memory_space<hbm>> -> memref<10000x128xf32, #tpu.memory_space<hbm>>
      tpu.enqueue_indirect_dma source(%dma_start3A_121 : memref<10000x128xf32, #tpu.memory_space<hbm>>) target(%arg11 : memref<128x128xf32, #tpu.memory_space<vmem>>) offsets(%dma_start3A_118 : memref<128xi32, #tpu.memory_space<vmem>>) semaphore(%arg12 : memref<!tpu.dma_semaphore, #tpu.memory_space<semaphore_mem>>)
      %dma_wait3A_122 = arith.constant 4 : i32
      %dma_wait3A_123 = arith.constant 0 : i32
      %dma_wait3A_124 = tpu.memref_slice %arg8[%dma_wait3A_122, %dma_wait3A_123] : memref<8x128xi32, #tpu.memory_space<vmem>> -> memref<1x128xi32, #tpu.memory_space<vmem>>
      %dma_wait3A_125 = tpu.memref_squeeze %dma_wait3A_124 : memref<1x128xi32, #tpu.memory_space<vmem>> -> memref<128xi32, #tpu.memory_space<vmem>>
      %dma_wait3A_126 = arith.constant 0 : i32
      %dma_wait3A_127 = arith.constant 0 : i32
      %dma_wait3A_128 = tpu.memref_slice %arg2[%dma_wait3A_126, %dma_wait3A_127] : memref<10000x128xf32, #tpu.memory_space<hbm>> -> memref<10000x128xf32, #tpu.memory_space<hbm>>
      tpu.wait_indirect_dma semaphore(%arg12 : memref<!tpu.dma_semaphore, #tpu.memory_space<semaphore_mem>>) src(%dma_wait3A_128 : memref<10000x128xf32, #tpu.memory_space<hbm>>) dst(%arg10 : memref<128x128xf32, #tpu.memory_space<vmem>>)
      %dma_wait3A_129 = arith.constant 5 : i32
      %dma_wait3A_130 = arith.constant 0 : i32
      %dma_wait3A_131 = tpu.memref_slice %arg8[%dma_wait3A_129, %dma_wait3A_130] : memref<8x128xi32, #tpu.memory_space<vmem>> -> memref<1x128xi32, #tpu.memory_space<vmem>>
      %dma_wait3A_132 = tpu.memref_squeeze %dma_wait3A_131 : memref<1x128xi32, #tpu.memory_space<vmem>> -> memref<128xi32, #tpu.memory_space<vmem>>
      %dma_wait3A_133 = arith.constant 0 : i32
      %dma_wait3A_134 = arith.constant 0 : i32
      %dma_wait3A_135 = tpu.memref_slice %arg2[%dma_wait3A_133, %dma_wait3A_134] : memref<10000x128xf32, #tpu.memory_space<hbm>> -> memref<10000x128xf32, #tpu.memory_space<hbm>>
      tpu.wait_indirect_dma semaphore(%arg12 : memref<!tpu.dma_semaphore, #tpu.memory_space<semaphore_mem>>) src(%dma_wait3A_135 : memref<10000x128xf32, #tpu.memory_space<hbm>>) dst(%arg11 : memref<128x128xf32, #tpu.memory_space<vmem>>)
      %run_scoped3A_136 = arith.constant 4 : i32
      "tpu.region"() ({
        %run_scoped3A_168 = tpu.sem_alloc : memref<!tpu.dma_semaphore, #tpu.memory_space<semaphore_mem>>
        %dma_start3A_169 = arith.constant 0 : i32
        %dma_start3A_170 = tpu.memref_slice %arg9[%run_scoped3A_136, %dma_start3A_169] : memref<8x128xi32, #tpu.memory_space<vmem>> -> memref<1x128xi32, #tpu.memory_space<vmem>>
        %dma_start3A_171 = tpu.memref_squeeze %dma_start3A_170 : memref<1x128xi32, #tpu.memory_space<vmem>> -> memref<128xi32, #tpu.memory_space<vmem>>
        %dma_start3A_172 = arith.constant 0 : i32
        %dma_start3A_173 = arith.constant 0 : i32
        %dma_start3A_174 = tpu.memref_slice %arg7[%dma_start3A_172, %dma_start3A_173] : memref<10240x128xf32, #tpu.memory_space<vmem_shared>> -> memref<10240x128xf32, #tpu.memory_space<vmem_shared>>
        tpu.enqueue_indirect_dma source(%arg10 : memref<128x128xf32, #tpu.memory_space<vmem>>) target(%dma_start3A_174 : memref<10240x128xf32, #tpu.memory_space<vmem_shared>>) offsets(%dma_start3A_171 : memref<128xi32, #tpu.memory_space<vmem>>) semaphore(%run_scoped3A_168 : memref<!tpu.dma_semaphore, #tpu.memory_space<semaphore_mem>>) {add = true}
        %dma_wait3A_175 = arith.constant 0 : i32
        %dma_wait3A_176 = tpu.memref_slice %arg9[%run_scoped3A_136, %dma_wait3A_175] : memref<8x128xi32, #tpu.memory_space<vmem>> -> memref<1x128xi32, #tpu.memory_space<vmem>>
        %dma_wait3A_177 = tpu.memref_squeeze %dma_wait3A_176 : memref<1x128xi32, #tpu.memory_space<vmem>> -> memref<128xi32, #tpu.memory_space<vmem>>
        %dma_wait3A_178 = arith.constant 0 : i32
        %dma_wait3A_179 = arith.constant 0 : i32
        %dma_wait3A_180 = tpu.memref_slice %arg7[%dma_wait3A_178, %dma_wait3A_179] : memref<10240x128xf32, #tpu.memory_space<vmem_shared>> -> memref<10240x128xf32, #tpu.memory_space<vmem_shared>>
        tpu.wait_indirect_dma semaphore(%run_scoped3A_168 : memref<!tpu.dma_semaphore, #tpu.memory_space<semaphore_mem>>) src(%arg10 : memref<128x128xf32, #tpu.memory_space<vmem>>) dst(%dma_wait3A_180 : memref<10240x128xf32, #tpu.memory_space<vmem_shared>>)
        tpu.yield
      }) : () -> ()
      %run_scoped3A_137 = arith.constant 5 : i32
      "tpu.region"() ({
        %run_scoped3A_168 = tpu.sem_alloc : memref<!tpu.dma_semaphore, #tpu.memory_space<semaphore_mem>>
        %dma_start3A_169 = arith.constant 0 : i32
        %dma_start3A_170 = tpu.memref_slice %arg9[%run_scoped3A_137, %dma_start3A_169] : memref<8x128xi32, #tpu.memory_space<vmem>> -> memref<1x128xi32, #tpu.memory_space<vmem>>
        %dma_start3A_171 = tpu.memref_squeeze %dma_start3A_170 : memref<1x128xi32, #tpu.memory_space<vmem>> -> memref<128xi32, #tpu.memory_space<vmem>>
        %dma_start3A_172 = arith.constant 0 : i32
        %dma_start3A_173 = arith.constant 0 : i32
        %dma_start3A_174 = tpu.memref_slice %arg7[%dma_start3A_172, %dma_start3A_173] : memref<10240x128xf32, #tpu.memory_space<vmem_shared>> -> memref<10240x128xf32, #tpu.memory_space<vmem_shared>>
        tpu.enqueue_indirect_dma source(%arg11 : memref<128x128xf32, #tpu.memory_space<vmem>>) target(%dma_start3A_174 : memref<10240x128xf32, #tpu.memory_space<vmem_shared>>) offsets(%dma_start3A_171 : memref<128xi32, #tpu.memory_space<vmem>>) semaphore(%run_scoped3A_168 : memref<!tpu.dma_semaphore, #tpu.memory_space<semaphore_mem>>) {add = true}
        %dma_wait3A_175 = arith.constant 0 : i32
        %dma_wait3A_176 = tpu.memref_slice %arg9[%run_scoped3A_137, %dma_wait3A_175] : memref<8x128xi32, #tpu.memory_space<vmem>> -> memref<1x128xi32, #tpu.memory_space<vmem>>
        %dma_wait3A_177 = tpu.memref_squeeze %dma_wait3A_176 : memref<1x128xi32, #tpu.memory_space<vmem>> -> memref<128xi32, #tpu.memory_space<vmem>>
        %dma_wait3A_178 = arith.constant 0 : i32
        %dma_wait3A_179 = arith.constant 0 : i32
        %dma_wait3A_180 = tpu.memref_slice %arg7[%dma_wait3A_178, %dma_wait3A_179] : memref<10240x128xf32, #tpu.memory_space<vmem_shared>> -> memref<10240x128xf32, #tpu.memory_space<vmem_shared>>
        tpu.wait_indirect_dma semaphore(%run_scoped3A_168 : memref<!tpu.dma_semaphore, #tpu.memory_space<semaphore_mem>>) src(%arg11 : memref<128x128xf32, #tpu.memory_space<vmem>>) dst(%dma_wait3A_180 : memref<10240x128xf32, #tpu.memory_space<vmem_shared>>)
        tpu.yield
      }) : () -> ()
      %dma_start3A_138 = arith.constant 6 : i32
      %dma_start3A_139 = arith.constant 0 : i32
      %dma_start3A_140 = tpu.memref_slice %arg8[%dma_start3A_138, %dma_start3A_139] : memref<8x128xi32, #tpu.memory_space<vmem>> -> memref<1x128xi32, #tpu.memory_space<vmem>>
      %dma_start3A_141 = tpu.memref_squeeze %dma_start3A_140 : memref<1x128xi32, #tpu.memory_space<vmem>> -> memref<128xi32, #tpu.memory_space<vmem>>
      %dma_start3A_142 = arith.constant 0 : i32
      %dma_start3A_143 = arith.constant 0 : i32
      %dma_start3A_144 = tpu.memref_slice %arg2[%dma_start3A_142, %dma_start3A_143] : memref<10000x128xf32, #tpu.memory_space<hbm>> -> memref<10000x128xf32, #tpu.memory_space<hbm>>
      tpu.enqueue_indirect_dma source(%dma_start3A_144 : memref<10000x128xf32, #tpu.memory_space<hbm>>) target(%arg10 : memref<128x128xf32, #tpu.memory_space<vmem>>) offsets(%dma_start3A_141 : memref<128xi32, #tpu.memory_space<vmem>>) semaphore(%arg12 : memref<!tpu.dma_semaphore, #tpu.memory_space<semaphore_mem>>)
      %dma_start3A_145 = arith.constant 7 : i32
      %dma_start3A_146 = arith.constant 0 : i32
      %dma_start3A_147 = tpu.memref_slice %arg8[%dma_start3A_145, %dma_start3A_146] : memref<8x128xi32, #tpu.memory_space<vmem>> -> memref<1x128xi32, #tpu.memory_space<vmem>>
      %dma_start3A_148 = tpu.memref_squeeze %dma_start3A_147 : memref<1x128xi32, #tpu.memory_space<vmem>> -> memref<128xi32, #tpu.memory_space<vmem>>
      %dma_start3A_149 = arith.constant 0 : i32
      %dma_start3A_150 = arith.constant 0 : i32
      %dma_start3A_151 = tpu.memref_slice %arg2[%dma_start3A_149, %dma_start3A_150] : memref<10000x128xf32, #tpu.memory_space<hbm>> -> memref<10000x128xf32, #tpu.memory_space<hbm>>
      tpu.enqueue_indirect_dma source(%dma_start3A_151 : memref<10000x128xf32, #tpu.memory_space<hbm>>) target(%arg11 : memref<128x128xf32, #tpu.memory_space<vmem>>) offsets(%dma_start3A_148 : memref<128xi32, #tpu.memory_space<vmem>>) semaphore(%arg12 : memref<!tpu.dma_semaphore, #tpu.memory_space<semaphore_mem>>)
      %dma_wait3A_152 = arith.constant 6 : i32
      %dma_wait3A_153 = arith.constant 0 : i32
      %dma_wait3A_154 = tpu.memref_slice %arg8[%dma_wait3A_152, %dma_wait3A_153] : memref<8x128xi32, #tpu.memory_space<vmem>> -> memref<1x128xi32, #tpu.memory_space<vmem>>
      %dma_wait3A_155 = tpu.memref_squeeze %dma_wait3A_154 : memref<1x128xi32, #tpu.memory_space<vmem>> -> memref<128xi32, #tpu.memory_space<vmem>>
      %dma_wait3A_156 = arith.constant 0 : i32
      %dma_wait3A_157 = arith.constant 0 : i32
      %dma_wait3A_158 = tpu.memref_slice %arg2[%dma_wait3A_156, %dma_wait3A_157] : memref<10000x128xf32, #tpu.memory_space<hbm>> -> memref<10000x128xf32, #tpu.memory_space<hbm>>
      tpu.wait_indirect_dma semaphore(%arg12 : memref<!tpu.dma_semaphore, #tpu.memory_space<semaphore_mem>>) src(%dma_wait3A_158 : memref<10000x128xf32, #tpu.memory_space<hbm>>) dst(%arg10 : memref<128x128xf32, #tpu.memory_space<vmem>>)
      %dma_wait3A_159 = arith.constant 7 : i32
      %dma_wait3A_160 = arith.constant 0 : i32
      %dma_wait3A_161 = tpu.memref_slice %arg8[%dma_wait3A_159, %dma_wait3A_160] : memref<8x128xi32, #tpu.memory_space<vmem>> -> memref<1x128xi32, #tpu.memory_space<vmem>>
      %dma_wait3A_162 = tpu.memref_squeeze %dma_wait3A_161 : memref<1x128xi32, #tpu.memory_space<vmem>> -> memref<128xi32, #tpu.memory_space<vmem>>
      %dma_wait3A_163 = arith.constant 0 : i32
      %dma_wait3A_164 = arith.constant 0 : i32
      %dma_wait3A_165 = tpu.memref_slice %arg2[%dma_wait3A_163, %dma_wait3A_164] : memref<10000x128xf32, #tpu.memory_space<hbm>> -> memref<10000x128xf32, #tpu.memory_space<hbm>>
      tpu.wait_indirect_dma semaphore(%arg12 : memref<!tpu.dma_semaphore, #tpu.memory_space<semaphore_mem>>) src(%dma_wait3A_165 : memref<10000x128xf32, #tpu.memory_space<hbm>>) dst(%arg11 : memref<128x128xf32, #tpu.memory_space<vmem>>)
      %run_scoped3A_166 = arith.constant 6 : i32
      "tpu.region"() ({
        %run_scoped3A_168 = tpu.sem_alloc : memref<!tpu.dma_semaphore, #tpu.memory_space<semaphore_mem>>
        %dma_start3A_169 = arith.constant 0 : i32
        %dma_start3A_170 = tpu.memref_slice %arg9[%run_scoped3A_166, %dma_start3A_169] : memref<8x128xi32, #tpu.memory_space<vmem>> -> memref<1x128xi32, #tpu.memory_space<vmem>>
        %dma_start3A_171 = tpu.memref_squeeze %dma_start3A_170 : memref<1x128xi32, #tpu.memory_space<vmem>> -> memref<128xi32, #tpu.memory_space<vmem>>
        %dma_start3A_172 = arith.constant 0 : i32
        %dma_start3A_173 = arith.constant 0 : i32
        %dma_start3A_174 = tpu.memref_slice %arg7[%dma_start3A_172, %dma_start3A_173] : memref<10240x128xf32, #tpu.memory_space<vmem_shared>> -> memref<10240x128xf32, #tpu.memory_space<vmem_shared>>
        tpu.enqueue_indirect_dma source(%arg10 : memref<128x128xf32, #tpu.memory_space<vmem>>) target(%dma_start3A_174 : memref<10240x128xf32, #tpu.memory_space<vmem_shared>>) offsets(%dma_start3A_171 : memref<128xi32, #tpu.memory_space<vmem>>) semaphore(%run_scoped3A_168 : memref<!tpu.dma_semaphore, #tpu.memory_space<semaphore_mem>>) {add = true}
        %dma_wait3A_175 = arith.constant 0 : i32
        %dma_wait3A_176 = tpu.memref_slice %arg9[%run_scoped3A_166, %dma_wait3A_175] : memref<8x128xi32, #tpu.memory_space<vmem>> -> memref<1x128xi32, #tpu.memory_space<vmem>>
        %dma_wait3A_177 = tpu.memref_squeeze %dma_wait3A_176 : memref<1x128xi32, #tpu.memory_space<vmem>> -> memref<128xi32, #tpu.memory_space<vmem>>
        %dma_wait3A_178 = arith.constant 0 : i32
        %dma_wait3A_179 = arith.constant 0 : i32
        %dma_wait3A_180 = tpu.memref_slice %arg7[%dma_wait3A_178, %dma_wait3A_179] : memref<10240x128xf32, #tpu.memory_space<vmem_shared>> -> memref<10240x128xf32, #tpu.memory_space<vmem_shared>>
        tpu.wait_indirect_dma semaphore(%run_scoped3A_168 : memref<!tpu.dma_semaphore, #tpu.memory_space<semaphore_mem>>) src(%arg10 : memref<128x128xf32, #tpu.memory_space<vmem>>) dst(%dma_wait3A_180 : memref<10240x128xf32, #tpu.memory_space<vmem_shared>>)
        tpu.yield
      }) : () -> ()
      %run_scoped3A_167 = arith.constant 7 : i32
      "tpu.region"() ({
        %run_scoped3A_168 = tpu.sem_alloc : memref<!tpu.dma_semaphore, #tpu.memory_space<semaphore_mem>>
        %dma_start3A_169 = arith.constant 0 : i32
        %dma_start3A_170 = tpu.memref_slice %arg9[%run_scoped3A_167, %dma_start3A_169] : memref<8x128xi32, #tpu.memory_space<vmem>> -> memref<1x128xi32, #tpu.memory_space<vmem>>
        %dma_start3A_171 = tpu.memref_squeeze %dma_start3A_170 : memref<1x128xi32, #tpu.memory_space<vmem>> -> memref<128xi32, #tpu.memory_space<vmem>>
        %dma_start3A_172 = arith.constant 0 : i32
        %dma_start3A_173 = arith.constant 0 : i32
        %dma_start3A_174 = tpu.memref_slice %arg7[%dma_start3A_172, %dma_start3A_173] : memref<10240x128xf32, #tpu.memory_space<vmem_shared>> -> memref<10240x128xf32, #tpu.memory_space<vmem_shared>>
        tpu.enqueue_indirect_dma source(%arg11 : memref<128x128xf32, #tpu.memory_space<vmem>>) target(%dma_start3A_174 : memref<10240x128xf32, #tpu.memory_space<vmem_shared>>) offsets(%dma_start3A_171 : memref<128xi32, #tpu.memory_space<vmem>>) semaphore(%run_scoped3A_168 : memref<!tpu.dma_semaphore, #tpu.memory_space<semaphore_mem>>) {add = true}
        %dma_wait3A_175 = arith.constant 0 : i32
        %dma_wait3A_176 = tpu.memref_slice %arg9[%run_scoped3A_167, %dma_wait3A_175] : memref<8x128xi32, #tpu.memory_space<vmem>> -> memref<1x128xi32, #tpu.memory_space<vmem>>
        %dma_wait3A_177 = tpu.memref_squeeze %dma_wait3A_176 : memref<1x128xi32, #tpu.memory_space<vmem>> -> memref<128xi32, #tpu.memory_space<vmem>>
        %dma_wait3A_178 = arith.constant 0 : i32
        %dma_wait3A_179 = arith.constant 0 : i32
        %dma_wait3A_180 = tpu.memref_slice %arg7[%dma_wait3A_178, %dma_wait3A_179] : memref<10240x128xf32, #tpu.memory_space<vmem_shared>> -> memref<10240x128xf32, #tpu.memory_space<vmem_shared>>
        tpu.wait_indirect_dma semaphore(%run_scoped3A_168 : memref<!tpu.dma_semaphore, #tpu.memory_space<semaphore_mem>>) src(%arg11 : memref<128x128xf32, #tpu.memory_space<vmem>>) dst(%dma_wait3A_180 : memref<10240x128xf32, #tpu.memory_space<vmem_shared>>)
        tpu.yield
      }) : () -> ()
    }
    %barrier3A_39 = arith.constant 0 : index
    tpu.barrier barrier_id(%barrier3A_39)
    %mul3A_40 = arith.constant 10240 : i32
    %mul3A_41 = arith.muli %arg0, %mul3A_40 : i32
    %mul3A_42 = arith.constant 640 : i32
    %mul3A_43 = arith.muli %arg1, %mul3A_42 : i32
    %add3A_44 = arith.addi %mul3A_41, %mul3A_43 : i32
    %mul3A_45 = arith.constant 640 : i32
    %mul3A_46 = arith.muli %arg1, %mul3A_45 : i32
    "tpu.region"() ({
      %run_scoped3A = tpu.sem_alloc : memref<!tpu.dma_semaphore, #tpu.memory_space<semaphore_mem>>
      %dma_start3A = arith.constant 0 : i32
      %dma_start3A_47 = tpu.memref_slice %arg6[%add3A_44, %dma_start3A] : memref<20480x128xf32, #tpu.memory_space<hbm>> -> memref<640x128xf32, #tpu.memory_space<hbm>>
      %dma_start3A_48 = arith.constant 0 : i32
      %dma_start3A_49 = tpu.memref_slice %arg7[%mul3A_46, %dma_start3A_48] : memref<10240x128xf32, #tpu.memory_space<vmem_shared>> -> memref<640x128xf32, #tpu.memory_space<vmem_shared>>
      tpu.enqueue_dma source(%dma_start3A_49 : memref<640x128xf32, #tpu.memory_space<vmem_shared>>) target(%dma_start3A_47 : memref<640x128xf32, #tpu.memory_space<hbm>>) target_semaphore(%run_scoped3A : memref<!tpu.dma_semaphore, #tpu.memory_space<semaphore_mem>>)
      %dma_wait3A = arith.constant 0 : i32
      %dma_wait3A_50 = tpu.memref_slice %arg6[%add3A_44, %dma_wait3A] : memref<20480x128xf32, #tpu.memory_space<hbm>> -> memref<640x128xf32, #tpu.memory_space<hbm>>
      %dma_wait3A_51 = arith.constant 0 : i32
      %dma_wait3A_52 = tpu.memref_slice %arg7[%mul3A_46, %dma_wait3A_51] : memref<10240x128xf32, #tpu.memory_space<vmem_shared>> -> memref<640x128xf32, #tpu.memory_space<vmem_shared>>
      tpu.wait_dma2 semaphore(%run_scoped3A : memref<!tpu.dma_semaphore, #tpu.memory_space<semaphore_mem>>) src(%dma_wait3A_52 : memref<640x128xf32, #tpu.memory_space<vmem_shared>>) dst(%dma_wait3A_50 : memref<640x128xf32, #tpu.memory_space<hbm>>)
      tpu.yield
    }) : () -> ()
    return
  }
}

#map = affine_map<(d0, d1) -> (0, 0)>
module attributes {stable_mosaic.version = 14 : i64} {
  func.func @body(%arg0: i32, %arg1: i32, %arg2: memref<10000x128xf32, #tpu.memory_space<hbm>>, %arg3: memref<2560x128xi32, #tpu.memory_space<hbm>>, %arg4: memref<2560x128xi32, #tpu.memory_space<hbm>>, %arg5: memref<128x128xf32, #tpu.memory_space<hbm>>, %arg6: memref<20480x128xf32, #tpu.memory_space<hbm>>, %arg7: memref<10240x128xf32, #tpu.memory_space<vmem_shared>>, %arg8: memref<8x128xi32, #tpu.memory_space<vmem>>, %arg9: memref<8x128xi32, #tpu.memory_space<vmem>>, %arg10: memref<128x128xf32, #tpu.memory_space<vmem>>, %arg11: memref<128x128xf32, #tpu.memory_space<vmem>>, %arg12: memref<!tpu.dma_semaphore, #tpu.memory_space<semaphore_mem>>) attributes {dimension_semantics = [#tpu.dimension_semantics<core_parallel>, #tpu.dimension_semantics<subcore_parallel>], iteration_bounds = array<i64: 2, 16>, scalar_prefetch = 0 : i64, scratch_operands = 6 : i64, tpu.core_type = #tpu.core_type<sc_vector_subcore>, window_params = [{transform_indices = #map}, {transform_indices = #map}, {transform_indices = #map}, {transform_indices = #map}, {transform_indices = #map}]} {
    %eq3A = arith.constant 1 : i32
    %eq3A_0 = arith.cmpi eq, %arg0, %eq3A : i32
    %mul3A = arith.constant 80 : i32
    %mul3A_1 = arith.muli %arg1, %mul3A : i32
    %mul3A_2 = arith.constant 80 : i32
    %mul3A_3 = arith.muli %arg1, %mul3A_2 : i32
    %add3A = arith.constant 1280 : i32
    %add3A_4 = arith.addi %add3A, %mul3A_3 : i32
    %select_n3A = arith.select %eq3A_0, %mul3A_1, %add3A_4 : i32
    %jit3A = arith.constant 80 : i32
    %jit3A_5 = arith.constant 80 : i32
    %select_n3A_6 = arith.select %eq3A_0, %jit3A, %jit3A_5 : i32
    "tpu.region"() ({
      %run_scoped3A = tpu.sem_alloc : memref<!tpu.dma_semaphore, #tpu.memory_space<semaphore_mem>>
      tpu.enqueue_dma source(%arg5 : memref<128x128xf32, #tpu.memory_space<hbm>>) target(%arg10 : memref<128x128xf32, #tpu.memory_space<vmem>>) target_semaphore(%run_scoped3A : memref<!tpu.dma_semaphore, #tpu.memory_space<semaphore_mem>>)
      tpu.wait_dma2 semaphore(%run_scoped3A : memref<!tpu.dma_semaphore, #tpu.memory_space<semaphore_mem>>) src(%arg5 : memref<128x128xf32, #tpu.memory_space<hbm>>) dst(%arg10 : memref<128x128xf32, #tpu.memory_space<vmem>>)
      tpu.yield
    }) : () -> ()
    %scan3A = arith.constant 0 : i32
    %scan3A_7 = arith.constant 0 : i32
    %scan3A_8 = arith.constant 5 : i32
    %scan3A_9 = arith.addi %scan3A_7, %scan3A_8 : i32
    %scan3A_10 = arith.constant 1 : i32
    scf.for %scan3A_47 = %scan3A_7 to %scan3A_9 step %scan3A_10  : i32 {
      %mul3A_48 = arith.constant 640 : i32
      %mul3A_49 = arith.muli %arg1, %mul3A_48 : i32
      %mul3A_50 = arith.constant 128 : i32
      %mul3A_51 = arith.muli %scan3A_47, %mul3A_50 : i32
      %add3A_52 = arith.addi %mul3A_49, %mul3A_51 : i32
      "tpu.region"() ({
        %run_scoped3A = tpu.sem_alloc : memref<!tpu.dma_semaphore, #tpu.memory_space<semaphore_mem>>
        %dma_start3A = arith.constant 0 : i32
        %dma_start3A_53 = tpu.memref_slice %arg7[%add3A_52, %dma_start3A] : memref<10240x128xf32, #tpu.memory_space<vmem_shared>> -> memref<128x128xf32, #tpu.memory_space<vmem_shared>>
        %dma_start3A_54 = arith.constant 0 : i32
        %dma_start3A_55 = tpu.memref_slice %arg7[%add3A_52, %dma_start3A_54] : memref<10240x128xf32, #tpu.memory_space<vmem_shared>> -> memref<128x128xf32, #tpu.memory_space<vmem_shared>>
        tpu.enqueue_dma source(%arg10 : memref<128x128xf32, #tpu.memory_space<vmem>>) target(%dma_start3A_55 : memref<128x128xf32, #tpu.memory_space<vmem_shared>>) target_semaphore(%run_scoped3A : memref<!tpu.dma_semaphore, #tpu.memory_space<semaphore_mem>>)
        %dma_wait3A = arith.constant 0 : i32
        %dma_wait3A_56 = tpu.memref_slice %arg7[%add3A_52, %dma_wait3A] : memref<10240x128xf32, #tpu.memory_space<vmem_shared>> -> memref<128x128xf32, #tpu.memory_space<vmem_shared>>
        %dma_wait3A_57 = arith.constant 0 : i32
        %dma_wait3A_58 = tpu.memref_slice %arg7[%add3A_52, %dma_wait3A_57] : memref<10240x128xf32, #tpu.memory_space<vmem_shared>> -> memref<128x128xf32, #tpu.memory_space<vmem_shared>>
        tpu.wait_dma2 semaphore(%run_scoped3A : memref<!tpu.dma_semaphore, #tpu.memory_space<semaphore_mem>>) src(%arg10 : memref<128x128xf32, #tpu.memory_space<vmem>>) dst(%dma_wait3A_58 : memref<128x128xf32, #tpu.memory_space<vmem_shared>>)
        tpu.yield
      }) : () -> ()
    }
    %scan3A_11 = arith.constant 5 : i32
    %barrier3A = arith.constant 0 : index
    tpu.barrier barrier_id(%barrier3A)
    %jit3A_12 = arith.constant 8 : i32
    %div3A = arith.divsi %select_n3A_6, %jit3A_12 : i32
    %sign3A = arith.constant 0 : i32
    %sign3A_13 = arith.cmpi sgt, %select_n3A_6, %sign3A : i32
    %sign3A_14 = arith.extui %sign3A_13 : i1 to i32
    %sign3A_15 = arith.constant 0 : i32
    %sign3A_16 = arith.cmpi slt, %select_n3A_6, %sign3A_15 : i32
    %sign3A_17 = arith.extui %sign3A_16 : i1 to i32
    %sign3A_18 = arith.subi %sign3A_14, %sign3A_17 : i32
    %sign3A_19 = arith.constant 0 : i32
    %sign3A_20 = arith.cmpi sgt, %jit3A_12, %sign3A_19 : i32
    %sign3A_21 = arith.extui %sign3A_20 : i1 to i32
    %sign3A_22 = arith.constant 0 : i32
    %sign3A_23 = arith.cmpi slt, %jit3A_12, %sign3A_22 : i32
    %sign3A_24 = arith.extui %sign3A_23 : i1 to i32
    %sign3A_25 = arith.subi %sign3A_21, %sign3A_24 : i32
    %ne3A = arith.cmpi ne, %sign3A_18, %sign3A_25 : i32
    %rem3A = arith.remsi %select_n3A_6, %jit3A_12 : i32
    %ne3A_26 = arith.constant 0 : i32
    %ne3A_27 = arith.cmpi ne, %rem3A, %ne3A_26 : i32
    %and3A = arith.andi %ne3A, %ne3A_27 : i1
    %sub3A = arith.constant 1 : i32
    %sub3A_28 = arith.subi %div3A, %sub3A : i32
    %select_n3A_29 = arith.select %and3A, %sub3A_28, %div3A : i32
    %while3A = arith.constant 0 : i32
    %while3A_30 = arith.constant 0 : i32
    %while3A_31 = arith.subi %select_n3A_29, %while3A_30 : i32
    %while3A_32 = arith.addi %while3A_30, %while3A_31 : i32
    %while3A_33 = arith.constant 1 : i32
    %while3A_34 = arith.divsi %while3A_31, %while3A_33 : i32
    %while3A_35 = arith.muli %while3A_34, %while3A_33 : i32
    %while3A_36 = arith.addi %while3A_30, %while3A_35 : i32
    %while3A_37 = arith.constant 1 : i32
    scf.for %while3A_47 = %while3A_30 to %while3A_36 step %while3A_37  : i32 {
      %mul3A_48 = arith.constant 8 : i32
      %mul3A_49 = arith.muli %while3A_47, %mul3A_48 : i32
      %add3A_50 = arith.addi %select_n3A, %mul3A_49 : i32
      "tpu.region"() ({
        %run_scoped3A_168 = tpu.sem_alloc : memref<!tpu.dma_semaphore, #tpu.memory_space<semaphore_mem>>
        %dma_start3A_169 = arith.constant 0 : i32
        %dma_start3A_170 = tpu.memref_slice %arg3[%add3A_50, %dma_start3A_169] : memref<2560x128xi32, #tpu.memory_space<hbm>> -> memref<8x128xi32, #tpu.memory_space<hbm>>
        %dma_start3A_171 = arith.constant 0 : i32
        %dma_start3A_172 = tpu.memref_slice %arg3[%add3A_50, %dma_start3A_171] : memref<2560x128xi32, #tpu.memory_space<hbm>> -> memref<8x128xi32, #tpu.memory_space<hbm>>
        tpu.enqueue_dma source(%dma_start3A_172 : memref<8x128xi32, #tpu.memory_space<hbm>>) target(%arg8 : memref<8x128xi32, #tpu.memory_space<vmem>>) target_semaphore(%run_scoped3A_168 : memref<!tpu.dma_semaphore, #tpu.memory_space<semaphore_mem>>)
        %dma_wait3A_173 = arith.constant 0 : i32
        %dma_wait3A_174 = tpu.memref_slice %arg3[%add3A_50, %dma_wait3A_173] : memref<2560x128xi32, #tpu.memory_space<hbm>> -> memref<8x128xi32, #tpu.memory_space<hbm>>
        %dma_wait3A_175 = arith.constant 0 : i32
        %dma_wait3A_176 = tpu.memref_slice %arg3[%add3A_50, %dma_wait3A_175] : memref<2560x128xi32, #tpu.memory_space<hbm>> -> memref<8x128xi32, #tpu.memory_space<hbm>>
        tpu.wait_dma2 semaphore(%run_scoped3A_168 : memref<!tpu.dma_semaphore, #tpu.memory_space<semaphore_mem>>) src(%dma_wait3A_176 : memref<8x128xi32, #tpu.memory_space<hbm>>) dst(%arg8 : memref<8x128xi32, #tpu.memory_space<vmem>>)
        tpu.yield
      }) : () -> ()
      "tpu.region"() ({
        %run_scoped3A_168 = tpu.sem_alloc : memref<!tpu.dma_semaphore, #tpu.memory_space<semaphore_mem>>
        %dma_start3A_169 = arith.constant 0 : i32
        %dma_start3A_170 = tpu.memref_slice %arg4[%add3A_50, %dma_start3A_169] : memref<2560x128xi32, #tpu.memory_space<hbm>> -> memref<8x128xi32, #tpu.memory_space<hbm>>
        %dma_start3A_171 = arith.constant 0 : i32
        %dma_start3A_172 = tpu.memref_slice %arg4[%add3A_50, %dma_start3A_171] : memref<2560x128xi32, #tpu.memory_space<hbm>> -> memref<8x128xi32, #tpu.memory_space<hbm>>
        tpu.enqueue_dma source(%dma_start3A_172 : memref<8x128xi32, #tpu.memory_space<hbm>>) target(%arg9 : memref<8x128xi32, #tpu.memory_space<vmem>>) target_semaphore(%run_scoped3A_168 : memref<!tpu.dma_semaphore, #tpu.memory_space<semaphore_mem>>)
        %dma_wait3A_173 = arith.constant 0 : i32
        %dma_wait3A_174 = tpu.memref_slice %arg4[%add3A_50, %dma_wait3A_173] : memref<2560x128xi32, #tpu.memory_space<hbm>> -> memref<8x128xi32, #tpu.memory_space<hbm>>
        %dma_wait3A_175 = arith.constant 0 : i32
        %dma_wait3A_176 = tpu.memref_slice %arg4[%add3A_50, %dma_wait3A_175] : memref<2560x128xi32, #tpu.memory_space<hbm>> -> memref<8x128xi32, #tpu.memory_space<hbm>>
        tpu.wait_dma2 semaphore(%run_scoped3A_168 : memref<!tpu.dma_semaphore, #tpu.memory_space<semaphore_mem>>) src(%dma_wait3A_176 : memref<8x128xi32, #tpu.memory_space<hbm>>) dst(%arg9 : memref<8x128xi32, #tpu.memory_space<vmem>>)
        tpu.yield
      }) : () -> ()
      %dma_start3A = arith.constant 0 : i32
      %dma_start3A_51 = arith.constant 0 : i32
      %dma_start3A_52 = tpu.memref_slice %arg8[%dma_start3A, %dma_start3A_51] : memref<8x128xi32, #tpu.memory_space<vmem>> -> memref<1x128xi32, #tpu.memory_space<vmem>>
      %dma_start3A_53 = tpu.memref_squeeze %dma_start3A_52 : memref<1x128xi32, #tpu.memory_space<vmem>> -> memref<128xi32, #tpu.memory_space<vmem>>
      %dma_start3A_54 = arith.constant 0 : i32
      %dma_start3A_55 = arith.constant 0 : i32
      %dma_start3A_56 = tpu.memref_slice %arg2[%dma_start3A_54, %dma_start3A_55] : memref<10000x128xf32, #tpu.memory_space<hbm>> -> memref<10000x128xf32, #tpu.memory_space<hbm>>
      tpu.enqueue_indirect_dma source(%dma_start3A_56 : memref<10000x128xf32, #tpu.memory_space<hbm>>) target(%arg10 : memref<128x128xf32, #tpu.memory_space<vmem>>) offsets(%dma_start3A_53 : memref<128xi32, #tpu.memory_space<vmem>>) semaphore(%arg12 : memref<!tpu.dma_semaphore, #tpu.memory_space<semaphore_mem>>)
      %dma_start3A_57 = arith.constant 1 : i32
      %dma_start3A_58 = arith.constant 0 : i32
      %dma_start3A_59 = tpu.memref_slice %arg8[%dma_start3A_57, %dma_start3A_58] : memref<8x128xi32, #tpu.memory_space<vmem>> -> memref<1x128xi32, #tpu.memory_space<vmem>>
      %dma_start3A_60 = tpu.memref_squeeze %dma_start3A_59 : memref<1x128xi32, #tpu.memory_space<vmem>> -> memref<128xi32, #tpu.memory_space<vmem>>
      %dma_start3A_61 = arith.constant 0 : i32
      %dma_start3A_62 = arith.constant 0 : i32
      %dma_start3A_63 = tpu.memref_slice %arg2[%dma_start3A_61, %dma_start3A_62] : memref<10000x128xf32, #tpu.memory_space<hbm>> -> memref<10000x128xf32, #tpu.memory_space<hbm>>
      tpu.enqueue_indirect_dma source(%dma_start3A_63 : memref<10000x128xf32, #tpu.memory_space<hbm>>) target(%arg11 : memref<128x128xf32, #tpu.memory_space<vmem>>) offsets(%dma_start3A_60 : memref<128xi32, #tpu.memory_space<vmem>>) semaphore(%arg12 : memref<!tpu.dma_semaphore, #tpu.memory_space<semaphore_mem>>)
      %dma_wait3A = arith.constant 0 : i32
      %dma_wait3A_64 = arith.constant 0 : i32
      %dma_wait3A_65 = tpu.memref_slice %arg8[%dma_wait3A, %dma_wait3A_64] : memref<8x128xi32, #tpu.memory_space<vmem>> -> memref<1x128xi32, #tpu.memory_space<vmem>>
      %dma_wait3A_66 = tpu.memref_squeeze %dma_wait3A_65 : memref<1x128xi32, #tpu.memory_space<vmem>> -> memref<128xi32, #tpu.memory_space<vmem>>
      %dma_wait3A_67 = arith.constant 0 : i32
      %dma_wait3A_68 = arith.constant 0 : i32
      %dma_wait3A_69 = tpu.memref_slice %arg2[%dma_wait3A_67, %dma_wait3A_68] : memref<10000x128xf32, #tpu.memory_space<hbm>> -> memref<10000x128xf32, #tpu.memory_space<hbm>>
      tpu.wait_indirect_dma semaphore(%arg12 : memref<!tpu.dma_semaphore, #tpu.memory_space<semaphore_mem>>) src(%dma_wait3A_69 : memref<10000x128xf32, #tpu.memory_space<hbm>>) dst(%arg10 : memref<128x128xf32, #tpu.memory_space<vmem>>)
      %dma_wait3A_70 = arith.constant 1 : i32
      %dma_wait3A_71 = arith.constant 0 : i32
      %dma_wait3A_72 = tpu.memref_slice %arg8[%dma_wait3A_70, %dma_wait3A_71] : memref<8x128xi32, #tpu.memory_space<vmem>> -> memref<1x128xi32, #tpu.memory_space<vmem>>
      %dma_wait3A_73 = tpu.memref_squeeze %dma_wait3A_72 : memref<1x128xi32, #tpu.memory_space<vmem>> -> memref<128xi32, #tpu.memory_space<vmem>>
      %dma_wait3A_74 = arith.constant 0 : i32
      %dma_wait3A_75 = arith.constant 0 : i32
      %dma_wait3A_76 = tpu.memref_slice %arg2[%dma_wait3A_74, %dma_wait3A_75] : memref<10000x128xf32, #tpu.memory_space<hbm>> -> memref<10000x128xf32, #tpu.memory_space<hbm>>
      tpu.wait_indirect_dma semaphore(%arg12 : memref<!tpu.dma_semaphore, #tpu.memory_space<semaphore_mem>>) src(%dma_wait3A_76 : memref<10000x128xf32, #tpu.memory_space<hbm>>) dst(%arg11 : memref<128x128xf32, #tpu.memory_space<vmem>>)
      %run_scoped3A = arith.constant 0 : i32
      "tpu.region"() ({
        %run_scoped3A_168 = tpu.sem_alloc : memref<!tpu.dma_semaphore, #tpu.memory_space<semaphore_mem>>
        %dma_start3A_169 = arith.constant 0 : i32
        %dma_start3A_170 = tpu.memref_slice %arg9[%run_scoped3A, %dma_start3A_169] : memref<8x128xi32, #tpu.memory_space<vmem>> -> memref<1x128xi32, #tpu.memory_space<vmem>>
        %dma_start3A_171 = tpu.memref_squeeze %dma_start3A_170 : memref<1x128xi32, #tpu.memory_space<vmem>> -> memref<128xi32, #tpu.memory_space<vmem>>
        %dma_start3A_172 = arith.constant 0 : i32
        %dma_start3A_173 = arith.constant 0 : i32
        %dma_start3A_174 = tpu.memref_slice %arg7[%dma_start3A_172, %dma_start3A_173] : memref<10240x128xf32, #tpu.memory_space<vmem_shared>> -> memref<10240x128xf32, #tpu.memory_space<vmem_shared>>
        tpu.enqueue_indirect_dma source(%arg10 : memref<128x128xf32, #tpu.memory_space<vmem>>) target(%dma_start3A_174 : memref<10240x128xf32, #tpu.memory_space<vmem_shared>>) offsets(%dma_start3A_171 : memref<128xi32, #tpu.memory_space<vmem>>) semaphore(%run_scoped3A_168 : memref<!tpu.dma_semaphore, #tpu.memory_space<semaphore_mem>>) {add = true}
        %dma_wait3A_175 = arith.constant 0 : i32
        %dma_wait3A_176 = tpu.memref_slice %arg9[%run_scoped3A, %dma_wait3A_175] : memref<8x128xi32, #tpu.memory_space<vmem>> -> memref<1x128xi32, #tpu.memory_space<vmem>>
        %dma_wait3A_177 = tpu.memref_squeeze %dma_wait3A_176 : memref<1x128xi32, #tpu.memory_space<vmem>> -> memref<128xi32, #tpu.memory_space<vmem>>
        %dma_wait3A_178 = arith.constant 0 : i32
        %dma_wait3A_179 = arith.constant 0 : i32
        %dma_wait3A_180 = tpu.memref_slice %arg7[%dma_wait3A_178, %dma_wait3A_179] : memref<10240x128xf32, #tpu.memory_space<vmem_shared>> -> memref<10240x128xf32, #tpu.memory_space<vmem_shared>>
        tpu.wait_indirect_dma semaphore(%run_scoped3A_168 : memref<!tpu.dma_semaphore, #tpu.memory_space<semaphore_mem>>) src(%arg10 : memref<128x128xf32, #tpu.memory_space<vmem>>) dst(%dma_wait3A_180 : memref<10240x128xf32, #tpu.memory_space<vmem_shared>>)
        tpu.yield
      }) : () -> ()
      %run_scoped3A_77 = arith.constant 1 : i32
      "tpu.region"() ({
        %run_scoped3A_168 = tpu.sem_alloc : memref<!tpu.dma_semaphore, #tpu.memory_space<semaphore_mem>>
        %dma_start3A_169 = arith.constant 0 : i32
        %dma_start3A_170 = tpu.memref_slice %arg9[%run_scoped3A_77, %dma_start3A_169] : memref<8x128xi32, #tpu.memory_space<vmem>> -> memref<1x128xi32, #tpu.memory_space<vmem>>
        %dma_start3A_171 = tpu.memref_squeeze %dma_start3A_170 : memref<1x128xi32, #tpu.memory_space<vmem>> -> memref<128xi32, #tpu.memory_space<vmem>>
        %dma_start3A_172 = arith.constant 0 : i32
        %dma_start3A_173 = arith.constant 0 : i32
        %dma_start3A_174 = tpu.memref_slice %arg7[%dma_start3A_172, %dma_start3A_173] : memref<10240x128xf32, #tpu.memory_space<vmem_shared>> -> memref<10240x128xf32, #tpu.memory_space<vmem_shared>>
        tpu.enqueue_indirect_dma source(%arg11 : memref<128x128xf32, #tpu.memory_space<vmem>>) target(%dma_start3A_174 : memref<10240x128xf32, #tpu.memory_space<vmem_shared>>) offsets(%dma_start3A_171 : memref<128xi32, #tpu.memory_space<vmem>>) semaphore(%run_scoped3A_168 : memref<!tpu.dma_semaphore, #tpu.memory_space<semaphore_mem>>) {add = true}
        %dma_wait3A_175 = arith.constant 0 : i32
        %dma_wait3A_176 = tpu.memref_slice %arg9[%run_scoped3A_77, %dma_wait3A_175] : memref<8x128xi32, #tpu.memory_space<vmem>> -> memref<1x128xi32, #tpu.memory_space<vmem>>
        %dma_wait3A_177 = tpu.memref_squeeze %dma_wait3A_176 : memref<1x128xi32, #tpu.memory_space<vmem>> -> memref<128xi32, #tpu.memory_space<vmem>>
        %dma_wait3A_178 = arith.constant 0 : i32
        %dma_wait3A_179 = arith.constant 0 : i32
        %dma_wait3A_180 = tpu.memref_slice %arg7[%dma_wait3A_178, %dma_wait3A_179] : memref<10240x128xf32, #tpu.memory_space<vmem_shared>> -> memref<10240x128xf32, #tpu.memory_space<vmem_shared>>
        tpu.wait_indirect_dma semaphore(%run_scoped3A_168 : memref<!tpu.dma_semaphore, #tpu.memory_space<semaphore_mem>>) src(%arg11 : memref<128x128xf32, #tpu.memory_space<vmem>>) dst(%dma_wait3A_180 : memref<10240x128xf32, #tpu.memory_space<vmem_shared>>)
        tpu.yield
      }) : () -> ()
      %dma_start3A_78 = arith.constant 2 : i32
      %dma_start3A_79 = arith.constant 0 : i32
      %dma_start3A_80 = tpu.memref_slice %arg8[%dma_start3A_78, %dma_start3A_79] : memref<8x128xi32, #tpu.memory_space<vmem>> -> memref<1x128xi32, #tpu.memory_space<vmem>>
      %dma_start3A_81 = tpu.memref_squeeze %dma_start3A_80 : memref<1x128xi32, #tpu.memory_space<vmem>> -> memref<128xi32, #tpu.memory_space<vmem>>
      %dma_start3A_82 = arith.constant 0 : i32
      %dma_start3A_83 = arith.constant 0 : i32
      %dma_start3A_84 = tpu.memref_slice %arg2[%dma_start3A_82, %dma_start3A_83] : memref<10000x128xf32, #tpu.memory_space<hbm>> -> memref<10000x128xf32, #tpu.memory_space<hbm>>
      tpu.enqueue_indirect_dma source(%dma_start3A_84 : memref<10000x128xf32, #tpu.memory_space<hbm>>) target(%arg10 : memref<128x128xf32, #tpu.memory_space<vmem>>) offsets(%dma_start3A_81 : memref<128xi32, #tpu.memory_space<vmem>>) semaphore(%arg12 : memref<!tpu.dma_semaphore, #tpu.memory_space<semaphore_mem>>)
      %dma_start3A_85 = arith.constant 3 : i32
      %dma_start3A_86 = arith.constant 0 : i32
      %dma_start3A_87 = tpu.memref_slice %arg8[%dma_start3A_85, %dma_start3A_86] : memref<8x128xi32, #tpu.memory_space<vmem>> -> memref<1x128xi32, #tpu.memory_space<vmem>>
      %dma_start3A_88 = tpu.memref_squeeze %dma_start3A_87 : memref<1x128xi32, #tpu.memory_space<vmem>> -> memref<128xi32, #tpu.memory_space<vmem>>
      %dma_start3A_89 = arith.constant 0 : i32
      %dma_start3A_90 = arith.constant 0 : i32
      %dma_start3A_91 = tpu.memref_slice %arg2[%dma_start3A_89, %dma_start3A_90] : memref<10000x128xf32, #tpu.memory_space<hbm>> -> memref<10000x128xf32, #tpu.memory_space<hbm>>
      tpu.enqueue_indirect_dma source(%dma_start3A_91 : memref<10000x128xf32, #tpu.memory_space<hbm>>) target(%arg11 : memref<128x128xf32, #tpu.memory_space<vmem>>) offsets(%dma_start3A_88 : memref<128xi32, #tpu.memory_space<vmem>>) semaphore(%arg12 : memref<!tpu.dma_semaphore, #tpu.memory_space<semaphore_mem>>)
      %dma_wait3A_92 = arith.constant 2 : i32
      %dma_wait3A_93 = arith.constant 0 : i32
      %dma_wait3A_94 = tpu.memref_slice %arg8[%dma_wait3A_92, %dma_wait3A_93] : memref<8x128xi32, #tpu.memory_space<vmem>> -> memref<1x128xi32, #tpu.memory_space<vmem>>
      %dma_wait3A_95 = tpu.memref_squeeze %dma_wait3A_94 : memref<1x128xi32, #tpu.memory_space<vmem>> -> memref<128xi32, #tpu.memory_space<vmem>>
      %dma_wait3A_96 = arith.constant 0 : i32
      %dma_wait3A_97 = arith.constant 0 : i32
      %dma_wait3A_98 = tpu.memref_slice %arg2[%dma_wait3A_96, %dma_wait3A_97] : memref<10000x128xf32, #tpu.memory_space<hbm>> -> memref<10000x128xf32, #tpu.memory_space<hbm>>
      tpu.wait_indirect_dma semaphore(%arg12 : memref<!tpu.dma_semaphore, #tpu.memory_space<semaphore_mem>>) src(%dma_wait3A_98 : memref<10000x128xf32, #tpu.memory_space<hbm>>) dst(%arg10 : memref<128x128xf32, #tpu.memory_space<vmem>>)
      %dma_wait3A_99 = arith.constant 3 : i32
      %dma_wait3A_100 = arith.constant 0 : i32
      %dma_wait3A_101 = tpu.memref_slice %arg8[%dma_wait3A_99, %dma_wait3A_100] : memref<8x128xi32, #tpu.memory_space<vmem>> -> memref<1x128xi32, #tpu.memory_space<vmem>>
      %dma_wait3A_102 = tpu.memref_squeeze %dma_wait3A_101 : memref<1x128xi32, #tpu.memory_space<vmem>> -> memref<128xi32, #tpu.memory_space<vmem>>
      %dma_wait3A_103 = arith.constant 0 : i32
      %dma_wait3A_104 = arith.constant 0 : i32
      %dma_wait3A_105 = tpu.memref_slice %arg2[%dma_wait3A_103, %dma_wait3A_104] : memref<10000x128xf32, #tpu.memory_space<hbm>> -> memref<10000x128xf32, #tpu.memory_space<hbm>>
      tpu.wait_indirect_dma semaphore(%arg12 : memref<!tpu.dma_semaphore, #tpu.memory_space<semaphore_mem>>) src(%dma_wait3A_105 : memref<10000x128xf32, #tpu.memory_space<hbm>>) dst(%arg11 : memref<128x128xf32, #tpu.memory_space<vmem>>)
      %run_scoped3A_106 = arith.constant 2 : i32
      "tpu.region"() ({
        %run_scoped3A_168 = tpu.sem_alloc : memref<!tpu.dma_semaphore, #tpu.memory_space<semaphore_mem>>
        %dma_start3A_169 = arith.constant 0 : i32
        %dma_start3A_170 = tpu.memref_slice %arg9[%run_scoped3A_106, %dma_start3A_169] : memref<8x128xi32, #tpu.memory_space<vmem>> -> memref<1x128xi32, #tpu.memory_space<vmem>>
        %dma_start3A_171 = tpu.memref_squeeze %dma_start3A_170 : memref<1x128xi32, #tpu.memory_space<vmem>> -> memref<128xi32, #tpu.memory_space<vmem>>
        %dma_start3A_172 = arith.constant 0 : i32
        %dma_start3A_173 = arith.constant 0 : i32
        %dma_start3A_174 = tpu.memref_slice %arg7[%dma_start3A_172, %dma_start3A_173] : memref<10240x128xf32, #tpu.memory_space<vmem_shared>> -> memref<10240x128xf32, #tpu.memory_space<vmem_shared>>
        tpu.enqueue_indirect_dma source(%arg10 : memref<128x128xf32, #tpu.memory_space<vmem>>) target(%dma_start3A_174 : memref<10240x128xf32, #tpu.memory_space<vmem_shared>>) offsets(%dma_start3A_171 : memref<128xi32, #tpu.memory_space<vmem>>) semaphore(%run_scoped3A_168 : memref<!tpu.dma_semaphore, #tpu.memory_space<semaphore_mem>>) {add = true}
        %dma_wait3A_175 = arith.constant 0 : i32
        %dma_wait3A_176 = tpu.memref_slice %arg9[%run_scoped3A_106, %dma_wait3A_175] : memref<8x128xi32, #tpu.memory_space<vmem>> -> memref<1x128xi32, #tpu.memory_space<vmem>>
        %dma_wait3A_177 = tpu.memref_squeeze %dma_wait3A_176 : memref<1x128xi32, #tpu.memory_space<vmem>> -> memref<128xi32, #tpu.memory_space<vmem>>
        %dma_wait3A_178 = arith.constant 0 : i32
        %dma_wait3A_179 = arith.constant 0 : i32
        %dma_wait3A_180 = tpu.memref_slice %arg7[%dma_wait3A_178, %dma_wait3A_179] : memref<10240x128xf32, #tpu.memory_space<vmem_shared>> -> memref<10240x128xf32, #tpu.memory_space<vmem_shared>>
        tpu.wait_indirect_dma semaphore(%run_scoped3A_168 : memref<!tpu.dma_semaphore, #tpu.memory_space<semaphore_mem>>) src(%arg10 : memref<128x128xf32, #tpu.memory_space<vmem>>) dst(%dma_wait3A_180 : memref<10240x128xf32, #tpu.memory_space<vmem_shared>>)
        tpu.yield
      }) : () -> ()
      %run_scoped3A_107 = arith.constant 3 : i32
      "tpu.region"() ({
        %run_scoped3A_168 = tpu.sem_alloc : memref<!tpu.dma_semaphore, #tpu.memory_space<semaphore_mem>>
        %dma_start3A_169 = arith.constant 0 : i32
        %dma_start3A_170 = tpu.memref_slice %arg9[%run_scoped3A_107, %dma_start3A_169] : memref<8x128xi32, #tpu.memory_space<vmem>> -> memref<1x128xi32, #tpu.memory_space<vmem>>
        %dma_start3A_171 = tpu.memref_squeeze %dma_start3A_170 : memref<1x128xi32, #tpu.memory_space<vmem>> -> memref<128xi32, #tpu.memory_space<vmem>>
        %dma_start3A_172 = arith.constant 0 : i32
        %dma_start3A_173 = arith.constant 0 : i32
        %dma_start3A_174 = tpu.memref_slice %arg7[%dma_start3A_172, %dma_start3A_173] : memref<10240x128xf32, #tpu.memory_space<vmem_shared>> -> memref<10240x128xf32, #tpu.memory_space<vmem_shared>>
        tpu.enqueue_indirect_dma source(%arg11 : memref<128x128xf32, #tpu.memory_space<vmem>>) target(%dma_start3A_174 : memref<10240x128xf32, #tpu.memory_space<vmem_shared>>) offsets(%dma_start3A_171 : memref<128xi32, #tpu.memory_space<vmem>>) semaphore(%run_scoped3A_168 : memref<!tpu.dma_semaphore, #tpu.memory_space<semaphore_mem>>) {add = true}
        %dma_wait3A_175 = arith.constant 0 : i32
        %dma_wait3A_176 = tpu.memref_slice %arg9[%run_scoped3A_107, %dma_wait3A_175] : memref<8x128xi32, #tpu.memory_space<vmem>> -> memref<1x128xi32, #tpu.memory_space<vmem>>
        %dma_wait3A_177 = tpu.memref_squeeze %dma_wait3A_176 : memref<1x128xi32, #tpu.memory_space<vmem>> -> memref<128xi32, #tpu.memory_space<vmem>>
        %dma_wait3A_178 = arith.constant 0 : i32
        %dma_wait3A_179 = arith.constant 0 : i32
        %dma_wait3A_180 = tpu.memref_slice %arg7[%dma_wait3A_178, %dma_wait3A_179] : memref<10240x128xf32, #tpu.memory_space<vmem_shared>> -> memref<10240x128xf32, #tpu.memory_space<vmem_shared>>
        tpu.wait_indirect_dma semaphore(%run_scoped3A_168 : memref<!tpu.dma_semaphore, #tpu.memory_space<semaphore_mem>>) src(%arg11 : memref<128x128xf32, #tpu.memory_space<vmem>>) dst(%dma_wait3A_180 : memref<10240x128xf32, #tpu.memory_space<vmem_shared>>)
        tpu.yield
      }) : () -> ()
      %dma_start3A_108 = arith.constant 4 : i32
      %dma_start3A_109 = arith.constant 0 : i32
      %dma_start3A_110 = tpu.memref_slice %arg8[%dma_start3A_108, %dma_start3A_109] : memref<8x128xi32, #tpu.memory_space<vmem>> -> memref<1x128xi32, #tpu.memory_space<vmem>>
      %dma_start3A_111 = tpu.memref_squeeze %dma_start3A_110 : memref<1x128xi32, #tpu.memory_space<vmem>> -> memref<128xi32, #tpu.memory_space<vmem>>
      %dma_start3A_112 = arith.constant 0 : i32
      %dma_start3A_113 = arith.constant 0 : i32
      %dma_start3A_114 = tpu.memref_slice %arg2[%dma_start3A_112, %dma_start3A_113] : memref<10000x128xf32, #tpu.memory_space<hbm>> -> memref<10000x128xf32, #tpu.memory_space<hbm>>
      tpu.enqueue_indirect_dma source(%dma_start3A_114 : memref<10000x128xf32, #tpu.memory_space<hbm>>) target(%arg10 : memref<128x128xf32, #tpu.memory_space<vmem>>) offsets(%dma_start3A_111 : memref<128xi32, #tpu.memory_space<vmem>>) semaphore(%arg12 : memref<!tpu.dma_semaphore, #tpu.memory_space<semaphore_mem>>)
      %dma_start3A_115 = arith.constant 5 : i32
      %dma_start3A_116 = arith.constant 0 : i32
      %dma_start3A_117 = tpu.memref_slice %arg8[%dma_start3A_115, %dma_start3A_116] : memref<8x128xi32, #tpu.memory_space<vmem>> -> memref<1x128xi32, #tpu.memory_space<vmem>>
      %dma_start3A_118 = tpu.memref_squeeze %dma_start3A_117 : memref<1x128xi32, #tpu.memory_space<vmem>> -> memref<128xi32, #tpu.memory_space<vmem>>
      %dma_start3A_119 = arith.constant 0 : i32
      %dma_start3A_120 = arith.constant 0 : i32
      %dma_start3A_121 = tpu.memref_slice %arg2[%dma_start3A_119, %dma_start3A_120] : memref<10000x128xf32, #tpu.memory_space<hbm>> -> memref<10000x128xf32, #tpu.memory_space<hbm>>
      tpu.enqueue_indirect_dma source(%dma_start3A_121 : memref<10000x128xf32, #tpu.memory_space<hbm>>) target(%arg11 : memref<128x128xf32, #tpu.memory_space<vmem>>) offsets(%dma_start3A_118 : memref<128xi32, #tpu.memory_space<vmem>>) semaphore(%arg12 : memref<!tpu.dma_semaphore, #tpu.memory_space<semaphore_mem>>)
      %dma_wait3A_122 = arith.constant 4 : i32
      %dma_wait3A_123 = arith.constant 0 : i32
      %dma_wait3A_124 = tpu.memref_slice %arg8[%dma_wait3A_122, %dma_wait3A_123] : memref<8x128xi32, #tpu.memory_space<vmem>> -> memref<1x128xi32, #tpu.memory_space<vmem>>
      %dma_wait3A_125 = tpu.memref_squeeze %dma_wait3A_124 : memref<1x128xi32, #tpu.memory_space<vmem>> -> memref<128xi32, #tpu.memory_space<vmem>>
      %dma_wait3A_126 = arith.constant 0 : i32
      %dma_wait3A_127 = arith.constant 0 : i32
      %dma_wait3A_128 = tpu.memref_slice %arg2[%dma_wait3A_126, %dma_wait3A_127] : memref<10000x128xf32, #tpu.memory_space<hbm>> -> memref<10000x128xf32, #tpu.memory_space<hbm>>
      tpu.wait_indirect_dma semaphore(%arg12 : memref<!tpu.dma_semaphore, #tpu.memory_space<semaphore_mem>>) src(%dma_wait3A_128 : memref<10000x128xf32, #tpu.memory_space<hbm>>) dst(%arg10 : memref<128x128xf32, #tpu.memory_space<vmem>>)
      %dma_wait3A_129 = arith.constant 5 : i32
      %dma_wait3A_130 = arith.constant 0 : i32
      %dma_wait3A_131 = tpu.memref_slice %arg8[%dma_wait3A_129, %dma_wait3A_130] : memref<8x128xi32, #tpu.memory_space<vmem>> -> memref<1x128xi32, #tpu.memory_space<vmem>>
      %dma_wait3A_132 = tpu.memref_squeeze %dma_wait3A_131 : memref<1x128xi32, #tpu.memory_space<vmem>> -> memref<128xi32, #tpu.memory_space<vmem>>
      %dma_wait3A_133 = arith.constant 0 : i32
      %dma_wait3A_134 = arith.constant 0 : i32
      %dma_wait3A_135 = tpu.memref_slice %arg2[%dma_wait3A_133, %dma_wait3A_134] : memref<10000x128xf32, #tpu.memory_space<hbm>> -> memref<10000x128xf32, #tpu.memory_space<hbm>>
      tpu.wait_indirect_dma semaphore(%arg12 : memref<!tpu.dma_semaphore, #tpu.memory_space<semaphore_mem>>) src(%dma_wait3A_135 : memref<10000x128xf32, #tpu.memory_space<hbm>>) dst(%arg11 : memref<128x128xf32, #tpu.memory_space<vmem>>)
      %run_scoped3A_136 = arith.constant 4 : i32
      "tpu.region"() ({
        %run_scoped3A_168 = tpu.sem_alloc : memref<!tpu.dma_semaphore, #tpu.memory_space<semaphore_mem>>
        %dma_start3A_169 = arith.constant 0 : i32
        %dma_start3A_170 = tpu.memref_slice %arg9[%run_scoped3A_136, %dma_start3A_169] : memref<8x128xi32, #tpu.memory_space<vmem>> -> memref<1x128xi32, #tpu.memory_space<vmem>>
        %dma_start3A_171 = tpu.memref_squeeze %dma_start3A_170 : memref<1x128xi32, #tpu.memory_space<vmem>> -> memref<128xi32, #tpu.memory_space<vmem>>
        %dma_start3A_172 = arith.constant 0 : i32
        %dma_start3A_173 = arith.constant 0 : i32
        %dma_start3A_174 = tpu.memref_slice %arg7[%dma_start3A_172, %dma_start3A_173] : memref<10240x128xf32, #tpu.memory_space<vmem_shared>> -> memref<10240x128xf32, #tpu.memory_space<vmem_shared>>
        tpu.enqueue_indirect_dma source(%arg10 : memref<128x128xf32, #tpu.memory_space<vmem>>) target(%dma_start3A_174 : memref<10240x128xf32, #tpu.memory_space<vmem_shared>>) offsets(%dma_start3A_171 : memref<128xi32, #tpu.memory_space<vmem>>) semaphore(%run_scoped3A_168 : memref<!tpu.dma_semaphore, #tpu.memory_space<semaphore_mem>>) {add = true}
        %dma_wait3A_175 = arith.constant 0 : i32
        %dma_wait3A_176 = tpu.memref_slice %arg9[%run_scoped3A_136, %dma_wait3A_175] : memref<8x128xi32, #tpu.memory_space<vmem>> -> memref<1x128xi32, #tpu.memory_space<vmem>>
        %dma_wait3A_177 = tpu.memref_squeeze %dma_wait3A_176 : memref<1x128xi32, #tpu.memory_space<vmem>> -> memref<128xi32, #tpu.memory_space<vmem>>
        %dma_wait3A_178 = arith.constant 0 : i32
        %dma_wait3A_179 = arith.constant 0 : i32
        %dma_wait3A_180 = tpu.memref_slice %arg7[%dma_wait3A_178, %dma_wait3A_179] : memref<10240x128xf32, #tpu.memory_space<vmem_shared>> -> memref<10240x128xf32, #tpu.memory_space<vmem_shared>>
        tpu.wait_indirect_dma semaphore(%run_scoped3A_168 : memref<!tpu.dma_semaphore, #tpu.memory_space<semaphore_mem>>) src(%arg10 : memref<128x128xf32, #tpu.memory_space<vmem>>) dst(%dma_wait3A_180 : memref<10240x128xf32, #tpu.memory_space<vmem_shared>>)
        tpu.yield
      }) : () -> ()
      %run_scoped3A_137 = arith.constant 5 : i32
      "tpu.region"() ({
        %run_scoped3A_168 = tpu.sem_alloc : memref<!tpu.dma_semaphore, #tpu.memory_space<semaphore_mem>>
        %dma_start3A_169 = arith.constant 0 : i32
        %dma_start3A_170 = tpu.memref_slice %arg9[%run_scoped3A_137, %dma_start3A_169] : memref<8x128xi32, #tpu.memory_space<vmem>> -> memref<1x128xi32, #tpu.memory_space<vmem>>
        %dma_start3A_171 = tpu.memref_squeeze %dma_start3A_170 : memref<1x128xi32, #tpu.memory_space<vmem>> -> memref<128xi32, #tpu.memory_space<vmem>>
        %dma_start3A_172 = arith.constant 0 : i32
        %dma_start3A_173 = arith.constant 0 : i32
        %dma_start3A_174 = tpu.memref_slice %arg7[%dma_start3A_172, %dma_start3A_173] : memref<10240x128xf32, #tpu.memory_space<vmem_shared>> -> memref<10240x128xf32, #tpu.memory_space<vmem_shared>>
        tpu.enqueue_indirect_dma source(%arg11 : memref<128x128xf32, #tpu.memory_space<vmem>>) target(%dma_start3A_174 : memref<10240x128xf32, #tpu.memory_space<vmem_shared>>) offsets(%dma_start3A_171 : memref<128xi32, #tpu.memory_space<vmem>>) semaphore(%run_scoped3A_168 : memref<!tpu.dma_semaphore, #tpu.memory_space<semaphore_mem>>) {add = true}
        %dma_wait3A_175 = arith.constant 0 : i32
        %dma_wait3A_176 = tpu.memref_slice %arg9[%run_scoped3A_137, %dma_wait3A_175] : memref<8x128xi32, #tpu.memory_space<vmem>> -> memref<1x128xi32, #tpu.memory_space<vmem>>
        %dma_wait3A_177 = tpu.memref_squeeze %dma_wait3A_176 : memref<1x128xi32, #tpu.memory_space<vmem>> -> memref<128xi32, #tpu.memory_space<vmem>>
        %dma_wait3A_178 = arith.constant 0 : i32
        %dma_wait3A_179 = arith.constant 0 : i32
        %dma_wait3A_180 = tpu.memref_slice %arg7[%dma_wait3A_178, %dma_wait3A_179] : memref<10240x128xf32, #tpu.memory_space<vmem_shared>> -> memref<10240x128xf32, #tpu.memory_space<vmem_shared>>
        tpu.wait_indirect_dma semaphore(%run_scoped3A_168 : memref<!tpu.dma_semaphore, #tpu.memory_space<semaphore_mem>>) src(%arg11 : memref<128x128xf32, #tpu.memory_space<vmem>>) dst(%dma_wait3A_180 : memref<10240x128xf32, #tpu.memory_space<vmem_shared>>)
        tpu.yield
      }) : () -> ()
      %dma_start3A_138 = arith.constant 6 : i32
      %dma_start3A_139 = arith.constant 0 : i32
      %dma_start3A_140 = tpu.memref_slice %arg8[%dma_start3A_138, %dma_start3A_139] : memref<8x128xi32, #tpu.memory_space<vmem>> -> memref<1x128xi32, #tpu.memory_space<vmem>>
      %dma_start3A_141 = tpu.memref_squeeze %dma_start3A_140 : memref<1x128xi32, #tpu.memory_space<vmem>> -> memref<128xi32, #tpu.memory_space<vmem>>
      %dma_start3A_142 = arith.constant 0 : i32
      %dma_start3A_143 = arith.constant 0 : i32
      %dma_start3A_144 = tpu.memref_slice %arg2[%dma_start3A_142, %dma_start3A_143] : memref<10000x128xf32, #tpu.memory_space<hbm>> -> memref<10000x128xf32, #tpu.memory_space<hbm>>
      tpu.enqueue_indirect_dma source(%dma_start3A_144 : memref<10000x128xf32, #tpu.memory_space<hbm>>) target(%arg10 : memref<128x128xf32, #tpu.memory_space<vmem>>) offsets(%dma_start3A_141 : memref<128xi32, #tpu.memory_space<vmem>>) semaphore(%arg12 : memref<!tpu.dma_semaphore, #tpu.memory_space<semaphore_mem>>)
      %dma_start3A_145 = arith.constant 7 : i32
      %dma_start3A_146 = arith.constant 0 : i32
      %dma_start3A_147 = tpu.memref_slice %arg8[%dma_start3A_145, %dma_start3A_146] : memref<8x128xi32, #tpu.memory_space<vmem>> -> memref<1x128xi32, #tpu.memory_space<vmem>>
      %dma_start3A_148 = tpu.memref_squeeze %dma_start3A_147 : memref<1x128xi32, #tpu.memory_space<vmem>> -> memref<128xi32, #tpu.memory_space<vmem>>
      %dma_start3A_149 = arith.constant 0 : i32
      %dma_start3A_150 = arith.constant 0 : i32
      %dma_start3A_151 = tpu.memref_slice %arg2[%dma_start3A_149, %dma_start3A_150] : memref<10000x128xf32, #tpu.memory_space<hbm>> -> memref<10000x128xf32, #tpu.memory_space<hbm>>
      tpu.enqueue_indirect_dma source(%dma_start3A_151 : memref<10000x128xf32, #tpu.memory_space<hbm>>) target(%arg11 : memref<128x128xf32, #tpu.memory_space<vmem>>) offsets(%dma_start3A_148 : memref<128xi32, #tpu.memory_space<vmem>>) semaphore(%arg12 : memref<!tpu.dma_semaphore, #tpu.memory_space<semaphore_mem>>)
      %dma_wait3A_152 = arith.constant 6 : i32
      %dma_wait3A_153 = arith.constant 0 : i32
      %dma_wait3A_154 = tpu.memref_slice %arg8[%dma_wait3A_152, %dma_wait3A_153] : memref<8x128xi32, #tpu.memory_space<vmem>> -> memref<1x128xi32, #tpu.memory_space<vmem>>
      %dma_wait3A_155 = tpu.memref_squeeze %dma_wait3A_154 : memref<1x128xi32, #tpu.memory_space<vmem>> -> memref<128xi32, #tpu.memory_space<vmem>>
      %dma_wait3A_156 = arith.constant 0 : i32
      %dma_wait3A_157 = arith.constant 0 : i32
      %dma_wait3A_158 = tpu.memref_slice %arg2[%dma_wait3A_156, %dma_wait3A_157] : memref<10000x128xf32, #tpu.memory_space<hbm>> -> memref<10000x128xf32, #tpu.memory_space<hbm>>
      tpu.wait_indirect_dma semaphore(%arg12 : memref<!tpu.dma_semaphore, #tpu.memory_space<semaphore_mem>>) src(%dma_wait3A_158 : memref<10000x128xf32, #tpu.memory_space<hbm>>) dst(%arg10 : memref<128x128xf32, #tpu.memory_space<vmem>>)
      %dma_wait3A_159 = arith.constant 7 : i32
      %dma_wait3A_160 = arith.constant 0 : i32
      %dma_wait3A_161 = tpu.memref_slice %arg8[%dma_wait3A_159, %dma_wait3A_160] : memref<8x128xi32, #tpu.memory_space<vmem>> -> memref<1x128xi32, #tpu.memory_space<vmem>>
      %dma_wait3A_162 = tpu.memref_squeeze %dma_wait3A_161 : memref<1x128xi32, #tpu.memory_space<vmem>> -> memref<128xi32, #tpu.memory_space<vmem>>
      %dma_wait3A_163 = arith.constant 0 : i32
      %dma_wait3A_164 = arith.constant 0 : i32
      %dma_wait3A_165 = tpu.memref_slice %arg2[%dma_wait3A_163, %dma_wait3A_164] : memref<10000x128xf32, #tpu.memory_space<hbm>> -> memref<10000x128xf32, #tpu.memory_space<hbm>>
      tpu.wait_indirect_dma semaphore(%arg12 : memref<!tpu.dma_semaphore, #tpu.memory_space<semaphore_mem>>) src(%dma_wait3A_165 : memref<10000x128xf32, #tpu.memory_space<hbm>>) dst(%arg11 : memref<128x128xf32, #tpu.memory_space<vmem>>)
      %run_scoped3A_166 = arith.constant 6 : i32
      "tpu.region"() ({
        %run_scoped3A_168 = tpu.sem_alloc : memref<!tpu.dma_semaphore, #tpu.memory_space<semaphore_mem>>
        %dma_start3A_169 = arith.constant 0 : i32
        %dma_start3A_170 = tpu.memref_slice %arg9[%run_scoped3A_166, %dma_start3A_169] : memref<8x128xi32, #tpu.memory_space<vmem>> -> memref<1x128xi32, #tpu.memory_space<vmem>>
        %dma_start3A_171 = tpu.memref_squeeze %dma_start3A_170 : memref<1x128xi32, #tpu.memory_space<vmem>> -> memref<128xi32, #tpu.memory_space<vmem>>
        %dma_start3A_172 = arith.constant 0 : i32
        %dma_start3A_173 = arith.constant 0 : i32
        %dma_start3A_174 = tpu.memref_slice %arg7[%dma_start3A_172, %dma_start3A_173] : memref<10240x128xf32, #tpu.memory_space<vmem_shared>> -> memref<10240x128xf32, #tpu.memory_space<vmem_shared>>
        tpu.enqueue_indirect_dma source(%arg10 : memref<128x128xf32, #tpu.memory_space<vmem>>) target(%dma_start3A_174 : memref<10240x128xf32, #tpu.memory_space<vmem_shared>>) offsets(%dma_start3A_171 : memref<128xi32, #tpu.memory_space<vmem>>) semaphore(%run_scoped3A_168 : memref<!tpu.dma_semaphore, #tpu.memory_space<semaphore_mem>>) {add = true}
        %dma_wait3A_175 = arith.constant 0 : i32
        %dma_wait3A_176 = tpu.memref_slice %arg9[%run_scoped3A_166, %dma_wait3A_175] : memref<8x128xi32, #tpu.memory_space<vmem>> -> memref<1x128xi32, #tpu.memory_space<vmem>>
        %dma_wait3A_177 = tpu.memref_squeeze %dma_wait3A_176 : memref<1x128xi32, #tpu.memory_space<vmem>> -> memref<128xi32, #tpu.memory_space<vmem>>
        %dma_wait3A_178 = arith.constant 0 : i32
        %dma_wait3A_179 = arith.constant 0 : i32
        %dma_wait3A_180 = tpu.memref_slice %arg7[%dma_wait3A_178, %dma_wait3A_179] : memref<10240x128xf32, #tpu.memory_space<vmem_shared>> -> memref<10240x128xf32, #tpu.memory_space<vmem_shared>>
        tpu.wait_indirect_dma semaphore(%run_scoped3A_168 : memref<!tpu.dma_semaphore, #tpu.memory_space<semaphore_mem>>) src(%arg10 : memref<128x128xf32, #tpu.memory_space<vmem>>) dst(%dma_wait3A_180 : memref<10240x128xf32, #tpu.memory_space<vmem_shared>>)
        tpu.yield
      }) : () -> ()
      %run_scoped3A_167 = arith.constant 7 : i32
      "tpu.region"() ({
        %run_scoped3A_168 = tpu.sem_alloc : memref<!tpu.dma_semaphore, #tpu.memory_space<semaphore_mem>>
        %dma_start3A_169 = arith.constant 0 : i32
        %dma_start3A_170 = tpu.memref_slice %arg9[%run_scoped3A_167, %dma_start3A_169] : memref<8x128xi32, #tpu.memory_space<vmem>> -> memref<1x128xi32, #tpu.memory_space<vmem>>
        %dma_start3A_171 = tpu.memref_squeeze %dma_start3A_170 : memref<1x128xi32, #tpu.memory_space<vmem>> -> memref<128xi32, #tpu.memory_space<vmem>>
        %dma_start3A_172 = arith.constant 0 : i32
        %dma_start3A_173 = arith.constant 0 : i32
        %dma_start3A_174 = tpu.memref_slice %arg7[%dma_start3A_172, %dma_start3A_173] : memref<10240x128xf32, #tpu.memory_space<vmem_shared>> -> memref<10240x128xf32, #tpu.memory_space<vmem_shared>>
        tpu.enqueue_indirect_dma source(%arg11 : memref<128x128xf32, #tpu.memory_space<vmem>>) target(%dma_start3A_174 : memref<10240x128xf32, #tpu.memory_space<vmem_shared>>) offsets(%dma_start3A_171 : memref<128xi32, #tpu.memory_space<vmem>>) semaphore(%run_scoped3A_168 : memref<!tpu.dma_semaphore, #tpu.memory_space<semaphore_mem>>) {add = true}
        %dma_wait3A_175 = arith.constant 0 : i32
        %dma_wait3A_176 = tpu.memref_slice %arg9[%run_scoped3A_167, %dma_wait3A_175] : memref<8x128xi32, #tpu.memory_space<vmem>> -> memref<1x128xi32, #tpu.memory_space<vmem>>
        %dma_wait3A_177 = tpu.memref_squeeze %dma_wait3A_176 : memref<1x128xi32, #tpu.memory_space<vmem>> -> memref<128xi32, #tpu.memory_space<vmem>>
        %dma_wait3A_178 = arith.constant 0 : i32
        %dma_wait3A_179 = arith.constant 0 : i32
        %dma_wait3A_180 = tpu.memref_slice %arg7[%dma_wait3A_178, %dma_wait3A_179] : memref<10240x128xf32, #tpu.memory_space<vmem_shared>> -> memref<10240x128xf32, #tpu.memory_space<vmem_shared>>
        tpu.wait_indirect_dma semaphore(%run_scoped3A_168 : memref<!tpu.dma_semaphore, #tpu.memory_space<semaphore_mem>>) src(%arg11 : memref<128x128xf32, #tpu.memory_space<vmem>>) dst(%dma_wait3A_180 : memref<10240x128xf32, #tpu.memory_space<vmem_shared>>)
        tpu.yield
      }) : () -> ()
    }
    %while3A_38 = arith.constant 1 : i32
    scf.for %while3A_47 = %while3A_36 to %while3A_32 step %while3A_38  : i32 {
      %mul3A_48 = arith.constant 8 : i32
      %mul3A_49 = arith.muli %while3A_47, %mul3A_48 : i32
      %add3A_50 = arith.addi %select_n3A, %mul3A_49 : i32
      "tpu.region"() ({
        %run_scoped3A_168 = tpu.sem_alloc : memref<!tpu.dma_semaphore, #tpu.memory_space<semaphore_mem>>
        %dma_start3A_169 = arith.constant 0 : i32
        %dma_start3A_170 = tpu.memref_slice %arg3[%add3A_50, %dma_start3A_169] : memref<2560x128xi32, #tpu.memory_space<hbm>> -> memref<8x128xi32, #tpu.memory_space<hbm>>
        %dma_start3A_171 = arith.constant 0 : i32
        %dma_start3A_172 = tpu.memref_slice %arg3[%add3A_50, %dma_start3A_171] : memref<2560x128xi32, #tpu.memory_space<hbm>> -> memref<8x128xi32, #tpu.memory_space<hbm>>
        tpu.enqueue_dma source(%dma_start3A_172 : memref<8x128xi32, #tpu.memory_space<hbm>>) target(%arg8 : memref<8x128xi32, #tpu.memory_space<vmem>>) target_semaphore(%run_scoped3A_168 : memref<!tpu.dma_semaphore, #tpu.memory_space<semaphore_mem>>)
        %dma_wait3A_173 = arith.constant 0 : i32
        %dma_wait3A_174 = tpu.memref_slice %arg3[%add3A_50, %dma_wait3A_173] : memref<2560x128xi32, #tpu.memory_space<hbm>> -> memref<8x128xi32, #tpu.memory_space<hbm>>
        %dma_wait3A_175 = arith.constant 0 : i32
        %dma_wait3A_176 = tpu.memref_slice %arg3[%add3A_50, %dma_wait3A_175] : memref<2560x128xi32, #tpu.memory_space<hbm>> -> memref<8x128xi32, #tpu.memory_space<hbm>>
        tpu.wait_dma2 semaphore(%run_scoped3A_168 : memref<!tpu.dma_semaphore, #tpu.memory_space<semaphore_mem>>) src(%dma_wait3A_176 : memref<8x128xi32, #tpu.memory_space<hbm>>) dst(%arg8 : memref<8x128xi32, #tpu.memory_space<vmem>>)
        tpu.yield
      }) : () -> ()
      "tpu.region"() ({
        %run_scoped3A_168 = tpu.sem_alloc : memref<!tpu.dma_semaphore, #tpu.memory_space<semaphore_mem>>
        %dma_start3A_169 = arith.constant 0 : i32
        %dma_start3A_170 = tpu.memref_slice %arg4[%add3A_50, %dma_start3A_169] : memref<2560x128xi32, #tpu.memory_space<hbm>> -> memref<8x128xi32, #tpu.memory_space<hbm>>
        %dma_start3A_171 = arith.constant 0 : i32
        %dma_start3A_172 = tpu.memref_slice %arg4[%add3A_50, %dma_start3A_171] : memref<2560x128xi32, #tpu.memory_space<hbm>> -> memref<8x128xi32, #tpu.memory_space<hbm>>
        tpu.enqueue_dma source(%dma_start3A_172 : memref<8x128xi32, #tpu.memory_space<hbm>>) target(%arg9 : memref<8x128xi32, #tpu.memory_space<vmem>>) target_semaphore(%run_scoped3A_168 : memref<!tpu.dma_semaphore, #tpu.memory_space<semaphore_mem>>)
        %dma_wait3A_173 = arith.constant 0 : i32
        %dma_wait3A_174 = tpu.memref_slice %arg4[%add3A_50, %dma_wait3A_173] : memref<2560x128xi32, #tpu.memory_space<hbm>> -> memref<8x128xi32, #tpu.memory_space<hbm>>
        %dma_wait3A_175 = arith.constant 0 : i32
        %dma_wait3A_176 = tpu.memref_slice %arg4[%add3A_50, %dma_wait3A_175] : memref<2560x128xi32, #tpu.memory_space<hbm>> -> memref<8x128xi32, #tpu.memory_space<hbm>>
        tpu.wait_dma2 semaphore(%run_scoped3A_168 : memref<!tpu.dma_semaphore, #tpu.memory_space<semaphore_mem>>) src(%dma_wait3A_176 : memref<8x128xi32, #tpu.memory_space<hbm>>) dst(%arg9 : memref<8x128xi32, #tpu.memory_space<vmem>>)
        tpu.yield
      }) : () -> ()
      %dma_start3A = arith.constant 0 : i32
      %dma_start3A_51 = arith.constant 0 : i32
      %dma_start3A_52 = tpu.memref_slice %arg8[%dma_start3A, %dma_start3A_51] : memref<8x128xi32, #tpu.memory_space<vmem>> -> memref<1x128xi32, #tpu.memory_space<vmem>>
      %dma_start3A_53 = tpu.memref_squeeze %dma_start3A_52 : memref<1x128xi32, #tpu.memory_space<vmem>> -> memref<128xi32, #tpu.memory_space<vmem>>
      %dma_start3A_54 = arith.constant 0 : i32
      %dma_start3A_55 = arith.constant 0 : i32
      %dma_start3A_56 = tpu.memref_slice %arg2[%dma_start3A_54, %dma_start3A_55] : memref<10000x128xf32, #tpu.memory_space<hbm>> -> memref<10000x128xf32, #tpu.memory_space<hbm>>
      tpu.enqueue_indirect_dma source(%dma_start3A_56 : memref<10000x128xf32, #tpu.memory_space<hbm>>) target(%arg10 : memref<128x128xf32, #tpu.memory_space<vmem>>) offsets(%dma_start3A_53 : memref<128xi32, #tpu.memory_space<vmem>>) semaphore(%arg12 : memref<!tpu.dma_semaphore, #tpu.memory_space<semaphore_mem>>)
      %dma_start3A_57 = arith.constant 1 : i32
      %dma_start3A_58 = arith.constant 0 : i32
      %dma_start3A_59 = tpu.memref_slice %arg8[%dma_start3A_57, %dma_start3A_58] : memref<8x128xi32, #tpu.memory_space<vmem>> -> memref<1x128xi32, #tpu.memory_space<vmem>>
      %dma_start3A_60 = tpu.memref_squeeze %dma_start3A_59 : memref<1x128xi32, #tpu.memory_space<vmem>> -> memref<128xi32, #tpu.memory_space<vmem>>
      %dma_start3A_61 = arith.constant 0 : i32
      %dma_start3A_62 = arith.constant 0 : i32
      %dma_start3A_63 = tpu.memref_slice %arg2[%dma_start3A_61, %dma_start3A_62] : memref<10000x128xf32, #tpu.memory_space<hbm>> -> memref<10000x128xf32, #tpu.memory_space<hbm>>
      tpu.enqueue_indirect_dma source(%dma_start3A_63 : memref<10000x128xf32, #tpu.memory_space<hbm>>) target(%arg11 : memref<128x128xf32, #tpu.memory_space<vmem>>) offsets(%dma_start3A_60 : memref<128xi32, #tpu.memory_space<vmem>>) semaphore(%arg12 : memref<!tpu.dma_semaphore, #tpu.memory_space<semaphore_mem>>)
      %dma_wait3A = arith.constant 0 : i32
      %dma_wait3A_64 = arith.constant 0 : i32
      %dma_wait3A_65 = tpu.memref_slice %arg8[%dma_wait3A, %dma_wait3A_64] : memref<8x128xi32, #tpu.memory_space<vmem>> -> memref<1x128xi32, #tpu.memory_space<vmem>>
      %dma_wait3A_66 = tpu.memref_squeeze %dma_wait3A_65 : memref<1x128xi32, #tpu.memory_space<vmem>> -> memref<128xi32, #tpu.memory_space<vmem>>
      %dma_wait3A_67 = arith.constant 0 : i32
      %dma_wait3A_68 = arith.constant 0 : i32
      %dma_wait3A_69 = tpu.memref_slice %arg2[%dma_wait3A_67, %dma_wait3A_68] : memref<10000x128xf32, #tpu.memory_space<hbm>> -> memref<10000x128xf32, #tpu.memory_space<hbm>>
      tpu.wait_indirect_dma semaphore(%arg12 : memref<!tpu.dma_semaphore, #tpu.memory_space<semaphore_mem>>) src(%dma_wait3A_69 : memref<10000x128xf32, #tpu.memory_space<hbm>>) dst(%arg10 : memref<128x128xf32, #tpu.memory_space<vmem>>)
      %dma_wait3A_70 = arith.constant 1 : i32
      %dma_wait3A_71 = arith.constant 0 : i32
      %dma_wait3A_72 = tpu.memref_slice %arg8[%dma_wait3A_70, %dma_wait3A_71] : memref<8x128xi32, #tpu.memory_space<vmem>> -> memref<1x128xi32, #tpu.memory_space<vmem>>
      %dma_wait3A_73 = tpu.memref_squeeze %dma_wait3A_72 : memref<1x128xi32, #tpu.memory_space<vmem>> -> memref<128xi32, #tpu.memory_space<vmem>>
      %dma_wait3A_74 = arith.constant 0 : i32
      %dma_wait3A_75 = arith.constant 0 : i32
      %dma_wait3A_76 = tpu.memref_slice %arg2[%dma_wait3A_74, %dma_wait3A_75] : memref<10000x128xf32, #tpu.memory_space<hbm>> -> memref<10000x128xf32, #tpu.memory_space<hbm>>
      tpu.wait_indirect_dma semaphore(%arg12 : memref<!tpu.dma_semaphore, #tpu.memory_space<semaphore_mem>>) src(%dma_wait3A_76 : memref<10000x128xf32, #tpu.memory_space<hbm>>) dst(%arg11 : memref<128x128xf32, #tpu.memory_space<vmem>>)
      %run_scoped3A = arith.constant 0 : i32
      "tpu.region"() ({
        %run_scoped3A_168 = tpu.sem_alloc : memref<!tpu.dma_semaphore, #tpu.memory_space<semaphore_mem>>
        %dma_start3A_169 = arith.constant 0 : i32
        %dma_start3A_170 = tpu.memref_slice %arg9[%run_scoped3A, %dma_start3A_169] : memref<8x128xi32, #tpu.memory_space<vmem>> -> memref<1x128xi32, #tpu.memory_space<vmem>>
        %dma_start3A_171 = tpu.memref_squeeze %dma_start3A_170 : memref<1x128xi32, #tpu.memory_space<vmem>> -> memref<128xi32, #tpu.memory_space<vmem>>
        %dma_start3A_172 = arith.constant 0 : i32
        %dma_start3A_173 = arith.constant 0 : i32
        %dma_start3A_174 = tpu.memref_slice %arg7[%dma_start3A_172, %dma_start3A_173] : memref<10240x128xf32, #tpu.memory_space<vmem_shared>> -> memref<10240x128xf32, #tpu.memory_space<vmem_shared>>
        tpu.enqueue_indirect_dma source(%arg10 : memref<128x128xf32, #tpu.memory_space<vmem>>) target(%dma_start3A_174 : memref<10240x128xf32, #tpu.memory_space<vmem_shared>>) offsets(%dma_start3A_171 : memref<128xi32, #tpu.memory_space<vmem>>) semaphore(%run_scoped3A_168 : memref<!tpu.dma_semaphore, #tpu.memory_space<semaphore_mem>>) {add = true}
        %dma_wait3A_175 = arith.constant 0 : i32
        %dma_wait3A_176 = tpu.memref_slice %arg9[%run_scoped3A, %dma_wait3A_175] : memref<8x128xi32, #tpu.memory_space<vmem>> -> memref<1x128xi32, #tpu.memory_space<vmem>>
        %dma_wait3A_177 = tpu.memref_squeeze %dma_wait3A_176 : memref<1x128xi32, #tpu.memory_space<vmem>> -> memref<128xi32, #tpu.memory_space<vmem>>
        %dma_wait3A_178 = arith.constant 0 : i32
        %dma_wait3A_179 = arith.constant 0 : i32
        %dma_wait3A_180 = tpu.memref_slice %arg7[%dma_wait3A_178, %dma_wait3A_179] : memref<10240x128xf32, #tpu.memory_space<vmem_shared>> -> memref<10240x128xf32, #tpu.memory_space<vmem_shared>>
        tpu.wait_indirect_dma semaphore(%run_scoped3A_168 : memref<!tpu.dma_semaphore, #tpu.memory_space<semaphore_mem>>) src(%arg10 : memref<128x128xf32, #tpu.memory_space<vmem>>) dst(%dma_wait3A_180 : memref<10240x128xf32, #tpu.memory_space<vmem_shared>>)
        tpu.yield
      }) : () -> ()
      %run_scoped3A_77 = arith.constant 1 : i32
      "tpu.region"() ({
        %run_scoped3A_168 = tpu.sem_alloc : memref<!tpu.dma_semaphore, #tpu.memory_space<semaphore_mem>>
        %dma_start3A_169 = arith.constant 0 : i32
        %dma_start3A_170 = tpu.memref_slice %arg9[%run_scoped3A_77, %dma_start3A_169] : memref<8x128xi32, #tpu.memory_space<vmem>> -> memref<1x128xi32, #tpu.memory_space<vmem>>
        %dma_start3A_171 = tpu.memref_squeeze %dma_start3A_170 : memref<1x128xi32, #tpu.memory_space<vmem>> -> memref<128xi32, #tpu.memory_space<vmem>>
        %dma_start3A_172 = arith.constant 0 : i32
        %dma_start3A_173 = arith.constant 0 : i32
        %dma_start3A_174 = tpu.memref_slice %arg7[%dma_start3A_172, %dma_start3A_173] : memref<10240x128xf32, #tpu.memory_space<vmem_shared>> -> memref<10240x128xf32, #tpu.memory_space<vmem_shared>>
        tpu.enqueue_indirect_dma source(%arg11 : memref<128x128xf32, #tpu.memory_space<vmem>>) target(%dma_start3A_174 : memref<10240x128xf32, #tpu.memory_space<vmem_shared>>) offsets(%dma_start3A_171 : memref<128xi32, #tpu.memory_space<vmem>>) semaphore(%run_scoped3A_168 : memref<!tpu.dma_semaphore, #tpu.memory_space<semaphore_mem>>) {add = true}
        %dma_wait3A_175 = arith.constant 0 : i32
        %dma_wait3A_176 = tpu.memref_slice %arg9[%run_scoped3A_77, %dma_wait3A_175] : memref<8x128xi32, #tpu.memory_space<vmem>> -> memref<1x128xi32, #tpu.memory_space<vmem>>
        %dma_wait3A_177 = tpu.memref_squeeze %dma_wait3A_176 : memref<1x128xi32, #tpu.memory_space<vmem>> -> memref<128xi32, #tpu.memory_space<vmem>>
        %dma_wait3A_178 = arith.constant 0 : i32
        %dma_wait3A_179 = arith.constant 0 : i32
        %dma_wait3A_180 = tpu.memref_slice %arg7[%dma_wait3A_178, %dma_wait3A_179] : memref<10240x128xf32, #tpu.memory_space<vmem_shared>> -> memref<10240x128xf32, #tpu.memory_space<vmem_shared>>
        tpu.wait_indirect_dma semaphore(%run_scoped3A_168 : memref<!tpu.dma_semaphore, #tpu.memory_space<semaphore_mem>>) src(%arg11 : memref<128x128xf32, #tpu.memory_space<vmem>>) dst(%dma_wait3A_180 : memref<10240x128xf32, #tpu.memory_space<vmem_shared>>)
        tpu.yield
      }) : () -> ()
      %dma_start3A_78 = arith.constant 2 : i32
      %dma_start3A_79 = arith.constant 0 : i32
      %dma_start3A_80 = tpu.memref_slice %arg8[%dma_start3A_78, %dma_start3A_79] : memref<8x128xi32, #tpu.memory_space<vmem>> -> memref<1x128xi32, #tpu.memory_space<vmem>>
      %dma_start3A_81 = tpu.memref_squeeze %dma_start3A_80 : memref<1x128xi32, #tpu.memory_space<vmem>> -> memref<128xi32, #tpu.memory_space<vmem>>
      %dma_start3A_82 = arith.constant 0 : i32
      %dma_start3A_83 = arith.constant 0 : i32
      %dma_start3A_84 = tpu.memref_slice %arg2[%dma_start3A_82, %dma_start3A_83] : memref<10000x128xf32, #tpu.memory_space<hbm>> -> memref<10000x128xf32, #tpu.memory_space<hbm>>
      tpu.enqueue_indirect_dma source(%dma_start3A_84 : memref<10000x128xf32, #tpu.memory_space<hbm>>) target(%arg10 : memref<128x128xf32, #tpu.memory_space<vmem>>) offsets(%dma_start3A_81 : memref<128xi32, #tpu.memory_space<vmem>>) semaphore(%arg12 : memref<!tpu.dma_semaphore, #tpu.memory_space<semaphore_mem>>)
      %dma_start3A_85 = arith.constant 3 : i32
      %dma_start3A_86 = arith.constant 0 : i32
      %dma_start3A_87 = tpu.memref_slice %arg8[%dma_start3A_85, %dma_start3A_86] : memref<8x128xi32, #tpu.memory_space<vmem>> -> memref<1x128xi32, #tpu.memory_space<vmem>>
      %dma_start3A_88 = tpu.memref_squeeze %dma_start3A_87 : memref<1x128xi32, #tpu.memory_space<vmem>> -> memref<128xi32, #tpu.memory_space<vmem>>
      %dma_start3A_89 = arith.constant 0 : i32
      %dma_start3A_90 = arith.constant 0 : i32
      %dma_start3A_91 = tpu.memref_slice %arg2[%dma_start3A_89, %dma_start3A_90] : memref<10000x128xf32, #tpu.memory_space<hbm>> -> memref<10000x128xf32, #tpu.memory_space<hbm>>
      tpu.enqueue_indirect_dma source(%dma_start3A_91 : memref<10000x128xf32, #tpu.memory_space<hbm>>) target(%arg11 : memref<128x128xf32, #tpu.memory_space<vmem>>) offsets(%dma_start3A_88 : memref<128xi32, #tpu.memory_space<vmem>>) semaphore(%arg12 : memref<!tpu.dma_semaphore, #tpu.memory_space<semaphore_mem>>)
      %dma_wait3A_92 = arith.constant 2 : i32
      %dma_wait3A_93 = arith.constant 0 : i32
      %dma_wait3A_94 = tpu.memref_slice %arg8[%dma_wait3A_92, %dma_wait3A_93] : memref<8x128xi32, #tpu.memory_space<vmem>> -> memref<1x128xi32, #tpu.memory_space<vmem>>
      %dma_wait3A_95 = tpu.memref_squeeze %dma_wait3A_94 : memref<1x128xi32, #tpu.memory_space<vmem>> -> memref<128xi32, #tpu.memory_space<vmem>>
      %dma_wait3A_96 = arith.constant 0 : i32
      %dma_wait3A_97 = arith.constant 0 : i32
      %dma_wait3A_98 = tpu.memref_slice %arg2[%dma_wait3A_96, %dma_wait3A_97] : memref<10000x128xf32, #tpu.memory_space<hbm>> -> memref<10000x128xf32, #tpu.memory_space<hbm>>
      tpu.wait_indirect_dma semaphore(%arg12 : memref<!tpu.dma_semaphore, #tpu.memory_space<semaphore_mem>>) src(%dma_wait3A_98 : memref<10000x128xf32, #tpu.memory_space<hbm>>) dst(%arg10 : memref<128x128xf32, #tpu.memory_space<vmem>>)
      %dma_wait3A_99 = arith.constant 3 : i32
      %dma_wait3A_100 = arith.constant 0 : i32
      %dma_wait3A_101 = tpu.memref_slice %arg8[%dma_wait3A_99, %dma_wait3A_100] : memref<8x128xi32, #tpu.memory_space<vmem>> -> memref<1x128xi32, #tpu.memory_space<vmem>>
      %dma_wait3A_102 = tpu.memref_squeeze %dma_wait3A_101 : memref<1x128xi32, #tpu.memory_space<vmem>> -> memref<128xi32, #tpu.memory_space<vmem>>
      %dma_wait3A_103 = arith.constant 0 : i32
      %dma_wait3A_104 = arith.constant 0 : i32
      %dma_wait3A_105 = tpu.memref_slice %arg2[%dma_wait3A_103, %dma_wait3A_104] : memref<10000x128xf32, #tpu.memory_space<hbm>> -> memref<10000x128xf32, #tpu.memory_space<hbm>>
      tpu.wait_indirect_dma semaphore(%arg12 : memref<!tpu.dma_semaphore, #tpu.memory_space<semaphore_mem>>) src(%dma_wait3A_105 : memref<10000x128xf32, #tpu.memory_space<hbm>>) dst(%arg11 : memref<128x128xf32, #tpu.memory_space<vmem>>)
      %run_scoped3A_106 = arith.constant 2 : i32
      "tpu.region"() ({
        %run_scoped3A_168 = tpu.sem_alloc : memref<!tpu.dma_semaphore, #tpu.memory_space<semaphore_mem>>
        %dma_start3A_169 = arith.constant 0 : i32
        %dma_start3A_170 = tpu.memref_slice %arg9[%run_scoped3A_106, %dma_start3A_169] : memref<8x128xi32, #tpu.memory_space<vmem>> -> memref<1x128xi32, #tpu.memory_space<vmem>>
        %dma_start3A_171 = tpu.memref_squeeze %dma_start3A_170 : memref<1x128xi32, #tpu.memory_space<vmem>> -> memref<128xi32, #tpu.memory_space<vmem>>
        %dma_start3A_172 = arith.constant 0 : i32
        %dma_start3A_173 = arith.constant 0 : i32
        %dma_start3A_174 = tpu.memref_slice %arg7[%dma_start3A_172, %dma_start3A_173] : memref<10240x128xf32, #tpu.memory_space<vmem_shared>> -> memref<10240x128xf32, #tpu.memory_space<vmem_shared>>
        tpu.enqueue_indirect_dma source(%arg10 : memref<128x128xf32, #tpu.memory_space<vmem>>) target(%dma_start3A_174 : memref<10240x128xf32, #tpu.memory_space<vmem_shared>>) offsets(%dma_start3A_171 : memref<128xi32, #tpu.memory_space<vmem>>) semaphore(%run_scoped3A_168 : memref<!tpu.dma_semaphore, #tpu.memory_space<semaphore_mem>>) {add = true}
        %dma_wait3A_175 = arith.constant 0 : i32
        %dma_wait3A_176 = tpu.memref_slice %arg9[%run_scoped3A_106, %dma_wait3A_175] : memref<8x128xi32, #tpu.memory_space<vmem>> -> memref<1x128xi32, #tpu.memory_space<vmem>>
        %dma_wait3A_177 = tpu.memref_squeeze %dma_wait3A_176 : memref<1x128xi32, #tpu.memory_space<vmem>> -> memref<128xi32, #tpu.memory_space<vmem>>
        %dma_wait3A_178 = arith.constant 0 : i32
        %dma_wait3A_179 = arith.constant 0 : i32
        %dma_wait3A_180 = tpu.memref_slice %arg7[%dma_wait3A_178, %dma_wait3A_179] : memref<10240x128xf32, #tpu.memory_space<vmem_shared>> -> memref<10240x128xf32, #tpu.memory_space<vmem_shared>>
        tpu.wait_indirect_dma semaphore(%run_scoped3A_168 : memref<!tpu.dma_semaphore, #tpu.memory_space<semaphore_mem>>) src(%arg10 : memref<128x128xf32, #tpu.memory_space<vmem>>) dst(%dma_wait3A_180 : memref<10240x128xf32, #tpu.memory_space<vmem_shared>>)
        tpu.yield
      }) : () -> ()
      %run_scoped3A_107 = arith.constant 3 : i32
      "tpu.region"() ({
        %run_scoped3A_168 = tpu.sem_alloc : memref<!tpu.dma_semaphore, #tpu.memory_space<semaphore_mem>>
        %dma_start3A_169 = arith.constant 0 : i32
        %dma_start3A_170 = tpu.memref_slice %arg9[%run_scoped3A_107, %dma_start3A_169] : memref<8x128xi32, #tpu.memory_space<vmem>> -> memref<1x128xi32, #tpu.memory_space<vmem>>
        %dma_start3A_171 = tpu.memref_squeeze %dma_start3A_170 : memref<1x128xi32, #tpu.memory_space<vmem>> -> memref<128xi32, #tpu.memory_space<vmem>>
        %dma_start3A_172 = arith.constant 0 : i32
        %dma_start3A_173 = arith.constant 0 : i32
        %dma_start3A_174 = tpu.memref_slice %arg7[%dma_start3A_172, %dma_start3A_173] : memref<10240x128xf32, #tpu.memory_space<vmem_shared>> -> memref<10240x128xf32, #tpu.memory_space<vmem_shared>>
        tpu.enqueue_indirect_dma source(%arg11 : memref<128x128xf32, #tpu.memory_space<vmem>>) target(%dma_start3A_174 : memref<10240x128xf32, #tpu.memory_space<vmem_shared>>) offsets(%dma_start3A_171 : memref<128xi32, #tpu.memory_space<vmem>>) semaphore(%run_scoped3A_168 : memref<!tpu.dma_semaphore, #tpu.memory_space<semaphore_mem>>) {add = true}
        %dma_wait3A_175 = arith.constant 0 : i32
        %dma_wait3A_176 = tpu.memref_slice %arg9[%run_scoped3A_107, %dma_wait3A_175] : memref<8x128xi32, #tpu.memory_space<vmem>> -> memref<1x128xi32, #tpu.memory_space<vmem>>
        %dma_wait3A_177 = tpu.memref_squeeze %dma_wait3A_176 : memref<1x128xi32, #tpu.memory_space<vmem>> -> memref<128xi32, #tpu.memory_space<vmem>>
        %dma_wait3A_178 = arith.constant 0 : i32
        %dma_wait3A_179 = arith.constant 0 : i32
        %dma_wait3A_180 = tpu.memref_slice %arg7[%dma_wait3A_178, %dma_wait3A_179] : memref<10240x128xf32, #tpu.memory_space<vmem_shared>> -> memref<10240x128xf32, #tpu.memory_space<vmem_shared>>
        tpu.wait_indirect_dma semaphore(%run_scoped3A_168 : memref<!tpu.dma_semaphore, #tpu.memory_space<semaphore_mem>>) src(%arg11 : memref<128x128xf32, #tpu.memory_space<vmem>>) dst(%dma_wait3A_180 : memref<10240x128xf32, #tpu.memory_space<vmem_shared>>)
        tpu.yield
      }) : () -> ()
      %dma_start3A_108 = arith.constant 4 : i32
      %dma_start3A_109 = arith.constant 0 : i32
      %dma_start3A_110 = tpu.memref_slice %arg8[%dma_start3A_108, %dma_start3A_109] : memref<8x128xi32, #tpu.memory_space<vmem>> -> memref<1x128xi32, #tpu.memory_space<vmem>>
      %dma_start3A_111 = tpu.memref_squeeze %dma_start3A_110 : memref<1x128xi32, #tpu.memory_space<vmem>> -> memref<128xi32, #tpu.memory_space<vmem>>
      %dma_start3A_112 = arith.constant 0 : i32
      %dma_start3A_113 = arith.constant 0 : i32
      %dma_start3A_114 = tpu.memref_slice %arg2[%dma_start3A_112, %dma_start3A_113] : memref<10000x128xf32, #tpu.memory_space<hbm>> -> memref<10000x128xf32, #tpu.memory_space<hbm>>
      tpu.enqueue_indirect_dma source(%dma_start3A_114 : memref<10000x128xf32, #tpu.memory_space<hbm>>) target(%arg10 : memref<128x128xf32, #tpu.memory_space<vmem>>) offsets(%dma_start3A_111 : memref<128xi32, #tpu.memory_space<vmem>>) semaphore(%arg12 : memref<!tpu.dma_semaphore, #tpu.memory_space<semaphore_mem>>)
      %dma_start3A_115 = arith.constant 5 : i32
      %dma_start3A_116 = arith.constant 0 : i32
      %dma_start3A_117 = tpu.memref_slice %arg8[%dma_start3A_115, %dma_start3A_116] : memref<8x128xi32, #tpu.memory_space<vmem>> -> memref<1x128xi32, #tpu.memory_space<vmem>>
      %dma_start3A_118 = tpu.memref_squeeze %dma_start3A_117 : memref<1x128xi32, #tpu.memory_space<vmem>> -> memref<128xi32, #tpu.memory_space<vmem>>
      %dma_start3A_119 = arith.constant 0 : i32
      %dma_start3A_120 = arith.constant 0 : i32
      %dma_start3A_121 = tpu.memref_slice %arg2[%dma_start3A_119, %dma_start3A_120] : memref<10000x128xf32, #tpu.memory_space<hbm>> -> memref<10000x128xf32, #tpu.memory_space<hbm>>
      tpu.enqueue_indirect_dma source(%dma_start3A_121 : memref<10000x128xf32, #tpu.memory_space<hbm>>) target(%arg11 : memref<128x128xf32, #tpu.memory_space<vmem>>) offsets(%dma_start3A_118 : memref<128xi32, #tpu.memory_space<vmem>>) semaphore(%arg12 : memref<!tpu.dma_semaphore, #tpu.memory_space<semaphore_mem>>)
      %dma_wait3A_122 = arith.constant 4 : i32
      %dma_wait3A_123 = arith.constant 0 : i32
      %dma_wait3A_124 = tpu.memref_slice %arg8[%dma_wait3A_122, %dma_wait3A_123] : memref<8x128xi32, #tpu.memory_space<vmem>> -> memref<1x128xi32, #tpu.memory_space<vmem>>
      %dma_wait3A_125 = tpu.memref_squeeze %dma_wait3A_124 : memref<1x128xi32, #tpu.memory_space<vmem>> -> memref<128xi32, #tpu.memory_space<vmem>>
      %dma_wait3A_126 = arith.constant 0 : i32
      %dma_wait3A_127 = arith.constant 0 : i32
      %dma_wait3A_128 = tpu.memref_slice %arg2[%dma_wait3A_126, %dma_wait3A_127] : memref<10000x128xf32, #tpu.memory_space<hbm>> -> memref<10000x128xf32, #tpu.memory_space<hbm>>
      tpu.wait_indirect_dma semaphore(%arg12 : memref<!tpu.dma_semaphore, #tpu.memory_space<semaphore_mem>>) src(%dma_wait3A_128 : memref<10000x128xf32, #tpu.memory_space<hbm>>) dst(%arg10 : memref<128x128xf32, #tpu.memory_space<vmem>>)
      %dma_wait3A_129 = arith.constant 5 : i32
      %dma_wait3A_130 = arith.constant 0 : i32
      %dma_wait3A_131 = tpu.memref_slice %arg8[%dma_wait3A_129, %dma_wait3A_130] : memref<8x128xi32, #tpu.memory_space<vmem>> -> memref<1x128xi32, #tpu.memory_space<vmem>>
      %dma_wait3A_132 = tpu.memref_squeeze %dma_wait3A_131 : memref<1x128xi32, #tpu.memory_space<vmem>> -> memref<128xi32, #tpu.memory_space<vmem>>
      %dma_wait3A_133 = arith.constant 0 : i32
      %dma_wait3A_134 = arith.constant 0 : i32
      %dma_wait3A_135 = tpu.memref_slice %arg2[%dma_wait3A_133, %dma_wait3A_134] : memref<10000x128xf32, #tpu.memory_space<hbm>> -> memref<10000x128xf32, #tpu.memory_space<hbm>>
      tpu.wait_indirect_dma semaphore(%arg12 : memref<!tpu.dma_semaphore, #tpu.memory_space<semaphore_mem>>) src(%dma_wait3A_135 : memref<10000x128xf32, #tpu.memory_space<hbm>>) dst(%arg11 : memref<128x128xf32, #tpu.memory_space<vmem>>)
      %run_scoped3A_136 = arith.constant 4 : i32
      "tpu.region"() ({
        %run_scoped3A_168 = tpu.sem_alloc : memref<!tpu.dma_semaphore, #tpu.memory_space<semaphore_mem>>
        %dma_start3A_169 = arith.constant 0 : i32
        %dma_start3A_170 = tpu.memref_slice %arg9[%run_scoped3A_136, %dma_start3A_169] : memref<8x128xi32, #tpu.memory_space<vmem>> -> memref<1x128xi32, #tpu.memory_space<vmem>>
        %dma_start3A_171 = tpu.memref_squeeze %dma_start3A_170 : memref<1x128xi32, #tpu.memory_space<vmem>> -> memref<128xi32, #tpu.memory_space<vmem>>
        %dma_start3A_172 = arith.constant 0 : i32
        %dma_start3A_173 = arith.constant 0 : i32
        %dma_start3A_174 = tpu.memref_slice %arg7[%dma_start3A_172, %dma_start3A_173] : memref<10240x128xf32, #tpu.memory_space<vmem_shared>> -> memref<10240x128xf32, #tpu.memory_space<vmem_shared>>
        tpu.enqueue_indirect_dma source(%arg10 : memref<128x128xf32, #tpu.memory_space<vmem>>) target(%dma_start3A_174 : memref<10240x128xf32, #tpu.memory_space<vmem_shared>>) offsets(%dma_start3A_171 : memref<128xi32, #tpu.memory_space<vmem>>) semaphore(%run_scoped3A_168 : memref<!tpu.dma_semaphore, #tpu.memory_space<semaphore_mem>>) {add = true}
        %dma_wait3A_175 = arith.constant 0 : i32
        %dma_wait3A_176 = tpu.memref_slice %arg9[%run_scoped3A_136, %dma_wait3A_175] : memref<8x128xi32, #tpu.memory_space<vmem>> -> memref<1x128xi32, #tpu.memory_space<vmem>>
        %dma_wait3A_177 = tpu.memref_squeeze %dma_wait3A_176 : memref<1x128xi32, #tpu.memory_space<vmem>> -> memref<128xi32, #tpu.memory_space<vmem>>
        %dma_wait3A_178 = arith.constant 0 : i32
        %dma_wait3A_179 = arith.constant 0 : i32
        %dma_wait3A_180 = tpu.memref_slice %arg7[%dma_wait3A_178, %dma_wait3A_179] : memref<10240x128xf32, #tpu.memory_space<vmem_shared>> -> memref<10240x128xf32, #tpu.memory_space<vmem_shared>>
        tpu.wait_indirect_dma semaphore(%run_scoped3A_168 : memref<!tpu.dma_semaphore, #tpu.memory_space<semaphore_mem>>) src(%arg10 : memref<128x128xf32, #tpu.memory_space<vmem>>) dst(%dma_wait3A_180 : memref<10240x128xf32, #tpu.memory_space<vmem_shared>>)
        tpu.yield
      }) : () -> ()
      %run_scoped3A_137 = arith.constant 5 : i32
      "tpu.region"() ({
        %run_scoped3A_168 = tpu.sem_alloc : memref<!tpu.dma_semaphore, #tpu.memory_space<semaphore_mem>>
        %dma_start3A_169 = arith.constant 0 : i32
        %dma_start3A_170 = tpu.memref_slice %arg9[%run_scoped3A_137, %dma_start3A_169] : memref<8x128xi32, #tpu.memory_space<vmem>> -> memref<1x128xi32, #tpu.memory_space<vmem>>
        %dma_start3A_171 = tpu.memref_squeeze %dma_start3A_170 : memref<1x128xi32, #tpu.memory_space<vmem>> -> memref<128xi32, #tpu.memory_space<vmem>>
        %dma_start3A_172 = arith.constant 0 : i32
        %dma_start3A_173 = arith.constant 0 : i32
        %dma_start3A_174 = tpu.memref_slice %arg7[%dma_start3A_172, %dma_start3A_173] : memref<10240x128xf32, #tpu.memory_space<vmem_shared>> -> memref<10240x128xf32, #tpu.memory_space<vmem_shared>>
        tpu.enqueue_indirect_dma source(%arg11 : memref<128x128xf32, #tpu.memory_space<vmem>>) target(%dma_start3A_174 : memref<10240x128xf32, #tpu.memory_space<vmem_shared>>) offsets(%dma_start3A_171 : memref<128xi32, #tpu.memory_space<vmem>>) semaphore(%run_scoped3A_168 : memref<!tpu.dma_semaphore, #tpu.memory_space<semaphore_mem>>) {add = true}
        %dma_wait3A_175 = arith.constant 0 : i32
        %dma_wait3A_176 = tpu.memref_slice %arg9[%run_scoped3A_137, %dma_wait3A_175] : memref<8x128xi32, #tpu.memory_space<vmem>> -> memref<1x128xi32, #tpu.memory_space<vmem>>
        %dma_wait3A_177 = tpu.memref_squeeze %dma_wait3A_176 : memref<1x128xi32, #tpu.memory_space<vmem>> -> memref<128xi32, #tpu.memory_space<vmem>>
        %dma_wait3A_178 = arith.constant 0 : i32
        %dma_wait3A_179 = arith.constant 0 : i32
        %dma_wait3A_180 = tpu.memref_slice %arg7[%dma_wait3A_178, %dma_wait3A_179] : memref<10240x128xf32, #tpu.memory_space<vmem_shared>> -> memref<10240x128xf32, #tpu.memory_space<vmem_shared>>
        tpu.wait_indirect_dma semaphore(%run_scoped3A_168 : memref<!tpu.dma_semaphore, #tpu.memory_space<semaphore_mem>>) src(%arg11 : memref<128x128xf32, #tpu.memory_space<vmem>>) dst(%dma_wait3A_180 : memref<10240x128xf32, #tpu.memory_space<vmem_shared>>)
        tpu.yield
      }) : () -> ()
      %dma_start3A_138 = arith.constant 6 : i32
      %dma_start3A_139 = arith.constant 0 : i32
      %dma_start3A_140 = tpu.memref_slice %arg8[%dma_start3A_138, %dma_start3A_139] : memref<8x128xi32, #tpu.memory_space<vmem>> -> memref<1x128xi32, #tpu.memory_space<vmem>>
      %dma_start3A_141 = tpu.memref_squeeze %dma_start3A_140 : memref<1x128xi32, #tpu.memory_space<vmem>> -> memref<128xi32, #tpu.memory_space<vmem>>
      %dma_start3A_142 = arith.constant 0 : i32
      %dma_start3A_143 = arith.constant 0 : i32
      %dma_start3A_144 = tpu.memref_slice %arg2[%dma_start3A_142, %dma_start3A_143] : memref<10000x128xf32, #tpu.memory_space<hbm>> -> memref<10000x128xf32, #tpu.memory_space<hbm>>
      tpu.enqueue_indirect_dma source(%dma_start3A_144 : memref<10000x128xf32, #tpu.memory_space<hbm>>) target(%arg10 : memref<128x128xf32, #tpu.memory_space<vmem>>) offsets(%dma_start3A_141 : memref<128xi32, #tpu.memory_space<vmem>>) semaphore(%arg12 : memref<!tpu.dma_semaphore, #tpu.memory_space<semaphore_mem>>)
      %dma_start3A_145 = arith.constant 7 : i32
      %dma_start3A_146 = arith.constant 0 : i32
      %dma_start3A_147 = tpu.memref_slice %arg8[%dma_start3A_145, %dma_start3A_146] : memref<8x128xi32, #tpu.memory_space<vmem>> -> memref<1x128xi32, #tpu.memory_space<vmem>>
      %dma_start3A_148 = tpu.memref_squeeze %dma_start3A_147 : memref<1x128xi32, #tpu.memory_space<vmem>> -> memref<128xi32, #tpu.memory_space<vmem>>
      %dma_start3A_149 = arith.constant 0 : i32
      %dma_start3A_150 = arith.constant 0 : i32
      %dma_start3A_151 = tpu.memref_slice %arg2[%dma_start3A_149, %dma_start3A_150] : memref<10000x128xf32, #tpu.memory_space<hbm>> -> memref<10000x128xf32, #tpu.memory_space<hbm>>
      tpu.enqueue_indirect_dma source(%dma_start3A_151 : memref<10000x128xf32, #tpu.memory_space<hbm>>) target(%arg11 : memref<128x128xf32, #tpu.memory_space<vmem>>) offsets(%dma_start3A_148 : memref<128xi32, #tpu.memory_space<vmem>>) semaphore(%arg12 : memref<!tpu.dma_semaphore, #tpu.memory_space<semaphore_mem>>)
      %dma_wait3A_152 = arith.constant 6 : i32
      %dma_wait3A_153 = arith.constant 0 : i32
      %dma_wait3A_154 = tpu.memref_slice %arg8[%dma_wait3A_152, %dma_wait3A_153] : memref<8x128xi32, #tpu.memory_space<vmem>> -> memref<1x128xi32, #tpu.memory_space<vmem>>
      %dma_wait3A_155 = tpu.memref_squeeze %dma_wait3A_154 : memref<1x128xi32, #tpu.memory_space<vmem>> -> memref<128xi32, #tpu.memory_space<vmem>>
      %dma_wait3A_156 = arith.constant 0 : i32
      %dma_wait3A_157 = arith.constant 0 : i32
      %dma_wait3A_158 = tpu.memref_slice %arg2[%dma_wait3A_156, %dma_wait3A_157] : memref<10000x128xf32, #tpu.memory_space<hbm>> -> memref<10000x128xf32, #tpu.memory_space<hbm>>
      tpu.wait_indirect_dma semaphore(%arg12 : memref<!tpu.dma_semaphore, #tpu.memory_space<semaphore_mem>>) src(%dma_wait3A_158 : memref<10000x128xf32, #tpu.memory_space<hbm>>) dst(%arg10 : memref<128x128xf32, #tpu.memory_space<vmem>>)
      %dma_wait3A_159 = arith.constant 7 : i32
      %dma_wait3A_160 = arith.constant 0 : i32
      %dma_wait3A_161 = tpu.memref_slice %arg8[%dma_wait3A_159, %dma_wait3A_160] : memref<8x128xi32, #tpu.memory_space<vmem>> -> memref<1x128xi32, #tpu.memory_space<vmem>>
      %dma_wait3A_162 = tpu.memref_squeeze %dma_wait3A_161 : memref<1x128xi32, #tpu.memory_space<vmem>> -> memref<128xi32, #tpu.memory_space<vmem>>
      %dma_wait3A_163 = arith.constant 0 : i32
      %dma_wait3A_164 = arith.constant 0 : i32
      %dma_wait3A_165 = tpu.memref_slice %arg2[%dma_wait3A_163, %dma_wait3A_164] : memref<10000x128xf32, #tpu.memory_space<hbm>> -> memref<10000x128xf32, #tpu.memory_space<hbm>>
      tpu.wait_indirect_dma semaphore(%arg12 : memref<!tpu.dma_semaphore, #tpu.memory_space<semaphore_mem>>) src(%dma_wait3A_165 : memref<10000x128xf32, #tpu.memory_space<hbm>>) dst(%arg11 : memref<128x128xf32, #tpu.memory_space<vmem>>)
      %run_scoped3A_166 = arith.constant 6 : i32
      "tpu.region"() ({
        %run_scoped3A_168 = tpu.sem_alloc : memref<!tpu.dma_semaphore, #tpu.memory_space<semaphore_mem>>
        %dma_start3A_169 = arith.constant 0 : i32
        %dma_start3A_170 = tpu.memref_slice %arg9[%run_scoped3A_166, %dma_start3A_169] : memref<8x128xi32, #tpu.memory_space<vmem>> -> memref<1x128xi32, #tpu.memory_space<vmem>>
        %dma_start3A_171 = tpu.memref_squeeze %dma_start3A_170 : memref<1x128xi32, #tpu.memory_space<vmem>> -> memref<128xi32, #tpu.memory_space<vmem>>
        %dma_start3A_172 = arith.constant 0 : i32
        %dma_start3A_173 = arith.constant 0 : i32
        %dma_start3A_174 = tpu.memref_slice %arg7[%dma_start3A_172, %dma_start3A_173] : memref<10240x128xf32, #tpu.memory_space<vmem_shared>> -> memref<10240x128xf32, #tpu.memory_space<vmem_shared>>
        tpu.enqueue_indirect_dma source(%arg10 : memref<128x128xf32, #tpu.memory_space<vmem>>) target(%dma_start3A_174 : memref<10240x128xf32, #tpu.memory_space<vmem_shared>>) offsets(%dma_start3A_171 : memref<128xi32, #tpu.memory_space<vmem>>) semaphore(%run_scoped3A_168 : memref<!tpu.dma_semaphore, #tpu.memory_space<semaphore_mem>>) {add = true}
        %dma_wait3A_175 = arith.constant 0 : i32
        %dma_wait3A_176 = tpu.memref_slice %arg9[%run_scoped3A_166, %dma_wait3A_175] : memref<8x128xi32, #tpu.memory_space<vmem>> -> memref<1x128xi32, #tpu.memory_space<vmem>>
        %dma_wait3A_177 = tpu.memref_squeeze %dma_wait3A_176 : memref<1x128xi32, #tpu.memory_space<vmem>> -> memref<128xi32, #tpu.memory_space<vmem>>
        %dma_wait3A_178 = arith.constant 0 : i32
        %dma_wait3A_179 = arith.constant 0 : i32
        %dma_wait3A_180 = tpu.memref_slice %arg7[%dma_wait3A_178, %dma_wait3A_179] : memref<10240x128xf32, #tpu.memory_space<vmem_shared>> -> memref<10240x128xf32, #tpu.memory_space<vmem_shared>>
        tpu.wait_indirect_dma semaphore(%run_scoped3A_168 : memref<!tpu.dma_semaphore, #tpu.memory_space<semaphore_mem>>) src(%arg10 : memref<128x128xf32, #tpu.memory_space<vmem>>) dst(%dma_wait3A_180 : memref<10240x128xf32, #tpu.memory_space<vmem_shared>>)
        tpu.yield
      }) : () -> ()
      %run_scoped3A_167 = arith.constant 7 : i32
      "tpu.region"() ({
        %run_scoped3A_168 = tpu.sem_alloc : memref<!tpu.dma_semaphore, #tpu.memory_space<semaphore_mem>>
        %dma_start3A_169 = arith.constant 0 : i32
        %dma_start3A_170 = tpu.memref_slice %arg9[%run_scoped3A_167, %dma_start3A_169] : memref<8x128xi32, #tpu.memory_space<vmem>> -> memref<1x128xi32, #tpu.memory_space<vmem>>
        %dma_start3A_171 = tpu.memref_squeeze %dma_start3A_170 : memref<1x128xi32, #tpu.memory_space<vmem>> -> memref<128xi32, #tpu.memory_space<vmem>>
        %dma_start3A_172 = arith.constant 0 : i32
        %dma_start3A_173 = arith.constant 0 : i32
        %dma_start3A_174 = tpu.memref_slice %arg7[%dma_start3A_172, %dma_start3A_173] : memref<10240x128xf32, #tpu.memory_space<vmem_shared>> -> memref<10240x128xf32, #tpu.memory_space<vmem_shared>>
        tpu.enqueue_indirect_dma source(%arg11 : memref<128x128xf32, #tpu.memory_space<vmem>>) target(%dma_start3A_174 : memref<10240x128xf32, #tpu.memory_space<vmem_shared>>) offsets(%dma_start3A_171 : memref<128xi32, #tpu.memory_space<vmem>>) semaphore(%run_scoped3A_168 : memref<!tpu.dma_semaphore, #tpu.memory_space<semaphore_mem>>) {add = true}
        %dma_wait3A_175 = arith.constant 0 : i32
        %dma_wait3A_176 = tpu.memref_slice %arg9[%run_scoped3A_167, %dma_wait3A_175] : memref<8x128xi32, #tpu.memory_space<vmem>> -> memref<1x128xi32, #tpu.memory_space<vmem>>
        %dma_wait3A_177 = tpu.memref_squeeze %dma_wait3A_176 : memref<1x128xi32, #tpu.memory_space<vmem>> -> memref<128xi32, #tpu.memory_space<vmem>>
        %dma_wait3A_178 = arith.constant 0 : i32
        %dma_wait3A_179 = arith.constant 0 : i32
        %dma_wait3A_180 = tpu.memref_slice %arg7[%dma_wait3A_178, %dma_wait3A_179] : memref<10240x128xf32, #tpu.memory_space<vmem_shared>> -> memref<10240x128xf32, #tpu.memory_space<vmem_shared>>
        tpu.wait_indirect_dma semaphore(%run_scoped3A_168 : memref<!tpu.dma_semaphore, #tpu.memory_space<semaphore_mem>>) src(%arg11 : memref<128x128xf32, #tpu.memory_space<vmem>>) dst(%dma_wait3A_180 : memref<10240x128xf32, #tpu.memory_space<vmem_shared>>)
        tpu.yield
      }) : () -> ()
    }
    %barrier3A_39 = arith.constant 0 : index
    tpu.barrier barrier_id(%barrier3A_39)
    %mul3A_40 = arith.constant 10240 : i32
    %mul3A_41 = arith.muli %arg0, %mul3A_40 : i32
    %mul3A_42 = arith.constant 640 : i32
    %mul3A_43 = arith.muli %arg1, %mul3A_42 : i32
    %add3A_44 = arith.addi %mul3A_41, %mul3A_43 : i32
    %mul3A_45 = arith.constant 640 : i32
    %mul3A_46 = arith.muli %arg1, %mul3A_45 : i32
    "tpu.region"() ({
      %run_scoped3A = tpu.sem_alloc : memref<!tpu.dma_semaphore, #tpu.memory_space<semaphore_mem>>
      %dma_start3A = arith.constant 0 : i32
      %dma_start3A_47 = tpu.memref_slice %arg6[%add3A_44, %dma_start3A] : memref<20480x128xf32, #tpu.memory_space<hbm>> -> memref<640x128xf32, #tpu.memory_space<hbm>>
      %dma_start3A_48 = arith.constant 0 : i32
      %dma_start3A_49 = tpu.memref_slice %arg7[%mul3A_46, %dma_start3A_48] : memref<10240x128xf32, #tpu.memory_space<vmem_shared>> -> memref<640x128xf32, #tpu.memory_space<vmem_shared>>
      tpu.enqueue_dma source(%dma_start3A_49 : memref<640x128xf32, #tpu.memory_space<vmem_shared>>) target(%dma_start3A_47 : memref<640x128xf32, #tpu.memory_space<hbm>>) target_semaphore(%run_scoped3A : memref<!tpu.dma_semaphore, #tpu.memory_space<semaphore_mem>>)
      %dma_wait3A = arith.constant 0 : i32
      %dma_wait3A_50 = tpu.memref_slice %arg6[%add3A_44, %dma_wait3A] : memref<20480x128xf32, #tpu.memory_space<hbm>> -> memref<640x128xf32, #tpu.memory_space<hbm>>
      %dma_wait3A_51 = arith.constant 0 : i32
      %dma_wait3A_52 = tpu.memref_slice %arg7[%mul3A_46, %dma_wait3A_51] : memref<10240x128xf32, #tpu.memory_space<vmem_shared>> -> memref<640x128xf32, #tpu.memory_space<vmem_shared>>
      tpu.wait_dma2 semaphore(%run_scoped3A : memref<!tpu.dma_semaphore, #tpu.memory_space<semaphore_mem>>) src(%dma_wait3A_52 : memref<640x128xf32, #tpu.memory_space<vmem_shared>>) dst(%dma_wait3A_50 : memref<640x128xf32, #tpu.memory_space<hbm>>)
      tpu.yield
    }) : () -> ()
    return
  }
}

module attributes {stable_mosaic.version = 14 : i64} {
  func.func @body(%arg0: memref<2x10240xf32, #tpu.memory_space<vmem>>, %arg1: memref<10240xf32, #tpu.memory_space<vmem>>) attributes {dimension_semantics = [], scalar_prefetch = 0 : i64, scratch_operands = 0 : i64, tpu.core_type = #tpu.core_type<tc>} {
    %get3A = arith.constant 0 : index
    %get3A_0 = arith.constant 0 : index
    %get3A_1 = vector.load %arg0[%get3A, %get3A_0] : memref<2x10240xf32, #tpu.memory_space<vmem>>, vector<1x10240xf32>
    %get3A_2 = vector.shape_cast %get3A_1 : vector<1x10240xf32> to vector<10240xf32>
    %get3A_3 = arith.constant 1 : index
    %get3A_4 = arith.constant 0 : index
    %get3A_5 = vector.load %arg0[%get3A_3, %get3A_4] : memref<2x10240xf32, #tpu.memory_space<vmem>>, vector<1x10240xf32>
    %get3A_6 = vector.shape_cast %get3A_5 : vector<1x10240xf32> to vector<10240xf32>
    %add3A = arith.addf %get3A_2, %get3A_6 : vector<10240xf32>
    %add3A_7 = arith.constant 1.000000e+00 : f32
    %add3A_8 = vector.broadcast %add3A_7 : f32 to vector<10240xf32>
    %add3A_9 = arith.addf %add3A, %add3A_8 : vector<10240xf32>
    %rsqrt3A = math.rsqrt %add3A_9 : vector<10240xf32>
    %swap3A = arith.constant 0 : index
    %swap3A_10 = vector.load %arg1[%swap3A] : memref<10240xf32, #tpu.memory_space<vmem>>, vector<10240xf32>
    tpu.vector_store %arg1[%swap3A], %rsqrt3A {strides = array<i32>} : memref<10240xf32, #tpu.memory_space<vmem>>, vector<10240xf32>,
    return
  }
}

module attributes {stable_mosaic.version = 14 : i64} {
  func.func @body(%arg0: i32, %arg1: memref<2000x128xf32, #tpu.memory_space<vmem>>, %arg2: memref<128x128xf32, #tpu.memory_space<vmem>>, %arg3: memref<2000x1xf32, #tpu.memory_space<vmem>>, %arg4: memref<2000x128xf32, #tpu.memory_space<vmem>>) attributes {dimension_semantics = [#tpu.dimension_semantics<arbitrary>], iteration_bounds = array<i64: 5>, scalar_prefetch = 0 : i64, scratch_operands = 0 : i64, tpu.core_type = #tpu.core_type<tc>, window_params = [{transform_indices = @transform_0, window_bounds = array<i64: 2000, 128>}, {pipeline_mode = #tpu.pipeline_mode<synchronous>, transform_indices = @transform_1, window_bounds = array<i64: 128, 128>}, {transform_indices = @transform_2, window_bounds = array<i64: 2000, 1>}, {transform_indices = @transform_3, window_bounds = array<i64: 2000, 128>}]} {
    %get3A = arith.constant 0 : index
    %get3A_0 = arith.constant 0 : index
    %get3A_1 = vector.load %arg1[%get3A, %get3A_0] : memref<2000x128xf32, #tpu.memory_space<vmem>>, vector<2000x128xf32>
    %get3A_2 = arith.constant 0 : index
    %get3A_3 = arith.constant 0 : index
    %get3A_4 = vector.load %arg2[%get3A_2, %get3A_3] : memref<128x128xf32, #tpu.memory_space<vmem>>, vector<128x128xf32>
    %dot_general3A = arith.constant dense<0.000000e+00> : vector<2000x128xf32>
    %dot_general3A_5 = tpu.matmul %get3A_1, %get3A_4, %dot_general3A {dimension_numbers = #tpu.dot_dimension_numbers<[1], [0], [0], [1], [0, 0, 1, 1], [], []>, transpose_lhs_hint = false} : vector<2000x128xf32>, vector<128x128xf32>, vector<2000x128xf32> -> vector<2000x128xf32>
    %get3A_6 = arith.constant 0 : index
    %get3A_7 = arith.constant 0 : index
    %get3A_8 = vector.load %arg3[%get3A_6, %get3A_7] : memref<2000x1xf32, #tpu.memory_space<vmem>>, vector<2000x1xf32>
    %mul3A = vector.broadcast %get3A_8 : vector<2000x1xf32> to vector<2000x128xf32>
    %mul3A_9 = arith.mulf %dot_general3A_5, %mul3A : vector<2000x128xf32>
    %swap3A = arith.constant 0 : index
    %swap3A_10 = arith.constant 0 : index
    %swap3A_11 = vector.load %arg4[%swap3A, %swap3A_10] : memref<2000x128xf32, #tpu.memory_space<vmem>>, vector<2000x128xf32>
    tpu.vector_store %arg4[%swap3A, %swap3A_10], %mul3A_9 {strides = array<i32>} : memref<2000x128xf32, #tpu.memory_space<vmem>>, vector<2000x128xf32>,
    return
  }
  func.func @transform_0(%arg0: i32) -> (i32, i32) {
    %c0_i32 = arith.constant 0 : i32
    %c0_i32_0 = arith.constant 0 : i32
    return %arg0, %c0_i32 : i32, i32
  }
  func.func @transform_1(%arg0: i32) -> (i32, i32) {
    %c0_i32 = arith.constant 0 : i32
    %c0_i32_0 = arith.constant 0 : i32
    %c0_i32_1 = arith.constant 0 : i32
    return %c0_i32, %c0_i32_0 : i32, i32
  }
  func.func @transform_2(%arg0: i32) -> (i32, i32) {
    %c0_i32 = arith.constant 0 : i32
    %c0_i32_0 = arith.constant 0 : i32
    return %arg0, %c0_i32 : i32, i32
  }
  func.func @transform_3(%arg0: i32) -> (i32, i32) {
    %c0_i32 = arith.constant 0 : i32
    %c0_i32_0 = arith.constant 0 : i32
    return %arg0, %c0_i32 : i32, i32
  }
}

module attributes {stable_mosaic.version = 14 : i64} {
  func.func @body(%arg0: i32, %arg1: memref<2000x128xf32, #tpu.memory_space<vmem>>, %arg2: memref<2000x128xf32, #tpu.memory_space<vmem>>, %arg3: memref<2000x128xf32, #tpu.memory_space<vmem>>, %arg4: memref<2000x1xf32, #tpu.memory_space<vmem>>, %arg5: memref<1x128xf32, #tpu.memory_space<vmem>>, %arg6: memref<128x128xf32, #tpu.memory_space<vmem>>, %arg7: memref<2000x128xf32, #tpu.memory_space<vmem>>) attributes {dimension_semantics = [#tpu.dimension_semantics<arbitrary>], iteration_bounds = array<i64: 5>, scalar_prefetch = 0 : i64, scratch_operands = 0 : i64, tpu.core_type = #tpu.core_type<tc>, window_params = [{transform_indices = @transform_0, window_bounds = array<i64: 2000, 128>}, {transform_indices = @transform_1, window_bounds = array<i64: 2000, 128>}, {transform_indices = @transform_2, window_bounds = array<i64: 2000, 128>}, {transform_indices = @transform_3, window_bounds = array<i64: 2000, 1>}, {pipeline_mode = #tpu.pipeline_mode<synchronous>, transform_indices = @transform_4, window_bounds = array<i64: 1, 128>}, {pipeline_mode = #tpu.pipeline_mode<synchronous>, transform_indices = @transform_5, window_bounds = array<i64: 128, 128>}, {transform_indices = @transform_6, window_bounds = array<i64: 2000, 128>}]} {
    %get3A = arith.constant 0 : index
    %get3A_0 = arith.constant 0 : index
    %get3A_1 = vector.load %arg4[%get3A, %get3A_0] : memref<2000x1xf32, #tpu.memory_space<vmem>>, vector<2000x1xf32>
    %get3A_2 = arith.constant 0 : index
    %get3A_3 = arith.constant 0 : index
    %get3A_4 = vector.load %arg1[%get3A_2, %get3A_3] : memref<2000x128xf32, #tpu.memory_space<vmem>>, vector<2000x128xf32>
    %get3A_5 = arith.constant 0 : index
    %get3A_6 = arith.constant 0 : index
    %get3A_7 = vector.load %arg2[%get3A_5, %get3A_6] : memref<2000x128xf32, #tpu.memory_space<vmem>>, vector<2000x128xf32>
    %add3A = arith.addf %get3A_4, %get3A_7 : vector<2000x128xf32>
    %get3A_8 = arith.constant 0 : index
    %get3A_9 = arith.constant 0 : index
    %get3A_10 = vector.load %arg3[%get3A_8, %get3A_9] : memref<2000x128xf32, #tpu.memory_space<vmem>>, vector<2000x128xf32>
    %add3A_11 = arith.addf %add3A, %get3A_10 : vector<2000x128xf32>
    %mul3A = vector.broadcast %get3A_1 : vector<2000x1xf32> to vector<2000x128xf32>
    %mul3A_12 = arith.mulf %mul3A, %add3A_11 : vector<2000x128xf32>
    %get3A_13 = arith.constant 0 : index
    %get3A_14 = arith.constant 0 : index
    %get3A_15 = vector.load %arg5[%get3A_13, %get3A_14] : memref<1x128xf32, #tpu.memory_space<vmem>>, vector<1x128xf32>
    %add3A_16 = vector.broadcast %get3A_15 : vector<1x128xf32> to vector<2000x128xf32>
    %add3A_17 = arith.addf %mul3A_12, %add3A_16 : vector<2000x128xf32>
    %max3A = arith.constant 0.000000e+00 : f32
    %max3A_18 = vector.broadcast %max3A : f32 to vector<2000x128xf32>
    %max3A_19 = arith.maximumf %add3A_17, %max3A_18 : vector<2000x128xf32>
    %get3A_20 = arith.constant 0 : index
    %get3A_21 = arith.constant 0 : index
    %get3A_22 = vector.load %arg6[%get3A_20, %get3A_21] : memref<128x128xf32, #tpu.memory_space<vmem>>, vector<128x128xf32>
    %dot_general3A = arith.constant dense<0.000000e+00> : vector<2000x128xf32>
    %dot_general3A_23 = tpu.matmul %max3A_19, %get3A_22, %dot_general3A {dimension_numbers = #tpu.dot_dimension_numbers<[1], [0], [0], [1], [0, 0, 1, 1], [], []>, transpose_lhs_hint = false} : vector<2000x128xf32>, vector<128x128xf32>, vector<2000x128xf32> -> vector<2000x128xf32>
    %get3A_24 = arith.constant 0 : index
    %get3A_25 = arith.constant 0 : index
    %get3A_26 = vector.load %arg4[%get3A_24, %get3A_25] : memref<2000x1xf32, #tpu.memory_space<vmem>>, vector<2000x1xf32>
    %mul3A_27 = vector.broadcast %get3A_26 : vector<2000x1xf32> to vector<2000x128xf32>
    %mul3A_28 = arith.mulf %dot_general3A_23, %mul3A_27 : vector<2000x128xf32>
    %swap3A = arith.constant 0 : index
    %swap3A_29 = arith.constant 0 : index
    %swap3A_30 = vector.load %arg7[%swap3A, %swap3A_29] : memref<2000x128xf32, #tpu.memory_space<vmem>>, vector<2000x128xf32>
    tpu.vector_store %arg7[%swap3A, %swap3A_29], %mul3A_28 {strides = array<i32>} : memref<2000x128xf32, #tpu.memory_space<vmem>>, vector<2000x128xf32>,
    return
  }
  func.func @transform_0(%arg0: i32) -> (i32, i32) {
    %c0_i32 = arith.constant 0 : i32
    %c0_i32_0 = arith.constant 0 : i32
    return %arg0, %c0_i32 : i32, i32
  }
  func.func @transform_1(%arg0: i32) -> (i32, i32) {
    %c0_i32 = arith.constant 0 : i32
    %c0_i32_0 = arith.constant 0 : i32
    return %arg0, %c0_i32 : i32, i32
  }
  func.func @transform_2(%arg0: i32) -> (i32, i32) {
    %c0_i32 = arith.constant 0 : i32
    %c0_i32_0 = arith.constant 0 : i32
    return %arg0, %c0_i32 : i32, i32
  }
  func.func @transform_3(%arg0: i32) -> (i32, i32) {
    %c0_i32 = arith.constant 0 : i32
    %c0_i32_0 = arith.constant 0 : i32
    return %arg0, %c0_i32 : i32, i32
  }
  func.func @transform_4(%arg0: i32) -> (i32, i32) {
    %c0_i32 = arith.constant 0 : i32
    %c0_i32_0 = arith.constant 0 : i32
    %c0_i32_1 = arith.constant 0 : i32
    return %c0_i32, %c0_i32_0 : i32, i32
  }
  func.func @transform_5(%arg0: i32) -> (i32, i32) {
    %c0_i32 = arith.constant 0 : i32
    %c0_i32_0 = arith.constant 0 : i32
    %c0_i32_1 = arith.constant 0 : i32
    return %c0_i32, %c0_i32_0 : i32, i32
  }
  func.func @transform_6(%arg0: i32) -> (i32, i32) {
    %c0_i32 = arith.constant 0 : i32
    %c0_i32_0 = arith.constant 0 : i32
    return %arg0, %c0_i32 : i32, i32
  }
}

module attributes {stable_mosaic.version = 14 : i64} {
  func.func @body(%arg0: i32, %arg1: memref<2000x128xf32, #tpu.memory_space<vmem>>, %arg2: memref<2000x128xf32, #tpu.memory_space<vmem>>, %arg3: memref<2000x128xf32, #tpu.memory_space<vmem>>, %arg4: memref<2000x1xf32, #tpu.memory_space<vmem>>, %arg5: memref<1x128xf32, #tpu.memory_space<vmem>>, %arg6: memref<2000x128xf32, #tpu.memory_space<vmem>>) attributes {dimension_semantics = [#tpu.dimension_semantics<arbitrary>], iteration_bounds = array<i64: 5>, scalar_prefetch = 0 : i64, scratch_operands = 0 : i64, tpu.core_type = #tpu.core_type<tc>, window_params = [{transform_indices = @transform_0, window_bounds = array<i64: 2000, 128>}, {transform_indices = @transform_1, window_bounds = array<i64: 2000, 128>}, {transform_indices = @transform_2, window_bounds = array<i64: 2000, 128>}, {transform_indices = @transform_3, window_bounds = array<i64: 2000, 1>}, {pipeline_mode = #tpu.pipeline_mode<synchronous>, transform_indices = @transform_4, window_bounds = array<i64: 1, 128>}, {transform_indices = @transform_5, window_bounds = array<i64: 2000, 128>}]} {
    %get3A = arith.constant 0 : index
    %get3A_0 = arith.constant 0 : index
    %get3A_1 = vector.load %arg4[%get3A, %get3A_0] : memref<2000x1xf32, #tpu.memory_space<vmem>>, vector<2000x1xf32>
    %get3A_2 = arith.constant 0 : index
    %get3A_3 = arith.constant 0 : index
    %get3A_4 = vector.load %arg1[%get3A_2, %get3A_3] : memref<2000x128xf32, #tpu.memory_space<vmem>>, vector<2000x128xf32>
    %get3A_5 = arith.constant 0 : index
    %get3A_6 = arith.constant 0 : index
    %get3A_7 = vector.load %arg2[%get3A_5, %get3A_6] : memref<2000x128xf32, #tpu.memory_space<vmem>>, vector<2000x128xf32>
    %add3A = arith.addf %get3A_4, %get3A_7 : vector<2000x128xf32>
    %get3A_8 = arith.constant 0 : index
    %get3A_9 = arith.constant 0 : index
    %get3A_10 = vector.load %arg3[%get3A_8, %get3A_9] : memref<2000x128xf32, #tpu.memory_space<vmem>>, vector<2000x128xf32>
    %add3A_11 = arith.addf %add3A, %get3A_10 : vector<2000x128xf32>
    %mul3A = vector.broadcast %get3A_1 : vector<2000x1xf32> to vector<2000x128xf32>
    %mul3A_12 = arith.mulf %mul3A, %add3A_11 : vector<2000x128xf32>
    %get3A_13 = arith.constant 0 : index
    %get3A_14 = arith.constant 0 : index
    %get3A_15 = vector.load %arg5[%get3A_13, %get3A_14] : memref<1x128xf32, #tpu.memory_space<vmem>>, vector<1x128xf32>
    %add3A_16 = vector.broadcast %get3A_15 : vector<1x128xf32> to vector<2000x128xf32>
    %add3A_17 = arith.addf %mul3A_12, %add3A_16 : vector<2000x128xf32>
    %max3A = arith.constant 0.000000e+00 : f32
    %max3A_18 = vector.broadcast %max3A : f32 to vector<2000x128xf32>
    %max3A_19 = arith.maximumf %add3A_17, %max3A_18 : vector<2000x128xf32>
    %swap3A = arith.constant 0 : index
    %swap3A_20 = arith.constant 0 : index
    %swap3A_21 = vector.load %arg6[%swap3A, %swap3A_20] : memref<2000x128xf32, #tpu.memory_space<vmem>>, vector<2000x128xf32>
    tpu.vector_store %arg6[%swap3A, %swap3A_20], %max3A_19 {strides = array<i32>} : memref<2000x128xf32, #tpu.memory_space<vmem>>, vector<2000x128xf32>,
    return
  }
  func.func @transform_0(%arg0: i32) -> (i32, i32) {
    %c0_i32 = arith.constant 0 : i32
    %c0_i32_0 = arith.constant 0 : i32
    return %arg0, %c0_i32 : i32, i32
  }
  func.func @transform_1(%arg0: i32) -> (i32, i32) {
    %c0_i32 = arith.constant 0 : i32
    %c0_i32_0 = arith.constant 0 : i32
    return %arg0, %c0_i32 : i32, i32
  }
  func.func @transform_2(%arg0: i32) -> (i32, i32) {
    %c0_i32 = arith.constant 0 : i32
    %c0_i32_0 = arith.constant 0 : i32
    return %arg0, %c0_i32 : i32, i32
  }
  func.func @transform_3(%arg0: i32) -> (i32, i32) {
    %c0_i32 = arith.constant 0 : i32
    %c0_i32_0 = arith.constant 0 : i32
    return %arg0, %c0_i32 : i32, i32
  }
  func.func @transform_4(%arg0: i32) -> (i32, i32) {
    %c0_i32 = arith.constant 0 : i32
    %c0_i32_0 = arith.constant 0 : i32
    %c0_i32_1 = arith.constant 0 : i32
    return %c0_i32, %c0_i32_0 : i32, i32
  }
  func.func @transform_5(%arg0: i32) -> (i32, i32) {
    %c0_i32 = arith.constant 0 : i32
    %c0_i32_0 = arith.constant 0 : i32
    return %arg0, %c0_i32 : i32, i32
  }
}

</mosaic_0001>

<sc_bundles>
// kernel: kernel.11.cloned.1.call-start
scs
__scs_entry_jumppad:
0x0: {  	(pc) =	sbr.rel $0x88, $3  }
0x1: {  	(tag) =	ssettag $0x0;
	lr =	simm.s32 $0x1  }
0x2: {  	[smem:$0x3F99] =	sst lr;
	_ =	strace $0xD0000000  }
0x3: {  	_ = 	snop  }
0x4: {  	_ = 	snop  }
0x5: {  	_ = 	snop  }
0x6: {  	_ = 	snop  }
0x7: {  	_ = 	snop  }
__scs_overlays_trampoline_lowered:
0x8: {  	[smem:$0x3FA8] =	sst s0  }
0x9: {  	[smem:$0x3FA9] =	sst s1  }
0xa: {  	[smem:$0x3FAA] =	sst s2  }
0xb: {  	[smem:$0x3FAB] =	sst s3  }
0xc: {  	[smem:$0x3FAC] =	sst s4  }
0xd: {  	[smem:$0x3FAD] =	sst s5  }
0xe: {  	[smem:$0x3FAE] =	sst s6  }
0xf: {  	[smem:$0x3FAF] =	sst s7  }
0x10: {  	[smem:$0x3FB0] =	sst s8  }
0x11: {  	[smem:$0x3FB1] =	sst s9;
	s0 =	simm.s32 @!p0 $0x0  }
0x12: {  	s1 =	sld [smem:$0x3F97];
	s0 =	simm.s32 @p0 $0x1  }
0x13: {  	[smem:$0x3FB2] =	sst s0;
	s0 =	simm.s32 @!p1 $0x0  }
0x14: {  	s2 =	sld [smem:$0x3F96];
	s0 =	simm.s32 @p1 $0x1  }
0x15: {  	[smem:$0x3FB3] =	sst s0;
	s0 =	simm.s32 @!p2 $0x0  }
0x16: {  	s3 =	sld [smem:$0x3FDB];
	s0 =	simm.s32 @p2 $0x1  }
0x17: {  	s4 =	simm.s32 $0x1BF5;
	[smem:$0x3FB5] =	sst s0  }
0x18: {  	s0 =	sld [smem:$0x3F98];
	_ =	swait.ge [sflag:s4], $0x0  }
0x19: {  	s7 =	sld [smem:$0x3F99]  }
0x1a: {  	s8 =	sadd.s32 $0xFFFFE003, lr  }
0x1b: {  	s9 =	sadd.s32 $0xFFFFFEF7, lr;
	s5 =	simm.s32 $0xFFFFFFFF;
	p2 =	slt.u32 s8, $0xFFFFF086  }
0x1c: {  	p1 =	slt.u32 s9, $0xF7A;
	s5 =	simm.s32 @!p2 $0x0  }
0x1d: {  	s5 =	simm.s32 @p1 $0x1;
	p0 =	seq.s32 s7, s2  }
0x1e: {  	s7 =	smul.u32 @!p0 $0xF7A, s2;
	p2 =	seq.s32 @!p0 s5, $0x0  }
0x1f: {  	s9 =	smul.u32 $0xF7A, s1;
	s8 =	simm.s32 @!p0 $0x1BF5;
	p2 =	por !p2, p0  }
0x20: {  	[sflag:s8] =	ssyncset.s32 @!p0 $0xFFFFF086;
	s6 =	sadd.s32 @!p0 s3, s7;
	s7 =	simm.s32 @!p0 $0x108  }
0x21: {  	s3 =	sadd.s32 s3, s9;
	s6 =	sadd.s32 @!p0 $0x88, s6;
	s7 =	simm.s32 @p2 $0x1082  }
0x22: {  	[simem:s7], [sflag:s8] =	dma.local @!p0 [hbm:s6], $0xF7A  }
0x23: {  	s9 =	sor.u32 $0xD0000000, s2;
	s6 =	simm.s32 $0x108;
	_ =	swait.ge @!p0 [sflag:s8], $0x0  }
0x24: {  	s3 =	sadd.s32 $0x88, s3;
	s6 =	simm.s32 @!p1 $0x1082;
	[sflag:s4] =	ssyncset.s32 $0xFFFFF086  }
0x25: {  	[simem:s6], [sflag:s4] =	dma.local [hbm:s3], $0xF7A  }
0x26: {  	[smem:$0x3F99] =	sst s1;
	(tag) =	ssettag s2;
	_ =	strace s9  }
0x27: {  	s1 =	sld [smem:$0x3FA9]  }
0x28: {  	s2 =	sld [smem:$0x3FAA]  }
0x29: {  	s4 =	sld [smem:$0x3FAC]  }
0x2a: {  	p0 =	seq.s32 s5, $0x0;
	s5 =	sld [smem:$0x3FAD]  }
0x2b: {  	s6 =	sld [smem:$0x3FAE]  }
0x2c: {  	s7 =	sld [smem:$0x3FAF]  }
0x2d: {  	s3 =	simm.s32 $0x108;
	s8 =	sld [smem:$0x3FB0]  }
0x2e: {  	s3 =	simm.s32 @!p0 $0x1082;
	s9 =	sld [smem:$0x3FB1]  }
0x2f: {  	lr =	sadd.s32 s0, s3;
	s0 =	sld [smem:$0x3FA8]  }
0x30: {  	s3 =	sld [smem:$0x3FAB]  }
0x31: {  	[smem:$0x3FB4] =	sst s10  }
0x32: {  	s10 =	sld [smem:$0x3FB2];
	_ =	sdelay $0x3  }
0x33: {  	p0 =	seq.s32 s10, $0x1;
	s10 =	sld [smem:$0x3FB4];
	_ =	sdelay $0x3  }
0x34: {  	[smem:$0x3FB4] =	sst s10  }
0x35: {  	s10 =	sld [smem:$0x3FB3];
	_ =	sdelay $0x3  }
0x36: {  	p1 =	seq.s32 s10, $0x1;
	s10 =	sld [smem:$0x3FB4];
	_ =	sdelay $0x3  }
0x37: {  	[smem:$0x3FB4] =	sst s10  }
0x38: {  	s10 =	sld [smem:$0x3FB5]  }
0x39: {  	_ = 	snop;
	(pc) =	sbr.ind lr, $3  }
0x3a: {  	_ = 	snop  }
0x3b: {  	_ = 	snop  }
0x3c: {  	p2 =	seq.s32 s10, $0x1;
	s10 =	sld [smem:$0x3FB4]  }
0x3d: {  	_ =	shalt  }
0x3e: {  	_ =	shalt  }
0x3f: {  	_ =	shalt  }
0x40: {  	_ =	shalt  }
0x41: {  	_ =	shalt  }
0x42: {  	_ =	shalt  }
0x43: {  	_ =	shalt  }
0x44: {  	_ =	shalt  }
0x45: {  	_ =	shalt  }
0x46: {  	_ =	shalt  }
0x47: {  	_ =	shalt  }
0x48: {  	_ =	shalt  }
0x49: {  	_ =	shalt  }
0x4a: {  	_ =	shalt  }
0x4b: {  	_ =	shalt  }
0x4c: {  	_ =	shalt  }
0x4d: {  	_ =	shalt  }
0x4e: {  	_ =	shalt  }
0x4f: {  	_ =	shalt  }
0x50: {  	_ =	shalt  }
0x51: {  	_ =	shalt  }
0x52: {  	_ =	shalt  }
0x53: {  	_ =	shalt  }
0x54: {  	_ =	shalt  }
0x55: {  	_ =	shalt  }
0x56: {  	_ =	shalt  }
0x57: {  	_ =	shalt  }
0x58: {  	_ =	shalt  }
0x59: {  	_ =	shalt  }
0x5a: {  	_ =	shalt  }
0x5b: {  	_ =	shalt  }
0x5c: {  	_ =	shalt  }
0x5d: {  	_ =	shalt  }
0x5e: {  	_ =	shalt  }
0x5f: {  	_ =	shalt  }
0x60: {  	_ =	shalt  }
0x61: {  	_ =	shalt  }
0x62: {  	_ =	shalt  }
0x63: {  	_ =	shalt  }
0x64: {  	_ =	shalt  }
0x65: {  	_ =	shalt  }
0x66: {  	_ =	shalt  }
0x67: {  	_ =	shalt  }
0x68: {  	_ =	shalt  }
0x69: {  	_ =	shalt  }
0x6a: {  	_ =	shalt  }
0x6b: {  	_ =	shalt  }
0x6c: {  	_ =	shalt  }
0x6d: {  	_ =	shalt  }
0x6e: {  	_ =	shalt  }
0x6f: {  	_ =	shalt  }
0x70: {  	_ =	shalt  }
0x71: {  	_ =	shalt  }
0x72: {  	_ =	shalt  }
0x73: {  	_ =	shalt  }
0x74: {  	_ =	shalt  }
0x75: {  	_ =	shalt  }
0x76: {  	_ =	shalt  }
0x77: {  	_ =	shalt  }
0x78: {  	_ =	shalt  }
0x79: {  	_ =	shalt  }
0x7a: {  	_ =	shalt  }
0x7b: {  	_ =	shalt  }
0x7c: {  	_ =	shalt  }
0x7d: {  	_ =	shalt  }
0x7e: {  	_ =	shalt  }
0x7f: {  	_ =	shalt  }
0x80: {  	_ =	shalt  }
0x81: {  	_ =	shalt  }
0x82: {  	_ =	shalt  }
0x83: {  	_ =	shalt  }
0x84: {  	_ =	shalt  }
0x85: {  	_ =	shalt  }
0x86: {  	_ =	shalt  }
0x87: {  	_ =	shalt  }
.Lfunc_end0:
.L_simem_size_0:
called_computation_lowered:
.L_overlay_start_0:
0x88: {  	s2 =	sld [smem:$0x3FD9]  }
0x89: {  	s3 =	sld [smem:$0x3FFE];
	_ =	sdelay $0x1  }
0x8a: {  	s1 =	srdreg.scid  }
0x8b: {  	s0 =	sand.u32 $0x1, s1  }
0x8c: {  	s17 =	sshll.u32 s0, $0xA;
	s2 =	sadd.s32 s3, s2  }
0x8d: {  	s2 =	sadd.s32 s2, s17  }
0x8e: {  	[smem:$0x3FC0] =	sst s2  }
0x8f: {  	_ = 	snop  }
0x90: {  	s2 =	sld [smem:$0x3FD0];
	(tm) =	ssettm $0x1  }
0x91: {  	s18 =	sld [smem:$0x3FFB];
	_ =	sdelay $0x3  }
0x92: {  	_ =	strace s18  }
0x93: {  	s3 =	sld [smem:$0x3FFC];
	_ =	sdelay $0x3  }
0x94: {  	_ =	strace s3  }
0x95: {  	s3 =	sld [smem:$0x3FFD];
	_ =	sdelay $0x3  }
0x96: {  	_ =	strace s3  }
0x97: {  	_ =	strace $0x8FFFFFFF  }
0x98: {  	s19 =	sld [smem:$0x3FDB];
	_ =	sdelay $0x1  }
0x99: {  	s4 =	simm.s32 $_scs_section_size  }
0x9a: {  	s5 =	simm.s32 $_size__tile_overlayer_lowered;
	s6 =	simm.s32 $_tile_overlayer_lowered  }
0x9b: {  	s22 =	simm.s32 $0x1BFF;
	s21 =	sshll.u32 s6, $0x1;
	s3 =	sadd.s32 s4, s19  }
0x9c: {  	s7 =	simm.s32 $0x0;
	s20 =	sshll.u32 s5, $0x1;
	s5 =	sadd.s32 s21, s3  }
0x9d: {  	[timem:s7], [sflag:s22] =	dma.local [hbm:s5], s20  }
0x9e: {  	_ =	swait.ge [sflag:s22], s20  }
0x9f: {  	s4 =	ssub.s32 $0x0, s20;
	[sflag:s22] =	ssyncset.done $0x0  }
0xa0: {  	[sflag:s22] =	ssyncadd.s32 s4;
	_ =	sdelay $0x1  }
0xa1: {  	s23 =	simm.s32 $0x1B8B  }
0xa2: {  	_ =	swait.ge [sflag:s23], $0x1  }
0xa3: {  	[sflag:s23] =	ssyncset.done $0x0  }
0xa4: {  	s25 =	simm.s32 $0x1B8E;
	s24 =	sld [smem:$0x3FFE];
	[sflag:s23] =	ssyncadd.s32 $0xFFFFFFFF  }
0xa5: {  	s26 =	simm.s32 $execute0_lowered;
	[smem:$0x3FD2] =	sst s25  }
0xa6: {  	s5 =	sshll.u32 s26, $0x1;
	_ =	strace $0x80000046;
	[dreg:$0x1] =	wrdreg $0xFFFFFFFF  }
0xa7: {  	s28 =	simm.s32 $_size_execute0_lowered;
	s3 =	sadd.s32 s3, s5;
	[dreg:$0x0] =	wrdreg $0x0  }
0xa8: {  	s5 =	sshll.u32 s28, $0x1;
	[dreg:$0x2] =	wrdreg s3  }
0xa9: {  	[dreg:$0x3] =	wrdreg s5  }
0xaa: {  	[dreg:$0x4] =	wrdreg $0xC0  }
0xab: {  	_ =	task [dreg:s7], $0x5FFFF  }
0xac: {  	[dreg:$0x1] =	wrdreg $0xFFFFFFFF  }
0xad: {  	[dreg:$0x0] =	wrdreg $0x60  }
0xae: {  	[dreg:$0x2] =	wrdreg s24  }
0xaf: {  	[dreg:$0x3] =	wrdreg s2  }
0xb0: {  	[dreg:$0x4] =	wrdreg $0x0  }
0xb1: {  	[dreg:$0x5] =	wrdreg $0x9  }
0xb2: {  	_ =	task.clear_ibuf [dreg:s7], $0x6FFFF;
	_ =	strace $0x90000046  }
0xb3: {  	s29 =	simm.s32 $0x9;
	_ =	strace $0x80000048  }
0xb4: {  	_ =	swait.ge [sflag:s29], $0x1  }
0xb5: {  	[sflag:s29] =	ssyncadd.s32 $0xFFFFFFFF  }
0xb6: {  	_ =	strace $0x90000048  }
0xb7: {  	_ =	sfence  }
0xb8: {  	s30 =	sld [smem:$0x0];
	_ =	sdelay $0x2  }
0xb9: {  	s31 =	sshll.u32 s1, $0xD;
	s1 =	sshrl.u32 s1, $0x2  }
0xba: {  	s3 =	sand.u32 $0x4000, s31;
	s1 =	sadd.s32 s1, s30  }
0xbb: {  	s0 =	sor.u32 s3, s0;
	s1 =	sshll.u32 s1, $0x11  }
0xbc: {  	s0 =	sor.u32 s1, s0  }
0xbd: {  	s0 =	sadd.s32 $0x8F2B, s0  }
0xbe: {  	[sflag:s0] =	ssyncadd.remote.s32 $0x1  }
0xbf: {  	_ =	sfence.sel $0xFFFF  }
0xc0: {  	[dreg:$0x0] =	wrdreg $0xFFFFFFFF;
	(pc) =	sbr.abs _section_cstart, $3  }
0xc1: {  	[dreg:$0x1] =	wrdreg $0xFFFFFFFF  }
0xc2: {  	_ =	task.clear_ibuf [dreg:s7], $0x2FFFF;
	_ =	strace $0x9FFFFFFF  }
0xc3: {  	(tm) =	ssettm $0x7FFFFFFF  }
tec
execute0_lowered:
.L_overlay_start_1:
0x0: {  	(tag) =	ssettag $0x1  }
0x1: {  	s5 =	rddreg [dreg:$0x0]  }
0x2: {  	s8 =	rddreg [dreg:$0x1]  }
0x3: {  	s2 =	rddreg [dreg:$0x2]  }
0x4: {  	s0 =	stileid.u32;
	s4 =	srdreg.scid  }
0x5: {  	s1 =	rddreg [dreg:$0x3];
	s3 =	simm.s32 $0x0;
	s13 =	simm.s32 $0x280  }
0x6: {  	s14 =	simm.s32 $0x80;
	s17 =	simm.s32 $0x0;
	s6 =	smul.u32 $0x2800, s0  }
0x7: {  	s7 =	sand.u32 $0x1, s4;
	[smem:$0x7FF] =	sst s3;
	s9 =	smul.u32 $0x280, s0  }
0x8: {  	s15 =	sshll.u32 s0, $0x6;
	p0 =	seq.s32 s7, $0x0;
	_ =	strace $0x80000047  }
0x9: {  	s30 =	smul.u32 $0x2800, s7;
	s7 =	ssub.s32 $0x2, s7;
	s4 =	sadd.s32 $0x28000, s6  }
0xa: {  	s15 =	sor.u32 $0x1C01, s15;
	s11 =	sshrl.u32 s7, $0x1;
	s6 =	smov.u32 @p0 s4  }
0xb: {  	s12 =	sadd.s32 s9, s30;
	s11 =	ssub.s32 s7, s11;
	s4 =	sshrl.u32 s6, $0x3  }
0xc: {  	s6 =	sadd.s32 s9, s2;
	s31 =	sshrl.u32 s12, $0x3;
	s9 =	smax.u32 s11, $0x1  }
0xd: {  	s11 =	simm.s32 $0x1;
	s12 =	simm.s32 $0x2A80;
	s10 =	sadd.s32 s4, s5  }
0xe: {  	s4 =	sadd.s32 $0x17A00, s5;
	s5 =	sadd.s32 $0x17C00, s5;
	s8 =	sadd.s32 s8, s31  }
0xf: {  	s16 =	sshrl.u32 s6, $0x3;
	s7 =	sadd.s32 $0x3A00, s10;
	s10 =	simm.s32 $0x2B00  }
.LBB2_1:
0x10: {  	[tilespmem:s10], [sflag:$0x1] =	stream.linear.gather [hbm4b:s5+s3], $0x280, $0x38;
	[tilespmem:$0x2D80] =	vst v63  }
0x11: {  	_ =	swait.ge [sflag:s11], $0x280  }
0x12: {  	[sflag:s11] =	ssyncset.done $0x0  }
0x13: {  	[sflag:s11] =	ssyncadd.s32 $0xFFFFFD80  }
0x14: {  	[spmem:s6] =	stream.linear.scatter [tilespmem:s10], [sflag:$0x1], $0x280, $0x38;
	[tilespmem:$0x2D80] =	vst v63  }
0x15: {  	_ =	swait.ge [sflag:s11], $0x280  }
0x16: {  	[sflag:s11] =	ssyncset.done $0x0  }
0x17: {  	[sflag:s11] =	ssyncadd.s32 $0xFFFFFD80  }
0x18: {  	[tilespmem:s12], [sflag:$0x1] =	stream.linear.gather [hbm4b:s4+s3], $0x80, $0x38;
	[tilespmem:$0x2D80] =	vst v63  }
0x19: {  	_ =	swait.ge [sflag:s11], $0x80  }
0x1a: {  	[sflag:s11] =	ssyncset.done $0x0  }
0x1b: {  	[sflag:s11] =	ssyncadd.s32 $0xFFFFFF80  }
0x1c: {  	[tilespmem:s13], [sflag:$0x1] =	stream.linear.gather [hbm4b:s7+s3], $0x2800, $0x38;
	[tilespmem:$0x2D80] =	vst v63  }
0x1d: {  	_ =	swait.ge [sflag:s11], $0x2800  }
0x1e: {  	[sflag:s11] =	ssyncset.done $0x0  }
0x1f: {  	[sflag:s11] =	ssyncadd.s32 $0xFFFFD800  }
0x20: {  	s18 =	simm.s32 $0x280;
	[bflag:$0x0] =	sbarrier.arrive $0xFFFF  }
0x21: {  	[spmem:s2] =	stream.indirect.scatter.add.f32 [tilespmem:s12], [sflag:$0x1], $0x1, s18, s14, $0xb8;
	[tilespmem:$0x2D80] =	vst v63  }
0x22: {  	s18 =	simm.s32 $0x200;
	_ =	swait.ge [sflag:s11], $0x80  }
.LBB2_2:
0x23: {  	s19 =	sshra.s32 s18, $0x2;
	[sflag:s11] =	ssyncset.done $0x0;
	p0 =	sne.s32 s18, $0x9E00  }
.Ltmp0:
0x24: {  	s19 =	sadd.s32 $0x280, s19;
	[sflag:s11] =	ssyncadd.s32 $0xFFFFFF80;
	(pc) =	sbr.rel @p0 .LBB2_2-.Ltmp0, $3  }
0x25: {  	[spmem:s2] =	stream.indirect.scatter.add.f32 [tilespmem:s12], [sflag:$0x1], $0x1, s19, s14, $0xb8;
	[tilespmem:$0x2D80] =	vst v63  }
0x26: {  	s18 =	sadd.s32 $0x200, s18;
	_ =	sdelay $0x1  }
0x27: {  	_ =	swait.ge [sflag:s11], $0x80  }
0x28: {  	[sflag:s11] =	ssyncset.done $0x0;
	s17 =	sadd.s32 $0x1, s17  }
0x29: {  	[sflag:s11] =	ssyncadd.s32 $0xFFFFFF80;
	p0 =	sne.s32 s17, s9  }
.Ltmp1:
0x2a: {  	[bflag:$0x0] =	sbarrier.arrive $0xFFFF;
	(pc) =	sbr.rel @p0 .LBB2_1-.Ltmp1, $4  }
0x2b: {  	[hbm:s8], [sflag:s15] =	dma.local [spmem:s16], $0x50  }
0x2c: {  	_ =	swait.ge [sflag:s11], $0x50  }
0x2d: {  	[sflag:s11] =	ssyncset.done $0x0  }
0x2e: {  	[sflag:s11] =	ssyncadd.s32 $0xFFFFFFB0  }
0x2f: {  	_ =	sfence.sel $0x180000  }
0x30: {  	[bflag:$0x0] =	sbarrier.arrive $0xFFFF  }
0x31: {  	p0 =	sne.s32 s0, $0x0;
	_ =	strace $0x90000047  }
0x32: {  	s0 =	sadd.s32 @!p0 $0x100000, s1;
	[bflag:$0x2] =	sbarrier.arrive $0xFFFF  }
0x33: {  	[sflag:s0] =	ssyncadd.tile.s32 @!p0 $0x1;
	_ =	shalt  }
.Lfunc_end2:
_tile_overlayer_lowered:
.L_overlay_start_2:
0x34: {  	(tag) =	ssettag $0x2  }
0x35: {  	s0 =	rddreg [dreg:$0x0];
	s2 =	stileid.u32  }
0x36: {  	s1 =	rddreg [dreg:$0x1];
	p0 =	sne.s32 s2, $0x0  }
0x37: {  	s3 =	rddreg [dreg:$0x2];
	[bflag:$0x3] =	sbarrier.arrive $0xFFFF;
	s2 =	simm.s32 @!p0 $0x1C01  }
0x38: {  	[timem:s3], [sflag:s2] =	dma.local @!p0 [hbm:s0], s1  }
0x39: {  	s0 =	simm.s32 @!p0 $0x1  }
0x3a: {  	_ =	swait.ge @!p0 [sflag:s0], s1  }
0x3b: {  	s1 =	ssub.s32 @!p0 $0x0, s1;
	[sflag:s0] =	ssyncset.done @!p0 $0x0  }
0x3c: {  	[sflag:s0] =	ssyncadd.s32 @!p0 s1  }
0x3d: {  	[bflag:$0x3] =	sbarrier.arrive $0xFFFF  }
0x3e: {  	_ =	shalt  }

// kernel: kernel.14.cloned.1.call-start
scs
__scs_entry_jumppad:
0x0: {  	(pc) =	sbr.rel $0x88, $3  }
0x1: {  	(tag) =	ssettag $0x0;
	lr =	simm.s32 $0x1  }
0x2: {  	[smem:$0x3F99] =	sst lr;
	_ =	strace $0xD0000000  }
0x3: {  	_ = 	snop  }
0x4: {  	_ = 	snop  }
0x5: {  	_ = 	snop  }
0x6: {  	_ = 	snop  }
0x7: {  	_ = 	snop  }
__scs_overlays_trampoline_lowered:
0x8: {  	[smem:$0x3FA8] =	sst s0  }
0x9: {  	[smem:$0x3FA9] =	sst s1  }
0xa: {  	[smem:$0x3FAA] =	sst s2  }
0xb: {  	[smem:$0x3FAB] =	sst s3  }
0xc: {  	[smem:$0x3FAC] =	sst s4  }
0xd: {  	[smem:$0x3FAD] =	sst s5  }
0xe: {  	[smem:$0x3FAE] =	sst s6  }
0xf: {  	[smem:$0x3FAF] =	sst s7  }
0x10: {  	[smem:$0x3FB0] =	sst s8  }
0x11: {  	[smem:$0x3FB1] =	sst s9;
	s0 =	simm.s32 @!p0 $0x0  }
0x12: {  	s1 =	sld [smem:$0x3F97];
	s0 =	simm.s32 @p0 $0x1  }
0x13: {  	[smem:$0x3FB2] =	sst s0;
	s0 =	simm.s32 @!p1 $0x0  }
0x14: {  	s2 =	sld [smem:$0x3F96];
	s0 =	simm.s32 @p1 $0x1  }
0x15: {  	[smem:$0x3FB3] =	sst s0;
	s0 =	simm.s32 @!p2 $0x0  }
0x16: {  	s3 =	sld [smem:$0x3FDB];
	s0 =	simm.s32 @p2 $0x1  }
0x17: {  	s4 =	simm.s32 $0x1BF5;
	[smem:$0x3FB5] =	sst s0  }
0x18: {  	s0 =	sld [smem:$0x3F98];
	_ =	swait.ge [sflag:s4], $0x0  }
0x19: {  	s7 =	sld [smem:$0x3F99]  }
0x1a: {  	s8 =	sadd.s32 $0xFFFFE003, lr  }
0x1b: {  	s9 =	sadd.s32 $0xFFFFFEF7, lr;
	s5 =	simm.s32 $0xFFFFFFFF;
	p2 =	slt.u32 s8, $0xFFFFF086  }
0x1c: {  	p1 =	slt.u32 s9, $0xF7A;
	s5 =	simm.s32 @!p2 $0x0  }
0x1d: {  	s5 =	simm.s32 @p1 $0x1;
	p0 =	seq.s32 s7, s2  }
0x1e: {  	s7 =	smul.u32 @!p0 $0xF7A, s2;
	p2 =	seq.s32 @!p0 s5, $0x0  }
0x1f: {  	s9 =	smul.u32 $0xF7A, s1;
	s8 =	simm.s32 @!p0 $0x1BF5;
	p2 =	por !p2, p0  }
0x20: {  	[sflag:s8] =	ssyncset.s32 @!p0 $0xFFFFF086;
	s6 =	sadd.s32 @!p0 s3, s7;
	s7 =	simm.s32 @!p0 $0x108  }
0x21: {  	s3 =	sadd.s32 s3, s9;
	s6 =	sadd.s32 @!p0 $0x88, s6;
	s7 =	simm.s32 @p2 $0x1082  }
0x22: {  	[simem:s7], [sflag:s8] =	dma.local @!p0 [hbm:s6], $0xF7A  }
0x23: {  	s9 =	sor.u32 $0xD0000000, s2;
	s6 =	simm.s32 $0x108;
	_ =	swait.ge @!p0 [sflag:s8], $0x0  }
0x24: {  	s3 =	sadd.s32 $0x88, s3;
	s6 =	simm.s32 @!p1 $0x1082;
	[sflag:s4] =	ssyncset.s32 $0xFFFFF086  }
0x25: {  	[simem:s6], [sflag:s4] =	dma.local [hbm:s3], $0xF7A  }
0x26: {  	[smem:$0x3F99] =	sst s1;
	(tag) =	ssettag s2;
	_ =	strace s9  }
0x27: {  	s1 =	sld [smem:$0x3FA9]  }
0x28: {  	s2 =	sld [smem:$0x3FAA]  }
0x29: {  	s4 =	sld [smem:$0x3FAC]  }
0x2a: {  	p0 =	seq.s32 s5, $0x0;
	s5 =	sld [smem:$0x3FAD]  }
0x2b: {  	s6 =	sld [smem:$0x3FAE]  }
0x2c: {  	s7 =	sld [smem:$0x3FAF]  }
0x2d: {  	s3 =	simm.s32 $0x108;
	s8 =	sld [smem:$0x3FB0]  }
0x2e: {  	s3 =	simm.s32 @!p0 $0x1082;
	s9 =	sld [smem:$0x3FB1]  }
0x2f: {  	lr =	sadd.s32 s0, s3;
	s0 =	sld [smem:$0x3FA8]  }
0x30: {  	s3 =	sld [smem:$0x3FAB]  }
0x31: {  	[smem:$0x3FB4] =	sst s10  }
0x32: {  	s10 =	sld [smem:$0x3FB2];
	_ =	sdelay $0x3  }
0x33: {  	p0 =	seq.s32 s10, $0x1;
	s10 =	sld [smem:$0x3FB4];
	_ =	sdelay $0x3  }
0x34: {  	[smem:$0x3FB4] =	sst s10  }
0x35: {  	s10 =	sld [smem:$0x3FB3];
	_ =	sdelay $0x3  }
0x36: {  	p1 =	seq.s32 s10, $0x1;
	s10 =	sld [smem:$0x3FB4];
	_ =	sdelay $0x3  }
0x37: {  	[smem:$0x3FB4] =	sst s10  }
0x38: {  	s10 =	sld [smem:$0x3FB5]  }
0x39: {  	_ = 	snop;
	(pc) =	sbr.ind lr, $3  }
0x3a: {  	_ = 	snop  }
0x3b: {  	_ = 	snop  }
0x3c: {  	p2 =	seq.s32 s10, $0x1;
	s10 =	sld [smem:$0x3FB4]  }
0x3d: {  	_ =	shalt  }
0x3e: {  	_ =	shalt  }
0x3f: {  	_ =	shalt  }
0x40: {  	_ =	shalt  }
0x41: {  	_ =	shalt  }
0x42: {  	_ =	shalt  }
0x43: {  	_ =	shalt  }
0x44: {  	_ =	shalt  }
0x45: {  	_ =	shalt  }
0x46: {  	_ =	shalt  }
0x47: {  	_ =	shalt  }
0x48: {  	_ =	shalt  }
0x49: {  	_ =	shalt  }
0x4a: {  	_ =	shalt  }
0x4b: {  	_ =	shalt  }
0x4c: {  	_ =	shalt  }
0x4d: {  	_ =	shalt  }
0x4e: {  	_ =	shalt  }
0x4f: {  	_ =	shalt  }
0x50: {  	_ =	shalt  }
0x51: {  	_ =	shalt  }
0x52: {  	_ =	shalt  }
0x53: {  	_ =	shalt  }
0x54: {  	_ =	shalt  }
0x55: {  	_ =	shalt  }
0x56: {  	_ =	shalt  }
0x57: {  	_ =	shalt  }
0x58: {  	_ =	shalt  }
0x59: {  	_ =	shalt  }
0x5a: {  	_ =	shalt  }
0x5b: {  	_ =	shalt  }
0x5c: {  	_ =	shalt  }
0x5d: {  	_ =	shalt  }
0x5e: {  	_ =	shalt  }
0x5f: {  	_ =	shalt  }
0x60: {  	_ =	shalt  }
0x61: {  	_ =	shalt  }
0x62: {  	_ =	shalt  }
0x63: {  	_ =	shalt  }
0x64: {  	_ =	shalt  }
0x65: {  	_ =	shalt  }
0x66: {  	_ =	shalt  }
0x67: {  	_ =	shalt  }
0x68: {  	_ =	shalt  }
0x69: {  	_ =	shalt  }
0x6a: {  	_ =	shalt  }
0x6b: {  	_ =	shalt  }
0x6c: {  	_ =	shalt  }
0x6d: {  	_ =	shalt  }
0x6e: {  	_ =	shalt  }
0x6f: {  	_ =	shalt  }
0x70: {  	_ =	shalt  }
0x71: {  	_ =	shalt  }
0x72: {  	_ =	shalt  }
0x73: {  	_ =	shalt  }
0x74: {  	_ =	shalt  }
0x75: {  	_ =	shalt  }
0x76: {  	_ =	shalt  }
0x77: {  	_ =	shalt  }
0x78: {  	_ =	shalt  }
0x79: {  	_ =	shalt  }
0x7a: {  	_ =	shalt  }
0x7b: {  	_ =	shalt  }
0x7c: {  	_ =	shalt  }
0x7d: {  	_ =	shalt  }
0x7e: {  	_ =	shalt  }
0x7f: {  	_ =	shalt  }
0x80: {  	_ =	shalt  }
0x81: {  	_ =	shalt  }
0x82: {  	_ =	shalt  }
0x83: {  	_ =	shalt  }
0x84: {  	_ =	shalt  }
0x85: {  	_ =	shalt  }
0x86: {  	_ =	shalt  }
0x87: {  	_ =	shalt  }
.Lfunc_end0:
.L_simem_size_0:
called_computation.1_lowered:
.L_overlay_start_0:
0x88: {  	s2 =	sld [smem:$0x3FD9]  }
0x89: {  	s3 =	sld [smem:$0x3FFE];
	_ =	sdelay $0x1  }
0x8a: {  	s1 =	srdreg.scid  }
0x8b: {  	s0 =	sand.u32 $0x1, s1  }
0x8c: {  	s17 =	sshll.u32 s0, $0xA;
	s2 =	sadd.s32 s3, s2  }
0x8d: {  	s2 =	sadd.s32 s2, s17  }
0x8e: {  	[smem:$0x3FC0] =	sst s2  }
0x8f: {  	_ = 	snop  }
0x90: {  	s2 =	sld [smem:$0x3FD0];
	(tm) =	ssettm $0x1  }
0x91: {  	s18 =	sld [smem:$0x3FFB];
	_ =	sdelay $0x3  }
0x92: {  	_ =	strace s18  }
0x93: {  	s3 =	sld [smem:$0x3FFC];
	_ =	sdelay $0x3  }
0x94: {  	_ =	strace s3  }
0x95: {  	s3 =	sld [smem:$0x3FFD];
	_ =	sdelay $0x3  }
0x96: {  	_ =	strace s3  }
0x97: {  	_ =	strace $0x8FFFFFFF  }
0x98: {  	s19 =	sld [smem:$0x3FDB];
	_ =	sdelay $0x1  }
0x99: {  	s4 =	simm.s32 $_scs_section_size  }
0x9a: {  	s5 =	simm.s32 $_size__tile_overlayer_lowered;
	s6 =	simm.s32 $_tile_overlayer_lowered  }
0x9b: {  	s22 =	simm.s32 $0x1BFF;
	s21 =	sshll.u32 s6, $0x1;
	s3 =	sadd.s32 s4, s19  }
0x9c: {  	s7 =	simm.s32 $0x0;
	s20 =	sshll.u32 s5, $0x1;
	s5 =	sadd.s32 s21, s3  }
0x9d: {  	[timem:s7], [sflag:s22] =	dma.local [hbm:s5], s20  }
0x9e: {  	_ =	swait.ge [sflag:s22], s20  }
0x9f: {  	s4 =	ssub.s32 $0x0, s20;
	[sflag:s22] =	ssyncset.done $0x0  }
0xa0: {  	[sflag:s22] =	ssyncadd.s32 s4;
	_ =	sdelay $0x1  }
0xa1: {  	s23 =	simm.s32 $0x1B8B  }
0xa2: {  	_ =	swait.ge [sflag:s23], $0x1  }
0xa3: {  	[sflag:s23] =	ssyncset.done $0x0  }
0xa4: {  	s25 =	simm.s32 $0x1B8E;
	s24 =	sld [smem:$0x3FFE];
	[sflag:s23] =	ssyncadd.s32 $0xFFFFFFFF  }
0xa5: {  	s26 =	simm.s32 $execute0_lowered;
	[smem:$0x3FD2] =	sst s25  }
0xa6: {  	s5 =	sshll.u32 s26, $0x1;
	_ =	strace $0x80000049;
	[dreg:$0x1] =	wrdreg $0xFFFFFFFF  }
0xa7: {  	s28 =	simm.s32 $_size_execute0_lowered;
	s3 =	sadd.s32 s3, s5;
	[dreg:$0x0] =	wrdreg $0x0  }
0xa8: {  	s5 =	sshll.u32 s28, $0x1;
	[dreg:$0x2] =	wrdreg s3  }
0xa9: {  	[dreg:$0x3] =	wrdreg s5  }
0xaa: {  	[dreg:$0x4] =	wrdreg $0xC0  }
0xab: {  	_ =	task [dreg:s7], $0x5FFFF  }
0xac: {  	[dreg:$0x1] =	wrdreg $0xFFFFFFFF  }
0xad: {  	[dreg:$0x0] =	wrdreg $0x60  }
0xae: {  	[dreg:$0x2] =	wrdreg s2  }
0xaf: {  	[dreg:$0x3] =	wrdreg s24  }
0xb0: {  	[dreg:$0x4] =	wrdreg $0x0  }
0xb1: {  	[dreg:$0x5] =	wrdreg $0x9  }
0xb2: {  	_ =	task.clear_ibuf [dreg:s7], $0x6FFFF;
	_ =	strace $0x90000049  }
0xb3: {  	s29 =	simm.s32 $0x9;
	_ =	strace $0x8000004B  }
0xb4: {  	_ =	swait.ge [sflag:s29], $0x1  }
0xb5: {  	[sflag:s29] =	ssyncadd.s32 $0xFFFFFFFF  }
0xb6: {  	_ =	strace $0x9000004B  }
0xb7: {  	_ =	sfence  }
0xb8: {  	s30 =	sld [smem:$0x0];
	_ =	sdelay $0x2  }
0xb9: {  	s31 =	sshll.u32 s1, $0xD;
	s1 =	sshrl.u32 s1, $0x2  }
0xba: {  	s3 =	sand.u32 $0x4000, s31;
	s1 =	sadd.s32 s1, s30  }
0xbb: {  	s0 =	sor.u32 s3, s0;
	s1 =	sshll.u32 s1, $0x11  }
0xbc: {  	s0 =	sor.u32 s1, s0  }
0xbd: {  	s0 =	sadd.s32 $0x8F2B, s0  }
0xbe: {  	[sflag:s0] =	ssyncadd.remote.s32 $0x1  }
0xbf: {  	_ =	sfence.sel $0xFFFF  }
0xc0: {  	[dreg:$0x0] =	wrdreg $0xFFFFFFFF;
	(pc) =	sbr.abs _section_cstart, $3  }
0xc1: {  	[dreg:$0x1] =	wrdreg $0xFFFFFFFF  }
0xc2: {  	_ =	task.clear_ibuf [dreg:s7], $0x2FFFF;
	_ =	strace $0x9FFFFFFF  }
0xc3: {  	(tm) =	ssettm $0x7FFFFFFF  }
tec
execute0_lowered:
.L_overlay_start_1:
0x0: {  	(tag) =	ssettag $0x1  }
0x1: {  	s2 =	rddreg [dreg:$0x0]  }
0x2: {  	s0 =	rddreg [dreg:$0x1]  }
0x3: {  	s3 =	rddreg [dreg:$0x2];
	s8 =	stileid.u32  }
0x4: {  	s4 =	simm.s32 $0x0;
	s1 =	srdreg.scid;
	s15 =	simm.s32 $0x14800  }
0x5: {  	s16 =	simm.s32 $0x2;
	s17 =	simm.s32 $0x14000;
	s18 =	simm.s32 $0x14400  }
0x6: {  	s19 =	simm.s32 $0x80;
	s28 =	simm.s32 $0x14580;
	s29 =	simm.s32 $0x14200  }
0x7: {  	s30 =	simm.s32 $0x14280;
	s31 =	simm.s32 $0x14600;
	s5 =	smul.u32 $0x50, s8  }
0x8: {  	[smem:$0x7FF] =	sst s4;
	s1 =	sand.u32 $0x1, s1;
	s20 =	smul.u32 $0x2800, s8  }
0x9: {  	s8 =	smul.u32 $0x50000, s8;
	s9 =	sadd.s32 $0x3EC00, s0;
	p0 =	seq.s32 s1, $0x0  }
0xa: {  	s7 =	smul.u32 $0x28000, s1;
	_ =	strace $0x8000004A;
	[dreg:$0x4] =	wrdreg s9  }
0xb: {  	s1 =	ssub.s32 $0x2, s1;
	s9 =	simm.s32 $0x0;
	s6 =	sadd.s32 $0x500, s5  }
0xc: {  	s21 =	sshrl.u32 s1, $0x1;
	s8 =	sshrl.u32 s8, $0x2;
	s5 =	smov.u32 @p0 s6  }
0xd: {  	s6 =	sadd.s32 s20, s7;
	s1 =	ssub.s32 s1, s21;
	s10 =	sadd.s32 s8, s3  }
0xe: {  	s20 =	simm.s32 $0x14080;
	s21 =	simm.s32 $0x18800;
	s7 =	simm.s32 $0x14700  }
0xf: {  	s8 =	simm.s32 $0x14780;
	s22 =	smax.u32 s1, $0x1;
	[dreg:$0x5] =	wrdreg s10  }
0x10: {  	s5 =	sshll.u32 s5, $0x4;
	s23 =	sadd.s32 $0x4000, s10;
	[dreg:$0x7] =	wrdreg s22  }
0x11: {  	s24 =	sadd.s32 $0x8000, s10;
	s25 =	sadd.s32 $0xC000, s10;
	[dreg:$0x8] =	wrdreg s23  }
0x12: {  	s26 =	sadd.s32 $0x10000, s10;
	s1 =	simm.s32 $0x14300;
	[dreg:$0x9] =	wrdreg s24  }
0x13: {  	s5 =	sadd.s32 s5, s0;
	s0 =	sadd.s32 s6, s0;
	[dreg:$0xa] =	wrdreg s25  }
0x14: {  	[dreg:$0xb] =	wrdreg s26;
	s22 =	simm.s32 $0x1;
	s23 =	simm.s32 $0x14480  }
0x15: {  	s24 =	simm.s32 $0x14100;
	s25 =	simm.s32 $0x14180;
	s26 =	simm.s32 $0x14500  }
0x16: {  	s0 =	sadd.s32 $0x3F400, s0;
	s13 =	sadd.s32 $0x3A00, s5;
	s14 =	sadd.s32 $0xDA00, s5  }
0x17: {  	s5 =	simm.s32 $0x14380;
	[dreg:$0x6] =	wrdreg s0;
	s0 =	simm.s32 $0x14680  }
.LBB2_1:
0x18: {  	[dreg:$0xc] =	wrdreg s9  }
0x19: {  	s6 =	rddreg [dreg:$0x4]  }
0x1a: {  	[tilespmem:s15], [sflag:$0x2] =	stream.linear.gather [hbm4b:s6+s4], $0x4000, $0x38;
	[tilespmem:$0x1C800] =	vst v63  }
0x1b: {  	_ =	swait.ge [sflag:s16], $0x4000  }
0x1c: {  	[sflag:s16] =	ssyncset.done $0x0  }
0x1d: {  	[sflag:s16] =	ssyncadd.s32 $0xFFFFC000  }
0x1e: {  	[spmem:s10] =	stream.linear.scatter [tilespmem:s15], [sflag:$0x2], $0x4000, $0x38;
	[tilespmem:$0x1C800] =	vst v63  }
0x1f: {  	_ =	swait.ge [sflag:s16], $0x4000  }
0x20: {  	[sflag:s16] =	ssyncset.done $0x0  }
0x21: {  	s11 =	rddreg [dreg:$0x8];
	[sflag:s16] =	ssyncadd.s32 $0xFFFFC000  }
0x22: {  	[spmem:s11] =	stream.linear.scatter [tilespmem:s15], [sflag:$0x2], $0x4000, $0x38;
	[tilespmem:$0x1C800] =	vst v63  }
0x23: {  	_ =	swait.ge [sflag:s16], $0x4000  }
0x24: {  	[sflag:s16] =	ssyncset.done $0x0  }
0x25: {  	s12 =	rddreg [dreg:$0x9];
	[sflag:s16] =	ssyncadd.s32 $0xFFFFC000  }
0x26: {  	[spmem:s12] =	stream.linear.scatter [tilespmem:s15], [sflag:$0x2], $0x4000, $0x38;
	[tilespmem:$0x1C800] =	vst v63  }
0x27: {  	_ =	swait.ge [sflag:s16], $0x4000  }
0x28: {  	[sflag:s16] =	ssyncset.done $0x0  }
0x29: {  	s9 =	rddreg [dreg:$0xa];
	[sflag:s16] =	ssyncadd.s32 $0xFFFFC000  }
0x2a: {  	[spmem:s9] =	stream.linear.scatter [tilespmem:s15], [sflag:$0x2], $0x4000, $0x38;
	[tilespmem:$0x1C800] =	vst v63  }
0x2b: {  	_ =	swait.ge [sflag:s16], $0x4000  }
0x2c: {  	[sflag:s16] =	ssyncset.done $0x0  }
0x2d: {  	s10 =	rddreg [dreg:$0xb];
	[sflag:s16] =	ssyncadd.s32 $0xFFFFC000  }
0x2e: {  	[spmem:s10] =	stream.linear.scatter [tilespmem:s15], [sflag:$0x2], $0x4000, $0x38;
	[tilespmem:$0x1C800] =	vst v63  }
0x2f: {  	_ =	swait.ge [sflag:s16], $0x4000  }
0x30: {  	[sflag:s16] =	ssyncset.done $0x0  }
0x31: {  	[sflag:s16] =	ssyncadd.s32 $0xFFFFC000  }
0x32: {  	s11 =	sadd.s32 $0x0, s14;
	[bflag:$0x0] =	sbarrier.arrive $0xFFFF  }
0x33: {  	[tilespmem:s17], [sflag:$0x2] =	stream.linear.gather [hbm4b:s11+s4], $0x400, $0x38;
	[tilespmem:$0x1C800] =	vst v63  }
0x34: {  	_ =	swait.ge [sflag:s16], $0x400  }
0x35: {  	[sflag:s16] =	ssyncset.done $0x0  }
0x36: {  	s12 =	sadd.s32 $0x0, s13;
	[sflag:s16] =	ssyncadd.s32 $0xFFFFFC00  }
0x37: {  	[tilespmem:s18], [sflag:$0x2] =	stream.linear.gather [hbm4b:s12+s4], $0x400, $0x38;
	[tilespmem:$0x1C800] =	vst v63  }
0x38: {  	_ =	swait.ge [sflag:s16], $0x400  }
0x39: {  	[sflag:s16] =	ssyncset.done $0x0  }
0x3a: {  	[sflag:s16] =	ssyncadd.s32 $0xFFFFFC00  }
0x3b: {  	[tilespmem:s15], [sflag:$0x1] =	stream.indirect.gather [hbm4b:s2+s19], $0x80, s17, s19, $0xb8;
	[tilespmem:$0x1C800] =	vst v63  }
0x3c: {  	_ = 	snop  }
0x3d: {  	[tilespmem:s21], [sflag:$0x1] =	stream.indirect.gather [hbm4b:s2+s19], $0x80, s20, s19, $0xb8;
	[tilespmem:$0x1C800] =	vst v63  }
0x3e: {  	_ =	swait.ge [sflag:s22], $0x4000  }
0x3f: {  	[sflag:s22] =	ssyncset.done $0x0  }
0x40: {  	[sflag:s22] =	ssyncadd.s32 $0xFFFFC000  }
0x41: {  	_ =	swait.ge [sflag:s22], $0x4000  }
0x42: {  	[sflag:s22] =	ssyncset.done $0x0  }
0x43: {  	[sflag:s22] =	ssyncadd.s32 $0xFFFFC000  }
0x44: {  	[spmem:s3] =	stream.indirect.scatter.add.f32 [tilespmem:s15], [sflag:$0x2], $0x80, s18, s19, $0xb8;
	[tilespmem:$0x1C800] =	vst v63  }
0x45: {  	_ =	swait.ge [sflag:s16], $0x4000  }
0x46: {  	[sflag:s16] =	ssyncset.done $0x0  }
0x47: {  	[sflag:s16] =	ssyncadd.s32 $0xFFFFC000  }
0x48: {  	[spmem:s3] =	stream.indirect.scatter.add.f32 [tilespmem:s21], [sflag:$0x2], $0x80, s23, s19, $0xb8;
	[tilespmem:$0x1C800] =	vst v63  }
0x49: {  	_ =	swait.ge [sflag:s16], $0x4000  }
0x4a: {  	[sflag:s16] =	ssyncset.done $0x0  }
0x4b: {  	[sflag:s16] =	ssyncadd.s32 $0xFFFFC000  }
0x4c: {  	[tilespmem:s15], [sflag:$0x1] =	stream.indirect.gather [hbm4b:s2+s19], $0x80, s24, s19, $0xb8;
	[tilespmem:$0x1C800] =	vst v63  }
0x4d: {  	_ = 	snop  }
0x4e: {  	[tilespmem:s21], [sflag:$0x1] =	stream.indirect.gather [hbm4b:s2+s19], $0x80, s25, s19, $0xb8;
	[tilespmem:$0x1C800] =	vst v63  }
0x4f: {  	_ =	swait.ge [sflag:s22], $0x4000  }
0x50: {  	[sflag:s22] =	ssyncset.done $0x0  }
0x51: {  	[sflag:s22] =	ssyncadd.s32 $0xFFFFC000  }
0x52: {  	_ =	swait.ge [sflag:s22], $0x4000  }
0x53: {  	[sflag:s22] =	ssyncset.done $0x0  }
0x54: {  	[sflag:s22] =	ssyncadd.s32 $0xFFFFC000  }
0x55: {  	[spmem:s3] =	stream.indirect.scatter.add.f32 [tilespmem:s15], [sflag:$0x2], $0x80, s26, s19, $0xb8;
	[tilespmem:$0x1C800] =	vst v63  }
0x56: {  	_ =	swait.ge [sflag:s16], $0x4000  }
0x57: {  	[sflag:s16] =	ssyncset.done $0x0  }
0x58: {  	[sflag:s16] =	ssyncadd.s32 $0xFFFFC000  }
0x59: {  	[spmem:s3] =	stream.indirect.scatter.add.f32 [tilespmem:s21], [sflag:$0x2], $0x80, s28, s19, $0xb8;
	[tilespmem:$0x1C800] =	vst v63  }
0x5a: {  	_ =	swait.ge [sflag:s16], $0x4000  }
0x5b: {  	[sflag:s16] =	ssyncset.done $0x0  }
0x5c: {  	[sflag:s16] =	ssyncadd.s32 $0xFFFFC000  }
0x5d: {  	[tilespmem:s15], [sflag:$0x1] =	stream.indirect.gather [hbm4b:s2+s19], $0x80, s29, s19, $0xb8;
	[tilespmem:$0x1C800] =	vst v63  }
0x5e: {  	_ = 	snop  }
0x5f: {  	[tilespmem:s21], [sflag:$0x1] =	stream.indirect.gather [hbm4b:s2+s19], $0x80, s30, s19, $0xb8;
	[tilespmem:$0x1C800] =	vst v63  }
0x60: {  	_ =	swait.ge [sflag:s22], $0x4000  }
0x61: {  	[sflag:s22] =	ssyncset.done $0x0  }
0x62: {  	[sflag:s22] =	ssyncadd.s32 $0xFFFFC000  }
0x63: {  	_ =	swait.ge [sflag:s22], $0x4000  }
0x64: {  	[sflag:s22] =	ssyncset.done $0x0  }
0x65: {  	[sflag:s22] =	ssyncadd.s32 $0xFFFFC000  }
0x66: {  	[spmem:s3] =	stream.indirect.scatter.add.f32 [tilespmem:s15], [sflag:$0x2], $0x80, s31, s19, $0xb8;
	[tilespmem:$0x1C800] =	vst v63  }
0x67: {  	_ =	swait.ge [sflag:s16], $0x4000  }
0x68: {  	[sflag:s16] =	ssyncset.done $0x0  }
0x69: {  	[sflag:s16] =	ssyncadd.s32 $0xFFFFC000  }
0x6a: {  	[spmem:s3] =	stream.indirect.scatter.add.f32 [tilespmem:s21], [sflag:$0x2], $0x80, s0, s19, $0xb8;
	[tilespmem:$0x1C800] =	vst v63  }
0x6b: {  	_ =	swait.ge [sflag:s16], $0x4000  }
0x6c: {  	[sflag:s16] =	ssyncset.done $0x0  }
0x6d: {  	[sflag:s16] =	ssyncadd.s32 $0xFFFFC000  }
0x6e: {  	[tilespmem:s15], [sflag:$0x1] =	stream.indirect.gather [hbm4b:s2+s19], $0x80, s1, s19, $0xb8;
	[tilespmem:$0x1C800] =	vst v63  }
0x6f: {  	_ = 	snop  }
0x70: {  	[tilespmem:s21], [sflag:$0x1] =	stream.indirect.gather [hbm4b:s2+s19], $0x80, s5, s19, $0xb8;
	[tilespmem:$0x1C800] =	vst v63  }
0x71: {  	_ =	swait.ge [sflag:s22], $0x4000  }
0x72: {  	[sflag:s22] =	ssyncset.done $0x0  }
0x73: {  	[sflag:s22] =	ssyncadd.s32 $0xFFFFC000  }
0x74: {  	_ =	swait.ge [sflag:s22], $0x4000  }
0x75: {  	[sflag:s22] =	ssyncset.done $0x0  }
0x76: {  	[sflag:s22] =	ssyncadd.s32 $0xFFFFC000  }
0x77: {  	[spmem:s3] =	stream.indirect.scatter.add.f32 [tilespmem:s15], [sflag:$0x2], $0x80, s7, s19, $0xb8;
	[tilespmem:$0x1C800] =	vst v63  }
0x78: {  	_ =	swait.ge [sflag:s16], $0x4000  }
0x79: {  	[sflag:s16] =	ssyncset.done $0x0  }
0x7a: {  	[sflag:s16] =	ssyncadd.s32 $0xFFFFC000  }
0x7b: {  	[spmem:s3] =	stream.indirect.scatter.add.f32 [tilespmem:s21], [sflag:$0x2], $0x80, s8, s19, $0xb8;
	[tilespmem:$0x1C800] =	vst v63  }
0x7c: {  	_ =	swait.ge [sflag:s16], $0x4000  }
0x7d: {  	s10 =	simm.s32 $0x80;
	s11 =	simm.s32 $0x100;
	[sflag:s16] =	ssyncset.done $0x0  }
.LBB2_2:
0x7e: {  	s6 =	sadd.s32 s10, s14  }
0x7f: {  	[sflag:s16] =	ssyncadd.s32 $0xFFFFC000;
	s9 =	smov.u32 s11;
	s12 =	sadd.s32 $0x80, s11  }
0x80: {  	[tilespmem:s17], [sflag:$0x2] =	stream.linear.gather [hbm4b:s6+s4], $0x400, $0x38;
	[tilespmem:$0x1C800] =	vst v63  }
0x81: {  	p0 =	sne.s32 s11, $0x480;
	_ =	swait.ge [sflag:s16], $0x400  }
0x82: {  	[sflag:s16] =	ssyncset.done $0x0  }
0x83: {  	s6 =	sadd.s32 s10, s13;
	s10 =	smov.u32 s9;
	[sflag:s16] =	ssyncadd.s32 $0xFFFFFC00  }
0x84: {  	[tilespmem:s18], [sflag:$0x2] =	stream.linear.gather [hbm4b:s6+s4], $0x400, $0x38;
	[tilespmem:$0x1C800] =	vst v63  }
0x85: {  	_ =	swait.ge [sflag:s16], $0x400  }
0x86: {  	[sflag:s16] =	ssyncset.done $0x0  }
0x87: {  	[sflag:s16] =	ssyncadd.s32 $0xFFFFFC00  }
0x88: {  	[tilespmem:s15], [sflag:$0x1] =	stream.indirect.gather [hbm4b:s2+s19], $0x80, s17, s19, $0xb8;
	[tilespmem:$0x1C800] =	vst v63  }
0x89: {  	_ = 	snop  }
0x8a: {  	[tilespmem:s21], [sflag:$0x1] =	stream.indirect.gather [hbm4b:s2+s19], $0x80, s20, s19, $0xb8;
	[tilespmem:$0x1C800] =	vst v63  }
0x8b: {  	_ =	swait.ge [sflag:s22], $0x4000  }
0x8c: {  	[sflag:s22] =	ssyncset.done $0x0  }
0x8d: {  	[sflag:s22] =	ssyncadd.s32 $0xFFFFC000  }
0x8e: {  	_ =	swait.ge [sflag:s22], $0x4000  }
0x8f: {  	[sflag:s22] =	ssyncset.done $0x0  }
0x90: {  	[sflag:s22] =	ssyncadd.s32 $0xFFFFC000  }
0x91: {  	[spmem:s3] =	stream.indirect.scatter.add.f32 [tilespmem:s15], [sflag:$0x2], $0x80, s18, s19, $0xb8;
	[tilespmem:$0x1C800] =	vst v63  }
0x92: {  	_ =	swait.ge [sflag:s16], $0x4000  }
0x93: {  	[sflag:s16] =	ssyncset.done $0x0  }
0x94: {  	[sflag:s16] =	ssyncadd.s32 $0xFFFFC000  }
0x95: {  	[spmem:s3] =	stream.indirect.scatter.add.f32 [tilespmem:s21], [sflag:$0x2], $0x80, s23, s19, $0xb8;
	[tilespmem:$0x1C800] =	vst v63  }
0x96: {  	_ =	swait.ge [sflag:s16], $0x4000  }
0x97: {  	[sflag:s16] =	ssyncset.done $0x0  }
0x98: {  	[sflag:s16] =	ssyncadd.s32 $0xFFFFC000  }
0x99: {  	[tilespmem:s15], [sflag:$0x1] =	stream.indirect.gather [hbm4b:s2+s19], $0x80, s24, s19, $0xb8;
	[tilespmem:$0x1C800] =	vst v63  }
0x9a: {  	_ = 	snop  }
0x9b: {  	[tilespmem:s21], [sflag:$0x1] =	stream.indirect.gather [hbm4b:s2+s19], $0x80, s25, s19, $0xb8;
	[tilespmem:$0x1C800] =	vst v63  }
0x9c: {  	_ =	swait.ge [sflag:s22], $0x4000  }
0x9d: {  	[sflag:s22] =	ssyncset.done $0x0  }
0x9e: {  	[sflag:s22] =	ssyncadd.s32 $0xFFFFC000  }
0x9f: {  	_ =	swait.ge [sflag:s22], $0x4000  }
0xa0: {  	[sflag:s22] =	ssyncset.done $0x0  }
0xa1: {  	[sflag:s22] =	ssyncadd.s32 $0xFFFFC000  }
0xa2: {  	[spmem:s3] =	stream.indirect.scatter.add.f32 [tilespmem:s15], [sflag:$0x2], $0x80, s26, s19, $0xb8;
	[tilespmem:$0x1C800] =	vst v63  }
0xa3: {  	_ =	swait.ge [sflag:s16], $0x4000  }
0xa4: {  	[sflag:s16] =	ssyncset.done $0x0  }
0xa5: {  	[sflag:s16] =	ssyncadd.s32 $0xFFFFC000  }
0xa6: {  	[spmem:s3] =	stream.indirect.scatter.add.f32 [tilespmem:s21], [sflag:$0x2], $0x80, s28, s19, $0xb8;
	[tilespmem:$0x1C800] =	vst v63  }
0xa7: {  	_ =	swait.ge [sflag:s16], $0x4000  }
0xa8: {  	[sflag:s16] =	ssyncset.done $0x0  }
0xa9: {  	[sflag:s16] =	ssyncadd.s32 $0xFFFFC000  }
0xaa: {  	[tilespmem:s15], [sflag:$0x1] =	stream.indirect.gather [hbm4b:s2+s19], $0x80, s29, s19, $0xb8;
	[tilespmem:$0x1C800] =	vst v63  }
0xab: {  	_ = 	snop  }
0xac: {  	[tilespmem:s21], [sflag:$0x1] =	stream.indirect.gather [hbm4b:s2+s19], $0x80, s30, s19, $0xb8;
	[tilespmem:$0x1C800] =	vst v63  }
0xad: {  	_ =	swait.ge [sflag:s22], $0x4000  }
0xae: {  	[sflag:s22] =	ssyncset.done $0x0  }
0xaf: {  	[sflag:s22] =	ssyncadd.s32 $0xFFFFC000  }
0xb0: {  	_ =	swait.ge [sflag:s22], $0x4000  }
0xb1: {  	[sflag:s22] =	ssyncset.done $0x0  }
0xb2: {  	[sflag:s22] =	ssyncadd.s32 $0xFFFFC000  }
0xb3: {  	[spmem:s3] =	stream.indirect.scatter.add.f32 [tilespmem:s15], [sflag:$0x2], $0x80, s31, s19, $0xb8;
	[tilespmem:$0x1C800] =	vst v63  }
0xb4: {  	_ =	swait.ge [sflag:s16], $0x4000  }
0xb5: {  	[sflag:s16] =	ssyncset.done $0x0  }
0xb6: {  	[sflag:s16] =	ssyncadd.s32 $0xFFFFC000  }
0xb7: {  	[spmem:s3] =	stream.indirect.scatter.add.f32 [tilespmem:s21], [sflag:$0x2], $0x80, s0, s19, $0xb8;
	[tilespmem:$0x1C800] =	vst v63  }
0xb8: {  	_ =	swait.ge [sflag:s16], $0x4000  }
0xb9: {  	[sflag:s16] =	ssyncset.done $0x0  }
0xba: {  	[sflag:s16] =	ssyncadd.s32 $0xFFFFC000  }
0xbb: {  	[tilespmem:s15], [sflag:$0x1] =	stream.indirect.gather [hbm4b:s2+s19], $0x80, s1, s19, $0xb8;
	[tilespmem:$0x1C800] =	vst v63  }
0xbc: {  	_ = 	snop  }
0xbd: {  	[tilespmem:s21], [sflag:$0x1] =	stream.indirect.gather [hbm4b:s2+s19], $0x80, s5, s19, $0xb8;
	[tilespmem:$0x1C800] =	vst v63  }
0xbe: {  	_ =	swait.ge [sflag:s22], $0x4000  }
0xbf: {  	[sflag:s22] =	ssyncset.done $0x0  }
0xc0: {  	[sflag:s22] =	ssyncadd.s32 $0xFFFFC000  }
0xc1: {  	_ =	swait.ge [sflag:s22], $0x4000  }
0xc2: {  	[sflag:s22] =	ssyncset.done $0x0  }
0xc3: {  	[sflag:s22] =	ssyncadd.s32 $0xFFFFC000  }
0xc4: {  	[spmem:s3] =	stream.indirect.scatter.add.f32 [tilespmem:s15], [sflag:$0x2], $0x80, s7, s19, $0xb8;
	[tilespmem:$0x1C800] =	vst v63  }
0xc5: {  	_ =	swait.ge [sflag:s16], $0x4000  }
.Ltmp0:
0xc6: {  	[sflag:s16] =	ssyncset.done $0x0;
	(pc) =	sbr.rel @p0 .LBB2_2-.Ltmp0, $4  }
0xc7: {  	[sflag:s16] =	ssyncadd.s32 $0xFFFFC000  }
0xc8: {  	[spmem:s3] =	stream.indirect.scatter.add.f32 [tilespmem:s21], [sflag:$0x2], $0x80, s8, s19, $0xb8;
	[tilespmem:$0x1C800] =	vst v63  }
0xc9: {  	_ =	swait.ge [sflag:s16], $0x4000  }
0xca: {  	s11 =	smov.u32 s12;
	[sflag:s16] =	ssyncset.done $0x0  }
0xcb: {  	s6 =	sadd.s32 s10, s14;
	[sflag:s16] =	ssyncadd.s32 $0xFFFFC000  }
0xcc: {  	[tilespmem:s17], [sflag:$0x2] =	stream.linear.gather [hbm4b:s6+s4], $0x400, $0x38;
	[tilespmem:$0x1C800] =	vst v63  }
0xcd: {  	_ =	swait.ge [sflag:s16], $0x400  }
0xce: {  	[sflag:s16] =	ssyncset.done $0x0  }
0xcf: {  	s9 =	sadd.s32 s10, s13;
	[sflag:s16] =	ssyncadd.s32 $0xFFFFFC00  }
0xd0: {  	[tilespmem:s18], [sflag:$0x2] =	stream.linear.gather [hbm4b:s9+s4], $0x400, $0x38;
	[tilespmem:$0x1C800] =	vst v63  }
0xd1: {  	_ =	swait.ge [sflag:s16], $0x400  }
0xd2: {  	[sflag:s16] =	ssyncset.done $0x0  }
0xd3: {  	[sflag:s16] =	ssyncadd.s32 $0xFFFFFC00  }
0xd4: {  	[tilespmem:s15], [sflag:$0x1] =	stream.indirect.gather [hbm4b:s2+s19], $0x80, s17, s19, $0xb8;
	[tilespmem:$0x1C800] =	vst v63  }
0xd5: {  	_ = 	snop  }
0xd6: {  	[tilespmem:s21], [sflag:$0x1] =	stream.indirect.gather [hbm4b:s2+s19], $0x80, s20, s19, $0xb8;
	[tilespmem:$0x1C800] =	vst v63  }
0xd7: {  	_ =	swait.ge [sflag:s22], $0x4000  }
0xd8: {  	[sflag:s22] =	ssyncset.done $0x0  }
0xd9: {  	[sflag:s22] =	ssyncadd.s32 $0xFFFFC000  }
0xda: {  	_ =	swait.ge [sflag:s22], $0x4000  }
0xdb: {  	[sflag:s22] =	ssyncset.done $0x0  }
0xdc: {  	[sflag:s22] =	ssyncadd.s32 $0xFFFFC000  }
0xdd: {  	[spmem:s3] =	stream.indirect.scatter.add.f32 [tilespmem:s15], [sflag:$0x2], $0x80, s18, s19, $0xb8;
	[tilespmem:$0x1C800] =	vst v63  }
0xde: {  	_ =	swait.ge [sflag:s16], $0x4000  }
0xdf: {  	[sflag:s16] =	ssyncset.done $0x0  }
0xe0: {  	[sflag:s16] =	ssyncadd.s32 $0xFFFFC000  }
0xe1: {  	[spmem:s3] =	stream.indirect.scatter.add.f32 [tilespmem:s21], [sflag:$0x2], $0x80, s23, s19, $0xb8;
	[tilespmem:$0x1C800] =	vst v63  }
0xe2: {  	_ =	swait.ge [sflag:s16], $0x4000  }
0xe3: {  	[sflag:s16] =	ssyncset.done $0x0  }
0xe4: {  	[sflag:s16] =	ssyncadd.s32 $0xFFFFC000  }
0xe5: {  	[tilespmem:s15], [sflag:$0x1] =	stream.indirect.gather [hbm4b:s2+s19], $0x80, s24, s19, $0xb8;
	[tilespmem:$0x1C800] =	vst v63  }
0xe6: {  	_ = 	snop  }
0xe7: {  	[tilespmem:s21], [sflag:$0x1] =	stream.indirect.gather [hbm4b:s2+s19], $0x80, s25, s19, $0xb8;
	[tilespmem:$0x1C800] =	vst v63  }
0xe8: {  	_ =	swait.ge [sflag:s22], $0x4000  }
0xe9: {  	[sflag:s22] =	ssyncset.done $0x0  }
0xea: {  	[sflag:s22] =	ssyncadd.s32 $0xFFFFC000  }
0xeb: {  	_ =	swait.ge [sflag:s22], $0x4000  }
0xec: {  	[sflag:s22] =	ssyncset.done $0x0  }
0xed: {  	[sflag:s22] =	ssyncadd.s32 $0xFFFFC000  }
0xee: {  	[spmem:s3] =	stream.indirect.scatter.add.f32 [tilespmem:s15], [sflag:$0x2], $0x80, s26, s19, $0xb8;
	[tilespmem:$0x1C800] =	vst v63  }
0xef: {  	_ =	swait.ge [sflag:s16], $0x4000  }
0xf0: {  	[sflag:s16] =	ssyncset.done $0x0  }
0xf1: {  	[sflag:s16] =	ssyncadd.s32 $0xFFFFC000  }
0xf2: {  	[spmem:s3] =	stream.indirect.scatter.add.f32 [tilespmem:s21], [sflag:$0x2], $0x80, s28, s19, $0xb8;
	[tilespmem:$0x1C800] =	vst v63  }
0xf3: {  	_ =	swait.ge [sflag:s16], $0x4000  }
0xf4: {  	[sflag:s16] =	ssyncset.done $0x0  }
0xf5: {  	[sflag:s16] =	ssyncadd.s32 $0xFFFFC000  }
0xf6: {  	[tilespmem:s15], [sflag:$0x1] =	stream.indirect.gather [hbm4b:s2+s19], $0x80, s29, s19, $0xb8;
	[tilespmem:$0x1C800] =	vst v63  }
0xf7: {  	_ = 	snop  }
0xf8: {  	[tilespmem:s21], [sflag:$0x1] =	stream.indirect.gather [hbm4b:s2+s19], $0x80, s30, s19, $0xb8;
	[tilespmem:$0x1C800] =	vst v63  }
0xf9: {  	_ =	swait.ge [sflag:s22], $0x4000  }
0xfa: {  	[sflag:s22] =	ssyncset.done $0x0  }
0xfb: {  	[sflag:s22] =	ssyncadd.s32 $0xFFFFC000  }
0xfc: {  	_ =	swait.ge [sflag:s22], $0x4000  }
0xfd: {  	[sflag:s22] =	ssyncset.done $0x0  }
0xfe: {  	[sflag:s22] =	ssyncadd.s32 $0xFFFFC000  }
0xff: {  	[spmem:s3] =	stream.indirect.scatter.add.f32 [tilespmem:s15], [sflag:$0x2], $0x80, s31, s19, $0xb8;
	[tilespmem:$0x1C800] =	vst v63  }
0x100: {  	_ =	swait.ge [sflag:s16], $0x4000  }
0x101: {  	[sflag:s16] =	ssyncset.done $0x0  }
0x102: {  	[sflag:s16] =	ssyncadd.s32 $0xFFFFC000  }
0x103: {  	[spmem:s3] =	stream.indirect.scatter.add.f32 [tilespmem:s21], [sflag:$0x2], $0x80, s0, s19, $0xb8;
	[tilespmem:$0x1C800] =	vst v63  }
0x104: {  	_ =	swait.ge [sflag:s16], $0x4000  }
0x105: {  	[sflag:s16] =	ssyncset.done $0x0  }
0x106: {  	[sflag:s16] =	ssyncadd.s32 $0xFFFFC000  }
0x107: {  	[tilespmem:s15], [sflag:$0x1] =	stream.indirect.gather [hbm4b:s2+s19], $0x80, s1, s19, $0xb8;
	[tilespmem:$0x1C800] =	vst v63  }
0x108: {  	_ = 	snop  }
0x109: {  	[tilespmem:s21], [sflag:$0x1] =	stream.indirect.gather [hbm4b:s2+s19], $0x80, s5, s19, $0xb8;
	[tilespmem:$0x1C800] =	vst v63  }
0x10a: {  	_ =	swait.ge [sflag:s22], $0x4000  }
0x10b: {  	[sflag:s22] =	ssyncset.done $0x0  }
0x10c: {  	[sflag:s22] =	ssyncadd.s32 $0xFFFFC000  }
0x10d: {  	_ =	swait.ge [sflag:s22], $0x4000  }
0x10e: {  	[sflag:s22] =	ssyncset.done $0x0  }
0x10f: {  	[sflag:s22] =	ssyncadd.s32 $0xFFFFC000  }
0x110: {  	[spmem:s3] =	stream.indirect.scatter.add.f32 [tilespmem:s15], [sflag:$0x2], $0x80, s7, s19, $0xb8;
	[tilespmem:$0x1C800] =	vst v63  }
0x111: {  	_ =	swait.ge [sflag:s16], $0x4000  }
0x112: {  	[sflag:s16] =	ssyncset.done $0x0  }
0x113: {  	[sflag:s16] =	ssyncadd.s32 $0xFFFFC000  }
0x114: {  	[spmem:s3] =	stream.indirect.scatter.add.f32 [tilespmem:s21], [sflag:$0x2], $0x80, s8, s19, $0xb8;
	[tilespmem:$0x1C800] =	vst v63  }
0x115: {  	_ =	swait.ge [sflag:s16], $0x4000  }
0x116: {  	[sflag:s16] =	ssyncset.done $0x0  }
0x117: {  	[sflag:s16] =	ssyncadd.s32 $0xFFFFC000  }
0x118: {  	s10 =	stileid.u32;
	[bflag:$0x0] =	sbarrier.arrive $0xFFFF  }
0x119: {  	s6 =	sshll.u32 s10, $0x6;
	s10 =	rddreg [dreg:$0x5]  }
0x11a: {  	s6 =	sor.u32 $0x1C02, s6;
	s11 =	rddreg [dreg:$0x6];
	s9 =	sshrl.u32 s10, $0x3  }
0x11b: {  	[hbm:s11], [sflag:s6] =	dma.local [spmem:s9], $0x2800  }
0x11c: {  	_ =	swait.ge [sflag:s16], $0x2800  }
0x11d: {  	s11 =	rddreg [dreg:$0xc]  }
0x11e: {  	s12 =	rddreg [dreg:$0x7];
	s9 =	sadd.s32 $0x1, s11  }
0x11f: {  	p0 =	sne.s32 s9, s12  }
.Ltmp1:
0x120: {  	_ = 	snop;
	(pc) =	sbr.rel @p0 .LBB2_1-.Ltmp1, $3  }
0x121: {  	_ =	sdelay $0x1  }
0x122: {  	[sflag:s16] =	ssyncset.done $0x0  }
0x123: {  	[sflag:s16] =	ssyncadd.s32 $0xFFFFD800  }
0x124: {  	_ =	sfence.sel $0x180000  }
0x125: {  	[bflag:$0x0] =	sbarrier.arrive $0xFFFF  }
0x126: {  	_ =	strace $0x9000004A  }
0x127: {  	s0 =	stileid.u32;
	[bflag:$0x2] =	sbarrier.arrive $0xFFFF  }
0x128: {  	p0 =	sne.s32 s0, $0x0;
	s0 =	rddreg [dreg:$0x3]  }
0x129: {  	s0 =	sadd.s32 @!p0 $0x100000, s0  }
0x12a: {  	[sflag:s0] =	ssyncadd.tile.s32 @!p0 $0x1;
	_ =	shalt  }
.Lfunc_end2:
_tile_overlayer_lowered:
.L_overlay_start_2:
0x12b: {  	(tag) =	ssettag $0x2  }
0x12c: {  	s0 =	rddreg [dreg:$0x0];
	s2 =	stileid.u32  }
0x12d: {  	s1 =	rddreg [dreg:$0x1];
	p0 =	sne.s32 s2, $0x0  }
0x12e: {  	s3 =	rddreg [dreg:$0x2];
	[bflag:$0x3] =	sbarrier.arrive $0xFFFF;
	s2 =	simm.s32 @!p0 $0x1C02  }
0x12f: {  	[timem:s3], [sflag:s2] =	dma.local @!p0 [hbm:s0], s1  }
0x130: {  	s0 =	simm.s32 @!p0 $0x2  }
0x131: {  	_ =	swait.ge @!p0 [sflag:s0], s1  }
0x132: {  	s1 =	ssub.s32 @!p0 $0x0, s1;
	[sflag:s0] =	ssyncset.done @!p0 $0x0  }
0x133: {  	[sflag:s0] =	ssyncadd.s32 @!p0 s1  }
0x134: {  	[bflag:$0x3] =	sbarrier.arrive $0xFFFF  }
0x135: {  	_ =	shalt  }

// kernel: kernel.17.cloned.1.call-start
scs
__scs_entry_jumppad:
0x0: {  	(pc) =	sbr.rel $0x88, $3  }
0x1: {  	(tag) =	ssettag $0x0;
	lr =	simm.s32 $0x1  }
0x2: {  	[smem:$0x3F99] =	sst lr;
	_ =	strace $0xD0000000  }
0x3: {  	_ = 	snop  }
0x4: {  	_ = 	snop  }
0x5: {  	_ = 	snop  }
0x6: {  	_ = 	snop  }
0x7: {  	_ = 	snop  }
__scs_overlays_trampoline_lowered:
0x8: {  	[smem:$0x3FA8] =	sst s0  }
0x9: {  	[smem:$0x3FA9] =	sst s1  }
0xa: {  	[smem:$0x3FAA] =	sst s2  }
0xb: {  	[smem:$0x3FAB] =	sst s3  }
0xc: {  	[smem:$0x3FAC] =	sst s4  }
0xd: {  	[smem:$0x3FAD] =	sst s5  }
0xe: {  	[smem:$0x3FAE] =	sst s6  }
0xf: {  	[smem:$0x3FAF] =	sst s7  }
0x10: {  	[smem:$0x3FB0] =	sst s8  }
0x11: {  	[smem:$0x3FB1] =	sst s9;
	s0 =	simm.s32 @!p0 $0x0  }
0x12: {  	s1 =	sld [smem:$0x3F97];
	s0 =	simm.s32 @p0 $0x1  }
0x13: {  	[smem:$0x3FB2] =	sst s0;
	s0 =	simm.s32 @!p1 $0x0  }
0x14: {  	s2 =	sld [smem:$0x3F96];
	s0 =	simm.s32 @p1 $0x1  }
0x15: {  	[smem:$0x3FB3] =	sst s0;
	s0 =	simm.s32 @!p2 $0x0  }
0x16: {  	s3 =	sld [smem:$0x3FDB];
	s0 =	simm.s32 @p2 $0x1  }
0x17: {  	s4 =	simm.s32 $0x1BF5;
	[smem:$0x3FB5] =	sst s0  }
0x18: {  	s0 =	sld [smem:$0x3F98];
	_ =	swait.ge [sflag:s4], $0x0  }
0x19: {  	s7 =	sld [smem:$0x3F99]  }
0x1a: {  	s8 =	sadd.s32 $0xFFFFE003, lr  }
0x1b: {  	s9 =	sadd.s32 $0xFFFFFEF7, lr;
	s5 =	simm.s32 $0xFFFFFFFF;
	p2 =	slt.u32 s8, $0xFFFFF086  }
0x1c: {  	p1 =	slt.u32 s9, $0xF7A;
	s5 =	simm.s32 @!p2 $0x0  }
0x1d: {  	s5 =	simm.s32 @p1 $0x1;
	p0 =	seq.s32 s7, s2  }
0x1e: {  	s7 =	smul.u32 @!p0 $0xF7A, s2;
	p2 =	seq.s32 @!p0 s5, $0x0  }
0x1f: {  	s9 =	smul.u32 $0xF7A, s1;
	s8 =	simm.s32 @!p0 $0x1BF5;
	p2 =	por !p2, p0  }
0x20: {  	[sflag:s8] =	ssyncset.s32 @!p0 $0xFFFFF086;
	s6 =	sadd.s32 @!p0 s3, s7;
	s7 =	simm.s32 @!p0 $0x108  }
0x21: {  	s3 =	sadd.s32 s3, s9;
	s6 =	sadd.s32 @!p0 $0x88, s6;
	s7 =	simm.s32 @p2 $0x1082  }
0x22: {  	[simem:s7], [sflag:s8] =	dma.local @!p0 [hbm:s6], $0xF7A  }
0x23: {  	s9 =	sor.u32 $0xD0000000, s2;
	s6 =	simm.s32 $0x108;
	_ =	swait.ge @!p0 [sflag:s8], $0x0  }
0x24: {  	s3 =	sadd.s32 $0x88, s3;
	s6 =	simm.s32 @!p1 $0x1082;
	[sflag:s4] =	ssyncset.s32 $0xFFFFF086  }
0x25: {  	[simem:s6], [sflag:s4] =	dma.local [hbm:s3], $0xF7A  }
0x26: {  	[smem:$0x3F99] =	sst s1;
	(tag) =	ssettag s2;
	_ =	strace s9  }
0x27: {  	s1 =	sld [smem:$0x3FA9]  }
0x28: {  	s2 =	sld [smem:$0x3FAA]  }
0x29: {  	s4 =	sld [smem:$0x3FAC]  }
0x2a: {  	p0 =	seq.s32 s5, $0x0;
	s5 =	sld [smem:$0x3FAD]  }
0x2b: {  	s6 =	sld [smem:$0x3FAE]  }
0x2c: {  	s7 =	sld [smem:$0x3FAF]  }
0x2d: {  	s3 =	simm.s32 $0x108;
	s8 =	sld [smem:$0x3FB0]  }
0x2e: {  	s3 =	simm.s32 @!p0 $0x1082;
	s9 =	sld [smem:$0x3FB1]  }
0x2f: {  	lr =	sadd.s32 s0, s3;
	s0 =	sld [smem:$0x3FA8]  }
0x30: {  	s3 =	sld [smem:$0x3FAB]  }
0x31: {  	[smem:$0x3FB4] =	sst s10  }
0x32: {  	s10 =	sld [smem:$0x3FB2];
	_ =	sdelay $0x3  }
0x33: {  	p0 =	seq.s32 s10, $0x1;
	s10 =	sld [smem:$0x3FB4];
	_ =	sdelay $0x3  }
0x34: {  	[smem:$0x3FB4] =	sst s10  }
0x35: {  	s10 =	sld [smem:$0x3FB3];
	_ =	sdelay $0x3  }
0x36: {  	p1 =	seq.s32 s10, $0x1;
	s10 =	sld [smem:$0x3FB4];
	_ =	sdelay $0x3  }
0x37: {  	[smem:$0x3FB4] =	sst s10  }
0x38: {  	s10 =	sld [smem:$0x3FB5]  }
0x39: {  	_ = 	snop;
	(pc) =	sbr.ind lr, $3  }
0x3a: {  	_ = 	snop  }
0x3b: {  	_ = 	snop  }
0x3c: {  	p2 =	seq.s32 s10, $0x1;
	s10 =	sld [smem:$0x3FB4]  }
0x3d: {  	_ =	shalt  }
0x3e: {  	_ =	shalt  }
0x3f: {  	_ =	shalt  }
0x40: {  	_ =	shalt  }
0x41: {  	_ =	shalt  }
0x42: {  	_ =	shalt  }
0x43: {  	_ =	shalt  }
0x44: {  	_ =	shalt  }
0x45: {  	_ =	shalt  }
0x46: {  	_ =	shalt  }
0x47: {  	_ =	shalt  }
0x48: {  	_ =	shalt  }
0x49: {  	_ =	shalt  }
0x4a: {  	_ =	shalt  }
0x4b: {  	_ =	shalt  }
0x4c: {  	_ =	shalt  }
0x4d: {  	_ =	shalt  }
0x4e: {  	_ =	shalt  }
0x4f: {  	_ =	shalt  }
0x50: {  	_ =	shalt  }
0x51: {  	_ =	shalt  }
0x52: {  	_ =	shalt  }
0x53: {  	_ =	shalt  }
0x54: {  	_ =	shalt  }
0x55: {  	_ =	shalt  }
0x56: {  	_ =	shalt  }
0x57: {  	_ =	shalt  }
0x58: {  	_ =	shalt  }
0x59: {  	_ =	shalt  }
0x5a: {  	_ =	shalt  }
0x5b: {  	_ =	shalt  }
0x5c: {  	_ =	shalt  }
0x5d: {  	_ =	shalt  }
0x5e: {  	_ =	shalt  }
0x5f: {  	_ =	shalt  }
0x60: {  	_ =	shalt  }
0x61: {  	_ =	shalt  }
0x62: {  	_ =	shalt  }
0x63: {  	_ =	shalt  }
0x64: {  	_ =	shalt  }
0x65: {  	_ =	shalt  }
0x66: {  	_ =	shalt  }
0x67: {  	_ =	shalt  }
0x68: {  	_ =	shalt  }
0x69: {  	_ =	shalt  }
0x6a: {  	_ =	shalt  }
0x6b: {  	_ =	shalt  }
0x6c: {  	_ =	shalt  }
0x6d: {  	_ =	shalt  }
0x6e: {  	_ =	shalt  }
0x6f: {  	_ =	shalt  }
0x70: {  	_ =	shalt  }
0x71: {  	_ =	shalt  }
0x72: {  	_ =	shalt  }
0x73: {  	_ =	shalt  }
0x74: {  	_ =	shalt  }
0x75: {  	_ =	shalt  }
0x76: {  	_ =	shalt  }
0x77: {  	_ =	shalt  }
0x78: {  	_ =	shalt  }
0x79: {  	_ =	shalt  }
0x7a: {  	_ =	shalt  }
0x7b: {  	_ =	shalt  }
0x7c: {  	_ =	shalt  }
0x7d: {  	_ =	shalt  }
0x7e: {  	_ =	shalt  }
0x7f: {  	_ =	shalt  }
0x80: {  	_ =	shalt  }
0x81: {  	_ =	shalt  }
0x82: {  	_ =	shalt  }
0x83: {  	_ =	shalt  }
0x84: {  	_ =	shalt  }
0x85: {  	_ =	shalt  }
0x86: {  	_ =	shalt  }
0x87: {  	_ =	shalt  }
.Lfunc_end0:
.L_simem_size_0:
called_computation.2_lowered:
.L_overlay_start_0:
0x88: {  	s2 =	sld [smem:$0x3FD9]  }
0x89: {  	s3 =	sld [smem:$0x3FFE];
	_ =	sdelay $0x1  }
0x8a: {  	s1 =	srdreg.scid  }
0x8b: {  	s0 =	sand.u32 $0x1, s1  }
0x8c: {  	s17 =	sshll.u32 s0, $0xA;
	s2 =	sadd.s32 s3, s2  }
0x8d: {  	s2 =	sadd.s32 s2, s17  }
0x8e: {  	[smem:$0x3FC0] =	sst s2  }
0x8f: {  	_ = 	snop  }
0x90: {  	s2 =	sld [smem:$0x3FD0];
	(tm) =	ssettm $0x1  }
0x91: {  	s18 =	sld [smem:$0x3FFB];
	_ =	sdelay $0x3  }
0x92: {  	_ =	strace s18  }
0x93: {  	s3 =	sld [smem:$0x3FFC];
	_ =	sdelay $0x3  }
0x94: {  	_ =	strace s3  }
0x95: {  	s3 =	sld [smem:$0x3FFD];
	_ =	sdelay $0x3  }
0x96: {  	_ =	strace s3  }
0x97: {  	_ =	strace $0x8FFFFFFF  }
0x98: {  	s19 =	sld [smem:$0x3FDB];
	_ =	sdelay $0x1  }
0x99: {  	s4 =	simm.s32 $_scs_section_size  }
0x9a: {  	s5 =	simm.s32 $_size__tile_overlayer_lowered;
	s6 =	simm.s32 $_tile_overlayer_lowered  }
0x9b: {  	s22 =	simm.s32 $0x1BFF;
	s21 =	sshll.u32 s6, $0x1;
	s3 =	sadd.s32 s4, s19  }
0x9c: {  	s7 =	simm.s32 $0x0;
	s20 =	sshll.u32 s5, $0x1;
	s5 =	sadd.s32 s21, s3  }
0x9d: {  	[timem:s7], [sflag:s22] =	dma.local [hbm:s5], s20  }
0x9e: {  	_ =	swait.ge [sflag:s22], s20  }
0x9f: {  	s4 =	ssub.s32 $0x0, s20;
	[sflag:s22] =	ssyncset.done $0x0  }
0xa0: {  	[sflag:s22] =	ssyncadd.s32 s4;
	_ =	sdelay $0x1  }
0xa1: {  	s23 =	simm.s32 $0x1B8B  }
0xa2: {  	_ =	swait.ge [sflag:s23], $0x1  }
0xa3: {  	[sflag:s23] =	ssyncset.done $0x0  }
0xa4: {  	s25 =	simm.s32 $0x1B8E;
	s24 =	sld [smem:$0x3FFE];
	[sflag:s23] =	ssyncadd.s32 $0xFFFFFFFF  }
0xa5: {  	s26 =	simm.s32 $execute0_lowered;
	[smem:$0x3FD2] =	sst s25  }
0xa6: {  	s5 =	sshll.u32 s26, $0x1;
	_ =	strace $0x8000004C;
	[dreg:$0x1] =	wrdreg $0xFFFFFFFF  }
0xa7: {  	s28 =	simm.s32 $_size_execute0_lowered;
	s3 =	sadd.s32 s3, s5;
	[dreg:$0x0] =	wrdreg $0x0  }
0xa8: {  	s5 =	sshll.u32 s28, $0x1;
	[dreg:$0x2] =	wrdreg s3  }
0xa9: {  	[dreg:$0x3] =	wrdreg s5  }
0xaa: {  	[dreg:$0x4] =	wrdreg $0xC0  }
0xab: {  	_ =	task [dreg:s7], $0x5FFFF  }
0xac: {  	[dreg:$0x1] =	wrdreg $0xFFFFFFFF  }
0xad: {  	[dreg:$0x0] =	wrdreg $0x60  }
0xae: {  	[dreg:$0x2] =	wrdreg s2  }
0xaf: {  	[dreg:$0x3] =	wrdreg s24  }
0xb0: {  	[dreg:$0x4] =	wrdreg $0x0  }
0xb1: {  	[dreg:$0x5] =	wrdreg $0x9  }
0xb2: {  	_ =	task.clear_ibuf [dreg:s7], $0x6FFFF;
	_ =	strace $0x9000004C  }
0xb3: {  	s29 =	simm.s32 $0x9;
	_ =	strace $0x8000004E  }
0xb4: {  	_ =	swait.ge [sflag:s29], $0x1  }
0xb5: {  	[sflag:s29] =	ssyncadd.s32 $0xFFFFFFFF  }
0xb6: {  	_ =	strace $0x9000004E  }
0xb7: {  	_ =	sfence  }
0xb8: {  	s30 =	sld [smem:$0x0];
	_ =	sdelay $0x2  }
0xb9: {  	s31 =	sshll.u32 s1, $0xD;
	s1 =	sshrl.u32 s1, $0x2  }
0xba: {  	s3 =	sand.u32 $0x4000, s31;
	s1 =	sadd.s32 s1, s30  }
0xbb: {  	s0 =	sor.u32 s3, s0;
	s1 =	sshll.u32 s1, $0x11  }
0xbc: {  	s0 =	sor.u32 s1, s0  }
0xbd: {  	s0 =	sadd.s32 $0x8F2B, s0  }
0xbe: {  	[sflag:s0] =	ssyncadd.remote.s32 $0x1  }
0xbf: {  	_ =	sfence.sel $0xFFFF  }
0xc0: {  	[dreg:$0x0] =	wrdreg $0xFFFFFFFF;
	(pc) =	sbr.abs _section_cstart, $3  }
0xc1: {  	[dreg:$0x1] =	wrdreg $0xFFFFFFFF  }
0xc2: {  	_ =	task.clear_ibuf [dreg:s7], $0x2FFFF;
	_ =	strace $0x9FFFFFFF  }
0xc3: {  	(tm) =	ssettm $0x7FFFFFFF  }
tec
execute0_lowered:
.L_overlay_start_1:
0x0: {  	(tag) =	ssettag $0x1  }
0x1: {  	s2 =	rddreg [dreg:$0x0]  }
0x2: {  	s0 =	rddreg [dreg:$0x1]  }
0x3: {  	s3 =	rddreg [dreg:$0x2];
	s8 =	stileid.u32  }
0x4: {  	s4 =	simm.s32 $0x0;
	s1 =	srdreg.scid;
	s15 =	simm.s32 $0x14800  }
0x5: {  	s16 =	simm.s32 $0x2;
	s17 =	simm.s32 $0x14000;
	s18 =	simm.s32 $0x14400  }
0x6: {  	s19 =	simm.s32 $0x80;
	s28 =	simm.s32 $0x14580;
	s29 =	simm.s32 $0x14200  }
0x7: {  	s30 =	simm.s32 $0x14280;
	s31 =	simm.s32 $0x14600;
	s5 =	smul.u32 $0x50, s8  }
0x8: {  	[smem:$0x7FF] =	sst s4;
	s1 =	sand.u32 $0x1, s1;
	s20 =	smul.u32 $0x2800, s8  }
0x9: {  	s8 =	smul.u32 $0x50000, s8;
	s9 =	sadd.s32 $0x3EC00, s0;
	p0 =	seq.s32 s1, $0x0  }
0xa: {  	s7 =	smul.u32 $0x28000, s1;
	_ =	strace $0x8000004D;
	[dreg:$0x4] =	wrdreg s9  }
0xb: {  	s1 =	ssub.s32 $0x2, s1;
	s9 =	simm.s32 $0x0;
	s6 =	sadd.s32 $0x500, s5  }
0xc: {  	s21 =	sshrl.u32 s1, $0x1;
	s8 =	sshrl.u32 s8, $0x2;
	s5 =	smov.u32 @p0 s6  }
0xd: {  	s6 =	sadd.s32 s20, s7;
	s1 =	ssub.s32 s1, s21;
	s10 =	sadd.s32 s8, s3  }
0xe: {  	s20 =	simm.s32 $0x14080;
	s21 =	simm.s32 $0x18800;
	s7 =	simm.s32 $0x14700  }
0xf: {  	s8 =	simm.s32 $0x14780;
	s22 =	smax.u32 s1, $0x1;
	[dreg:$0x5] =	wrdreg s10  }
0x10: {  	s5 =	sshll.u32 s5, $0x4;
	s23 =	sadd.s32 $0x4000, s10;
	[dreg:$0x7] =	wrdreg s22  }
0x11: {  	s24 =	sadd.s32 $0x8000, s10;
	s25 =	sadd.s32 $0xC000, s10;
	[dreg:$0x8] =	wrdreg s23  }
0x12: {  	s26 =	sadd.s32 $0x10000, s10;
	s1 =	simm.s32 $0x14300;
	[dreg:$0x9] =	wrdreg s24  }
0x13: {  	s5 =	sadd.s32 s5, s0;
	s0 =	sadd.s32 s6, s0;
	[dreg:$0xa] =	wrdreg s25  }
0x14: {  	[dreg:$0xb] =	wrdreg s26;
	s22 =	simm.s32 $0x1;
	s23 =	simm.s32 $0x14480  }
0x15: {  	s24 =	simm.s32 $0x14100;
	s25 =	simm.s32 $0x14180;
	s26 =	simm.s32 $0x14500  }
0x16: {  	s0 =	sadd.s32 $0x3F400, s0;
	s13 =	sadd.s32 $0x3A00, s5;
	s14 =	sadd.s32 $0xDA00, s5  }
0x17: {  	s5 =	simm.s32 $0x14380;
	[dreg:$0x6] =	wrdreg s0;
	s0 =	simm.s32 $0x14680  }
.LBB2_1:
0x18: {  	[dreg:$0xc] =	wrdreg s9  }
0x19: {  	s6 =	rddreg [dreg:$0x4]  }
0x1a: {  	[tilespmem:s15], [sflag:$0x2] =	stream.linear.gather [hbm4b:s6+s4], $0x4000, $0x38;
	[tilespmem:$0x1C800] =	vst v63  }
0x1b: {  	_ =	swait.ge [sflag:s16], $0x4000  }
0x1c: {  	[sflag:s16] =	ssyncset.done $0x0  }
0x1d: {  	[sflag:s16] =	ssyncadd.s32 $0xFFFFC000  }
0x1e: {  	[spmem:s10] =	stream.linear.scatter [tilespmem:s15], [sflag:$0x2], $0x4000, $0x38;
	[tilespmem:$0x1C800] =	vst v63  }
0x1f: {  	_ =	swait.ge [sflag:s16], $0x4000  }
0x20: {  	[sflag:s16] =	ssyncset.done $0x0  }
0x21: {  	s11 =	rddreg [dreg:$0x8];
	[sflag:s16] =	ssyncadd.s32 $0xFFFFC000  }
0x22: {  	[spmem:s11] =	stream.linear.scatter [tilespmem:s15], [sflag:$0x2], $0x4000, $0x38;
	[tilespmem:$0x1C800] =	vst v63  }
0x23: {  	_ =	swait.ge [sflag:s16], $0x4000  }
0x24: {  	[sflag:s16] =	ssyncset.done $0x0  }
0x25: {  	s12 =	rddreg [dreg:$0x9];
	[sflag:s16] =	ssyncadd.s32 $0xFFFFC000  }
0x26: {  	[spmem:s12] =	stream.linear.scatter [tilespmem:s15], [sflag:$0x2], $0x4000, $0x38;
	[tilespmem:$0x1C800] =	vst v63  }
0x27: {  	_ =	swait.ge [sflag:s16], $0x4000  }
0x28: {  	[sflag:s16] =	ssyncset.done $0x0  }
0x29: {  	s9 =	rddreg [dreg:$0xa];
	[sflag:s16] =	ssyncadd.s32 $0xFFFFC000  }
0x2a: {  	[spmem:s9] =	stream.linear.scatter [tilespmem:s15], [sflag:$0x2], $0x4000, $0x38;
	[tilespmem:$0x1C800] =	vst v63  }
0x2b: {  	_ =	swait.ge [sflag:s16], $0x4000  }
0x2c: {  	[sflag:s16] =	ssyncset.done $0x0  }
0x2d: {  	s10 =	rddreg [dreg:$0xb];
	[sflag:s16] =	ssyncadd.s32 $0xFFFFC000  }
0x2e: {  	[spmem:s10] =	stream.linear.scatter [tilespmem:s15], [sflag:$0x2], $0x4000, $0x38;
	[tilespmem:$0x1C800] =	vst v63  }
0x2f: {  	_ =	swait.ge [sflag:s16], $0x4000  }
0x30: {  	[sflag:s16] =	ssyncset.done $0x0  }
0x31: {  	[sflag:s16] =	ssyncadd.s32 $0xFFFFC000  }
0x32: {  	s11 =	sadd.s32 $0x0, s14;
	[bflag:$0x0] =	sbarrier.arrive $0xFFFF  }
0x33: {  	[tilespmem:s17], [sflag:$0x2] =	stream.linear.gather [hbm4b:s11+s4], $0x400, $0x38;
	[tilespmem:$0x1C800] =	vst v63  }
0x34: {  	_ =	swait.ge [sflag:s16], $0x400  }
0x35: {  	[sflag:s16] =	ssyncset.done $0x0  }
0x36: {  	s12 =	sadd.s32 $0x0, s13;
	[sflag:s16] =	ssyncadd.s32 $0xFFFFFC00  }
0x37: {  	[tilespmem:s18], [sflag:$0x2] =	stream.linear.gather [hbm4b:s12+s4], $0x400, $0x38;
	[tilespmem:$0x1C800] =	vst v63  }
0x38: {  	_ =	swait.ge [sflag:s16], $0x400  }
0x39: {  	[sflag:s16] =	ssyncset.done $0x0  }
0x3a: {  	[sflag:s16] =	ssyncadd.s32 $0xFFFFFC00  }
0x3b: {  	[tilespmem:s15], [sflag:$0x1] =	stream.indirect.gather [hbm4b:s2+s19], $0x80, s17, s19, $0xb8;
	[tilespmem:$0x1C800] =	vst v63  }
0x3c: {  	_ = 	snop  }
0x3d: {  	[tilespmem:s21], [sflag:$0x1] =	stream.indirect.gather [hbm4b:s2+s19], $0x80, s20, s19, $0xb8;
	[tilespmem:$0x1C800] =	vst v63  }
0x3e: {  	_ =	swait.ge [sflag:s22], $0x4000  }
0x3f: {  	[sflag:s22] =	ssyncset.done $0x0  }
0x40: {  	[sflag:s22] =	ssyncadd.s32 $0xFFFFC000  }
0x41: {  	_ =	swait.ge [sflag:s22], $0x4000  }
0x42: {  	[sflag:s22] =	ssyncset.done $0x0  }
0x43: {  	[sflag:s22] =	ssyncadd.s32 $0xFFFFC000  }
0x44: {  	[spmem:s3] =	stream.indirect.scatter.add.f32 [tilespmem:s15], [sflag:$0x2], $0x80, s18, s19, $0xb8;
	[tilespmem:$0x1C800] =	vst v63  }
0x45: {  	_ =	swait.ge [sflag:s16], $0x4000  }
0x46: {  	[sflag:s16] =	ssyncset.done $0x0  }
0x47: {  	[sflag:s16] =	ssyncadd.s32 $0xFFFFC000  }
0x48: {  	[spmem:s3] =	stream.indirect.scatter.add.f32 [tilespmem:s21], [sflag:$0x2], $0x80, s23, s19, $0xb8;
	[tilespmem:$0x1C800] =	vst v63  }
0x49: {  	_ =	swait.ge [sflag:s16], $0x4000  }
0x4a: {  	[sflag:s16] =	ssyncset.done $0x0  }
0x4b: {  	[sflag:s16] =	ssyncadd.s32 $0xFFFFC000  }
0x4c: {  	[tilespmem:s15], [sflag:$0x1] =	stream.indirect.gather [hbm4b:s2+s19], $0x80, s24, s19, $0xb8;
	[tilespmem:$0x1C800] =	vst v63  }
0x4d: {  	_ = 	snop  }
0x4e: {  	[tilespmem:s21], [sflag:$0x1] =	stream.indirect.gather [hbm4b:s2+s19], $0x80, s25, s19, $0xb8;
	[tilespmem:$0x1C800] =	vst v63  }
0x4f: {  	_ =	swait.ge [sflag:s22], $0x4000  }
0x50: {  	[sflag:s22] =	ssyncset.done $0x0  }
0x51: {  	[sflag:s22] =	ssyncadd.s32 $0xFFFFC000  }
0x52: {  	_ =	swait.ge [sflag:s22], $0x4000  }
0x53: {  	[sflag:s22] =	ssyncset.done $0x0  }
0x54: {  	[sflag:s22] =	ssyncadd.s32 $0xFFFFC000  }
0x55: {  	[spmem:s3] =	stream.indirect.scatter.add.f32 [tilespmem:s15], [sflag:$0x2], $0x80, s26, s19, $0xb8;
	[tilespmem:$0x1C800] =	vst v63  }
0x56: {  	_ =	swait.ge [sflag:s16], $0x4000  }
0x57: {  	[sflag:s16] =	ssyncset.done $0x0  }
0x58: {  	[sflag:s16] =	ssyncadd.s32 $0xFFFFC000  }
0x59: {  	[spmem:s3] =	stream.indirect.scatter.add.f32 [tilespmem:s21], [sflag:$0x2], $0x80, s28, s19, $0xb8;
	[tilespmem:$0x1C800] =	vst v63  }
0x5a: {  	_ =	swait.ge [sflag:s16], $0x4000  }
0x5b: {  	[sflag:s16] =	ssyncset.done $0x0  }
0x5c: {  	[sflag:s16] =	ssyncadd.s32 $0xFFFFC000  }
0x5d: {  	[tilespmem:s15], [sflag:$0x1] =	stream.indirect.gather [hbm4b:s2+s19], $0x80, s29, s19, $0xb8;
	[tilespmem:$0x1C800] =	vst v63  }
0x5e: {  	_ = 	snop  }
0x5f: {  	[tilespmem:s21], [sflag:$0x1] =	stream.indirect.gather [hbm4b:s2+s19], $0x80, s30, s19, $0xb8;
	[tilespmem:$0x1C800] =	vst v63  }
0x60: {  	_ =	swait.ge [sflag:s22], $0x4000  }
0x61: {  	[sflag:s22] =	ssyncset.done $0x0  }
0x62: {  	[sflag:s22] =	ssyncadd.s32 $0xFFFFC000  }
0x63: {  	_ =	swait.ge [sflag:s22], $0x4000  }
0x64: {  	[sflag:s22] =	ssyncset.done $0x0  }
0x65: {  	[sflag:s22] =	ssyncadd.s32 $0xFFFFC000  }
0x66: {  	[spmem:s3] =	stream.indirect.scatter.add.f32 [tilespmem:s15], [sflag:$0x2], $0x80, s31, s19, $0xb8;
	[tilespmem:$0x1C800] =	vst v63  }
0x67: {  	_ =	swait.ge [sflag:s16], $0x4000  }
0x68: {  	[sflag:s16] =	ssyncset.done $0x0  }
0x69: {  	[sflag:s16] =	ssyncadd.s32 $0xFFFFC000  }
0x6a: {  	[spmem:s3] =	stream.indirect.scatter.add.f32 [tilespmem:s21], [sflag:$0x2], $0x80, s0, s19, $0xb8;
	[tilespmem:$0x1C800] =	vst v63  }
0x6b: {  	_ =	swait.ge [sflag:s16], $0x4000  }
0x6c: {  	[sflag:s16] =	ssyncset.done $0x0  }
0x6d: {  	[sflag:s16] =	ssyncadd.s32 $0xFFFFC000  }
0x6e: {  	[tilespmem:s15], [sflag:$0x1] =	stream.indirect.gather [hbm4b:s2+s19], $0x80, s1, s19, $0xb8;
	[tilespmem:$0x1C800] =	vst v63  }
0x6f: {  	_ = 	snop  }
0x70: {  	[tilespmem:s21], [sflag:$0x1] =	stream.indirect.gather [hbm4b:s2+s19], $0x80, s5, s19, $0xb8;
	[tilespmem:$0x1C800] =	vst v63  }
0x71: {  	_ =	swait.ge [sflag:s22], $0x4000  }
0x72: {  	[sflag:s22] =	ssyncset.done $0x0  }
0x73: {  	[sflag:s22] =	ssyncadd.s32 $0xFFFFC000  }
0x74: {  	_ =	swait.ge [sflag:s22], $0x4000  }
0x75: {  	[sflag:s22] =	ssyncset.done $0x0  }
0x76: {  	[sflag:s22] =	ssyncadd.s32 $0xFFFFC000  }
0x77: {  	[spmem:s3] =	stream.indirect.scatter.add.f32 [tilespmem:s15], [sflag:$0x2], $0x80, s7, s19, $0xb8;
	[tilespmem:$0x1C800] =	vst v63  }
0x78: {  	_ =	swait.ge [sflag:s16], $0x4000  }
0x79: {  	[sflag:s16] =	ssyncset.done $0x0  }
0x7a: {  	[sflag:s16] =	ssyncadd.s32 $0xFFFFC000  }
0x7b: {  	[spmem:s3] =	stream.indirect.scatter.add.f32 [tilespmem:s21], [sflag:$0x2], $0x80, s8, s19, $0xb8;
	[tilespmem:$0x1C800] =	vst v63  }
0x7c: {  	_ =	swait.ge [sflag:s16], $0x4000  }
0x7d: {  	s10 =	simm.s32 $0x80;
	s11 =	simm.s32 $0x100;
	[sflag:s16] =	ssyncset.done $0x0  }
.LBB2_2:
0x7e: {  	s6 =	sadd.s32 s10, s14  }
0x7f: {  	[sflag:s16] =	ssyncadd.s32 $0xFFFFC000;
	s9 =	smov.u32 s11;
	s12 =	sadd.s32 $0x80, s11  }
0x80: {  	[tilespmem:s17], [sflag:$0x2] =	stream.linear.gather [hbm4b:s6+s4], $0x400, $0x38;
	[tilespmem:$0x1C800] =	vst v63  }
0x81: {  	p0 =	sne.s32 s11, $0x480;
	_ =	swait.ge [sflag:s16], $0x400  }
0x82: {  	[sflag:s16] =	ssyncset.done $0x0  }
0x83: {  	s6 =	sadd.s32 s10, s13;
	s10 =	smov.u32 s9;
	[sflag:s16] =	ssyncadd.s32 $0xFFFFFC00  }
0x84: {  	[tilespmem:s18], [sflag:$0x2] =	stream.linear.gather [hbm4b:s6+s4], $0x400, $0x38;
	[tilespmem:$0x1C800] =	vst v63  }
0x85: {  	_ =	swait.ge [sflag:s16], $0x400  }
0x86: {  	[sflag:s16] =	ssyncset.done $0x0  }
0x87: {  	[sflag:s16] =	ssyncadd.s32 $0xFFFFFC00  }
0x88: {  	[tilespmem:s15], [sflag:$0x1] =	stream.indirect.gather [hbm4b:s2+s19], $0x80, s17, s19, $0xb8;
	[tilespmem:$0x1C800] =	vst v63  }
0x89: {  	_ = 	snop  }
0x8a: {  	[tilespmem:s21], [sflag:$0x1] =	stream.indirect.gather [hbm4b:s2+s19], $0x80, s20, s19, $0xb8;
	[tilespmem:$0x1C800] =	vst v63  }
0x8b: {  	_ =	swait.ge [sflag:s22], $0x4000  }
0x8c: {  	[sflag:s22] =	ssyncset.done $0x0  }
0x8d: {  	[sflag:s22] =	ssyncadd.s32 $0xFFFFC000  }
0x8e: {  	_ =	swait.ge [sflag:s22], $0x4000  }
0x8f: {  	[sflag:s22] =	ssyncset.done $0x0  }
0x90: {  	[sflag:s22] =	ssyncadd.s32 $0xFFFFC000  }
0x91: {  	[spmem:s3] =	stream.indirect.scatter.add.f32 [tilespmem:s15], [sflag:$0x2], $0x80, s18, s19, $0xb8;
	[tilespmem:$0x1C800] =	vst v63  }
0x92: {  	_ =	swait.ge [sflag:s16], $0x4000  }
0x93: {  	[sflag:s16] =	ssyncset.done $0x0  }
0x94: {  	[sflag:s16] =	ssyncadd.s32 $0xFFFFC000  }
0x95: {  	[spmem:s3] =	stream.indirect.scatter.add.f32 [tilespmem:s21], [sflag:$0x2], $0x80, s23, s19, $0xb8;
	[tilespmem:$0x1C800] =	vst v63  }
0x96: {  	_ =	swait.ge [sflag:s16], $0x4000  }
0x97: {  	[sflag:s16] =	ssyncset.done $0x0  }
0x98: {  	[sflag:s16] =	ssyncadd.s32 $0xFFFFC000  }
0x99: {  	[tilespmem:s15], [sflag:$0x1] =	stream.indirect.gather [hbm4b:s2+s19], $0x80, s24, s19, $0xb8;
	[tilespmem:$0x1C800] =	vst v63  }
0x9a: {  	_ = 	snop  }
0x9b: {  	[tilespmem:s21], [sflag:$0x1] =	stream.indirect.gather [hbm4b:s2+s19], $0x80, s25, s19, $0xb8;
	[tilespmem:$0x1C800] =	vst v63  }
0x9c: {  	_ =	swait.ge [sflag:s22], $0x4000  }
0x9d: {  	[sflag:s22] =	ssyncset.done $0x0  }
0x9e: {  	[sflag:s22] =	ssyncadd.s32 $0xFFFFC000  }
0x9f: {  	_ =	swait.ge [sflag:s22], $0x4000  }
0xa0: {  	[sflag:s22] =	ssyncset.done $0x0  }
0xa1: {  	[sflag:s22] =	ssyncadd.s32 $0xFFFFC000  }
0xa2: {  	[spmem:s3] =	stream.indirect.scatter.add.f32 [tilespmem:s15], [sflag:$0x2], $0x80, s26, s19, $0xb8;
	[tilespmem:$0x1C800] =	vst v63  }
0xa3: {  	_ =	swait.ge [sflag:s16], $0x4000  }
0xa4: {  	[sflag:s16] =	ssyncset.done $0x0  }
0xa5: {  	[sflag:s16] =	ssyncadd.s32 $0xFFFFC000  }
0xa6: {  	[spmem:s3] =	stream.indirect.scatter.add.f32 [tilespmem:s21], [sflag:$0x2], $0x80, s28, s19, $0xb8;
	[tilespmem:$0x1C800] =	vst v63  }
0xa7: {  	_ =	swait.ge [sflag:s16], $0x4000  }
0xa8: {  	[sflag:s16] =	ssyncset.done $0x0  }
0xa9: {  	[sflag:s16] =	ssyncadd.s32 $0xFFFFC000  }
0xaa: {  	[tilespmem:s15], [sflag:$0x1] =	stream.indirect.gather [hbm4b:s2+s19], $0x80, s29, s19, $0xb8;
	[tilespmem:$0x1C800] =	vst v63  }
0xab: {  	_ = 	snop  }
0xac: {  	[tilespmem:s21], [sflag:$0x1] =	stream.indirect.gather [hbm4b:s2+s19], $0x80, s30, s19, $0xb8;
	[tilespmem:$0x1C800] =	vst v63  }
0xad: {  	_ =	swait.ge [sflag:s22], $0x4000  }
0xae: {  	[sflag:s22] =	ssyncset.done $0x0  }
0xaf: {  	[sflag:s22] =	ssyncadd.s32 $0xFFFFC000  }
0xb0: {  	_ =	swait.ge [sflag:s22], $0x4000  }
0xb1: {  	[sflag:s22] =	ssyncset.done $0x0  }
0xb2: {  	[sflag:s22] =	ssyncadd.s32 $0xFFFFC000  }
0xb3: {  	[spmem:s3] =	stream.indirect.scatter.add.f32 [tilespmem:s15], [sflag:$0x2], $0x80, s31, s19, $0xb8;
	[tilespmem:$0x1C800] =	vst v63  }
0xb4: {  	_ =	swait.ge [sflag:s16], $0x4000  }
0xb5: {  	[sflag:s16] =	ssyncset.done $0x0  }
0xb6: {  	[sflag:s16] =	ssyncadd.s32 $0xFFFFC000  }
0xb7: {  	[spmem:s3] =	stream.indirect.scatter.add.f32 [tilespmem:s21], [sflag:$0x2], $0x80, s0, s19, $0xb8;
	[tilespmem:$0x1C800] =	vst v63  }
0xb8: {  	_ =	swait.ge [sflag:s16], $0x4000  }
0xb9: {  	[sflag:s16] =	ssyncset.done $0x0  }
0xba: {  	[sflag:s16] =	ssyncadd.s32 $0xFFFFC000  }
0xbb: {  	[tilespmem:s15], [sflag:$0x1] =	stream.indirect.gather [hbm4b:s2+s19], $0x80, s1, s19, $0xb8;
	[tilespmem:$0x1C800] =	vst v63  }
0xbc: {  	_ = 	snop  }
0xbd: {  	[tilespmem:s21], [sflag:$0x1] =	stream.indirect.gather [hbm4b:s2+s19], $0x80, s5, s19, $0xb8;
	[tilespmem:$0x1C800] =	vst v63  }
0xbe: {  	_ =	swait.ge [sflag:s22], $0x4000  }
0xbf: {  	[sflag:s22] =	ssyncset.done $0x0  }
0xc0: {  	[sflag:s22] =	ssyncadd.s32 $0xFFFFC000  }
0xc1: {  	_ =	swait.ge [sflag:s22], $0x4000  }
0xc2: {  	[sflag:s22] =	ssyncset.done $0x0  }
0xc3: {  	[sflag:s22] =	ssyncadd.s32 $0xFFFFC000  }
0xc4: {  	[spmem:s3] =	stream.indirect.scatter.add.f32 [tilespmem:s15], [sflag:$0x2], $0x80, s7, s19, $0xb8;
	[tilespmem:$0x1C800] =	vst v63  }
0xc5: {  	_ =	swait.ge [sflag:s16], $0x4000  }
.Ltmp0:
0xc6: {  	[sflag:s16] =	ssyncset.done $0x0;
	(pc) =	sbr.rel @p0 .LBB2_2-.Ltmp0, $4  }
0xc7: {  	[sflag:s16] =	ssyncadd.s32 $0xFFFFC000  }
0xc8: {  	[spmem:s3] =	stream.indirect.scatter.add.f32 [tilespmem:s21], [sflag:$0x2], $0x80, s8, s19, $0xb8;
	[tilespmem:$0x1C800] =	vst v63  }
0xc9: {  	_ =	swait.ge [sflag:s16], $0x4000  }
0xca: {  	s11 =	smov.u32 s12;
	[sflag:s16] =	ssyncset.done $0x0  }
0xcb: {  	s6 =	sadd.s32 s10, s14;
	[sflag:s16] =	ssyncadd.s32 $0xFFFFC000  }
0xcc: {  	[tilespmem:s17], [sflag:$0x2] =	stream.linear.gather [hbm4b:s6+s4], $0x400, $0x38;
	[tilespmem:$0x1C800] =	vst v63  }
0xcd: {  	_ =	swait.ge [sflag:s16], $0x400  }
0xce: {  	[sflag:s16] =	ssyncset.done $0x0  }
0xcf: {  	s9 =	sadd.s32 s10, s13;
	[sflag:s16] =	ssyncadd.s32 $0xFFFFFC00  }
0xd0: {  	[tilespmem:s18], [sflag:$0x2] =	stream.linear.gather [hbm4b:s9+s4], $0x400, $0x38;
	[tilespmem:$0x1C800] =	vst v63  }
0xd1: {  	_ =	swait.ge [sflag:s16], $0x400  }
0xd2: {  	[sflag:s16] =	ssyncset.done $0x0  }
0xd3: {  	[sflag:s16] =	ssyncadd.s32 $0xFFFFFC00  }
0xd4: {  	[tilespmem:s15], [sflag:$0x1] =	stream.indirect.gather [hbm4b:s2+s19], $0x80, s17, s19, $0xb8;
	[tilespmem:$0x1C800] =	vst v63  }
0xd5: {  	_ = 	snop  }
0xd6: {  	[tilespmem:s21], [sflag:$0x1] =	stream.indirect.gather [hbm4b:s2+s19], $0x80, s20, s19, $0xb8;
	[tilespmem:$0x1C800] =	vst v63  }
0xd7: {  	_ =	swait.ge [sflag:s22], $0x4000  }
0xd8: {  	[sflag:s22] =	ssyncset.done $0x0  }
0xd9: {  	[sflag:s22] =	ssyncadd.s32 $0xFFFFC000  }
0xda: {  	_ =	swait.ge [sflag:s22], $0x4000  }
0xdb: {  	[sflag:s22] =	ssyncset.done $0x0  }
0xdc: {  	[sflag:s22] =	ssyncadd.s32 $0xFFFFC000  }
0xdd: {  	[spmem:s3] =	stream.indirect.scatter.add.f32 [tilespmem:s15], [sflag:$0x2], $0x80, s18, s19, $0xb8;
	[tilespmem:$0x1C800] =	vst v63  }
0xde: {  	_ =	swait.ge [sflag:s16], $0x4000  }
0xdf: {  	[sflag:s16] =	ssyncset.done $0x0  }
0xe0: {  	[sflag:s16] =	ssyncadd.s32 $0xFFFFC000  }
0xe1: {  	[spmem:s3] =	stream.indirect.scatter.add.f32 [tilespmem:s21], [sflag:$0x2], $0x80, s23, s19, $0xb8;
	[tilespmem:$0x1C800] =	vst v63  }
0xe2: {  	_ =	swait.ge [sflag:s16], $0x4000  }
0xe3: {  	[sflag:s16] =	ssyncset.done $0x0  }
0xe4: {  	[sflag:s16] =	ssyncadd.s32 $0xFFFFC000  }
0xe5: {  	[tilespmem:s15], [sflag:$0x1] =	stream.indirect.gather [hbm4b:s2+s19], $0x80, s24, s19, $0xb8;
	[tilespmem:$0x1C800] =	vst v63  }
0xe6: {  	_ = 	snop  }
0xe7: {  	[tilespmem:s21], [sflag:$0x1] =	stream.indirect.gather [hbm4b:s2+s19], $0x80, s25, s19, $0xb8;
	[tilespmem:$0x1C800] =	vst v63  }
0xe8: {  	_ =	swait.ge [sflag:s22], $0x4000  }
0xe9: {  	[sflag:s22] =	ssyncset.done $0x0  }
0xea: {  	[sflag:s22] =	ssyncadd.s32 $0xFFFFC000  }
0xeb: {  	_ =	swait.ge [sflag:s22], $0x4000  }
0xec: {  	[sflag:s22] =	ssyncset.done $0x0  }
0xed: {  	[sflag:s22] =	ssyncadd.s32 $0xFFFFC000  }
0xee: {  	[spmem:s3] =	stream.indirect.scatter.add.f32 [tilespmem:s15], [sflag:$0x2], $0x80, s26, s19, $0xb8;
	[tilespmem:$0x1C800] =	vst v63  }
0xef: {  	_ =	swait.ge [sflag:s16], $0x4000  }
0xf0: {  	[sflag:s16] =	ssyncset.done $0x0  }
0xf1: {  	[sflag:s16] =	ssyncadd.s32 $0xFFFFC000  }
0xf2: {  	[spmem:s3] =	stream.indirect.scatter.add.f32 [tilespmem:s21], [sflag:$0x2], $0x80, s28, s19, $0xb8;
	[tilespmem:$0x1C800] =	vst v63  }
0xf3: {  	_ =	swait.ge [sflag:s16], $0x4000  }
0xf4: {  	[sflag:s16] =	ssyncset.done $0x0  }
0xf5: {  	[sflag:s16] =	ssyncadd.s32 $0xFFFFC000  }
0xf6: {  	[tilespmem:s15], [sflag:$0x1] =	stream.indirect.gather [hbm4b:s2+s19], $0x80, s29, s19, $0xb8;
	[tilespmem:$0x1C800] =	vst v63  }
0xf7: {  	_ = 	snop  }
0xf8: {  	[tilespmem:s21], [sflag:$0x1] =	stream.indirect.gather [hbm4b:s2+s19], $0x80, s30, s19, $0xb8;
	[tilespmem:$0x1C800] =	vst v63  }
0xf9: {  	_ =	swait.ge [sflag:s22], $0x4000  }
0xfa: {  	[sflag:s22] =	ssyncset.done $0x0  }
0xfb: {  	[sflag:s22] =	ssyncadd.s32 $0xFFFFC000  }
0xfc: {  	_ =	swait.ge [sflag:s22], $0x4000  }
0xfd: {  	[sflag:s22] =	ssyncset.done $0x0  }
0xfe: {  	[sflag:s22] =	ssyncadd.s32 $0xFFFFC000  }
0xff: {  	[spmem:s3] =	stream.indirect.scatter.add.f32 [tilespmem:s15], [sflag:$0x2], $0x80, s31, s19, $0xb8;
	[tilespmem:$0x1C800] =	vst v63  }
0x100: {  	_ =	swait.ge [sflag:s16], $0x4000  }
0x101: {  	[sflag:s16] =	ssyncset.done $0x0  }
0x102: {  	[sflag:s16] =	ssyncadd.s32 $0xFFFFC000  }
0x103: {  	[spmem:s3] =	stream.indirect.scatter.add.f32 [tilespmem:s21], [sflag:$0x2], $0x80, s0, s19, $0xb8;
	[tilespmem:$0x1C800] =	vst v63  }
0x104: {  	_ =	swait.ge [sflag:s16], $0x4000  }
0x105: {  	[sflag:s16] =	ssyncset.done $0x0  }
0x106: {  	[sflag:s16] =	ssyncadd.s32 $0xFFFFC000  }
0x107: {  	[tilespmem:s15], [sflag:$0x1] =	stream.indirect.gather [hbm4b:s2+s19], $0x80, s1, s19, $0xb8;
	[tilespmem:$0x1C800] =	vst v63  }
0x108: {  	_ = 	snop  }
0x109: {  	[tilespmem:s21], [sflag:$0x1] =	stream.indirect.gather [hbm4b:s2+s19], $0x80, s5, s19, $0xb8;
	[tilespmem:$0x1C800] =	vst v63  }
0x10a: {  	_ =	swait.ge [sflag:s22], $0x4000  }
0x10b: {  	[sflag:s22] =	ssyncset.done $0x0  }
0x10c: {  	[sflag:s22] =	ssyncadd.s32 $0xFFFFC000  }
0x10d: {  	_ =	swait.ge [sflag:s22], $0x4000  }
0x10e: {  	[sflag:s22] =	ssyncset.done $0x0  }
0x10f: {  	[sflag:s22] =	ssyncadd.s32 $0xFFFFC000  }
0x110: {  	[spmem:s3] =	stream.indirect.scatter.add.f32 [tilespmem:s15], [sflag:$0x2], $0x80, s7, s19, $0xb8;
	[tilespmem:$0x1C800] =	vst v63  }
0x111: {  	_ =	swait.ge [sflag:s16], $0x4000  }
0x112: {  	[sflag:s16] =	ssyncset.done $0x0  }
0x113: {  	[sflag:s16] =	ssyncadd.s32 $0xFFFFC000  }
0x114: {  	[spmem:s3] =	stream.indirect.scatter.add.f32 [tilespmem:s21], [sflag:$0x2], $0x80, s8, s19, $0xb8;
	[tilespmem:$0x1C800] =	vst v63  }
0x115: {  	_ =	swait.ge [sflag:s16], $0x4000  }
0x116: {  	[sflag:s16] =	ssyncset.done $0x0  }
0x117: {  	[sflag:s16] =	ssyncadd.s32 $0xFFFFC000  }
0x118: {  	s10 =	stileid.u32;
	[bflag:$0x0] =	sbarrier.arrive $0xFFFF  }
0x119: {  	s6 =	sshll.u32 s10, $0x6;
	s10 =	rddreg [dreg:$0x5]  }
0x11a: {  	s6 =	sor.u32 $0x1C02, s6;
	s11 =	rddreg [dreg:$0x6];
	s9 =	sshrl.u32 s10, $0x3  }
0x11b: {  	[hbm:s11], [sflag:s6] =	dma.local [spmem:s9], $0x2800  }
0x11c: {  	_ =	swait.ge [sflag:s16], $0x2800  }
0x11d: {  	s11 =	rddreg [dreg:$0xc]  }
0x11e: {  	s12 =	rddreg [dreg:$0x7];
	s9 =	sadd.s32 $0x1, s11  }
0x11f: {  	p0 =	sne.s32 s9, s12  }
.Ltmp1:
0x120: {  	_ = 	snop;
	(pc) =	sbr.rel @p0 .LBB2_1-.Ltmp1, $3  }
0x121: {  	_ =	sdelay $0x1  }
0x122: {  	[sflag:s16] =	ssyncset.done $0x0  }
0x123: {  	[sflag:s16] =	ssyncadd.s32 $0xFFFFD800  }
0x124: {  	_ =	sfence.sel $0x180000  }
0x125: {  	[bflag:$0x0] =	sbarrier.arrive $0xFFFF  }
0x126: {  	_ =	strace $0x9000004D  }
0x127: {  	s0 =	stileid.u32;
	[bflag:$0x2] =	sbarrier.arrive $0xFFFF  }
0x128: {  	p0 =	sne.s32 s0, $0x0;
	s0 =	rddreg [dreg:$0x3]  }
0x129: {  	s0 =	sadd.s32 @!p0 $0x100000, s0  }
0x12a: {  	[sflag:s0] =	ssyncadd.tile.s32 @!p0 $0x1;
	_ =	shalt  }
.Lfunc_end2:
_tile_overlayer_lowered:
.L_overlay_start_2:
0x12b: {  	(tag) =	ssettag $0x2  }
0x12c: {  	s0 =	rddreg [dreg:$0x0];
	s2 =	stileid.u32  }
0x12d: {  	s1 =	rddreg [dreg:$0x1];
	p0 =	sne.s32 s2, $0x0  }
0x12e: {  	s3 =	rddreg [dreg:$0x2];
	[bflag:$0x3] =	sbarrier.arrive $0xFFFF;
	s2 =	simm.s32 @!p0 $0x1C02  }
0x12f: {  	[timem:s3], [sflag:s2] =	dma.local @!p0 [hbm:s0], s1  }
0x130: {  	s0 =	simm.s32 @!p0 $0x2  }
0x131: {  	_ =	swait.ge @!p0 [sflag:s0], s1  }
0x132: {  	s1 =	ssub.s32 @!p0 $0x0, s1;
	[sflag:s0] =	ssyncset.done @!p0 $0x0  }
0x133: {  	[sflag:s0] =	ssyncadd.s32 @!p0 s1  }
0x134: {  	[bflag:$0x3] =	sbarrier.arrive $0xFFFF  }
0x135: {  	_ =	shalt  }

// kernel: kernel.20.cloned.1.call-start
scs
__scs_entry_jumppad:
0x0: {  	(pc) =	sbr.rel $0x88, $3  }
0x1: {  	(tag) =	ssettag $0x0;
	lr =	simm.s32 $0x1  }
0x2: {  	[smem:$0x3F99] =	sst lr;
	_ =	strace $0xD0000000  }
0x3: {  	_ = 	snop  }
0x4: {  	_ = 	snop  }
0x5: {  	_ = 	snop  }
0x6: {  	_ = 	snop  }
0x7: {  	_ = 	snop  }
__scs_overlays_trampoline_lowered:
0x8: {  	[smem:$0x3FA8] =	sst s0  }
0x9: {  	[smem:$0x3FA9] =	sst s1  }
0xa: {  	[smem:$0x3FAA] =	sst s2  }
0xb: {  	[smem:$0x3FAB] =	sst s3  }
0xc: {  	[smem:$0x3FAC] =	sst s4  }
0xd: {  	[smem:$0x3FAD] =	sst s5  }
0xe: {  	[smem:$0x3FAE] =	sst s6  }
0xf: {  	[smem:$0x3FAF] =	sst s7  }
0x10: {  	[smem:$0x3FB0] =	sst s8  }
0x11: {  	[smem:$0x3FB1] =	sst s9;
	s0 =	simm.s32 @!p0 $0x0  }
0x12: {  	s1 =	sld [smem:$0x3F97];
	s0 =	simm.s32 @p0 $0x1  }
0x13: {  	[smem:$0x3FB2] =	sst s0;
	s0 =	simm.s32 @!p1 $0x0  }
0x14: {  	s2 =	sld [smem:$0x3F96];
	s0 =	simm.s32 @p1 $0x1  }
0x15: {  	[smem:$0x3FB3] =	sst s0;
	s0 =	simm.s32 @!p2 $0x0  }
0x16: {  	s3 =	sld [smem:$0x3FDB];
	s0 =	simm.s32 @p2 $0x1  }
0x17: {  	s4 =	simm.s32 $0x1BF5;
	[smem:$0x3FB5] =	sst s0  }
0x18: {  	s0 =	sld [smem:$0x3F98];
	_ =	swait.ge [sflag:s4], $0x0  }
0x19: {  	s7 =	sld [smem:$0x3F99]  }
0x1a: {  	s8 =	sadd.s32 $0xFFFFE003, lr  }
0x1b: {  	s9 =	sadd.s32 $0xFFFFFEF7, lr;
	s5 =	simm.s32 $0xFFFFFFFF;
	p2 =	slt.u32 s8, $0xFFFFF086  }
0x1c: {  	p1 =	slt.u32 s9, $0xF7A;
	s5 =	simm.s32 @!p2 $0x0  }
0x1d: {  	s5 =	simm.s32 @p1 $0x1;
	p0 =	seq.s32 s7, s2  }
0x1e: {  	s7 =	smul.u32 @!p0 $0xF7A, s2;
	p2 =	seq.s32 @!p0 s5, $0x0  }
0x1f: {  	s9 =	smul.u32 $0xF7A, s1;
	s8 =	simm.s32 @!p0 $0x1BF5;
	p2 =	por !p2, p0  }
0x20: {  	[sflag:s8] =	ssyncset.s32 @!p0 $0xFFFFF086;
	s6 =	sadd.s32 @!p0 s3, s7;
	s7 =	simm.s32 @!p0 $0x108  }
0x21: {  	s3 =	sadd.s32 s3, s9;
	s6 =	sadd.s32 @!p0 $0x88, s6;
	s7 =	simm.s32 @p2 $0x1082  }
0x22: {  	[simem:s7], [sflag:s8] =	dma.local @!p0 [hbm:s6], $0xF7A  }
0x23: {  	s9 =	sor.u32 $0xD0000000, s2;
	s6 =	simm.s32 $0x108;
	_ =	swait.ge @!p0 [sflag:s8], $0x0  }
0x24: {  	s3 =	sadd.s32 $0x88, s3;
	s6 =	simm.s32 @!p1 $0x1082;
	[sflag:s4] =	ssyncset.s32 $0xFFFFF086  }
0x25: {  	[simem:s6], [sflag:s4] =	dma.local [hbm:s3], $0xF7A  }
0x26: {  	[smem:$0x3F99] =	sst s1;
	(tag) =	ssettag s2;
	_ =	strace s9  }
0x27: {  	s1 =	sld [smem:$0x3FA9]  }
0x28: {  	s2 =	sld [smem:$0x3FAA]  }
0x29: {  	s4 =	sld [smem:$0x3FAC]  }
0x2a: {  	p0 =	seq.s32 s5, $0x0;
	s5 =	sld [smem:$0x3FAD]  }
0x2b: {  	s6 =	sld [smem:$0x3FAE]  }
0x2c: {  	s7 =	sld [smem:$0x3FAF]  }
0x2d: {  	s3 =	simm.s32 $0x108;
	s8 =	sld [smem:$0x3FB0]  }
0x2e: {  	s3 =	simm.s32 @!p0 $0x1082;
	s9 =	sld [smem:$0x3FB1]  }
0x2f: {  	lr =	sadd.s32 s0, s3;
	s0 =	sld [smem:$0x3FA8]  }
0x30: {  	s3 =	sld [smem:$0x3FAB]  }
0x31: {  	[smem:$0x3FB4] =	sst s10  }
0x32: {  	s10 =	sld [smem:$0x3FB2];
	_ =	sdelay $0x3  }
0x33: {  	p0 =	seq.s32 s10, $0x1;
	s10 =	sld [smem:$0x3FB4];
	_ =	sdelay $0x3  }
0x34: {  	[smem:$0x3FB4] =	sst s10  }
0x35: {  	s10 =	sld [smem:$0x3FB3];
	_ =	sdelay $0x3  }
0x36: {  	p1 =	seq.s32 s10, $0x1;
	s10 =	sld [smem:$0x3FB4];
	_ =	sdelay $0x3  }
0x37: {  	[smem:$0x3FB4] =	sst s10  }
0x38: {  	s10 =	sld [smem:$0x3FB5]  }
0x39: {  	_ = 	snop;
	(pc) =	sbr.ind lr, $3  }
0x3a: {  	_ = 	snop  }
0x3b: {  	_ = 	snop  }
0x3c: {  	p2 =	seq.s32 s10, $0x1;
	s10 =	sld [smem:$0x3FB4]  }
0x3d: {  	_ =	shalt  }
0x3e: {  	_ =	shalt  }
0x3f: {  	_ =	shalt  }
0x40: {  	_ =	shalt  }
0x41: {  	_ =	shalt  }
0x42: {  	_ =	shalt  }
0x43: {  	_ =	shalt  }
0x44: {  	_ =	shalt  }
0x45: {  	_ =	shalt  }
0x46: {  	_ =	shalt  }
0x47: {  	_ =	shalt  }
0x48: {  	_ =	shalt  }
0x49: {  	_ =	shalt  }
0x4a: {  	_ =	shalt  }
0x4b: {  	_ =	shalt  }
0x4c: {  	_ =	shalt  }
0x4d: {  	_ =	shalt  }
0x4e: {  	_ =	shalt  }
0x4f: {  	_ =	shalt  }
0x50: {  	_ =	shalt  }
0x51: {  	_ =	shalt  }
0x52: {  	_ =	shalt  }
0x53: {  	_ =	shalt  }
0x54: {  	_ =	shalt  }
0x55: {  	_ =	shalt  }
0x56: {  	_ =	shalt  }
0x57: {  	_ =	shalt  }
0x58: {  	_ =	shalt  }
0x59: {  	_ =	shalt  }
0x5a: {  	_ =	shalt  }
0x5b: {  	_ =	shalt  }
0x5c: {  	_ =	shalt  }
0x5d: {  	_ =	shalt  }
0x5e: {  	_ =	shalt  }
0x5f: {  	_ =	shalt  }
0x60: {  	_ =	shalt  }
0x61: {  	_ =	shalt  }
0x62: {  	_ =	shalt  }
0x63: {  	_ =	shalt  }
0x64: {  	_ =	shalt  }
0x65: {  	_ =	shalt  }
0x66: {  	_ =	shalt  }
0x67: {  	_ =	shalt  }
0x68: {  	_ =	shalt  }
0x69: {  	_ =	shalt  }
0x6a: {  	_ =	shalt  }
0x6b: {  	_ =	shalt  }
0x6c: {  	_ =	shalt  }
0x6d: {  	_ =	shalt  }
0x6e: {  	_ =	shalt  }
0x6f: {  	_ =	shalt  }
0x70: {  	_ =	shalt  }
0x71: {  	_ =	shalt  }
0x72: {  	_ =	shalt  }
0x73: {  	_ =	shalt  }
0x74: {  	_ =	shalt  }
0x75: {  	_ =	shalt  }
0x76: {  	_ =	shalt  }
0x77: {  	_ =	shalt  }
0x78: {  	_ =	shalt  }
0x79: {  	_ =	shalt  }
0x7a: {  	_ =	shalt  }
0x7b: {  	_ =	shalt  }
0x7c: {  	_ =	shalt  }
0x7d: {  	_ =	shalt  }
0x7e: {  	_ =	shalt  }
0x7f: {  	_ =	shalt  }
0x80: {  	_ =	shalt  }
0x81: {  	_ =	shalt  }
0x82: {  	_ =	shalt  }
0x83: {  	_ =	shalt  }
0x84: {  	_ =	shalt  }
0x85: {  	_ =	shalt  }
0x86: {  	_ =	shalt  }
0x87: {  	_ =	shalt  }
.Lfunc_end0:
.L_simem_size_0:
called_computation.3_lowered:
.L_overlay_start_0:
0x88: {  	s2 =	sld [smem:$0x3FD9]  }
0x89: {  	s3 =	sld [smem:$0x3FFE];
	_ =	sdelay $0x1  }
0x8a: {  	s1 =	srdreg.scid  }
0x8b: {  	s0 =	sand.u32 $0x1, s1  }
0x8c: {  	s17 =	sshll.u32 s0, $0xA;
	s2 =	sadd.s32 s3, s2  }
0x8d: {  	s2 =	sadd.s32 s2, s17  }
0x8e: {  	[smem:$0x3FC0] =	sst s2  }
0x8f: {  	_ = 	snop  }
0x90: {  	s2 =	sld [smem:$0x3FD0];
	(tm) =	ssettm $0x1  }
0x91: {  	s18 =	sld [smem:$0x3FFB];
	_ =	sdelay $0x3  }
0x92: {  	_ =	strace s18  }
0x93: {  	s3 =	sld [smem:$0x3FFC];
	_ =	sdelay $0x3  }
0x94: {  	_ =	strace s3  }
0x95: {  	s3 =	sld [smem:$0x3FFD];
	_ =	sdelay $0x3  }
0x96: {  	_ =	strace s3  }
0x97: {  	_ =	strace $0x8FFFFFFF  }
0x98: {  	s19 =	sld [smem:$0x3FDB];
	_ =	sdelay $0x1  }
0x99: {  	s4 =	simm.s32 $_scs_section_size  }
0x9a: {  	s5 =	simm.s32 $_size__tile_overlayer_lowered;
	s6 =	simm.s32 $_tile_overlayer_lowered  }
0x9b: {  	s22 =	simm.s32 $0x1BFF;
	s21 =	sshll.u32 s6, $0x1;
	s3 =	sadd.s32 s4, s19  }
0x9c: {  	s7 =	simm.s32 $0x0;
	s20 =	sshll.u32 s5, $0x1;
	s5 =	sadd.s32 s21, s3  }
0x9d: {  	[timem:s7], [sflag:s22] =	dma.local [hbm:s5], s20  }
0x9e: {  	_ =	swait.ge [sflag:s22], s20  }
0x9f: {  	s4 =	ssub.s32 $0x0, s20;
	[sflag:s22] =	ssyncset.done $0x0  }
0xa0: {  	[sflag:s22] =	ssyncadd.s32 s4;
	_ =	sdelay $0x1  }
0xa1: {  	s23 =	simm.s32 $0x1B8B  }
0xa2: {  	_ =	swait.ge [sflag:s23], $0x1  }
0xa3: {  	[sflag:s23] =	ssyncset.done $0x0  }
0xa4: {  	s25 =	simm.s32 $0x1B8E;
	s24 =	sld [smem:$0x3FFE];
	[sflag:s23] =	ssyncadd.s32 $0xFFFFFFFF  }
0xa5: {  	s26 =	simm.s32 $execute0_lowered;
	[smem:$0x3FD2] =	sst s25  }
0xa6: {  	s5 =	sshll.u32 s26, $0x1;
	_ =	strace $0x8000004F;
	[dreg:$0x1] =	wrdreg $0xFFFFFFFF  }
0xa7: {  	s28 =	simm.s32 $_size_execute0_lowered;
	s3 =	sadd.s32 s3, s5;
	[dreg:$0x0] =	wrdreg $0x0  }
0xa8: {  	s5 =	sshll.u32 s28, $0x1;
	[dreg:$0x2] =	wrdreg s3  }
0xa9: {  	[dreg:$0x3] =	wrdreg s5  }
0xaa: {  	[dreg:$0x4] =	wrdreg $0xC0  }
0xab: {  	_ =	task [dreg:s7], $0x5FFFF  }
0xac: {  	[dreg:$0x1] =	wrdreg $0xFFFFFFFF  }
0xad: {  	[dreg:$0x0] =	wrdreg $0x60  }
0xae: {  	[dreg:$0x2] =	wrdreg s2  }
0xaf: {  	[dreg:$0x3] =	wrdreg s24  }
0xb0: {  	[dreg:$0x4] =	wrdreg $0x0  }
0xb1: {  	[dreg:$0x5] =	wrdreg $0x9  }
0xb2: {  	_ =	task.clear_ibuf [dreg:s7], $0x6FFFF;
	_ =	strace $0x9000004F  }
0xb3: {  	s29 =	simm.s32 $0x9;
	_ =	strace $0x80000051  }
0xb4: {  	_ =	swait.ge [sflag:s29], $0x1  }
0xb5: {  	[sflag:s29] =	ssyncadd.s32 $0xFFFFFFFF  }
0xb6: {  	_ =	strace $0x90000051  }
0xb7: {  	_ =	sfence  }
0xb8: {  	s30 =	sld [smem:$0x0];
	_ =	sdelay $0x2  }
0xb9: {  	s31 =	sshll.u32 s1, $0xD;
	s1 =	sshrl.u32 s1, $0x2  }
0xba: {  	s3 =	sand.u32 $0x4000, s31;
	s1 =	sadd.s32 s1, s30  }
0xbb: {  	s0 =	sor.u32 s3, s0;
	s1 =	sshll.u32 s1, $0x11  }
0xbc: {  	s0 =	sor.u32 s1, s0  }
0xbd: {  	s0 =	sadd.s32 $0x8F2B, s0  }
0xbe: {  	[sflag:s0] =	ssyncadd.remote.s32 $0x1  }
0xbf: {  	_ =	sfence.sel $0xFFFF  }
0xc0: {  	[dreg:$0x0] =	wrdreg $0xFFFFFFFF;
	(pc) =	sbr.abs _section_cstart, $3  }
0xc1: {  	[dreg:$0x1] =	wrdreg $0xFFFFFFFF  }
0xc2: {  	_ =	task.clear_ibuf [dreg:s7], $0x2FFFF;
	_ =	strace $0x9FFFFFFF  }
0xc3: {  	(tm) =	ssettm $0x7FFFFFFF  }
tec
execute0_lowered:
.L_overlay_start_1:
0x0: {  	(tag) =	ssettag $0x1  }
0x1: {  	s2 =	rddreg [dreg:$0x0]  }
0x2: {  	s0 =	rddreg [dreg:$0x1]  }
0x3: {  	s3 =	rddreg [dreg:$0x2];
	s8 =	stileid.u32  }
0x4: {  	s4 =	simm.s32 $0x0;
	s1 =	srdreg.scid;
	s15 =	simm.s32 $0x14800  }
0x5: {  	s16 =	simm.s32 $0x2;
	s17 =	simm.s32 $0x14000;
	s18 =	simm.s32 $0x14400  }
0x6: {  	s19 =	simm.s32 $0x80;
	s28 =	simm.s32 $0x14580;
	s29 =	simm.s32 $0x14200  }
0x7: {  	s30 =	simm.s32 $0x14280;
	s31 =	simm.s32 $0x14600;
	s5 =	smul.u32 $0x50, s8  }
0x8: {  	[smem:$0x7FF] =	sst s4;
	s1 =	sand.u32 $0x1, s1;
	s20 =	smul.u32 $0x2800, s8  }
0x9: {  	s8 =	smul.u32 $0x50000, s8;
	s9 =	sadd.s32 $0x3EC00, s0;
	p0 =	seq.s32 s1, $0x0  }
0xa: {  	s7 =	smul.u32 $0x28000, s1;
	_ =	strace $0x80000050;
	[dreg:$0x4] =	wrdreg s9  }
0xb: {  	s1 =	ssub.s32 $0x2, s1;
	s9 =	simm.s32 $0x0;
	s6 =	sadd.s32 $0x500, s5  }
0xc: {  	s21 =	sshrl.u32 s1, $0x1;
	s8 =	sshrl.u32 s8, $0x2;
	s5 =	smov.u32 @p0 s6  }
0xd: {  	s6 =	sadd.s32 s20, s7;
	s1 =	ssub.s32 s1, s21;
	s10 =	sadd.s32 s8, s3  }
0xe: {  	s20 =	simm.s32 $0x14080;
	s21 =	simm.s32 $0x18800;
	s7 =	simm.s32 $0x14700  }
0xf: {  	s8 =	simm.s32 $0x14780;
	s22 =	smax.u32 s1, $0x1;
	[dreg:$0x5] =	wrdreg s10  }
0x10: {  	s5 =	sshll.u32 s5, $0x4;
	s23 =	sadd.s32 $0x4000, s10;
	[dreg:$0x7] =	wrdreg s22  }
0x11: {  	s24 =	sadd.s32 $0x8000, s10;
	s25 =	sadd.s32 $0xC000, s10;
	[dreg:$0x8] =	wrdreg s23  }
0x12: {  	s26 =	sadd.s32 $0x10000, s10;
	s1 =	simm.s32 $0x14300;
	[dreg:$0x9] =	wrdreg s24  }
0x13: {  	s5 =	sadd.s32 s5, s0;
	s0 =	sadd.s32 s6, s0;
	[dreg:$0xa] =	wrdreg s25  }
0x14: {  	[dreg:$0xb] =	wrdreg s26;
	s22 =	simm.s32 $0x1;
	s23 =	simm.s32 $0x14480  }
0x15: {  	s24 =	simm.s32 $0x14100;
	s25 =	simm.s32 $0x14180;
	s26 =	simm.s32 $0x14500  }
0x16: {  	s0 =	sadd.s32 $0x3F400, s0;
	s13 =	sadd.s32 $0x3A00, s5;
	s14 =	sadd.s32 $0xDA00, s5  }
0x17: {  	s5 =	simm.s32 $0x14380;
	[dreg:$0x6] =	wrdreg s0;
	s0 =	simm.s32 $0x14680  }
.LBB2_1:
0x18: {  	[dreg:$0xc] =	wrdreg s9  }
0x19: {  	s6 =	rddreg [dreg:$0x4]  }
0x1a: {  	[tilespmem:s15], [sflag:$0x2] =	stream.linear.gather [hbm4b:s6+s4], $0x4000, $0x38;
	[tilespmem:$0x1C800] =	vst v63  }
0x1b: {  	_ =	swait.ge [sflag:s16], $0x4000  }
0x1c: {  	[sflag:s16] =	ssyncset.done $0x0  }
0x1d: {  	[sflag:s16] =	ssyncadd.s32 $0xFFFFC000  }
0x1e: {  	[spmem:s10] =	stream.linear.scatter [tilespmem:s15], [sflag:$0x2], $0x4000, $0x38;
	[tilespmem:$0x1C800] =	vst v63  }
0x1f: {  	_ =	swait.ge [sflag:s16], $0x4000  }
0x20: {  	[sflag:s16] =	ssyncset.done $0x0  }
0x21: {  	s11 =	rddreg [dreg:$0x8];
	[sflag:s16] =	ssyncadd.s32 $0xFFFFC000  }
0x22: {  	[spmem:s11] =	stream.linear.scatter [tilespmem:s15], [sflag:$0x2], $0x4000, $0x38;
	[tilespmem:$0x1C800] =	vst v63  }
0x23: {  	_ =	swait.ge [sflag:s16], $0x4000  }
0x24: {  	[sflag:s16] =	ssyncset.done $0x0  }
0x25: {  	s12 =	rddreg [dreg:$0x9];
	[sflag:s16] =	ssyncadd.s32 $0xFFFFC000  }
0x26: {  	[spmem:s12] =	stream.linear.scatter [tilespmem:s15], [sflag:$0x2], $0x4000, $0x38;
	[tilespmem:$0x1C800] =	vst v63  }
0x27: {  	_ =	swait.ge [sflag:s16], $0x4000  }
0x28: {  	[sflag:s16] =	ssyncset.done $0x0  }
0x29: {  	s9 =	rddreg [dreg:$0xa];
	[sflag:s16] =	ssyncadd.s32 $0xFFFFC000  }
0x2a: {  	[spmem:s9] =	stream.linear.scatter [tilespmem:s15], [sflag:$0x2], $0x4000, $0x38;
	[tilespmem:$0x1C800] =	vst v63  }
0x2b: {  	_ =	swait.ge [sflag:s16], $0x4000  }
0x2c: {  	[sflag:s16] =	ssyncset.done $0x0  }
0x2d: {  	s10 =	rddreg [dreg:$0xb];
	[sflag:s16] =	ssyncadd.s32 $0xFFFFC000  }
0x2e: {  	[spmem:s10] =	stream.linear.scatter [tilespmem:s15], [sflag:$0x2], $0x4000, $0x38;
	[tilespmem:$0x1C800] =	vst v63  }
0x2f: {  	_ =	swait.ge [sflag:s16], $0x4000  }
0x30: {  	[sflag:s16] =	ssyncset.done $0x0  }
0x31: {  	[sflag:s16] =	ssyncadd.s32 $0xFFFFC000  }
0x32: {  	s11 =	sadd.s32 $0x0, s14;
	[bflag:$0x0] =	sbarrier.arrive $0xFFFF  }
0x33: {  	[tilespmem:s17], [sflag:$0x2] =	stream.linear.gather [hbm4b:s11+s4], $0x400, $0x38;
	[tilespmem:$0x1C800] =	vst v63  }
0x34: {  	_ =	swait.ge [sflag:s16], $0x400  }
0x35: {  	[sflag:s16] =	ssyncset.done $0x0  }
0x36: {  	s12 =	sadd.s32 $0x0, s13;
	[sflag:s16] =	ssyncadd.s32 $0xFFFFFC00  }
0x37: {  	[tilespmem:s18], [sflag:$0x2] =	stream.linear.gather [hbm4b:s12+s4], $0x400, $0x38;
	[tilespmem:$0x1C800] =	vst v63  }
0x38: {  	_ =	swait.ge [sflag:s16], $0x400  }
0x39: {  	[sflag:s16] =	ssyncset.done $0x0  }
0x3a: {  	[sflag:s16] =	ssyncadd.s32 $0xFFFFFC00  }
0x3b: {  	[tilespmem:s15], [sflag:$0x1] =	stream.indirect.gather [hbm4b:s2+s19], $0x80, s17, s19, $0xb8;
	[tilespmem:$0x1C800] =	vst v63  }
0x3c: {  	_ = 	snop  }
0x3d: {  	[tilespmem:s21], [sflag:$0x1] =	stream.indirect.gather [hbm4b:s2+s19], $0x80, s20, s19, $0xb8;
	[tilespmem:$0x1C800] =	vst v63  }
0x3e: {  	_ =	swait.ge [sflag:s22], $0x4000  }
0x3f: {  	[sflag:s22] =	ssyncset.done $0x0  }
0x40: {  	[sflag:s22] =	ssyncadd.s32 $0xFFFFC000  }
0x41: {  	_ =	swait.ge [sflag:s22], $0x4000  }
0x42: {  	[sflag:s22] =	ssyncset.done $0x0  }
0x43: {  	[sflag:s22] =	ssyncadd.s32 $0xFFFFC000  }
0x44: {  	[spmem:s3] =	stream.indirect.scatter.add.f32 [tilespmem:s15], [sflag:$0x2], $0x80, s18, s19, $0xb8;
	[tilespmem:$0x1C800] =	vst v63  }
0x45: {  	_ =	swait.ge [sflag:s16], $0x4000  }
0x46: {  	[sflag:s16] =	ssyncset.done $0x0  }
0x47: {  	[sflag:s16] =	ssyncadd.s32 $0xFFFFC000  }
0x48: {  	[spmem:s3] =	stream.indirect.scatter.add.f32 [tilespmem:s21], [sflag:$0x2], $0x80, s23, s19, $0xb8;
	[tilespmem:$0x1C800] =	vst v63  }
0x49: {  	_ =	swait.ge [sflag:s16], $0x4000  }
0x4a: {  	[sflag:s16] =	ssyncset.done $0x0  }
0x4b: {  	[sflag:s16] =	ssyncadd.s32 $0xFFFFC000  }
0x4c: {  	[tilespmem:s15], [sflag:$0x1] =	stream.indirect.gather [hbm4b:s2+s19], $0x80, s24, s19, $0xb8;
	[tilespmem:$0x1C800] =	vst v63  }
0x4d: {  	_ = 	snop  }
0x4e: {  	[tilespmem:s21], [sflag:$0x1] =	stream.indirect.gather [hbm4b:s2+s19], $0x80, s25, s19, $0xb8;
	[tilespmem:$0x1C800] =	vst v63  }
0x4f: {  	_ =	swait.ge [sflag:s22], $0x4000  }
0x50: {  	[sflag:s22] =	ssyncset.done $0x0  }
0x51: {  	[sflag:s22] =	ssyncadd.s32 $0xFFFFC000  }
0x52: {  	_ =	swait.ge [sflag:s22], $0x4000  }
0x53: {  	[sflag:s22] =	ssyncset.done $0x0  }
0x54: {  	[sflag:s22] =	ssyncadd.s32 $0xFFFFC000  }
0x55: {  	[spmem:s3] =	stream.indirect.scatter.add.f32 [tilespmem:s15], [sflag:$0x2], $0x80, s26, s19, $0xb8;
	[tilespmem:$0x1C800] =	vst v63  }
0x56: {  	_ =	swait.ge [sflag:s16], $0x4000  }
0x57: {  	[sflag:s16] =	ssyncset.done $0x0  }
0x58: {  	[sflag:s16] =	ssyncadd.s32 $0xFFFFC000  }
0x59: {  	[spmem:s3] =	stream.indirect.scatter.add.f32 [tilespmem:s21], [sflag:$0x2], $0x80, s28, s19, $0xb8;
	[tilespmem:$0x1C800] =	vst v63  }
0x5a: {  	_ =	swait.ge [sflag:s16], $0x4000  }
0x5b: {  	[sflag:s16] =	ssyncset.done $0x0  }
0x5c: {  	[sflag:s16] =	ssyncadd.s32 $0xFFFFC000  }
0x5d: {  	[tilespmem:s15], [sflag:$0x1] =	stream.indirect.gather [hbm4b:s2+s19], $0x80, s29, s19, $0xb8;
	[tilespmem:$0x1C800] =	vst v63  }
0x5e: {  	_ = 	snop  }
0x5f: {  	[tilespmem:s21], [sflag:$0x1] =	stream.indirect.gather [hbm4b:s2+s19], $0x80, s30, s19, $0xb8;
	[tilespmem:$0x1C800] =	vst v63  }
0x60: {  	_ =	swait.ge [sflag:s22], $0x4000  }
0x61: {  	[sflag:s22] =	ssyncset.done $0x0  }
0x62: {  	[sflag:s22] =	ssyncadd.s32 $0xFFFFC000  }
0x63: {  	_ =	swait.ge [sflag:s22], $0x4000  }
0x64: {  	[sflag:s22] =	ssyncset.done $0x0  }
0x65: {  	[sflag:s22] =	ssyncadd.s32 $0xFFFFC000  }
0x66: {  	[spmem:s3] =	stream.indirect.scatter.add.f32 [tilespmem:s15], [sflag:$0x2], $0x80, s31, s19, $0xb8;
	[tilespmem:$0x1C800] =	vst v63  }
0x67: {  	_ =	swait.ge [sflag:s16], $0x4000  }
0x68: {  	[sflag:s16] =	ssyncset.done $0x0  }
0x69: {  	[sflag:s16] =	ssyncadd.s32 $0xFFFFC000  }
0x6a: {  	[spmem:s3] =	stream.indirect.scatter.add.f32 [tilespmem:s21], [sflag:$0x2], $0x80, s0, s19, $0xb8;
	[tilespmem:$0x1C800] =	vst v63  }
0x6b: {  	_ =	swait.ge [sflag:s16], $0x4000  }
0x6c: {  	[sflag:s16] =	ssyncset.done $0x0  }
0x6d: {  	[sflag:s16] =	ssyncadd.s32 $0xFFFFC000  }
0x6e: {  	[tilespmem:s15], [sflag:$0x1] =	stream.indirect.gather [hbm4b:s2+s19], $0x80, s1, s19, $0xb8;
	[tilespmem:$0x1C800] =	vst v63  }
0x6f: {  	_ = 	snop  }
0x70: {  	[tilespmem:s21], [sflag:$0x1] =	stream.indirect.gather [hbm4b:s2+s19], $0x80, s5, s19, $0xb8;
	[tilespmem:$0x1C800] =	vst v63  }
0x71: {  	_ =	swait.ge [sflag:s22], $0x4000  }
0x72: {  	[sflag:s22] =	ssyncset.done $0x0  }
0x73: {  	[sflag:s22] =	ssyncadd.s32 $0xFFFFC000  }
0x74: {  	_ =	swait.ge [sflag:s22], $0x4000  }
0x75: {  	[sflag:s22] =	ssyncset.done $0x0  }
0x76: {  	[sflag:s22] =	ssyncadd.s32 $0xFFFFC000  }
0x77: {  	[spmem:s3] =	stream.indirect.scatter.add.f32 [tilespmem:s15], [sflag:$0x2], $0x80, s7, s19, $0xb8;
	[tilespmem:$0x1C800] =	vst v63  }
0x78: {  	_ =	swait.ge [sflag:s16], $0x4000  }
0x79: {  	[sflag:s16] =	ssyncset.done $0x0  }
0x7a: {  	[sflag:s16] =	ssyncadd.s32 $0xFFFFC000  }
0x7b: {  	[spmem:s3] =	stream.indirect.scatter.add.f32 [tilespmem:s21], [sflag:$0x2], $0x80, s8, s19, $0xb8;
	[tilespmem:$0x1C800] =	vst v63  }
0x7c: {  	_ =	swait.ge [sflag:s16], $0x4000  }
0x7d: {  	s10 =	simm.s32 $0x80;
	s11 =	simm.s32 $0x100;
	[sflag:s16] =	ssyncset.done $0x0  }
.LBB2_2:
0x7e: {  	s6 =	sadd.s32 s10, s14  }
0x7f: {  	[sflag:s16] =	ssyncadd.s32 $0xFFFFC000;
	s9 =	smov.u32 s11;
	s12 =	sadd.s32 $0x80, s11  }
0x80: {  	[tilespmem:s17], [sflag:$0x2] =	stream.linear.gather [hbm4b:s6+s4], $0x400, $0x38;
	[tilespmem:$0x1C800] =	vst v63  }
0x81: {  	p0 =	sne.s32 s11, $0x480;
	_ =	swait.ge [sflag:s16], $0x400  }
0x82: {  	[sflag:s16] =	ssyncset.done $0x0  }
0x83: {  	s6 =	sadd.s32 s10, s13;
	s10 =	smov.u32 s9;
	[sflag:s16] =	ssyncadd.s32 $0xFFFFFC00  }
0x84: {  	[tilespmem:s18], [sflag:$0x2] =	stream.linear.gather [hbm4b:s6+s4], $0x400, $0x38;
	[tilespmem:$0x1C800] =	vst v63  }
0x85: {  	_ =	swait.ge [sflag:s16], $0x400  }
0x86: {  	[sflag:s16] =	ssyncset.done $0x0  }
0x87: {  	[sflag:s16] =	ssyncadd.s32 $0xFFFFFC00  }
0x88: {  	[tilespmem:s15], [sflag:$0x1] =	stream.indirect.gather [hbm4b:s2+s19], $0x80, s17, s19, $0xb8;
	[tilespmem:$0x1C800] =	vst v63  }
0x89: {  	_ = 	snop  }
0x8a: {  	[tilespmem:s21], [sflag:$0x1] =	stream.indirect.gather [hbm4b:s2+s19], $0x80, s20, s19, $0xb8;
	[tilespmem:$0x1C800] =	vst v63  }
0x8b: {  	_ =	swait.ge [sflag:s22], $0x4000  }
0x8c: {  	[sflag:s22] =	ssyncset.done $0x0  }
0x8d: {  	[sflag:s22] =	ssyncadd.s32 $0xFFFFC000  }
0x8e: {  	_ =	swait.ge [sflag:s22], $0x4000  }
0x8f: {  	[sflag:s22] =	ssyncset.done $0x0  }
0x90: {  	[sflag:s22] =	ssyncadd.s32 $0xFFFFC000  }
0x91: {  	[spmem:s3] =	stream.indirect.scatter.add.f32 [tilespmem:s15], [sflag:$0x2], $0x80, s18, s19, $0xb8;
	[tilespmem:$0x1C800] =	vst v63  }
0x92: {  	_ =	swait.ge [sflag:s16], $0x4000  }
0x93: {  	[sflag:s16] =	ssyncset.done $0x0  }
0x94: {  	[sflag:s16] =	ssyncadd.s32 $0xFFFFC000  }
0x95: {  	[spmem:s3] =	stream.indirect.scatter.add.f32 [tilespmem:s21], [sflag:$0x2], $0x80, s23, s19, $0xb8;
	[tilespmem:$0x1C800] =	vst v63  }
0x96: {  	_ =	swait.ge [sflag:s16], $0x4000  }
0x97: {  	[sflag:s16] =	ssyncset.done $0x0  }
0x98: {  	[sflag:s16] =	ssyncadd.s32 $0xFFFFC000  }
0x99: {  	[tilespmem:s15], [sflag:$0x1] =	stream.indirect.gather [hbm4b:s2+s19], $0x80, s24, s19, $0xb8;
	[tilespmem:$0x1C800] =	vst v63  }
0x9a: {  	_ = 	snop  }
0x9b: {  	[tilespmem:s21], [sflag:$0x1] =	stream.indirect.gather [hbm4b:s2+s19], $0x80, s25, s19, $0xb8;
	[tilespmem:$0x1C800] =	vst v63  }
0x9c: {  	_ =	swait.ge [sflag:s22], $0x4000  }
0x9d: {  	[sflag:s22] =	ssyncset.done $0x0  }
0x9e: {  	[sflag:s22] =	ssyncadd.s32 $0xFFFFC000  }
0x9f: {  	_ =	swait.ge [sflag:s22], $0x4000  }
0xa0: {  	[sflag:s22] =	ssyncset.done $0x0  }
0xa1: {  	[sflag:s22] =	ssyncadd.s32 $0xFFFFC000  }
0xa2: {  	[spmem:s3] =	stream.indirect.scatter.add.f32 [tilespmem:s15], [sflag:$0x2], $0x80, s26, s19, $0xb8;
	[tilespmem:$0x1C800] =	vst v63  }
0xa3: {  	_ =	swait.ge [sflag:s16], $0x4000  }
0xa4: {  	[sflag:s16] =	ssyncset.done $0x0  }
0xa5: {  	[sflag:s16] =	ssyncadd.s32 $0xFFFFC000  }
0xa6: {  	[spmem:s3] =	stream.indirect.scatter.add.f32 [tilespmem:s21], [sflag:$0x2], $0x80, s28, s19, $0xb8;
	[tilespmem:$0x1C800] =	vst v63  }
0xa7: {  	_ =	swait.ge [sflag:s16], $0x4000  }
0xa8: {  	[sflag:s16] =	ssyncset.done $0x0  }
0xa9: {  	[sflag:s16] =	ssyncadd.s32 $0xFFFFC000  }
0xaa: {  	[tilespmem:s15], [sflag:$0x1] =	stream.indirect.gather [hbm4b:s2+s19], $0x80, s29, s19, $0xb8;
	[tilespmem:$0x1C800] =	vst v63  }
0xab: {  	_ = 	snop  }
0xac: {  	[tilespmem:s21], [sflag:$0x1] =	stream.indirect.gather [hbm4b:s2+s19], $0x80, s30, s19, $0xb8;
	[tilespmem:$0x1C800] =	vst v63  }
0xad: {  	_ =	swait.ge [sflag:s22], $0x4000  }
0xae: {  	[sflag:s22] =	ssyncset.done $0x0  }
0xaf: {  	[sflag:s22] =	ssyncadd.s32 $0xFFFFC000  }
0xb0: {  	_ =	swait.ge [sflag:s22], $0x4000  }
0xb1: {  	[sflag:s22] =	ssyncset.done $0x0  }
0xb2: {  	[sflag:s22] =	ssyncadd.s32 $0xFFFFC000  }
0xb3: {  	[spmem:s3] =	stream.indirect.scatter.add.f32 [tilespmem:s15], [sflag:$0x2], $0x80, s31, s19, $0xb8;
	[tilespmem:$0x1C800] =	vst v63  }
0xb4: {  	_ =	swait.ge [sflag:s16], $0x4000  }
0xb5: {  	[sflag:s16] =	ssyncset.done $0x0  }
0xb6: {  	[sflag:s16] =	ssyncadd.s32 $0xFFFFC000  }
0xb7: {  	[spmem:s3] =	stream.indirect.scatter.add.f32 [tilespmem:s21], [sflag:$0x2], $0x80, s0, s19, $0xb8;
	[tilespmem:$0x1C800] =	vst v63  }
0xb8: {  	_ =	swait.ge [sflag:s16], $0x4000  }
0xb9: {  	[sflag:s16] =	ssyncset.done $0x0  }
0xba: {  	[sflag:s16] =	ssyncadd.s32 $0xFFFFC000  }
0xbb: {  	[tilespmem:s15], [sflag:$0x1] =	stream.indirect.gather [hbm4b:s2+s19], $0x80, s1, s19, $0xb8;
	[tilespmem:$0x1C800] =	vst v63  }
0xbc: {  	_ = 	snop  }
0xbd: {  	[tilespmem:s21], [sflag:$0x1] =	stream.indirect.gather [hbm4b:s2+s19], $0x80, s5, s19, $0xb8;
	[tilespmem:$0x1C800] =	vst v63  }
0xbe: {  	_ =	swait.ge [sflag:s22], $0x4000  }
0xbf: {  	[sflag:s22] =	ssyncset.done $0x0  }
0xc0: {  	[sflag:s22] =	ssyncadd.s32 $0xFFFFC000  }
0xc1: {  	_ =	swait.ge [sflag:s22], $0x4000  }
0xc2: {  	[sflag:s22] =	ssyncset.done $0x0  }
0xc3: {  	[sflag:s22] =	ssyncadd.s32 $0xFFFFC000  }
0xc4: {  	[spmem:s3] =	stream.indirect.scatter.add.f32 [tilespmem:s15], [sflag:$0x2], $0x80, s7, s19, $0xb8;
	[tilespmem:$0x1C800] =	vst v63  }
0xc5: {  	_ =	swait.ge [sflag:s16], $0x4000  }
.Ltmp0:
0xc6: {  	[sflag:s16] =	ssyncset.done $0x0;
	(pc) =	sbr.rel @p0 .LBB2_2-.Ltmp0, $4  }
0xc7: {  	[sflag:s16] =	ssyncadd.s32 $0xFFFFC000  }
0xc8: {  	[spmem:s3] =	stream.indirect.scatter.add.f32 [tilespmem:s21], [sflag:$0x2], $0x80, s8, s19, $0xb8;
	[tilespmem:$0x1C800] =	vst v63  }
0xc9: {  	_ =	swait.ge [sflag:s16], $0x4000  }
0xca: {  	s11 =	smov.u32 s12;
	[sflag:s16] =	ssyncset.done $0x0  }
0xcb: {  	s6 =	sadd.s32 s10, s14;
	[sflag:s16] =	ssyncadd.s32 $0xFFFFC000  }
0xcc: {  	[tilespmem:s17], [sflag:$0x2] =	stream.linear.gather [hbm4b:s6+s4], $0x400, $0x38;
	[tilespmem:$0x1C800] =	vst v63  }
0xcd: {  	_ =	swait.ge [sflag:s16], $0x400  }
0xce: {  	[sflag:s16] =	ssyncset.done $0x0  }
0xcf: {  	s9 =	sadd.s32 s10, s13;
	[sflag:s16] =	ssyncadd.s32 $0xFFFFFC00  }
0xd0: {  	[tilespmem:s18], [sflag:$0x2] =	stream.linear.gather [hbm4b:s9+s4], $0x400, $0x38;
	[tilespmem:$0x1C800] =	vst v63  }
0xd1: {  	_ =	swait.ge [sflag:s16], $0x400  }
0xd2: {  	[sflag:s16] =	ssyncset.done $0x0  }
0xd3: {  	[sflag:s16] =	ssyncadd.s32 $0xFFFFFC00  }
0xd4: {  	[tilespmem:s15], [sflag:$0x1] =	stream.indirect.gather [hbm4b:s2+s19], $0x80, s17, s19, $0xb8;
	[tilespmem:$0x1C800] =	vst v63  }
0xd5: {  	_ = 	snop  }
0xd6: {  	[tilespmem:s21], [sflag:$0x1] =	stream.indirect.gather [hbm4b:s2+s19], $0x80, s20, s19, $0xb8;
	[tilespmem:$0x1C800] =	vst v63  }
0xd7: {  	_ =	swait.ge [sflag:s22], $0x4000  }
0xd8: {  	[sflag:s22] =	ssyncset.done $0x0  }
0xd9: {  	[sflag:s22] =	ssyncadd.s32 $0xFFFFC000  }
0xda: {  	_ =	swait.ge [sflag:s22], $0x4000  }
0xdb: {  	[sflag:s22] =	ssyncset.done $0x0  }
0xdc: {  	[sflag:s22] =	ssyncadd.s32 $0xFFFFC000  }
0xdd: {  	[spmem:s3] =	stream.indirect.scatter.add.f32 [tilespmem:s15], [sflag:$0x2], $0x80, s18, s19, $0xb8;
	[tilespmem:$0x1C800] =	vst v63  }
0xde: {  	_ =	swait.ge [sflag:s16], $0x4000  }
0xdf: {  	[sflag:s16] =	ssyncset.done $0x0  }
0xe0: {  	[sflag:s16] =	ssyncadd.s32 $0xFFFFC000  }
0xe1: {  	[spmem:s3] =	stream.indirect.scatter.add.f32 [tilespmem:s21], [sflag:$0x2], $0x80, s23, s19, $0xb8;
	[tilespmem:$0x1C800] =	vst v63  }
0xe2: {  	_ =	swait.ge [sflag:s16], $0x4000  }
0xe3: {  	[sflag:s16] =	ssyncset.done $0x0  }
0xe4: {  	[sflag:s16] =	ssyncadd.s32 $0xFFFFC000  }
0xe5: {  	[tilespmem:s15], [sflag:$0x1] =	stream.indirect.gather [hbm4b:s2+s19], $0x80, s24, s19, $0xb8;
	[tilespmem:$0x1C800] =	vst v63  }
0xe6: {  	_ = 	snop  }
0xe7: {  	[tilespmem:s21], [sflag:$0x1] =	stream.indirect.gather [hbm4b:s2+s19], $0x80, s25, s19, $0xb8;
	[tilespmem:$0x1C800] =	vst v63  }
0xe8: {  	_ =	swait.ge [sflag:s22], $0x4000  }
0xe9: {  	[sflag:s22] =	ssyncset.done $0x0  }
0xea: {  	[sflag:s22] =	ssyncadd.s32 $0xFFFFC000  }
0xeb: {  	_ =	swait.ge [sflag:s22], $0x4000  }
0xec: {  	[sflag:s22] =	ssyncset.done $0x0  }
0xed: {  	[sflag:s22] =	ssyncadd.s32 $0xFFFFC000  }
0xee: {  	[spmem:s3] =	stream.indirect.scatter.add.f32 [tilespmem:s15], [sflag:$0x2], $0x80, s26, s19, $0xb8;
	[tilespmem:$0x1C800] =	vst v63  }
0xef: {  	_ =	swait.ge [sflag:s16], $0x4000  }
0xf0: {  	[sflag:s16] =	ssyncset.done $0x0  }
0xf1: {  	[sflag:s16] =	ssyncadd.s32 $0xFFFFC000  }
0xf2: {  	[spmem:s3] =	stream.indirect.scatter.add.f32 [tilespmem:s21], [sflag:$0x2], $0x80, s28, s19, $0xb8;
	[tilespmem:$0x1C800] =	vst v63  }
0xf3: {  	_ =	swait.ge [sflag:s16], $0x4000  }
0xf4: {  	[sflag:s16] =	ssyncset.done $0x0  }
0xf5: {  	[sflag:s16] =	ssyncadd.s32 $0xFFFFC000  }
0xf6: {  	[tilespmem:s15], [sflag:$0x1] =	stream.indirect.gather [hbm4b:s2+s19], $0x80, s29, s19, $0xb8;
	[tilespmem:$0x1C800] =	vst v63  }
0xf7: {  	_ = 	snop  }
0xf8: {  	[tilespmem:s21], [sflag:$0x1] =	stream.indirect.gather [hbm4b:s2+s19], $0x80, s30, s19, $0xb8;
	[tilespmem:$0x1C800] =	vst v63  }
0xf9: {  	_ =	swait.ge [sflag:s22], $0x4000  }
0xfa: {  	[sflag:s22] =	ssyncset.done $0x0  }
0xfb: {  	[sflag:s22] =	ssyncadd.s32 $0xFFFFC000  }
0xfc: {  	_ =	swait.ge [sflag:s22], $0x4000  }
0xfd: {  	[sflag:s22] =	ssyncset.done $0x0  }
0xfe: {  	[sflag:s22] =	ssyncadd.s32 $0xFFFFC000  }
0xff: {  	[spmem:s3] =	stream.indirect.scatter.add.f32 [tilespmem:s15], [sflag:$0x2], $0x80, s31, s19, $0xb8;
	[tilespmem:$0x1C800] =	vst v63  }
0x100: {  	_ =	swait.ge [sflag:s16], $0x4000  }
0x101: {  	[sflag:s16] =	ssyncset.done $0x0  }
0x102: {  	[sflag:s16] =	ssyncadd.s32 $0xFFFFC000  }
0x103: {  	[spmem:s3] =	stream.indirect.scatter.add.f32 [tilespmem:s21], [sflag:$0x2], $0x80, s0, s19, $0xb8;
	[tilespmem:$0x1C800] =	vst v63  }
0x104: {  	_ =	swait.ge [sflag:s16], $0x4000  }
0x105: {  	[sflag:s16] =	ssyncset.done $0x0  }
0x106: {  	[sflag:s16] =	ssyncadd.s32 $0xFFFFC000  }
0x107: {  	[tilespmem:s15], [sflag:$0x1] =	stream.indirect.gather [hbm4b:s2+s19], $0x80, s1, s19, $0xb8;
	[tilespmem:$0x1C800] =	vst v63  }
0x108: {  	_ = 	snop  }
0x109: {  	[tilespmem:s21], [sflag:$0x1] =	stream.indirect.gather [hbm4b:s2+s19], $0x80, s5, s19, $0xb8;
	[tilespmem:$0x1C800] =	vst v63  }
0x10a: {  	_ =	swait.ge [sflag:s22], $0x4000  }
0x10b: {  	[sflag:s22] =	ssyncset.done $0x0  }
0x10c: {  	[sflag:s22] =	ssyncadd.s32 $0xFFFFC000  }
0x10d: {  	_ =	swait.ge [sflag:s22], $0x4000  }
0x10e: {  	[sflag:s22] =	ssyncset.done $0x0  }
0x10f: {  	[sflag:s22] =	ssyncadd.s32 $0xFFFFC000  }
0x110: {  	[spmem:s3] =	stream.indirect.scatter.add.f32 [tilespmem:s15], [sflag:$0x2], $0x80, s7, s19, $0xb8;
	[tilespmem:$0x1C800] =	vst v63  }
0x111: {  	_ =	swait.ge [sflag:s16], $0x4000  }
0x112: {  	[sflag:s16] =	ssyncset.done $0x0  }
0x113: {  	[sflag:s16] =	ssyncadd.s32 $0xFFFFC000  }
0x114: {  	[spmem:s3] =	stream.indirect.scatter.add.f32 [tilespmem:s21], [sflag:$0x2], $0x80, s8, s19, $0xb8;
	[tilespmem:$0x1C800] =	vst v63  }
0x115: {  	_ =	swait.ge [sflag:s16], $0x4000  }
0x116: {  	[sflag:s16] =	ssyncset.done $0x0  }
0x117: {  	[sflag:s16] =	ssyncadd.s32 $0xFFFFC000  }
0x118: {  	s10 =	stileid.u32;
	[bflag:$0x0] =	sbarrier.arrive $0xFFFF  }
0x119: {  	s6 =	sshll.u32 s10, $0x6;
	s10 =	rddreg [dreg:$0x5]  }
0x11a: {  	s6 =	sor.u32 $0x1C02, s6;
	s11 =	rddreg [dreg:$0x6];
	s9 =	sshrl.u32 s10, $0x3  }
0x11b: {  	[hbm:s11], [sflag:s6] =	dma.local [spmem:s9], $0x2800  }
0x11c: {  	_ =	swait.ge [sflag:s16], $0x2800  }
0x11d: {  	s11 =	rddreg [dreg:$0xc]  }
0x11e: {  	s12 =	rddreg [dreg:$0x7];
	s9 =	sadd.s32 $0x1, s11  }
0x11f: {  	p0 =	sne.s32 s9, s12  }
.Ltmp1:
0x120: {  	_ = 	snop;
	(pc) =	sbr.rel @p0 .LBB2_1-.Ltmp1, $3  }
0x121: {  	_ =	sdelay $0x1  }
0x122: {  	[sflag:s16] =	ssyncset.done $0x0  }
0x123: {  	[sflag:s16] =	ssyncadd.s32 $0xFFFFD800  }
0x124: {  	_ =	sfence.sel $0x180000  }
0x125: {  	[bflag:$0x0] =	sbarrier.arrive $0xFFFF  }
0x126: {  	_ =	strace $0x90000050  }
0x127: {  	s0 =	stileid.u32;
	[bflag:$0x2] =	sbarrier.arrive $0xFFFF  }
0x128: {  	p0 =	sne.s32 s0, $0x0;
	s0 =	rddreg [dreg:$0x3]  }
0x129: {  	s0 =	sadd.s32 @!p0 $0x100000, s0  }
0x12a: {  	[sflag:s0] =	ssyncadd.tile.s32 @!p0 $0x1;
	_ =	shalt  }
.Lfunc_end2:
_tile_overlayer_lowered:
.L_overlay_start_2:
0x12b: {  	(tag) =	ssettag $0x2  }
0x12c: {  	s0 =	rddreg [dreg:$0x0];
	s2 =	stileid.u32  }
0x12d: {  	s1 =	rddreg [dreg:$0x1];
	p0 =	sne.s32 s2, $0x0  }
0x12e: {  	s3 =	rddreg [dreg:$0x2];
	[bflag:$0x3] =	sbarrier.arrive $0xFFFF;
	s2 =	simm.s32 @!p0 $0x1C02  }
0x12f: {  	[timem:s3], [sflag:s2] =	dma.local @!p0 [hbm:s0], s1  }
0x130: {  	s0 =	simm.s32 @!p0 $0x2  }
0x131: {  	_ =	swait.ge @!p0 [sflag:s0], s1  }
0x132: {  	s1 =	ssub.s32 @!p0 $0x0, s1;
	[sflag:s0] =	ssyncset.done @!p0 $0x0  }
0x133: {  	[sflag:s0] =	ssyncadd.s32 @!p0 s1  }
0x134: {  	[bflag:$0x3] =	sbarrier.arrive $0xFFFF  }
0x135: {  	_ =	shalt  }

</sc_bundles>
